<compile_context>
chip_gen: v7x
topology: tpu7x:2x2x1
jax: 0.10.2.dev20260603
libtpu: 0.0.44.dev20260713+nightly
codegen_flags: <defaults>
</compile_context>

<pallas_src>
import functools
import jax
import jax.numpy as jnp
from jax import lax
from jax.experimental import pallas as pl
from jax.experimental.pallas import tpu as pltpu
from jax.experimental.pallas import tpu_sc as plsc

N = 10000
D = 128
K = 5000

NW = 32
NM = 9984
NSLAB = K // 8
CVR = K // 16
KP = 5120

BM = 1000
BM2 = 200


def _sc_gather_body(idx_hbm, tpos_hbm, tcol_hbm, a_hbm, at_hbm, h_hbm,
                    pa_hbm, hg_hbm,
                    idxv, tposv, tcolv, idx40, idx41,
                    rows0, rows1, tb0, tb1, outv, hgA, hgB,
                    semr0, semr1, semt0, semt1, semh0, semh1, sempa, semhg):
    cid = lax.axis_index("c")
    sid = lax.axis_index("s")
    w = sid * 2 + cid
    nslab = 19 + jnp.where(w < 17, 1, 0)
    nt2 = 2 * nslab

    pltpu.sync_copy(idx_hbm, idxv)
    pltpu.sync_copy(tpos_hbm, tposv)
    pltpu.sync_copy(tcol_hbm, tcolv)

    pos16 = jnp.arange(16, dtype=jnp.int32)
    tpos = tposv[pl.ds(0, 16)]
    tcol = tcolv[pl.ds(0, 16)]
    tmask = tpos >= 0
    tposc = jnp.maximum(tpos, 0)

    def j2_of(t2):
        return 2 * w + 64 * (t2 // 2) + (t2 % 2)

    def slab_of(t2):
        return w + NW * (t2 // 2)

    def start_in(t2, rbuf, tbuf, i4, hgs, u, semr, semt, semh):
        j2 = j2_of(t2)
        rv = plsc.load_gather(idxv, [jnp.minimum(4 * j2 + pos16, K - 1)])
        plsc.store_scatter(i4, [jnp.minimum(pos16, 3)], rv, mask=pos16 < 4)
        pltpu.make_async_copy(
            a_hbm.at[i4, pl.ds(0, NM)], rbuf, semr).start()
        pltpu.make_async_copy(at_hbm.at[i4], tbuf, semt).start()
        pltpu.make_async_copy(
            h_hbm.at[i4], hgs.at[pl.ds(4 * u, 4)], semh).start()

    rvecs = [jnp.full((16,), r, jnp.int32) for r in range(4)]

    def gather_rows(rbuf, tbuf, u):
        @plsc.parallel_loop(0, CVR, unroll=8)
        def _(j):
            off = 16 * j
            cols = idxv[pl.ds(off, 16)]
            for r in range(4):
                vals = plsc.load_gather(rbuf, [rvecs[r], cols])
                outv[4 * u + r, pl.ds(off, 16)] = vals

        for r in range(4):
            rvec = rvecs[r]
            R = 4 * u + r
            cpos = jnp.minimum(4992 + pos16, K - 1)
            cols = plsc.load_gather(idxv, [cpos])
            vals = plsc.load_gather(rbuf, [rvec, cols])
            plsc.store_scatter(outv, [jnp.full((16,), R, jnp.int32), cpos],
                               vals, mask=pos16 < 8)
            tv = plsc.load_gather(tbuf, [rvec, tcol])
            plsc.store_scatter(outv, [jnp.full((16,), R, jnp.int32), tposc],
                               tv, mask=tmask)

    def proc_even(t2, rbuf, tbuf, i4, semr, semt):
        pltpu.make_async_copy(
            a_hbm.at[i4, pl.ds(0, NM)], rbuf, semr).wait()
        pltpu.make_async_copy(at_hbm.at[i4], tbuf, semt).wait()

        @pl.when(t2 > 0)
        def _():
            pltpu.make_async_copy(outv, pa_hbm.at[pl.ds(0, 8)], sempa).wait()

        gather_rows(rbuf, tbuf, 0)

    def proc_odd(t2, rbuf, tbuf, i4, hgs, semr, semt):
        s = slab_of(t2)
        pltpu.make_async_copy(
            a_hbm.at[i4, pl.ds(0, NM)], rbuf, semr).wait()
        pltpu.make_async_copy(at_hbm.at[i4], tbuf, semt).wait()
        gather_rows(rbuf, tbuf, 1)
        pltpu.make_async_copy(outv, pa_hbm.at[pl.ds(8 * s, 8)], sempa).start()
        pltpu.make_async_copy(
            h_hbm.at[i4], hgs.at[pl.ds(0, 4)], semh0).wait()
        pltpu.make_async_copy(
            h_hbm.at[i4], hgs.at[pl.ds(4, 4)], semh1).wait()
        ch = pltpu.make_async_copy(hgs, hg_hbm.at[pl.ds(8 * s, 8)], semhg)
        ch.start()
        ch.wait()

    start_in(0, rows0, tb0, idx40, hgA, 0, semr0, semt0, semh0)

    def body(t2, _):
        nxt = t2 + 1

        @pl.when(t2 % 4 == 0)
        def _():
            @pl.when(nxt < nt2)
            def _():
                start_in(nxt, rows1, tb1, idx41, hgA, 1, semr1, semt1, semh1)
            proc_even(t2, rows0, tb0, idx40, semr0, semt0)

        @pl.when(t2 % 4 == 1)
        def _():
            @pl.when(nxt < nt2)
            def _():
                start_in(nxt, rows0, tb0, idx40, hgB, 0, semr0, semt0, semh0)
            proc_odd(t2, rows1, tb1, idx41, hgA, semr1, semt1)

        @pl.when(t2 % 4 == 2)
        def _():
            @pl.when(nxt < nt2)
            def _():
                start_in(nxt, rows1, tb1, idx41, hgB, 1, semr1, semt1, semh1)
            proc_even(t2, rows0, tb0, idx40, semr0, semt0)

        @pl.when(t2 % 4 == 3)
        def _():
            @pl.when(nxt < nt2)
            def _():
                start_in(nxt, rows0, tb0, idx40, hgA, 0, semr0, semt0, semh0)
            proc_odd(t2, rows1, tb1, idx41, hgB, semr1, semt1)

        return 0

    lax.fori_loop(0, nt2, body, 0)
    pltpu.make_async_copy(outv, pa_hbm.at[pl.ds(0, 8)], sempa).wait()


_sc_gather = functools.partial(
    pl.kernel,
    out_type=(jax.ShapeDtypeStruct((K, KP), jnp.float32),
              jax.ShapeDtypeStruct((K, D), jnp.float32)),
    mesh=plsc.VectorSubcoreMesh(core_axis_name="c", subcore_axis_name="s"),
    compiler_params=pltpu.CompilerParams(needs_layout_passes=False),
    scratch_types=[
        pltpu.VMEM((K,), jnp.int32),
        pltpu.VMEM((16,), jnp.int32),
        pltpu.VMEM((16,), jnp.int32),
        pltpu.VMEM((4,), jnp.int32),
        pltpu.VMEM((4,), jnp.int32),
        pltpu.VMEM((4, NM), jnp.float32),
        pltpu.VMEM((4, NM), jnp.float32),
        pltpu.VMEM((4, D), jnp.float32),
        pltpu.VMEM((4, D), jnp.float32),
        pltpu.VMEM((8, KP), jnp.float32),
        pltpu.VMEM((8, D), jnp.float32),
        pltpu.VMEM((8, D), jnp.float32),
        pltpu.SemaphoreType.DMA,
        pltpu.SemaphoreType.DMA,
        pltpu.SemaphoreType.DMA,
        pltpu.SemaphoreType.DMA,
        pltpu.SemaphoreType.DMA,
        pltpu.SemaphoreType.DMA,
        pltpu.SemaphoreType.DMA,
        pltpu.SemaphoreType.DMA,
    ],
)(_sc_gather_body)


def _tail_kernel(a_ref, t_ref):
    t_ref[...] = a_ref[...]


def _m_kernel(hg_ref, v_ref, w_ref, m_ref):
    m_ref[...] = jnp.dot(hg_ref[...] * v_ref[...], w_ref[...],
                         preferred_element_type=jnp.float32)


def _am_kernel(a_ref, m_ref, o_ref, pa_ref):
    a = a_ref[:, :K]
    pa_ref[...] = a
    o_ref[...] = jnp.maximum(
        jnp.dot(a, m_ref[...], preferred_element_type=jnp.float32), 0.0)


def kernel(H, A, W, proj_W, proj_b):
    weights = (H @ proj_W + proj_b)[:, 0]
    scores = jax.nn.sigmoid(weights)
    values, idx = jax.lax.top_k(scores, K)

    A_tail = pl.pallas_call(
        _tail_kernel,
        grid=(10,),
        in_specs=[pl.BlockSpec((1000, 128), lambda i: (i, 78))],
        out_specs=pl.BlockSpec((1000, 128), lambda i: (i, 0)),
        out_shape=jax.ShapeDtypeStruct((N, D), jnp.float32),
    )(A)
    eqc = idx[None, :] == (NM + jnp.arange(16, dtype=jnp.int32))[:, None]
    tpos = jnp.max(jnp.where(eqc, jnp.arange(K, dtype=jnp.int32)[None, :], -1),
                   axis=1)
    tcol = jnp.arange(16, dtype=jnp.int32)

    pa_pad, Hg = _sc_gather(idx, tpos, tcol, A, A_tail, H)

    M = pl.pallas_call(
        _m_kernel,
        grid=(K // BM,),
        in_specs=[
            pl.BlockSpec((BM, D), lambda i: (i, 0)),
            pl.BlockSpec((BM, 1), lambda i: (i, 0)),
            pl.BlockSpec((D, D), lambda i: (0, 0)),
        ],
        out_specs=pl.BlockSpec((BM, D), lambda i: (i, 0)),
        out_shape=jax.ShapeDtypeStruct((K, D), jnp.float32),
    )(Hg, values[:, None], W)

    out, pooled_A = pl.pallas_call(
        _am_kernel,
        grid=(K // BM2,),
        in_specs=[
            pl.BlockSpec((BM2, KP), lambda i: (i, 0)),
            pl.BlockSpec((K, D), lambda i: (0, 0)),
        ],
        out_specs=[
            pl.BlockSpec((BM2, D), lambda i: (i, 0)),
            pl.BlockSpec((BM2, K), lambda i: (i, 0)),
        ],
        out_shape=[
            jax.ShapeDtypeStruct((K, D), jnp.float32),
            jax.ShapeDtypeStruct((K, K), jnp.float32),
        ],
    )(pa_pad, M)

    return (out, pooled_A, idx)

# --- scband reference (transcript-rebuilt; emitter-appended) ---
"""Pipeline reference for scband-gpool-block-19327352832065 (READ-ONLY COPY).

The authoritative reference and input builder live on the scoring server;
editing this copy changes nothing except your own understanding.
"""

import jax, jax.numpy as jnp
import numpy as np

N = 10000
D = 128
K = 5000


def setup_inputs(seed: int = 0) -> dict:
    key = jax.random.key(seed)
    k1, k2, k3, k4, k5 = jax.random.split(key, 5)
    H = jax.random.normal(k1, (N, D), dtype=jnp.float32)
    A = jax.random.uniform(k2, (N, N), dtype=jnp.float32)
    # GCN weight: xavier_uniform over (in_features, out_features)
    limit_w = float(np.sqrt(6.0 / (D + D)))
    W = jax.random.uniform(k3, (D, D), minval=-limit_w, maxval=limit_w, dtype=jnp.float32)
    # Pool proj: nn.Linear(out_features, 1) default init U(-1/sqrt(fan_in), 1/sqrt(fan_in))
    limit_p = float(1.0 / np.sqrt(D))
    proj_W = jax.random.uniform(k4, (D, 1), minval=-limit_p, maxval=limit_p, dtype=jnp.float32)
    proj_b = jax.random.uniform(k5, (1,), minval=-limit_p, maxval=limit_p, dtype=jnp.float32)
    return {"H": H, "A": A, "W": W, "proj_W": proj_W, "proj_b": proj_b}


def reference(H, A, W, proj_W, proj_b):
    # Pool: dropout is identity (p=0), proj -> squeeze -> sigmoid
    weights = (H @ proj_W + proj_b)[:, 0]
    scores = jax.nn.sigmoid(weights)
    # TopKGraph
    values, idx = jax.lax.top_k(scores, K)
    pooled_H = H[idx, :] * values[:, None]
    pooled_A = A[idx, :][:, idx]
    # GCNLayer: dropout identity, A @ H @ W, relu
    out = jax.nn.relu(pooled_A @ pooled_H @ W)
    return (out, pooled_A, idx)

if __name__ == "__main__":
    import jax
    _d = setup_inputs()
    print(jax.jit(kernel)(*tuple(_d.values())))

</pallas_src>

<mosaic_0001>
#map = affine_map<(d0, d1) -> (0)>
#map1 = affine_map<(d0, d1) -> (0, 0)>
module attributes {stable_mosaic.version = 14 : i64} {
  func.func @_sc_gather_body(%arg0: i32, %arg1: i32, %arg2: memref<5000xi32, #tpu.memory_space<hbm>>, %arg3: memref<16xi32, #tpu.memory_space<hbm>>, %arg4: memref<16xi32, #tpu.memory_space<hbm>>, %arg5: memref<10000x10000xf32, #tpu.memory_space<hbm>>, %arg6: memref<10000x128xf32, #tpu.memory_space<hbm>>, %arg7: memref<10000x128xf32, #tpu.memory_space<hbm>>, %arg8: memref<5000x5120xf32, #tpu.memory_space<hbm>>, %arg9: memref<5000x128xf32, #tpu.memory_space<hbm>>, %arg10: memref<5000xi32, #tpu.memory_space<vmem>>, %arg11: memref<16xi32, #tpu.memory_space<vmem>>, %arg12: memref<16xi32, #tpu.memory_space<vmem>>, %arg13: memref<4xi32, #tpu.memory_space<vmem>>, %arg14: memref<4xi32, #tpu.memory_space<vmem>>, %arg15: memref<4x9984xf32, #tpu.memory_space<vmem>>, %arg16: memref<4x9984xf32, #tpu.memory_space<vmem>>, %arg17: memref<4x128xf32, #tpu.memory_space<vmem>>, %arg18: memref<4x128xf32, #tpu.memory_space<vmem>>, %arg19: memref<8x5120xf32, #tpu.memory_space<vmem>>, %arg20: memref<8x128xf32, #tpu.memory_space<vmem>>, %arg21: memref<8x128xf32, #tpu.memory_space<vmem>>, %arg22: memref<!tpu.dma_semaphore, #tpu.memory_space<semaphore_mem>>, %arg23: memref<!tpu.dma_semaphore, #tpu.memory_space<semaphore_mem>>, %arg24: memref<!tpu.dma_semaphore, #tpu.memory_space<semaphore_mem>>, %arg25: memref<!tpu.dma_semaphore, #tpu.memory_space<semaphore_mem>>, %arg26: memref<!tpu.dma_semaphore, #tpu.memory_space<semaphore_mem>>, %arg27: memref<!tpu.dma_semaphore, #tpu.memory_space<semaphore_mem>>, %arg28: memref<!tpu.dma_semaphore, #tpu.memory_space<semaphore_mem>>, %arg29: memref<!tpu.dma_semaphore, #tpu.memory_space<semaphore_mem>>) attributes {dimension_semantics = [#tpu.dimension_semantics<core_parallel>, #tpu.dimension_semantics<subcore_parallel>], iteration_bounds = array<i64: 2, 16>, scalar_prefetch = 0 : i64, scratch_operands = 20 : i64, tpu.core_type = #tpu.core_type<sc_vector_subcore>, window_params = [{transform_indices = #map}, {transform_indices = #map}, {transform_indices = #map}, {transform_indices = #map1}, {transform_indices = #map1}, {transform_indices = #map1}, {transform_indices = #map1}, {transform_indices = #map1}]} {
    %mul3A = arith.constant 2 : i32
    %mul3A_0 = arith.muli %arg1, %mul3A : i32
    %add3A = arith.addi %mul3A_0, %arg0 : i32
    %lt3A = arith.constant 17 : i32
    %lt3A_1 = arith.cmpi slt, %add3A, %lt3A : i32
    %jit3A = arith.constant 1 : i32
    %jit3A_2 = arith.constant 0 : i32
    %select_n3A = arith.select %lt3A_1, %jit3A, %jit3A_2 : i32
    %add3A_3 = arith.constant 19 : i32
    %add3A_4 = arith.addi %add3A_3, %select_n3A : i32
    %mul3A_5 = arith.constant 2 : i32
    %mul3A_6 = arith.muli %mul3A_5, %add3A_4 : i32
    "tpu.region"() ({
      %run_scoped3A = tpu.sem_alloc : memref<!tpu.dma_semaphore, #tpu.memory_space<semaphore_mem>>
      tpu.enqueue_dma source(%arg2 : memref<5000xi32, #tpu.memory_space<hbm>>) target(%arg10 : memref<5000xi32, #tpu.memory_space<vmem>>) target_semaphore(%run_scoped3A : memref<!tpu.dma_semaphore, #tpu.memory_space<semaphore_mem>>)
      tpu.wait_dma2 semaphore(%run_scoped3A : memref<!tpu.dma_semaphore, #tpu.memory_space<semaphore_mem>>) src(%arg2 : memref<5000xi32, #tpu.memory_space<hbm>>) dst(%arg10 : memref<5000xi32, #tpu.memory_space<vmem>>)
      tpu.yield
    }) : () -> ()
    "tpu.region"() ({
      %run_scoped3A = tpu.sem_alloc : memref<!tpu.dma_semaphore, #tpu.memory_space<semaphore_mem>>
      tpu.enqueue_dma source(%arg3 : memref<16xi32, #tpu.memory_space<hbm>>) target(%arg11 : memref<16xi32, #tpu.memory_space<vmem>>) target_semaphore(%run_scoped3A : memref<!tpu.dma_semaphore, #tpu.memory_space<semaphore_mem>>)
      tpu.wait_dma2 semaphore(%run_scoped3A : memref<!tpu.dma_semaphore, #tpu.memory_space<semaphore_mem>>) src(%arg3 : memref<16xi32, #tpu.memory_space<hbm>>) dst(%arg11 : memref<16xi32, #tpu.memory_space<vmem>>)
      tpu.yield
    }) : () -> ()
    "tpu.region"() ({
      %run_scoped3A = tpu.sem_alloc : memref<!tpu.dma_semaphore, #tpu.memory_space<semaphore_mem>>
      tpu.enqueue_dma source(%arg4 : memref<16xi32, #tpu.memory_space<hbm>>) target(%arg12 : memref<16xi32, #tpu.memory_space<vmem>>) target_semaphore(%run_scoped3A : memref<!tpu.dma_semaphore, #tpu.memory_space<semaphore_mem>>)
      tpu.wait_dma2 semaphore(%run_scoped3A : memref<!tpu.dma_semaphore, #tpu.memory_space<semaphore_mem>>) src(%arg4 : memref<16xi32, #tpu.memory_space<hbm>>) dst(%arg12 : memref<16xi32, #tpu.memory_space<vmem>>)
      tpu.yield
    }) : () -> ()
    %iota3A = tpu.iota {dimensions = array<i32: 0>} : vector<16xi32>
    %get3A = arith.constant 0 : index
    %get3A_7 = tpu.vector_load %arg11[%get3A] {strides = array<i32>} : memref<16xi32, #tpu.memory_space<vmem>>, vector<16xi32>,
    %get3A_8 = arith.constant 0 : index
    %get3A_9 = tpu.vector_load %arg12[%get3A_8] {strides = array<i32>} : memref<16xi32, #tpu.memory_space<vmem>>, vector<16xi32>,
    %ge3A = arith.constant 0 : i32
    %ge3A_10 = vector.broadcast %ge3A : i32 to vector<16xi32>
    %ge3A_11 = arith.cmpi sge, %get3A_7, %ge3A_10 : vector<16xi32>
    %max3A = arith.constant 0 : i32
    %max3A_12 = vector.broadcast %max3A : i32 to vector<16xi32>
    %max3A_13 = arith.maxsi %get3A_7, %max3A_12 : vector<16xi32>
    %broadcast_in_dim3A = arith.constant 0 : i32
    %broadcast_in_dim3A_14 = vector.broadcast %broadcast_in_dim3A : i32 to vector<16xi32>
    %broadcast_in_dim3A_15 = arith.constant 1 : i32
    %broadcast_in_dim3A_16 = vector.broadcast %broadcast_in_dim3A_15 : i32 to vector<16xi32>
    %broadcast_in_dim3A_17 = arith.constant 2 : i32
    %broadcast_in_dim3A_18 = vector.broadcast %broadcast_in_dim3A_17 : i32 to vector<16xi32>
    %broadcast_in_dim3A_19 = arith.constant 3 : i32
    %broadcast_in_dim3A_20 = vector.broadcast %broadcast_in_dim3A_19 : i32 to vector<16xi32>
    %mul3A_21 = arith.constant 2 : i32
    %mul3A_22 = arith.muli %mul3A_21, %add3A : i32
    %add3A_23 = arith.constant 0 : i32
    %add3A_24 = arith.addi %mul3A_22, %add3A_23 : i32
    %add3A_25 = arith.constant 0 : i32
    %add3A_26 = arith.addi %add3A_24, %add3A_25 : i32
    %mul3A_27 = arith.constant 4 : i32
    %mul3A_28 = arith.muli %mul3A_27, %add3A_26 : i32
    %add3A_29 = vector.broadcast %mul3A_28 : i32 to vector<16xi32>
    %add3A_30 = arith.addi %add3A_29, %iota3A : vector<16xi32>
    %min3A = arith.constant 4999 : i32
    %min3A_31 = vector.broadcast %min3A : i32 to vector<16xi32>
    %min3A_32 = arith.minsi %add3A_30, %min3A_31 : vector<16xi32>
    %gather3A = tpu.vector_load_idx %arg10[%min3A_32] : memref<5000xi32, #tpu.memory_space<vmem>>[vector<16xi32>], vector<16xi32>,
    %min3A_33 = arith.constant 3 : i32
    %min3A_34 = vector.broadcast %min3A_33 : i32 to vector<16xi32>
    %min3A_35 = arith.minsi %iota3A, %min3A_34 : vector<16xi32>
    %lt3A_36 = arith.constant 4 : i32
    %lt3A_37 = vector.broadcast %lt3A_36 : i32 to vector<16xi32>
    %lt3A_38 = arith.cmpi slt, %iota3A, %lt3A_37 : vector<16xi32>
    tpu.vector_store_idx %arg13[%min3A_35], %gather3A masked %lt3A_38 : memref<4xi32, #tpu.memory_space<vmem>>[vector<16xi32>], vector<16xi32>, vector<16xi1>
    %dma_start3A = arith.constant 0 : i32
    %dma_start3A_39 = arith.constant 0 : i32
    %dma_start3A_40 = tpu.memref_slice %arg5[%dma_start3A, %dma_start3A_39] : memref<10000x10000xf32, #tpu.memory_space<hbm>> -> memref<10000x9984xf32, #tpu.memory_space<hbm>>
    tpu.enqueue_indirect_dma source(%dma_start3A_40 : memref<10000x9984xf32, #tpu.memory_space<hbm>>) target(%arg15 : memref<4x9984xf32, #tpu.memory_space<vmem>>) offsets(%arg13 : memref<4xi32, #tpu.memory_space<vmem>>) semaphore(%arg22 : memref<!tpu.dma_semaphore, #tpu.memory_space<semaphore_mem>>)
    %dma_start3A_41 = arith.constant 0 : i32
    %dma_start3A_42 = arith.constant 0 : i32
    %dma_start3A_43 = tpu.memref_slice %arg6[%dma_start3A_41, %dma_start3A_42] : memref<10000x128xf32, #tpu.memory_space<hbm>> -> memref<10000x128xf32, #tpu.memory_space<hbm>>
    tpu.enqueue_indirect_dma source(%dma_start3A_43 : memref<10000x128xf32, #tpu.memory_space<hbm>>) target(%arg17 : memref<4x128xf32, #tpu.memory_space<vmem>>) offsets(%arg13 : memref<4xi32, #tpu.memory_space<vmem>>) semaphore(%arg24 : memref<!tpu.dma_semaphore, #tpu.memory_space<semaphore_mem>>)
    %dma_start3A_44 = arith.constant 0 : i32
    %dma_start3A_45 = arith.constant 0 : i32
    %dma_start3A_46 = tpu.memref_slice %arg20[%dma_start3A_44, %dma_start3A_45] : memref<8x128xf32, #tpu.memory_space<vmem>> -> memref<4x128xf32, #tpu.memory_space<vmem>>
    %dma_start3A_47 = arith.constant 0 : i32
    %dma_start3A_48 = arith.constant 0 : i32
    %dma_start3A_49 = tpu.memref_slice %arg7[%dma_start3A_47, %dma_start3A_48] : memref<10000x128xf32, #tpu.memory_space<hbm>> -> memref<10000x128xf32, #tpu.memory_space<hbm>>
    tpu.enqueue_indirect_dma source(%dma_start3A_49 : memref<10000x128xf32, #tpu.memory_space<hbm>>) target(%dma_start3A_46 : memref<4x128xf32, #tpu.memory_space<vmem>>) offsets(%arg13 : memref<4xi32, #tpu.memory_space<vmem>>) semaphore(%arg26 : memref<!tpu.dma_semaphore, #tpu.memory_space<semaphore_mem>>)
    %while3A = arith.constant 0 : i32
    %while3A_50 = arith.constant 0 : i32
    %while3A_51 = arith.subi %mul3A_6, %while3A : i32
    %while3A_52 = arith.addi %while3A, %while3A_51 : i32
    %while3A_53 = arith.constant 1 : i32
    %while3A_54 = arith.divsi %while3A_51, %while3A_53 : i32
    %while3A_55 = arith.muli %while3A_54, %while3A_53 : i32
    %while3A_56 = arith.addi %while3A, %while3A_55 : i32
    %while3A_57 = arith.constant 1 : i32
    %while3A_58 = scf.for %while3A_66 = %while3A to %while3A_56 step %while3A_57 iter_args(%while3A_67 = %while3A_50) -> (i32)  : i32 {
      %add3A_68 = arith.constant 1 : i32
      %add3A_69 = arith.addi %while3A_66, %add3A_68 : i32
      %jit3A_70 = arith.constant 4 : i32
      %eq3A = arith.constant 0 : i32
      %eq3A_71 = arith.cmpi eq, %jit3A_70, %eq3A : i32
      %jit3A_72 = arith.constant 1 : i32
      %select_n3A_73 = arith.select %eq3A_71, %jit3A_72, %jit3A_70 : i32
      %rem3A = arith.remsi %while3A_66, %select_n3A_73 : i32
      %ne3A = arith.constant 0 : i32
      %ne3A_74 = arith.cmpi ne, %rem3A, %ne3A : i32
      %lt3A_75 = arith.constant 0 : i32
      %lt3A_76 = arith.cmpi slt, %rem3A, %lt3A_75 : i32
      %lt3A_77 = arith.constant 0 : i32
      %lt3A_78 = arith.cmpi slt, %select_n3A_73, %lt3A_77 : i32
      %ne3A_79 = arith.xori %lt3A_76, %lt3A_78 : i1
      %and3A = arith.andi %ne3A_79, %ne3A_74 : i1
      %add3A_80 = arith.addi %rem3A, %select_n3A_73 : i32
      %select_n3A_81 = arith.select %and3A, %add3A_80, %rem3A : i32
      %eq3A_82 = arith.constant 0 : i32
      %eq3A_83 = arith.cmpi eq, %select_n3A_81, %eq3A_82 : i32
      %convert_element_type3A = arith.extui %eq3A_83 : i1 to i32
      %cond3A = arith.constant 0 : i32
      %cond3A_84 = arith.cmpi ne, %convert_element_type3A, %cond3A : i32
      scf.if %cond3A_84 {
        %lt3A_149 = arith.cmpi slt, %add3A_69, %mul3A_6 : i32
        %convert_element_type3A_150 = arith.extui %lt3A_149 : i1 to i32
        %cond3A_151 = arith.constant 0 : i32
        %cond3A_152 = arith.cmpi ne, %convert_element_type3A_150, %cond3A_151 : i32
        scf.if %cond3A_152 {
          %mul3A_229 = arith.constant 2 : i32
          %mul3A_230 = arith.muli %mul3A_229, %add3A : i32
          %jit3A_231 = arith.constant 2 : i32
          %div3A = arith.divsi %add3A_69, %jit3A_231 : i32
          %sign3A = arith.constant 0 : i32
          %sign3A_232 = arith.cmpi sgt, %add3A_69, %sign3A : i32
          %sign3A_233 = arith.extui %sign3A_232 : i1 to i32
          %sign3A_234 = arith.constant 0 : i32
          %sign3A_235 = arith.cmpi slt, %add3A_69, %sign3A_234 : i32
          %sign3A_236 = arith.extui %sign3A_235 : i1 to i32
          %sign3A_237 = arith.subi %sign3A_233, %sign3A_236 : i32
          %sign3A_238 = arith.constant 0 : i32
          %sign3A_239 = arith.cmpi sgt, %jit3A_231, %sign3A_238 : i32
          %sign3A_240 = arith.extui %sign3A_239 : i1 to i32
          %sign3A_241 = arith.constant 0 : i32
          %sign3A_242 = arith.cmpi slt, %jit3A_231, %sign3A_241 : i32
          %sign3A_243 = arith.extui %sign3A_242 : i1 to i32
          %sign3A_244 = arith.subi %sign3A_240, %sign3A_243 : i32
          %ne3A_245 = arith.cmpi ne, %sign3A_237, %sign3A_244 : i32
          %rem3A_246 = arith.remsi %add3A_69, %jit3A_231 : i32
          %ne3A_247 = arith.constant 0 : i32
          %ne3A_248 = arith.cmpi ne, %rem3A_246, %ne3A_247 : i32
          %and3A_249 = arith.andi %ne3A_245, %ne3A_248 : i1
          %sub3A = arith.constant 1 : i32
          %sub3A_250 = arith.subi %div3A, %sub3A : i32
          %select_n3A_251 = arith.select %and3A_249, %sub3A_250, %div3A : i32
          %mul3A_252 = arith.constant 64 : i32
          %mul3A_253 = arith.muli %mul3A_252, %select_n3A_251 : i32
          %add3A_254 = arith.addi %mul3A_230, %mul3A_253 : i32
          %jit3A_255 = arith.constant 2 : i32
          %eq3A_256 = arith.constant 0 : i32
          %eq3A_257 = arith.cmpi eq, %jit3A_255, %eq3A_256 : i32
          %jit3A_258 = arith.constant 1 : i32
          %select_n3A_259 = arith.select %eq3A_257, %jit3A_258, %jit3A_255 : i32
          %rem3A_260 = arith.remsi %add3A_69, %select_n3A_259 : i32
          %ne3A_261 = arith.constant 0 : i32
          %ne3A_262 = arith.cmpi ne, %rem3A_260, %ne3A_261 : i32
          %lt3A_263 = arith.constant 0 : i32
          %lt3A_264 = arith.cmpi slt, %rem3A_260, %lt3A_263 : i32
          %lt3A_265 = arith.constant 0 : i32
          %lt3A_266 = arith.cmpi slt, %select_n3A_259, %lt3A_265 : i32
          %ne3A_267 = arith.xori %lt3A_264, %lt3A_266 : i1
          %and3A_268 = arith.andi %ne3A_267, %ne3A_262 : i1
          %add3A_269 = arith.addi %rem3A_260, %select_n3A_259 : i32
          %select_n3A_270 = arith.select %and3A_268, %add3A_269, %rem3A_260 : i32
          %add3A_271 = arith.addi %add3A_254, %select_n3A_270 : i32
          %mul3A_272 = arith.constant 4 : i32
          %mul3A_273 = arith.muli %mul3A_272, %add3A_271 : i32
          %add3A_274 = vector.broadcast %mul3A_273 : i32 to vector<16xi32>
          %add3A_275 = arith.addi %add3A_274, %iota3A : vector<16xi32>
          %min3A_276 = arith.constant 4999 : i32
          %min3A_277 = vector.broadcast %min3A_276 : i32 to vector<16xi32>
          %min3A_278 = arith.minsi %add3A_275, %min3A_277 : vector<16xi32>
          %gather3A_279 = tpu.vector_load_idx %arg10[%min3A_278] : memref<5000xi32, #tpu.memory_space<vmem>>[vector<16xi32>], vector<16xi32>,
          %min3A_280 = arith.constant 3 : i32
          %min3A_281 = vector.broadcast %min3A_280 : i32 to vector<16xi32>
          %min3A_282 = arith.minsi %iota3A, %min3A_281 : vector<16xi32>
          %lt3A_283 = arith.constant 4 : i32
          %lt3A_284 = vector.broadcast %lt3A_283 : i32 to vector<16xi32>
          %lt3A_285 = arith.cmpi slt, %iota3A, %lt3A_284 : vector<16xi32>
          tpu.vector_store_idx %arg14[%min3A_282], %gather3A_279 masked %lt3A_285 : memref<4xi32, #tpu.memory_space<vmem>>[vector<16xi32>], vector<16xi32>, vector<16xi1>
          %dma_start3A_286 = arith.constant 0 : i32
          %dma_start3A_287 = arith.constant 0 : i32
          %dma_start3A_288 = tpu.memref_slice %arg5[%dma_start3A_286, %dma_start3A_287] : memref<10000x10000xf32, #tpu.memory_space<hbm>> -> memref<10000x9984xf32, #tpu.memory_space<hbm>>
          tpu.enqueue_indirect_dma source(%dma_start3A_288 : memref<10000x9984xf32, #tpu.memory_space<hbm>>) target(%arg16 : memref<4x9984xf32, #tpu.memory_space<vmem>>) offsets(%arg14 : memref<4xi32, #tpu.memory_space<vmem>>) semaphore(%arg23 : memref<!tpu.dma_semaphore, #tpu.memory_space<semaphore_mem>>)
          %dma_start3A_289 = arith.constant 0 : i32
          %dma_start3A_290 = arith.constant 0 : i32
          %dma_start3A_291 = tpu.memref_slice %arg6[%dma_start3A_289, %dma_start3A_290] : memref<10000x128xf32, #tpu.memory_space<hbm>> -> memref<10000x128xf32, #tpu.memory_space<hbm>>
          tpu.enqueue_indirect_dma source(%dma_start3A_291 : memref<10000x128xf32, #tpu.memory_space<hbm>>) target(%arg18 : memref<4x128xf32, #tpu.memory_space<vmem>>) offsets(%arg14 : memref<4xi32, #tpu.memory_space<vmem>>) semaphore(%arg25 : memref<!tpu.dma_semaphore, #tpu.memory_space<semaphore_mem>>)
          %dma_start3A_292 = arith.constant 4 : i32
          %dma_start3A_293 = arith.constant 0 : i32
          %dma_start3A_294 = tpu.memref_slice %arg20[%dma_start3A_292, %dma_start3A_293] : memref<8x128xf32, #tpu.memory_space<vmem>> -> memref<4x128xf32, #tpu.memory_space<vmem>>
          %dma_start3A_295 = arith.constant 0 : i32
          %dma_start3A_296 = arith.constant 0 : i32
          %dma_start3A_297 = tpu.memref_slice %arg7[%dma_start3A_295, %dma_start3A_296] : memref<10000x128xf32, #tpu.memory_space<hbm>> -> memref<10000x128xf32, #tpu.memory_space<hbm>>
          tpu.enqueue_indirect_dma source(%dma_start3A_297 : memref<10000x128xf32, #tpu.memory_space<hbm>>) target(%dma_start3A_294 : memref<4x128xf32, #tpu.memory_space<vmem>>) offsets(%arg14 : memref<4xi32, #tpu.memory_space<vmem>>) semaphore(%arg27 : memref<!tpu.dma_semaphore, #tpu.memory_space<semaphore_mem>>)
        } else {
        }
        %dma_wait3A_153 = arith.constant 0 : i32
        %dma_wait3A_154 = arith.constant 0 : i32
        %dma_wait3A_155 = tpu.memref_slice %arg5[%dma_wait3A_153, %dma_wait3A_154] : memref<10000x10000xf32, #tpu.memory_space<hbm>> -> memref<10000x9984xf32, #tpu.memory_space<hbm>>
        tpu.wait_indirect_dma semaphore(%arg22 : memref<!tpu.dma_semaphore, #tpu.memory_space<semaphore_mem>>) src(%dma_wait3A_155 : memref<10000x9984xf32, #tpu.memory_space<hbm>>) dst(%arg15 : memref<4x9984xf32, #tpu.memory_space<vmem>>)
        %dma_wait3A_156 = arith.constant 0 : i32
        %dma_wait3A_157 = arith.constant 0 : i32
        %dma_wait3A_158 = tpu.memref_slice %arg6[%dma_wait3A_156, %dma_wait3A_157] : memref<10000x128xf32, #tpu.memory_space<hbm>> -> memref<10000x128xf32, #tpu.memory_space<hbm>>
        tpu.wait_indirect_dma semaphore(%arg24 : memref<!tpu.dma_semaphore, #tpu.memory_space<semaphore_mem>>) src(%dma_wait3A_158 : memref<10000x128xf32, #tpu.memory_space<hbm>>) dst(%arg17 : memref<4x128xf32, #tpu.memory_space<vmem>>)
        %gt3A = arith.constant 0 : i32
        %gt3A_159 = arith.cmpi sgt, %while3A_66, %gt3A : i32
        %convert_element_type3A_160 = arith.extui %gt3A_159 : i1 to i32
        %cond3A_161 = arith.constant 0 : i32
        %cond3A_162 = arith.cmpi ne, %convert_element_type3A_160, %cond3A_161 : i32
        scf.if %cond3A_162 {
          %dma_wait3A_229 = arith.constant 0 : i32
          %dma_wait3A_230 = arith.constant 0 : i32
          %dma_wait3A_231 = tpu.memref_slice %arg8[%dma_wait3A_229, %dma_wait3A_230] : memref<5000x5120xf32, #tpu.memory_space<hbm>> -> memref<8x5120xf32, #tpu.memory_space<hbm>>
          %dma_wait3A_232 = arith.constant 0 : i32
          %dma_wait3A_233 = arith.constant 0 : i32
          %dma_wait3A_234 = tpu.memref_slice %arg8[%dma_wait3A_232, %dma_wait3A_233] : memref<5000x5120xf32, #tpu.memory_space<hbm>> -> memref<8x5120xf32, #tpu.memory_space<hbm>>
          tpu.wait_dma2 semaphore(%arg28 : memref<!tpu.dma_semaphore, #tpu.memory_space<semaphore_mem>>) src(%arg19 : memref<8x5120xf32, #tpu.memory_space<vmem>>) dst(%dma_wait3A_234 : memref<8x5120xf32, #tpu.memory_space<hbm>>)
        } else {
        }
        %parallel_loop3A = arith.constant 0 : i32
        %parallel_loop3A_163 = arith.constant 312 : i32
        %parallel_loop3A_164 = arith.constant 1 : i32
        scf.for %parallel_loop3A_229 = %parallel_loop3A to %parallel_loop3A_163 step %parallel_loop3A_164  : i32 {
          %parallel_loop3A_230 = arith.constant 16 : i32
          %parallel_loop3A_231 = arith.muli %parallel_loop3A_230, %parallel_loop3A_229 : i32
          %parallel_loop3A_232 = arith.index_cast %parallel_loop3A_231 : i32 to index
          %parallel_loop3A_233 = tpu.vector_load %arg10[%parallel_loop3A_232] {strides = array<i32>} : memref<5000xi32, #tpu.memory_space<vmem>>, vector<16xi32>,
          %parallel_loop3A_234 = tpu.vector_load_idx %arg15[%broadcast_in_dim3A_14, %parallel_loop3A_233] : memref<4x9984xf32, #tpu.memory_space<vmem>>[vector<16xi32>, vector<16xi32>], vector<16xf32>,
          %parallel_loop3A_235 = arith.constant 0 : i32
          %parallel_loop3A_236 = arith.index_cast %parallel_loop3A_235 : i32 to index
          %parallel_loop3A_237 = arith.index_cast %parallel_loop3A_231 : i32 to index
          %parallel_loop3A_238 = tpu.vector_load %arg19[%parallel_loop3A_236, %parallel_loop3A_237] {strides = array<i32>} : memref<8x5120xf32, #tpu.memory_space<vmem>>, vector<16xf32>,
          tpu.vector_store %arg19[%parallel_loop3A_236, %parallel_loop3A_237], %parallel_loop3A_234 {strides = array<i32>} : memref<8x5120xf32, #tpu.memory_space<vmem>>, vector<16xf32>,
          %parallel_loop3A_239 = tpu.vector_load_idx %arg15[%broadcast_in_dim3A_16, %parallel_loop3A_233] : memref<4x9984xf32, #tpu.memory_space<vmem>>[vector<16xi32>, vector<16xi32>], vector<16xf32>,
          %parallel_loop3A_240 = arith.constant 1 : i32
          %parallel_loop3A_241 = arith.index_cast %parallel_loop3A_240 : i32 to index
          %parallel_loop3A_242 = arith.index_cast %parallel_loop3A_231 : i32 to index
          %parallel_loop3A_243 = tpu.vector_load %arg19[%parallel_loop3A_241, %parallel_loop3A_242] {strides = array<i32>} : memref<8x5120xf32, #tpu.memory_space<vmem>>, vector<16xf32>,
          tpu.vector_store %arg19[%parallel_loop3A_241, %parallel_loop3A_242], %parallel_loop3A_239 {strides = array<i32>} : memref<8x5120xf32, #tpu.memory_space<vmem>>, vector<16xf32>,
          %parallel_loop3A_244 = tpu.vector_load_idx %arg15[%broadcast_in_dim3A_18, %parallel_loop3A_233] : memref<4x9984xf32, #tpu.memory_space<vmem>>[vector<16xi32>, vector<16xi32>], vector<16xf32>,
          %parallel_loop3A_245 = arith.constant 2 : i32
          %parallel_loop3A_246 = arith.index_cast %parallel_loop3A_245 : i32 to index
          %parallel_loop3A_247 = arith.index_cast %parallel_loop3A_231 : i32 to index
          %parallel_loop3A_248 = tpu.vector_load %arg19[%parallel_loop3A_246, %parallel_loop3A_247] {strides = array<i32>} : memref<8x5120xf32, #tpu.memory_space<vmem>>, vector<16xf32>,
          tpu.vector_store %arg19[%parallel_loop3A_246, %parallel_loop3A_247], %parallel_loop3A_244 {strides = array<i32>} : memref<8x5120xf32, #tpu.memory_space<vmem>>, vector<16xf32>,
          %parallel_loop3A_249 = tpu.vector_load_idx %arg15[%broadcast_in_dim3A_20, %parallel_loop3A_233] : memref<4x9984xf32, #tpu.memory_space<vmem>>[vector<16xi32>, vector<16xi32>], vector<16xf32>,
          %parallel_loop3A_250 = arith.constant 3 : i32
          %parallel_loop3A_251 = arith.index_cast %parallel_loop3A_250 : i32 to index
          %parallel_loop3A_252 = arith.index_cast %parallel_loop3A_231 : i32 to index
          %parallel_loop3A_253 = tpu.vector_load %arg19[%parallel_loop3A_251, %parallel_loop3A_252] {strides = array<i32>} : memref<8x5120xf32, #tpu.memory_space<vmem>>, vector<16xf32>,
          tpu.vector_store %arg19[%parallel_loop3A_251, %parallel_loop3A_252], %parallel_loop3A_249 {strides = array<i32>} : memref<8x5120xf32, #tpu.memory_space<vmem>>, vector<16xf32>,
        } {sc.loop_unroll_factor = 8 : i64, sc.parallel_access}
        %add3A_165 = arith.constant 4992 : i32
        %add3A_166 = vector.broadcast %add3A_165 : i32 to vector<16xi32>
        %add3A_167 = arith.addi %add3A_166, %iota3A : vector<16xi32>
        %min3A_168 = arith.constant 4999 : i32
        %min3A_169 = vector.broadcast %min3A_168 : i32 to vector<16xi32>
        %min3A_170 = arith.minsi %add3A_167, %min3A_169 : vector<16xi32>
        %gather3A_171 = tpu.vector_load_idx %arg10[%min3A_170] : memref<5000xi32, #tpu.memory_space<vmem>>[vector<16xi32>], vector<16xi32>,
        %gather3A_172 = tpu.vector_load_idx %arg15[%broadcast_in_dim3A_14, %gather3A_171] : memref<4x9984xf32, #tpu.memory_space<vmem>>[vector<16xi32>, vector<16xi32>], vector<16xf32>,
        %broadcast_in_dim3A_173 = arith.constant 0 : i32
        %broadcast_in_dim3A_174 = vector.broadcast %broadcast_in_dim3A_173 : i32 to vector<16xi32>
        %lt3A_175 = arith.constant 8 : i32
        %lt3A_176 = vector.broadcast %lt3A_175 : i32 to vector<16xi32>
        %lt3A_177 = arith.cmpi slt, %iota3A, %lt3A_176 : vector<16xi32>
        tpu.vector_store_idx %arg19[%broadcast_in_dim3A_174, %min3A_170], %gather3A_172 masked %lt3A_177 : memref<8x5120xf32, #tpu.memory_space<vmem>>[vector<16xi32>, vector<16xi32>], vector<16xf32>, vector<16xi1>
        %gather3A_178 = tpu.vector_load_idx %arg17[%broadcast_in_dim3A_14, %get3A_9] : memref<4x128xf32, #tpu.memory_space<vmem>>[vector<16xi32>, vector<16xi32>], vector<16xf32>,
        %broadcast_in_dim3A_179 = arith.constant 0 : i32
        %broadcast_in_dim3A_180 = vector.broadcast %broadcast_in_dim3A_179 : i32 to vector<16xi32>
        tpu.vector_store_idx %arg19[%broadcast_in_dim3A_180, %max3A_13], %gather3A_178 masked %ge3A_11 : memref<8x5120xf32, #tpu.memory_space<vmem>>[vector<16xi32>, vector<16xi32>], vector<16xf32>, vector<16xi1>
        %add3A_181 = arith.constant 4992 : i32
        %add3A_182 = vector.broadcast %add3A_181 : i32 to vector<16xi32>
        %add3A_183 = arith.addi %add3A_182, %iota3A : vector<16xi32>
        %min3A_184 = arith.constant 4999 : i32
        %min3A_185 = vector.broadcast %min3A_184 : i32 to vector<16xi32>
        %min3A_186 = arith.minsi %add3A_183, %min3A_185 : vector<16xi32>
        %gather3A_187 = tpu.vector_load_idx %arg10[%min3A_186] : memref<5000xi32, #tpu.memory_space<vmem>>[vector<16xi32>], vector<16xi32>,
        %gather3A_188 = tpu.vector_load_idx %arg15[%broadcast_in_dim3A_16, %gather3A_187] : memref<4x9984xf32, #tpu.memory_space<vmem>>[vector<16xi32>, vector<16xi32>], vector<16xf32>,
        %broadcast_in_dim3A_189 = arith.constant 1 : i32
        %broadcast_in_dim3A_190 = vector.broadcast %broadcast_in_dim3A_189 : i32 to vector<16xi32>
        %lt3A_191 = arith.constant 8 : i32
        %lt3A_192 = vector.broadcast %lt3A_191 : i32 to vector<16xi32>
        %lt3A_193 = arith.cmpi slt, %iota3A, %lt3A_192 : vector<16xi32>
        tpu.vector_store_idx %arg19[%broadcast_in_dim3A_190, %min3A_186], %gather3A_188 masked %lt3A_193 : memref<8x5120xf32, #tpu.memory_space<vmem>>[vector<16xi32>, vector<16xi32>], vector<16xf32>, vector<16xi1>
        %gather3A_194 = tpu.vector_load_idx %arg17[%broadcast_in_dim3A_16, %get3A_9] : memref<4x128xf32, #tpu.memory_space<vmem>>[vector<16xi32>, vector<16xi32>], vector<16xf32>,
        %broadcast_in_dim3A_195 = arith.constant 1 : i32
        %broadcast_in_dim3A_196 = vector.broadcast %broadcast_in_dim3A_195 : i32 to vector<16xi32>
        tpu.vector_store_idx %arg19[%broadcast_in_dim3A_196, %max3A_13], %gather3A_194 masked %ge3A_11 : memref<8x5120xf32, #tpu.memory_space<vmem>>[vector<16xi32>, vector<16xi32>], vector<16xf32>, vector<16xi1>
        %add3A_197 = arith.constant 4992 : i32
        %add3A_198 = vector.broadcast %add3A_197 : i32 to vector<16xi32>
        %add3A_199 = arith.addi %add3A_198, %iota3A : vector<16xi32>
        %min3A_200 = arith.constant 4999 : i32
        %min3A_201 = vector.broadcast %min3A_200 : i32 to vector<16xi32>
        %min3A_202 = arith.minsi %add3A_199, %min3A_201 : vector<16xi32>
        %gather3A_203 = tpu.vector_load_idx %arg10[%min3A_202] : memref<5000xi32, #tpu.memory_space<vmem>>[vector<16xi32>], vector<16xi32>,
        %gather3A_204 = tpu.vector_load_idx %arg15[%broadcast_in_dim3A_18, %gather3A_203] : memref<4x9984xf32, #tpu.memory_space<vmem>>[vector<16xi32>, vector<16xi32>], vector<16xf32>,
        %broadcast_in_dim3A_205 = arith.constant 2 : i32
        %broadcast_in_dim3A_206 = vector.broadcast %broadcast_in_dim3A_205 : i32 to vector<16xi32>
        %lt3A_207 = arith.constant 8 : i32
        %lt3A_208 = vector.broadcast %lt3A_207 : i32 to vector<16xi32>
        %lt3A_209 = arith.cmpi slt, %iota3A, %lt3A_208 : vector<16xi32>
        tpu.vector_store_idx %arg19[%broadcast_in_dim3A_206, %min3A_202], %gather3A_204 masked %lt3A_209 : memref<8x5120xf32, #tpu.memory_space<vmem>>[vector<16xi32>, vector<16xi32>], vector<16xf32>, vector<16xi1>
        %gather3A_210 = tpu.vector_load_idx %arg17[%broadcast_in_dim3A_18, %get3A_9] : memref<4x128xf32, #tpu.memory_space<vmem>>[vector<16xi32>, vector<16xi32>], vector<16xf32>,
        %broadcast_in_dim3A_211 = arith.constant 2 : i32
        %broadcast_in_dim3A_212 = vector.broadcast %broadcast_in_dim3A_211 : i32 to vector<16xi32>
        tpu.vector_store_idx %arg19[%broadcast_in_dim3A_212, %max3A_13], %gather3A_210 masked %ge3A_11 : memref<8x5120xf32, #tpu.memory_space<vmem>>[vector<16xi32>, vector<16xi32>], vector<16xf32>, vector<16xi1>
        %add3A_213 = arith.constant 4992 : i32
        %add3A_214 = vector.broadcast %add3A_213 : i32 to vector<16xi32>
        %add3A_215 = arith.addi %add3A_214, %iota3A : vector<16xi32>
        %min3A_216 = arith.constant 4999 : i32
        %min3A_217 = vector.broadcast %min3A_216 : i32 to vector<16xi32>
        %min3A_218 = arith.minsi %add3A_215, %min3A_217 : vector<16xi32>
        %gather3A_219 = tpu.vector_load_idx %arg10[%min3A_218] : memref<5000xi32, #tpu.memory_space<vmem>>[vector<16xi32>], vector<16xi32>,
        %gather3A_220 = tpu.vector_load_idx %arg15[%broadcast_in_dim3A_20, %gather3A_219] : memref<4x9984xf32, #tpu.memory_space<vmem>>[vector<16xi32>, vector<16xi32>], vector<16xf32>,
        %broadcast_in_dim3A_221 = arith.constant 3 : i32
        %broadcast_in_dim3A_222 = vector.broadcast %broadcast_in_dim3A_221 : i32 to vector<16xi32>
        %lt3A_223 = arith.constant 8 : i32
        %lt3A_224 = vector.broadcast %lt3A_223 : i32 to vector<16xi32>
        %lt3A_225 = arith.cmpi slt, %iota3A, %lt3A_224 : vector<16xi32>
        tpu.vector_store_idx %arg19[%broadcast_in_dim3A_222, %min3A_218], %gather3A_220 masked %lt3A_225 : memref<8x5120xf32, #tpu.memory_space<vmem>>[vector<16xi32>, vector<16xi32>], vector<16xf32>, vector<16xi1>
        %gather3A_226 = tpu.vector_load_idx %arg17[%broadcast_in_dim3A_20, %get3A_9] : memref<4x128xf32, #tpu.memory_space<vmem>>[vector<16xi32>, vector<16xi32>], vector<16xf32>,
        %broadcast_in_dim3A_227 = arith.constant 3 : i32
        %broadcast_in_dim3A_228 = vector.broadcast %broadcast_in_dim3A_227 : i32 to vector<16xi32>
        tpu.vector_store_idx %arg19[%broadcast_in_dim3A_228, %max3A_13], %gather3A_226 masked %ge3A_11 : memref<8x5120xf32, #tpu.memory_space<vmem>>[vector<16xi32>, vector<16xi32>], vector<16xf32>, vector<16xi1>
      } else {
      }
      %jit3A_85 = arith.constant 4 : i32
      %eq3A_86 = arith.constant 0 : i32
      %eq3A_87 = arith.cmpi eq, %jit3A_85, %eq3A_86 : i32
      %jit3A_88 = arith.constant 1 : i32
      %select_n3A_89 = arith.select %eq3A_87, %jit3A_88, %jit3A_85 : i32
      %rem3A_90 = arith.remsi %while3A_66, %select_n3A_89 : i32
      %ne3A_91 = arith.constant 0 : i32
      %ne3A_92 = arith.cmpi ne, %rem3A_90, %ne3A_91 : i32
      %lt3A_93 = arith.constant 0 : i32
      %lt3A_94 = arith.cmpi slt, %rem3A_90, %lt3A_93 : i32
      %lt3A_95 = arith.constant 0 : i32
      %lt3A_96 = arith.cmpi slt, %select_n3A_89, %lt3A_95 : i32
      %ne3A_97 = arith.xori %lt3A_94, %lt3A_96 : i1
      %and3A_98 = arith.andi %ne3A_97, %ne3A_92 : i1
      %add3A_99 = arith.addi %rem3A_90, %select_n3A_89 : i32
      %select_n3A_100 = arith.select %and3A_98, %add3A_99, %rem3A_90 : i32
      %eq3A_101 = arith.constant 1 : i32
      %eq3A_102 = arith.cmpi eq, %select_n3A_100, %eq3A_101 : i32
      %convert_element_type3A_103 = arith.extui %eq3A_102 : i1 to i32
      %cond3A_104 = arith.constant 0 : i32
      %cond3A_105 = arith.cmpi ne, %convert_element_type3A_103, %cond3A_104 : i32
      scf.if %cond3A_105 {
        %lt3A_149 = arith.cmpi slt, %add3A_69, %mul3A_6 : i32
        %convert_element_type3A_150 = arith.extui %lt3A_149 : i1 to i32
        %cond3A_151 = arith.constant 0 : i32
        %cond3A_152 = arith.cmpi ne, %convert_element_type3A_150, %cond3A_151 : i32
        scf.if %cond3A_152 {
          %mul3A_277 = arith.constant 2 : i32
          %mul3A_278 = arith.muli %mul3A_277, %add3A : i32
          %jit3A_279 = arith.constant 2 : i32
          %div3A_280 = arith.divsi %add3A_69, %jit3A_279 : i32
          %sign3A_281 = arith.constant 0 : i32
          %sign3A_282 = arith.cmpi sgt, %add3A_69, %sign3A_281 : i32
          %sign3A_283 = arith.extui %sign3A_282 : i1 to i32
          %sign3A_284 = arith.constant 0 : i32
          %sign3A_285 = arith.cmpi slt, %add3A_69, %sign3A_284 : i32
          %sign3A_286 = arith.extui %sign3A_285 : i1 to i32
          %sign3A_287 = arith.subi %sign3A_283, %sign3A_286 : i32
          %sign3A_288 = arith.constant 0 : i32
          %sign3A_289 = arith.cmpi sgt, %jit3A_279, %sign3A_288 : i32
          %sign3A_290 = arith.extui %sign3A_289 : i1 to i32
          %sign3A_291 = arith.constant 0 : i32
          %sign3A_292 = arith.cmpi slt, %jit3A_279, %sign3A_291 : i32
          %sign3A_293 = arith.extui %sign3A_292 : i1 to i32
          %sign3A_294 = arith.subi %sign3A_290, %sign3A_293 : i32
          %ne3A_295 = arith.cmpi ne, %sign3A_287, %sign3A_294 : i32
          %rem3A_296 = arith.remsi %add3A_69, %jit3A_279 : i32
          %ne3A_297 = arith.constant 0 : i32
          %ne3A_298 = arith.cmpi ne, %rem3A_296, %ne3A_297 : i32
          %and3A_299 = arith.andi %ne3A_295, %ne3A_298 : i1
          %sub3A_300 = arith.constant 1 : i32
          %sub3A_301 = arith.subi %div3A_280, %sub3A_300 : i32
          %select_n3A_302 = arith.select %and3A_299, %sub3A_301, %div3A_280 : i32
          %mul3A_303 = arith.constant 64 : i32
          %mul3A_304 = arith.muli %mul3A_303, %select_n3A_302 : i32
          %add3A_305 = arith.addi %mul3A_278, %mul3A_304 : i32
          %jit3A_306 = arith.constant 2 : i32
          %eq3A_307 = arith.constant 0 : i32
          %eq3A_308 = arith.cmpi eq, %jit3A_306, %eq3A_307 : i32
          %jit3A_309 = arith.constant 1 : i32
          %select_n3A_310 = arith.select %eq3A_308, %jit3A_309, %jit3A_306 : i32
          %rem3A_311 = arith.remsi %add3A_69, %select_n3A_310 : i32
          %ne3A_312 = arith.constant 0 : i32
          %ne3A_313 = arith.cmpi ne, %rem3A_311, %ne3A_312 : i32
          %lt3A_314 = arith.constant 0 : i32
          %lt3A_315 = arith.cmpi slt, %rem3A_311, %lt3A_314 : i32
          %lt3A_316 = arith.constant 0 : i32
          %lt3A_317 = arith.cmpi slt, %select_n3A_310, %lt3A_316 : i32
          %ne3A_318 = arith.xori %lt3A_315, %lt3A_317 : i1
          %and3A_319 = arith.andi %ne3A_318, %ne3A_313 : i1
          %add3A_320 = arith.addi %rem3A_311, %select_n3A_310 : i32
          %select_n3A_321 = arith.select %and3A_319, %add3A_320, %rem3A_311 : i32
          %add3A_322 = arith.addi %add3A_305, %select_n3A_321 : i32
          %mul3A_323 = arith.constant 4 : i32
          %mul3A_324 = arith.muli %mul3A_323, %add3A_322 : i32
          %add3A_325 = vector.broadcast %mul3A_324 : i32 to vector<16xi32>
          %add3A_326 = arith.addi %add3A_325, %iota3A : vector<16xi32>
          %min3A_327 = arith.constant 4999 : i32
          %min3A_328 = vector.broadcast %min3A_327 : i32 to vector<16xi32>
          %min3A_329 = arith.minsi %add3A_326, %min3A_328 : vector<16xi32>
          %gather3A_330 = tpu.vector_load_idx %arg10[%min3A_329] : memref<5000xi32, #tpu.memory_space<vmem>>[vector<16xi32>], vector<16xi32>,
          %min3A_331 = arith.constant 3 : i32
          %min3A_332 = vector.broadcast %min3A_331 : i32 to vector<16xi32>
          %min3A_333 = arith.minsi %iota3A, %min3A_332 : vector<16xi32>
          %lt3A_334 = arith.constant 4 : i32
          %lt3A_335 = vector.broadcast %lt3A_334 : i32 to vector<16xi32>
          %lt3A_336 = arith.cmpi slt, %iota3A, %lt3A_335 : vector<16xi32>
          tpu.vector_store_idx %arg13[%min3A_333], %gather3A_330 masked %lt3A_336 : memref<4xi32, #tpu.memory_space<vmem>>[vector<16xi32>], vector<16xi32>, vector<16xi1>
          %dma_start3A_337 = arith.constant 0 : i32
          %dma_start3A_338 = arith.constant 0 : i32
          %dma_start3A_339 = tpu.memref_slice %arg5[%dma_start3A_337, %dma_start3A_338] : memref<10000x10000xf32, #tpu.memory_space<hbm>> -> memref<10000x9984xf32, #tpu.memory_space<hbm>>
          tpu.enqueue_indirect_dma source(%dma_start3A_339 : memref<10000x9984xf32, #tpu.memory_space<hbm>>) target(%arg15 : memref<4x9984xf32, #tpu.memory_space<vmem>>) offsets(%arg13 : memref<4xi32, #tpu.memory_space<vmem>>) semaphore(%arg22 : memref<!tpu.dma_semaphore, #tpu.memory_space<semaphore_mem>>)
          %dma_start3A_340 = arith.constant 0 : i32
          %dma_start3A_341 = arith.constant 0 : i32
          %dma_start3A_342 = tpu.memref_slice %arg6[%dma_start3A_340, %dma_start3A_341] : memref<10000x128xf32, #tpu.memory_space<hbm>> -> memref<10000x128xf32, #tpu.memory_space<hbm>>
          tpu.enqueue_indirect_dma source(%dma_start3A_342 : memref<10000x128xf32, #tpu.memory_space<hbm>>) target(%arg17 : memref<4x128xf32, #tpu.memory_space<vmem>>) offsets(%arg13 : memref<4xi32, #tpu.memory_space<vmem>>) semaphore(%arg24 : memref<!tpu.dma_semaphore, #tpu.memory_space<semaphore_mem>>)
          %dma_start3A_343 = arith.constant 0 : i32
          %dma_start3A_344 = arith.constant 0 : i32
          %dma_start3A_345 = tpu.memref_slice %arg21[%dma_start3A_343, %dma_start3A_344] : memref<8x128xf32, #tpu.memory_space<vmem>> -> memref<4x128xf32, #tpu.memory_space<vmem>>
          %dma_start3A_346 = arith.constant 0 : i32
          %dma_start3A_347 = arith.constant 0 : i32
          %dma_start3A_348 = tpu.memref_slice %arg7[%dma_start3A_346, %dma_start3A_347] : memref<10000x128xf32, #tpu.memory_space<hbm>> -> memref<10000x128xf32, #tpu.memory_space<hbm>>
          tpu.enqueue_indirect_dma source(%dma_start3A_348 : memref<10000x128xf32, #tpu.memory_space<hbm>>) target(%dma_start3A_345 : memref<4x128xf32, #tpu.memory_space<vmem>>) offsets(%arg13 : memref<4xi32, #tpu.memory_space<vmem>>) semaphore(%arg26 : memref<!tpu.dma_semaphore, #tpu.memory_space<semaphore_mem>>)
        } else {
        }
        %jit3A_153 = arith.constant 2 : i32
        %div3A = arith.divsi %while3A_66, %jit3A_153 : i32
        %sign3A = arith.constant 0 : i32
        %sign3A_154 = arith.cmpi sgt, %while3A_66, %sign3A : i32
        %sign3A_155 = arith.extui %sign3A_154 : i1 to i32
        %sign3A_156 = arith.constant 0 : i32
        %sign3A_157 = arith.cmpi slt, %while3A_66, %sign3A_156 : i32
        %sign3A_158 = arith.extui %sign3A_157 : i1 to i32
        %sign3A_159 = arith.subi %sign3A_155, %sign3A_158 : i32
        %sign3A_160 = arith.constant 0 : i32
        %sign3A_161 = arith.cmpi sgt, %jit3A_153, %sign3A_160 : i32
        %sign3A_162 = arith.extui %sign3A_161 : i1 to i32
        %sign3A_163 = arith.constant 0 : i32
        %sign3A_164 = arith.cmpi slt, %jit3A_153, %sign3A_163 : i32
        %sign3A_165 = arith.extui %sign3A_164 : i1 to i32
        %sign3A_166 = arith.subi %sign3A_162, %sign3A_165 : i32
        %ne3A_167 = arith.cmpi ne, %sign3A_159, %sign3A_166 : i32
        %rem3A_168 = arith.remsi %while3A_66, %jit3A_153 : i32
        %ne3A_169 = arith.constant 0 : i32
        %ne3A_170 = arith.cmpi ne, %rem3A_168, %ne3A_169 : i32
        %and3A_171 = arith.andi %ne3A_167, %ne3A_170 : i1
        %sub3A = arith.constant 1 : i32
        %sub3A_172 = arith.subi %div3A, %sub3A : i32
        %select_n3A_173 = arith.select %and3A_171, %sub3A_172, %div3A : i32
        %mul3A_174 = arith.constant 32 : i32
        %mul3A_175 = arith.muli %mul3A_174, %select_n3A_173 : i32
        %add3A_176 = arith.addi %add3A, %mul3A_175 : i32
        %dma_wait3A_177 = arith.constant 0 : i32
        %dma_wait3A_178 = arith.constant 0 : i32
        %dma_wait3A_179 = tpu.memref_slice %arg5[%dma_wait3A_177, %dma_wait3A_178] : memref<10000x10000xf32, #tpu.memory_space<hbm>> -> memref<10000x9984xf32, #tpu.memory_space<hbm>>
        tpu.wait_indirect_dma semaphore(%arg23 : memref<!tpu.dma_semaphore, #tpu.memory_space<semaphore_mem>>) src(%dma_wait3A_179 : memref<10000x9984xf32, #tpu.memory_space<hbm>>) dst(%arg16 : memref<4x9984xf32, #tpu.memory_space<vmem>>)
        %dma_wait3A_180 = arith.constant 0 : i32
        %dma_wait3A_181 = arith.constant 0 : i32
        %dma_wait3A_182 = tpu.memref_slice %arg6[%dma_wait3A_180, %dma_wait3A_181] : memref<10000x128xf32, #tpu.memory_space<hbm>> -> memref<10000x128xf32, #tpu.memory_space<hbm>>
        tpu.wait_indirect_dma semaphore(%arg25 : memref<!tpu.dma_semaphore, #tpu.memory_space<semaphore_mem>>) src(%dma_wait3A_182 : memref<10000x128xf32, #tpu.memory_space<hbm>>) dst(%arg18 : memref<4x128xf32, #tpu.memory_space<vmem>>)
        %parallel_loop3A = arith.constant 0 : i32
        %parallel_loop3A_183 = arith.constant 312 : i32
        %parallel_loop3A_184 = arith.constant 1 : i32
        scf.for %parallel_loop3A_277 = %parallel_loop3A to %parallel_loop3A_183 step %parallel_loop3A_184  : i32 {
          %parallel_loop3A_278 = arith.constant 16 : i32
          %parallel_loop3A_279 = arith.muli %parallel_loop3A_278, %parallel_loop3A_277 : i32
          %parallel_loop3A_280 = arith.index_cast %parallel_loop3A_279 : i32 to index
          %parallel_loop3A_281 = tpu.vector_load %arg10[%parallel_loop3A_280] {strides = array<i32>} : memref<5000xi32, #tpu.memory_space<vmem>>, vector<16xi32>,
          %parallel_loop3A_282 = tpu.vector_load_idx %arg16[%broadcast_in_dim3A_14, %parallel_loop3A_281] : memref<4x9984xf32, #tpu.memory_space<vmem>>[vector<16xi32>, vector<16xi32>], vector<16xf32>,
          %parallel_loop3A_283 = arith.constant 4 : i32
          %parallel_loop3A_284 = arith.index_cast %parallel_loop3A_283 : i32 to index
          %parallel_loop3A_285 = arith.index_cast %parallel_loop3A_279 : i32 to index
          %parallel_loop3A_286 = tpu.vector_load %arg19[%parallel_loop3A_284, %parallel_loop3A_285] {strides = array<i32>} : memref<8x5120xf32, #tpu.memory_space<vmem>>, vector<16xf32>,
          tpu.vector_store %arg19[%parallel_loop3A_284, %parallel_loop3A_285], %parallel_loop3A_282 {strides = array<i32>} : memref<8x5120xf32, #tpu.memory_space<vmem>>, vector<16xf32>,
          %parallel_loop3A_287 = tpu.vector_load_idx %arg16[%broadcast_in_dim3A_16, %parallel_loop3A_281] : memref<4x9984xf32, #tpu.memory_space<vmem>>[vector<16xi32>, vector<16xi32>], vector<16xf32>,
          %parallel_loop3A_288 = arith.constant 5 : i32
          %parallel_loop3A_289 = arith.index_cast %parallel_loop3A_288 : i32 to index
          %parallel_loop3A_290 = arith.index_cast %parallel_loop3A_279 : i32 to index
          %parallel_loop3A_291 = tpu.vector_load %arg19[%parallel_loop3A_289, %parallel_loop3A_290] {strides = array<i32>} : memref<8x5120xf32, #tpu.memory_space<vmem>>, vector<16xf32>,
          tpu.vector_store %arg19[%parallel_loop3A_289, %parallel_loop3A_290], %parallel_loop3A_287 {strides = array<i32>} : memref<8x5120xf32, #tpu.memory_space<vmem>>, vector<16xf32>,
          %parallel_loop3A_292 = tpu.vector_load_idx %arg16[%broadcast_in_dim3A_18, %parallel_loop3A_281] : memref<4x9984xf32, #tpu.memory_space<vmem>>[vector<16xi32>, vector<16xi32>], vector<16xf32>,
          %parallel_loop3A_293 = arith.constant 6 : i32
          %parallel_loop3A_294 = arith.index_cast %parallel_loop3A_293 : i32 to index
          %parallel_loop3A_295 = arith.index_cast %parallel_loop3A_279 : i32 to index
          %parallel_loop3A_296 = tpu.vector_load %arg19[%parallel_loop3A_294, %parallel_loop3A_295] {strides = array<i32>} : memref<8x5120xf32, #tpu.memory_space<vmem>>, vector<16xf32>,
          tpu.vector_store %arg19[%parallel_loop3A_294, %parallel_loop3A_295], %parallel_loop3A_292 {strides = array<i32>} : memref<8x5120xf32, #tpu.memory_space<vmem>>, vector<16xf32>,
          %parallel_loop3A_297 = tpu.vector_load_idx %arg16[%broadcast_in_dim3A_20, %parallel_loop3A_281] : memref<4x9984xf32, #tpu.memory_space<vmem>>[vector<16xi32>, vector<16xi32>], vector<16xf32>,
          %parallel_loop3A_298 = arith.constant 7 : i32
          %parallel_loop3A_299 = arith.index_cast %parallel_loop3A_298 : i32 to index
          %parallel_loop3A_300 = arith.index_cast %parallel_loop3A_279 : i32 to index
          %parallel_loop3A_301 = tpu.vector_load %arg19[%parallel_loop3A_299, %parallel_loop3A_300] {strides = array<i32>} : memref<8x5120xf32, #tpu.memory_space<vmem>>, vector<16xf32>,
          tpu.vector_store %arg19[%parallel_loop3A_299, %parallel_loop3A_300], %parallel_loop3A_297 {strides = array<i32>} : memref<8x5120xf32, #tpu.memory_space<vmem>>, vector<16xf32>,
        } {sc.loop_unroll_factor = 8 : i64, sc.parallel_access}
        %add3A_185 = arith.constant 4992 : i32
        %add3A_186 = vector.broadcast %add3A_185 : i32 to vector<16xi32>
        %add3A_187 = arith.addi %add3A_186, %iota3A : vector<16xi32>
        %min3A_188 = arith.constant 4999 : i32
        %min3A_189 = vector.broadcast %min3A_188 : i32 to vector<16xi32>
        %min3A_190 = arith.minsi %add3A_187, %min3A_189 : vector<16xi32>
        %gather3A_191 = tpu.vector_load_idx %arg10[%min3A_190] : memref<5000xi32, #tpu.memory_space<vmem>>[vector<16xi32>], vector<16xi32>,
        %gather3A_192 = tpu.vector_load_idx %arg16[%broadcast_in_dim3A_14, %gather3A_191] : memref<4x9984xf32, #tpu.memory_space<vmem>>[vector<16xi32>, vector<16xi32>], vector<16xf32>,
        %broadcast_in_dim3A_193 = arith.constant 4 : i32
        %broadcast_in_dim3A_194 = vector.broadcast %broadcast_in_dim3A_193 : i32 to vector<16xi32>
        %lt3A_195 = arith.constant 8 : i32
        %lt3A_196 = vector.broadcast %lt3A_195 : i32 to vector<16xi32>
        %lt3A_197 = arith.cmpi slt, %iota3A, %lt3A_196 : vector<16xi32>
        tpu.vector_store_idx %arg19[%broadcast_in_dim3A_194, %min3A_190], %gather3A_192 masked %lt3A_197 : memref<8x5120xf32, #tpu.memory_space<vmem>>[vector<16xi32>, vector<16xi32>], vector<16xf32>, vector<16xi1>
        %gather3A_198 = tpu.vector_load_idx %arg18[%broadcast_in_dim3A_14, %get3A_9] : memref<4x128xf32, #tpu.memory_space<vmem>>[vector<16xi32>, vector<16xi32>], vector<16xf32>,
        %broadcast_in_dim3A_199 = arith.constant 4 : i32
        %broadcast_in_dim3A_200 = vector.broadcast %broadcast_in_dim3A_199 : i32 to vector<16xi32>
        tpu.vector_store_idx %arg19[%broadcast_in_dim3A_200, %max3A_13], %gather3A_198 masked %ge3A_11 : memref<8x5120xf32, #tpu.memory_space<vmem>>[vector<16xi32>, vector<16xi32>], vector<16xf32>, vector<16xi1>
        %add3A_201 = arith.constant 4992 : i32
        %add3A_202 = vector.broadcast %add3A_201 : i32 to vector<16xi32>
        %add3A_203 = arith.addi %add3A_202, %iota3A : vector<16xi32>
        %min3A_204 = arith.constant 4999 : i32
        %min3A_205 = vector.broadcast %min3A_204 : i32 to vector<16xi32>
        %min3A_206 = arith.minsi %add3A_203, %min3A_205 : vector<16xi32>
        %gather3A_207 = tpu.vector_load_idx %arg10[%min3A_206] : memref<5000xi32, #tpu.memory_space<vmem>>[vector<16xi32>], vector<16xi32>,
        %gather3A_208 = tpu.vector_load_idx %arg16[%broadcast_in_dim3A_16, %gather3A_207] : memref<4x9984xf32, #tpu.memory_space<vmem>>[vector<16xi32>, vector<16xi32>], vector<16xf32>,
        %broadcast_in_dim3A_209 = arith.constant 5 : i32
        %broadcast_in_dim3A_210 = vector.broadcast %broadcast_in_dim3A_209 : i32 to vector<16xi32>
        %lt3A_211 = arith.constant 8 : i32
        %lt3A_212 = vector.broadcast %lt3A_211 : i32 to vector<16xi32>
        %lt3A_213 = arith.cmpi slt, %iota3A, %lt3A_212 : vector<16xi32>
        tpu.vector_store_idx %arg19[%broadcast_in_dim3A_210, %min3A_206], %gather3A_208 masked %lt3A_213 : memref<8x5120xf32, #tpu.memory_space<vmem>>[vector<16xi32>, vector<16xi32>], vector<16xf32>, vector<16xi1>
        %gather3A_214 = tpu.vector_load_idx %arg18[%broadcast_in_dim3A_16, %get3A_9] : memref<4x128xf32, #tpu.memory_space<vmem>>[vector<16xi32>, vector<16xi32>], vector<16xf32>,
        %broadcast_in_dim3A_215 = arith.constant 5 : i32
        %broadcast_in_dim3A_216 = vector.broadcast %broadcast_in_dim3A_215 : i32 to vector<16xi32>
        tpu.vector_store_idx %arg19[%broadcast_in_dim3A_216, %max3A_13], %gather3A_214 masked %ge3A_11 : memref<8x5120xf32, #tpu.memory_space<vmem>>[vector<16xi32>, vector<16xi32>], vector<16xf32>, vector<16xi1>
        %add3A_217 = arith.constant 4992 : i32
        %add3A_218 = vector.broadcast %add3A_217 : i32 to vector<16xi32>
        %add3A_219 = arith.addi %add3A_218, %iota3A : vector<16xi32>
        %min3A_220 = arith.constant 4999 : i32
        %min3A_221 = vector.broadcast %min3A_220 : i32 to vector<16xi32>
        %min3A_222 = arith.minsi %add3A_219, %min3A_221 : vector<16xi32>
        %gather3A_223 = tpu.vector_load_idx %arg10[%min3A_222] : memref<5000xi32, #tpu.memory_space<vmem>>[vector<16xi32>], vector<16xi32>,
        %gather3A_224 = tpu.vector_load_idx %arg16[%broadcast_in_dim3A_18, %gather3A_223] : memref<4x9984xf32, #tpu.memory_space<vmem>>[vector<16xi32>, vector<16xi32>], vector<16xf32>,
        %broadcast_in_dim3A_225 = arith.constant 6 : i32
        %broadcast_in_dim3A_226 = vector.broadcast %broadcast_in_dim3A_225 : i32 to vector<16xi32>
        %lt3A_227 = arith.constant 8 : i32
        %lt3A_228 = vector.broadcast %lt3A_227 : i32 to vector<16xi32>
        %lt3A_229 = arith.cmpi slt, %iota3A, %lt3A_228 : vector<16xi32>
        tpu.vector_store_idx %arg19[%broadcast_in_dim3A_226, %min3A_222], %gather3A_224 masked %lt3A_229 : memref<8x5120xf32, #tpu.memory_space<vmem>>[vector<16xi32>, vector<16xi32>], vector<16xf32>, vector<16xi1>
        %gather3A_230 = tpu.vector_load_idx %arg18[%broadcast_in_dim3A_18, %get3A_9] : memref<4x128xf32, #tpu.memory_space<vmem>>[vector<16xi32>, vector<16xi32>], vector<16xf32>,
        %broadcast_in_dim3A_231 = arith.constant 6 : i32
        %broadcast_in_dim3A_232 = vector.broadcast %broadcast_in_dim3A_231 : i32 to vector<16xi32>
        tpu.vector_store_idx %arg19[%broadcast_in_dim3A_232, %max3A_13], %gather3A_230 masked %ge3A_11 : memref<8x5120xf32, #tpu.memory_space<vmem>>[vector<16xi32>, vector<16xi32>], vector<16xf32>, vector<16xi1>
        %add3A_233 = arith.constant 4992 : i32
        %add3A_234 = vector.broadcast %add3A_233 : i32 to vector<16xi32>
        %add3A_235 = arith.addi %add3A_234, %iota3A : vector<16xi32>
        %min3A_236 = arith.constant 4999 : i32
        %min3A_237 = vector.broadcast %min3A_236 : i32 to vector<16xi32>
        %min3A_238 = arith.minsi %add3A_235, %min3A_237 : vector<16xi32>
        %gather3A_239 = tpu.vector_load_idx %arg10[%min3A_238] : memref<5000xi32, #tpu.memory_space<vmem>>[vector<16xi32>], vector<16xi32>,
        %gather3A_240 = tpu.vector_load_idx %arg16[%broadcast_in_dim3A_20, %gather3A_239] : memref<4x9984xf32, #tpu.memory_space<vmem>>[vector<16xi32>, vector<16xi32>], vector<16xf32>,
        %broadcast_in_dim3A_241 = arith.constant 7 : i32
        %broadcast_in_dim3A_242 = vector.broadcast %broadcast_in_dim3A_241 : i32 to vector<16xi32>
        %lt3A_243 = arith.constant 8 : i32
        %lt3A_244 = vector.broadcast %lt3A_243 : i32 to vector<16xi32>
        %lt3A_245 = arith.cmpi slt, %iota3A, %lt3A_244 : vector<16xi32>
        tpu.vector_store_idx %arg19[%broadcast_in_dim3A_242, %min3A_238], %gather3A_240 masked %lt3A_245 : memref<8x5120xf32, #tpu.memory_space<vmem>>[vector<16xi32>, vector<16xi32>], vector<16xf32>, vector<16xi1>
        %gather3A_246 = tpu.vector_load_idx %arg18[%broadcast_in_dim3A_20, %get3A_9] : memref<4x128xf32, #tpu.memory_space<vmem>>[vector<16xi32>, vector<16xi32>], vector<16xf32>,
        %broadcast_in_dim3A_247 = arith.constant 7 : i32
        %broadcast_in_dim3A_248 = vector.broadcast %broadcast_in_dim3A_247 : i32 to vector<16xi32>
        tpu.vector_store_idx %arg19[%broadcast_in_dim3A_248, %max3A_13], %gather3A_246 masked %ge3A_11 : memref<8x5120xf32, #tpu.memory_space<vmem>>[vector<16xi32>, vector<16xi32>], vector<16xf32>, vector<16xi1>
        %mul3A_249 = arith.constant 8 : i32
        %mul3A_250 = arith.muli %mul3A_249, %add3A_176 : i32
        %dma_start3A_251 = arith.constant 0 : i32
        %dma_start3A_252 = tpu.memref_slice %arg8[%mul3A_250, %dma_start3A_251] : memref<5000x5120xf32, #tpu.memory_space<hbm>> -> memref<8x5120xf32, #tpu.memory_space<hbm>>
        %dma_start3A_253 = arith.constant 0 : i32
        %dma_start3A_254 = tpu.memref_slice %arg8[%mul3A_250, %dma_start3A_253] : memref<5000x5120xf32, #tpu.memory_space<hbm>> -> memref<8x5120xf32, #tpu.memory_space<hbm>>
        tpu.enqueue_dma source(%arg19 : memref<8x5120xf32, #tpu.memory_space<vmem>>) target(%dma_start3A_254 : memref<8x5120xf32, #tpu.memory_space<hbm>>) target_semaphore(%arg28 : memref<!tpu.dma_semaphore, #tpu.memory_space<semaphore_mem>>)
        %dma_wait3A_255 = arith.constant 0 : i32
        %dma_wait3A_256 = arith.constant 0 : i32
        %dma_wait3A_257 = tpu.memref_slice %arg20[%dma_wait3A_255, %dma_wait3A_256] : memref<8x128xf32, #tpu.memory_space<vmem>> -> memref<4x128xf32, #tpu.memory_space<vmem>>
        %dma_wait3A_258 = arith.constant 0 : i32
        %dma_wait3A_259 = arith.constant 0 : i32
        %dma_wait3A_260 = tpu.memref_slice %arg7[%dma_wait3A_258, %dma_wait3A_259] : memref<10000x128xf32, #tpu.memory_space<hbm>> -> memref<10000x128xf32, #tpu.memory_space<hbm>>
        tpu.wait_indirect_dma semaphore(%arg26 : memref<!tpu.dma_semaphore, #tpu.memory_space<semaphore_mem>>) src(%dma_wait3A_260 : memref<10000x128xf32, #tpu.memory_space<hbm>>) dst(%dma_wait3A_257 : memref<4x128xf32, #tpu.memory_space<vmem>>)
        %dma_wait3A_261 = arith.constant 4 : i32
        %dma_wait3A_262 = arith.constant 0 : i32
        %dma_wait3A_263 = tpu.memref_slice %arg20[%dma_wait3A_261, %dma_wait3A_262] : memref<8x128xf32, #tpu.memory_space<vmem>> -> memref<4x128xf32, #tpu.memory_space<vmem>>
        %dma_wait3A_264 = arith.constant 0 : i32
        %dma_wait3A_265 = arith.constant 0 : i32
        %dma_wait3A_266 = tpu.memref_slice %arg7[%dma_wait3A_264, %dma_wait3A_265] : memref<10000x128xf32, #tpu.memory_space<hbm>> -> memref<10000x128xf32, #tpu.memory_space<hbm>>
        tpu.wait_indirect_dma semaphore(%arg27 : memref<!tpu.dma_semaphore, #tpu.memory_space<semaphore_mem>>) src(%dma_wait3A_266 : memref<10000x128xf32, #tpu.memory_space<hbm>>) dst(%dma_wait3A_263 : memref<4x128xf32, #tpu.memory_space<vmem>>)
        %mul3A_267 = arith.constant 8 : i32
        %mul3A_268 = arith.muli %mul3A_267, %add3A_176 : i32
        %dma_start3A_269 = arith.constant 0 : i32
        %dma_start3A_270 = tpu.memref_slice %arg9[%mul3A_268, %dma_start3A_269] : memref<5000x128xf32, #tpu.memory_space<hbm>> -> memref<8x128xf32, #tpu.memory_space<hbm>>
        %dma_start3A_271 = arith.constant 0 : i32
        %dma_start3A_272 = tpu.memref_slice %arg9[%mul3A_268, %dma_start3A_271] : memref<5000x128xf32, #tpu.memory_space<hbm>> -> memref<8x128xf32, #tpu.memory_space<hbm>>
        tpu.enqueue_dma source(%arg20 : memref<8x128xf32, #tpu.memory_space<vmem>>) target(%dma_start3A_272 : memref<8x128xf32, #tpu.memory_space<hbm>>) target_semaphore(%arg29 : memref<!tpu.dma_semaphore, #tpu.memory_space<semaphore_mem>>)
        %dma_wait3A_273 = arith.constant 0 : i32
        %dma_wait3A_274 = tpu.memref_slice %arg9[%mul3A_268, %dma_wait3A_273] : memref<5000x128xf32, #tpu.memory_space<hbm>> -> memref<8x128xf32, #tpu.memory_space<hbm>>
        %dma_wait3A_275 = arith.constant 0 : i32
        %dma_wait3A_276 = tpu.memref_slice %arg9[%mul3A_268, %dma_wait3A_275] : memref<5000x128xf32, #tpu.memory_space<hbm>> -> memref<8x128xf32, #tpu.memory_space<hbm>>
        tpu.wait_dma2 semaphore(%arg29 : memref<!tpu.dma_semaphore, #tpu.memory_space<semaphore_mem>>) src(%arg20 : memref<8x128xf32, #tpu.memory_space<vmem>>) dst(%dma_wait3A_276 : memref<8x128xf32, #tpu.memory_space<hbm>>)
      } else {
      }
      %jit3A_106 = arith.constant 4 : i32
      %eq3A_107 = arith.constant 0 : i32
      %eq3A_108 = arith.cmpi eq, %jit3A_106, %eq3A_107 : i32
      %jit3A_109 = arith.constant 1 : i32
      %select_n3A_110 = arith.select %eq3A_108, %jit3A_109, %jit3A_106 : i32
      %rem3A_111 = arith.remsi %while3A_66, %select_n3A_110 : i32
      %ne3A_112 = arith.constant 0 : i32
      %ne3A_113 = arith.cmpi ne, %rem3A_111, %ne3A_112 : i32
      %lt3A_114 = arith.constant 0 : i32
      %lt3A_115 = arith.cmpi slt, %rem3A_111, %lt3A_114 : i32
      %lt3A_116 = arith.constant 0 : i32
      %lt3A_117 = arith.cmpi slt, %select_n3A_110, %lt3A_116 : i32
      %ne3A_118 = arith.xori %lt3A_115, %lt3A_117 : i1
      %and3A_119 = arith.andi %ne3A_118, %ne3A_113 : i1
      %add3A_120 = arith.addi %rem3A_111, %select_n3A_110 : i32
      %select_n3A_121 = arith.select %and3A_119, %add3A_120, %rem3A_111 : i32
      %eq3A_122 = arith.constant 2 : i32
      %eq3A_123 = arith.cmpi eq, %select_n3A_121, %eq3A_122 : i32
      %convert_element_type3A_124 = arith.extui %eq3A_123 : i1 to i32
      %cond3A_125 = arith.constant 0 : i32
      %cond3A_126 = arith.cmpi ne, %convert_element_type3A_124, %cond3A_125 : i32
      scf.if %cond3A_126 {
        %lt3A_149 = arith.cmpi slt, %add3A_69, %mul3A_6 : i32
        %convert_element_type3A_150 = arith.extui %lt3A_149 : i1 to i32
        %cond3A_151 = arith.constant 0 : i32
        %cond3A_152 = arith.cmpi ne, %convert_element_type3A_150, %cond3A_151 : i32
        scf.if %cond3A_152 {
          %mul3A_229 = arith.constant 2 : i32
          %mul3A_230 = arith.muli %mul3A_229, %add3A : i32
          %jit3A_231 = arith.constant 2 : i32
          %div3A = arith.divsi %add3A_69, %jit3A_231 : i32
          %sign3A = arith.constant 0 : i32
          %sign3A_232 = arith.cmpi sgt, %add3A_69, %sign3A : i32
          %sign3A_233 = arith.extui %sign3A_232 : i1 to i32
          %sign3A_234 = arith.constant 0 : i32
          %sign3A_235 = arith.cmpi slt, %add3A_69, %sign3A_234 : i32
          %sign3A_236 = arith.extui %sign3A_235 : i1 to i32
          %sign3A_237 = arith.subi %sign3A_233, %sign3A_236 : i32
          %sign3A_238 = arith.constant 0 : i32
          %sign3A_239 = arith.cmpi sgt, %jit3A_231, %sign3A_238 : i32
          %sign3A_240 = arith.extui %sign3A_239 : i1 to i32
          %sign3A_241 = arith.constant 0 : i32
          %sign3A_242 = arith.cmpi slt, %jit3A_231, %sign3A_241 : i32
          %sign3A_243 = arith.extui %sign3A_242 : i1 to i32
          %sign3A_244 = arith.subi %sign3A_240, %sign3A_243 : i32
          %ne3A_245 = arith.cmpi ne, %sign3A_237, %sign3A_244 : i32
          %rem3A_246 = arith.remsi %add3A_69, %jit3A_231 : i32
          %ne3A_247 = arith.constant 0 : i32
          %ne3A_248 = arith.cmpi ne, %rem3A_246, %ne3A_247 : i32
          %and3A_249 = arith.andi %ne3A_245, %ne3A_248 : i1
          %sub3A = arith.constant 1 : i32
          %sub3A_250 = arith.subi %div3A, %sub3A : i32
          %select_n3A_251 = arith.select %and3A_249, %sub3A_250, %div3A : i32
          %mul3A_252 = arith.constant 64 : i32
          %mul3A_253 = arith.muli %mul3A_252, %select_n3A_251 : i32
          %add3A_254 = arith.addi %mul3A_230, %mul3A_253 : i32
          %jit3A_255 = arith.constant 2 : i32
          %eq3A_256 = arith.constant 0 : i32
          %eq3A_257 = arith.cmpi eq, %jit3A_255, %eq3A_256 : i32
          %jit3A_258 = arith.constant 1 : i32
          %select_n3A_259 = arith.select %eq3A_257, %jit3A_258, %jit3A_255 : i32
          %rem3A_260 = arith.remsi %add3A_69, %select_n3A_259 : i32
          %ne3A_261 = arith.constant 0 : i32
          %ne3A_262 = arith.cmpi ne, %rem3A_260, %ne3A_261 : i32
          %lt3A_263 = arith.constant 0 : i32
          %lt3A_264 = arith.cmpi slt, %rem3A_260, %lt3A_263 : i32
          %lt3A_265 = arith.constant 0 : i32
          %lt3A_266 = arith.cmpi slt, %select_n3A_259, %lt3A_265 : i32
          %ne3A_267 = arith.xori %lt3A_264, %lt3A_266 : i1
          %and3A_268 = arith.andi %ne3A_267, %ne3A_262 : i1
          %add3A_269 = arith.addi %rem3A_260, %select_n3A_259 : i32
          %select_n3A_270 = arith.select %and3A_268, %add3A_269, %rem3A_260 : i32
          %add3A_271 = arith.addi %add3A_254, %select_n3A_270 : i32
          %mul3A_272 = arith.constant 4 : i32
          %mul3A_273 = arith.muli %mul3A_272, %add3A_271 : i32
          %add3A_274 = vector.broadcast %mul3A_273 : i32 to vector<16xi32>
          %add3A_275 = arith.addi %add3A_274, %iota3A : vector<16xi32>
          %min3A_276 = arith.constant 4999 : i32
          %min3A_277 = vector.broadcast %min3A_276 : i32 to vector<16xi32>
          %min3A_278 = arith.minsi %add3A_275, %min3A_277 : vector<16xi32>
          %gather3A_279 = tpu.vector_load_idx %arg10[%min3A_278] : memref<5000xi32, #tpu.memory_space<vmem>>[vector<16xi32>], vector<16xi32>,
          %min3A_280 = arith.constant 3 : i32
          %min3A_281 = vector.broadcast %min3A_280 : i32 to vector<16xi32>
          %min3A_282 = arith.minsi %iota3A, %min3A_281 : vector<16xi32>
          %lt3A_283 = arith.constant 4 : i32
          %lt3A_284 = vector.broadcast %lt3A_283 : i32 to vector<16xi32>
          %lt3A_285 = arith.cmpi slt, %iota3A, %lt3A_284 : vector<16xi32>
          tpu.vector_store_idx %arg14[%min3A_282], %gather3A_279 masked %lt3A_285 : memref<4xi32, #tpu.memory_space<vmem>>[vector<16xi32>], vector<16xi32>, vector<16xi1>
          %dma_start3A_286 = arith.constant 0 : i32
          %dma_start3A_287 = arith.constant 0 : i32
          %dma_start3A_288 = tpu.memref_slice %arg5[%dma_start3A_286, %dma_start3A_287] : memref<10000x10000xf32, #tpu.memory_space<hbm>> -> memref<10000x9984xf32, #tpu.memory_space<hbm>>
          tpu.enqueue_indirect_dma source(%dma_start3A_288 : memref<10000x9984xf32, #tpu.memory_space<hbm>>) target(%arg16 : memref<4x9984xf32, #tpu.memory_space<vmem>>) offsets(%arg14 : memref<4xi32, #tpu.memory_space<vmem>>) semaphore(%arg23 : memref<!tpu.dma_semaphore, #tpu.memory_space<semaphore_mem>>)
          %dma_start3A_289 = arith.constant 0 : i32
          %dma_start3A_290 = arith.constant 0 : i32
          %dma_start3A_291 = tpu.memref_slice %arg6[%dma_start3A_289, %dma_start3A_290] : memref<10000x128xf32, #tpu.memory_space<hbm>> -> memref<10000x128xf32, #tpu.memory_space<hbm>>
          tpu.enqueue_indirect_dma source(%dma_start3A_291 : memref<10000x128xf32, #tpu.memory_space<hbm>>) target(%arg18 : memref<4x128xf32, #tpu.memory_space<vmem>>) offsets(%arg14 : memref<4xi32, #tpu.memory_space<vmem>>) semaphore(%arg25 : memref<!tpu.dma_semaphore, #tpu.memory_space<semaphore_mem>>)
          %dma_start3A_292 = arith.constant 4 : i32
          %dma_start3A_293 = arith.constant 0 : i32
          %dma_start3A_294 = tpu.memref_slice %arg21[%dma_start3A_292, %dma_start3A_293] : memref<8x128xf32, #tpu.memory_space<vmem>> -> memref<4x128xf32, #tpu.memory_space<vmem>>
          %dma_start3A_295 = arith.constant 0 : i32
          %dma_start3A_296 = arith.constant 0 : i32
          %dma_start3A_297 = tpu.memref_slice %arg7[%dma_start3A_295, %dma_start3A_296] : memref<10000x128xf32, #tpu.memory_space<hbm>> -> memref<10000x128xf32, #tpu.memory_space<hbm>>
          tpu.enqueue_indirect_dma source(%dma_start3A_297 : memref<10000x128xf32, #tpu.memory_space<hbm>>) target(%dma_start3A_294 : memref<4x128xf32, #tpu.memory_space<vmem>>) offsets(%arg14 : memref<4xi32, #tpu.memory_space<vmem>>) semaphore(%arg27 : memref<!tpu.dma_semaphore, #tpu.memory_space<semaphore_mem>>)
        } else {
        }
        %dma_wait3A_153 = arith.constant 0 : i32
        %dma_wait3A_154 = arith.constant 0 : i32
        %dma_wait3A_155 = tpu.memref_slice %arg5[%dma_wait3A_153, %dma_wait3A_154] : memref<10000x10000xf32, #tpu.memory_space<hbm>> -> memref<10000x9984xf32, #tpu.memory_space<hbm>>
        tpu.wait_indirect_dma semaphore(%arg22 : memref<!tpu.dma_semaphore, #tpu.memory_space<semaphore_mem>>) src(%dma_wait3A_155 : memref<10000x9984xf32, #tpu.memory_space<hbm>>) dst(%arg15 : memref<4x9984xf32, #tpu.memory_space<vmem>>)
        %dma_wait3A_156 = arith.constant 0 : i32
        %dma_wait3A_157 = arith.constant 0 : i32
        %dma_wait3A_158 = tpu.memref_slice %arg6[%dma_wait3A_156, %dma_wait3A_157] : memref<10000x128xf32, #tpu.memory_space<hbm>> -> memref<10000x128xf32, #tpu.memory_space<hbm>>
        tpu.wait_indirect_dma semaphore(%arg24 : memref<!tpu.dma_semaphore, #tpu.memory_space<semaphore_mem>>) src(%dma_wait3A_158 : memref<10000x128xf32, #tpu.memory_space<hbm>>) dst(%arg17 : memref<4x128xf32, #tpu.memory_space<vmem>>)
        %gt3A = arith.constant 0 : i32
        %gt3A_159 = arith.cmpi sgt, %while3A_66, %gt3A : i32
        %convert_element_type3A_160 = arith.extui %gt3A_159 : i1 to i32
        %cond3A_161 = arith.constant 0 : i32
        %cond3A_162 = arith.cmpi ne, %convert_element_type3A_160, %cond3A_161 : i32
        scf.if %cond3A_162 {
          %dma_wait3A_229 = arith.constant 0 : i32
          %dma_wait3A_230 = arith.constant 0 : i32
          %dma_wait3A_231 = tpu.memref_slice %arg8[%dma_wait3A_229, %dma_wait3A_230] : memref<5000x5120xf32, #tpu.memory_space<hbm>> -> memref<8x5120xf32, #tpu.memory_space<hbm>>
          %dma_wait3A_232 = arith.constant 0 : i32
          %dma_wait3A_233 = arith.constant 0 : i32
          %dma_wait3A_234 = tpu.memref_slice %arg8[%dma_wait3A_232, %dma_wait3A_233] : memref<5000x5120xf32, #tpu.memory_space<hbm>> -> memref<8x5120xf32, #tpu.memory_space<hbm>>
          tpu.wait_dma2 semaphore(%arg28 : memref<!tpu.dma_semaphore, #tpu.memory_space<semaphore_mem>>) src(%arg19 : memref<8x5120xf32, #tpu.memory_space<vmem>>) dst(%dma_wait3A_234 : memref<8x5120xf32, #tpu.memory_space<hbm>>)
        } else {
        }
        %parallel_loop3A = arith.constant 0 : i32
        %parallel_loop3A_163 = arith.constant 312 : i32
        %parallel_loop3A_164 = arith.constant 1 : i32
        scf.for %parallel_loop3A_229 = %parallel_loop3A to %parallel_loop3A_163 step %parallel_loop3A_164  : i32 {
          %parallel_loop3A_230 = arith.constant 16 : i32
          %parallel_loop3A_231 = arith.muli %parallel_loop3A_230, %parallel_loop3A_229 : i32
          %parallel_loop3A_232 = arith.index_cast %parallel_loop3A_231 : i32 to index
          %parallel_loop3A_233 = tpu.vector_load %arg10[%parallel_loop3A_232] {strides = array<i32>} : memref<5000xi32, #tpu.memory_space<vmem>>, vector<16xi32>,
          %parallel_loop3A_234 = tpu.vector_load_idx %arg15[%broadcast_in_dim3A_14, %parallel_loop3A_233] : memref<4x9984xf32, #tpu.memory_space<vmem>>[vector<16xi32>, vector<16xi32>], vector<16xf32>,
          %parallel_loop3A_235 = arith.constant 0 : i32
          %parallel_loop3A_236 = arith.index_cast %parallel_loop3A_235 : i32 to index
          %parallel_loop3A_237 = arith.index_cast %parallel_loop3A_231 : i32 to index
          %parallel_loop3A_238 = tpu.vector_load %arg19[%parallel_loop3A_236, %parallel_loop3A_237] {strides = array<i32>} : memref<8x5120xf32, #tpu.memory_space<vmem>>, vector<16xf32>,
          tpu.vector_store %arg19[%parallel_loop3A_236, %parallel_loop3A_237], %parallel_loop3A_234 {strides = array<i32>} : memref<8x5120xf32, #tpu.memory_space<vmem>>, vector<16xf32>,
          %parallel_loop3A_239 = tpu.vector_load_idx %arg15[%broadcast_in_dim3A_16, %parallel_loop3A_233] : memref<4x9984xf32, #tpu.memory_space<vmem>>[vector<16xi32>, vector<16xi32>], vector<16xf32>,
          %parallel_loop3A_240 = arith.constant 1 : i32
          %parallel_loop3A_241 = arith.index_cast %parallel_loop3A_240 : i32 to index
          %parallel_loop3A_242 = arith.index_cast %parallel_loop3A_231 : i32 to index
          %parallel_loop3A_243 = tpu.vector_load %arg19[%parallel_loop3A_241, %parallel_loop3A_242] {strides = array<i32>} : memref<8x5120xf32, #tpu.memory_space<vmem>>, vector<16xf32>,
          tpu.vector_store %arg19[%parallel_loop3A_241, %parallel_loop3A_242], %parallel_loop3A_239 {strides = array<i32>} : memref<8x5120xf32, #tpu.memory_space<vmem>>, vector<16xf32>,
          %parallel_loop3A_244 = tpu.vector_load_idx %arg15[%broadcast_in_dim3A_18, %parallel_loop3A_233] : memref<4x9984xf32, #tpu.memory_space<vmem>>[vector<16xi32>, vector<16xi32>], vector<16xf32>,
          %parallel_loop3A_245 = arith.constant 2 : i32
          %parallel_loop3A_246 = arith.index_cast %parallel_loop3A_245 : i32 to index
          %parallel_loop3A_247 = arith.index_cast %parallel_loop3A_231 : i32 to index
          %parallel_loop3A_248 = tpu.vector_load %arg19[%parallel_loop3A_246, %parallel_loop3A_247] {strides = array<i32>} : memref<8x5120xf32, #tpu.memory_space<vmem>>, vector<16xf32>,
          tpu.vector_store %arg19[%parallel_loop3A_246, %parallel_loop3A_247], %parallel_loop3A_244 {strides = array<i32>} : memref<8x5120xf32, #tpu.memory_space<vmem>>, vector<16xf32>,
          %parallel_loop3A_249 = tpu.vector_load_idx %arg15[%broadcast_in_dim3A_20, %parallel_loop3A_233] : memref<4x9984xf32, #tpu.memory_space<vmem>>[vector<16xi32>, vector<16xi32>], vector<16xf32>,
          %parallel_loop3A_250 = arith.constant 3 : i32
          %parallel_loop3A_251 = arith.index_cast %parallel_loop3A_250 : i32 to index
          %parallel_loop3A_252 = arith.index_cast %parallel_loop3A_231 : i32 to index
          %parallel_loop3A_253 = tpu.vector_load %arg19[%parallel_loop3A_251, %parallel_loop3A_252] {strides = array<i32>} : memref<8x5120xf32, #tpu.memory_space<vmem>>, vector<16xf32>,
          tpu.vector_store %arg19[%parallel_loop3A_251, %parallel_loop3A_252], %parallel_loop3A_249 {strides = array<i32>} : memref<8x5120xf32, #tpu.memory_space<vmem>>, vector<16xf32>,
        } {sc.loop_unroll_factor = 8 : i64, sc.parallel_access}
        %add3A_165 = arith.constant 4992 : i32
        %add3A_166 = vector.broadcast %add3A_165 : i32 to vector<16xi32>
        %add3A_167 = arith.addi %add3A_166, %iota3A : vector<16xi32>
        %min3A_168 = arith.constant 4999 : i32
        %min3A_169 = vector.broadcast %min3A_168 : i32 to vector<16xi32>
        %min3A_170 = arith.minsi %add3A_167, %min3A_169 : vector<16xi32>
        %gather3A_171 = tpu.vector_load_idx %arg10[%min3A_170] : memref<5000xi32, #tpu.memory_space<vmem>>[vector<16xi32>], vector<16xi32>,
        %gather3A_172 = tpu.vector_load_idx %arg15[%broadcast_in_dim3A_14, %gather3A_171] : memref<4x9984xf32, #tpu.memory_space<vmem>>[vector<16xi32>, vector<16xi32>], vector<16xf32>,
        %broadcast_in_dim3A_173 = arith.constant 0 : i32
        %broadcast_in_dim3A_174 = vector.broadcast %broadcast_in_dim3A_173 : i32 to vector<16xi32>
        %lt3A_175 = arith.constant 8 : i32
        %lt3A_176 = vector.broadcast %lt3A_175 : i32 to vector<16xi32>
        %lt3A_177 = arith.cmpi slt, %iota3A, %lt3A_176 : vector<16xi32>
        tpu.vector_store_idx %arg19[%broadcast_in_dim3A_174, %min3A_170], %gather3A_172 masked %lt3A_177 : memref<8x5120xf32, #tpu.memory_space<vmem>>[vector<16xi32>, vector<16xi32>], vector<16xf32>, vector<16xi1>
        %gather3A_178 = tpu.vector_load_idx %arg17[%broadcast_in_dim3A_14, %get3A_9] : memref<4x128xf32, #tpu.memory_space<vmem>>[vector<16xi32>, vector<16xi32>], vector<16xf32>,
        %broadcast_in_dim3A_179 = arith.constant 0 : i32
        %broadcast_in_dim3A_180 = vector.broadcast %broadcast_in_dim3A_179 : i32 to vector<16xi32>
        tpu.vector_store_idx %arg19[%broadcast_in_dim3A_180, %max3A_13], %gather3A_178 masked %ge3A_11 : memref<8x5120xf32, #tpu.memory_space<vmem>>[vector<16xi32>, vector<16xi32>], vector<16xf32>, vector<16xi1>
        %add3A_181 = arith.constant 4992 : i32
        %add3A_182 = vector.broadcast %add3A_181 : i32 to vector<16xi32>
        %add3A_183 = arith.addi %add3A_182, %iota3A : vector<16xi32>
        %min3A_184 = arith.constant 4999 : i32
        %min3A_185 = vector.broadcast %min3A_184 : i32 to vector<16xi32>
        %min3A_186 = arith.minsi %add3A_183, %min3A_185 : vector<16xi32>
        %gather3A_187 = tpu.vector_load_idx %arg10[%min3A_186] : memref<5000xi32, #tpu.memory_space<vmem>>[vector<16xi32>], vector<16xi32>,
        %gather3A_188 = tpu.vector_load_idx %arg15[%broadcast_in_dim3A_16, %gather3A_187] : memref<4x9984xf32, #tpu.memory_space<vmem>>[vector<16xi32>, vector<16xi32>], vector<16xf32>,
        %broadcast_in_dim3A_189 = arith.constant 1 : i32
        %broadcast_in_dim3A_190 = vector.broadcast %broadcast_in_dim3A_189 : i32 to vector<16xi32>
        %lt3A_191 = arith.constant 8 : i32
        %lt3A_192 = vector.broadcast %lt3A_191 : i32 to vector<16xi32>
        %lt3A_193 = arith.cmpi slt, %iota3A, %lt3A_192 : vector<16xi32>
        tpu.vector_store_idx %arg19[%broadcast_in_dim3A_190, %min3A_186], %gather3A_188 masked %lt3A_193 : memref<8x5120xf32, #tpu.memory_space<vmem>>[vector<16xi32>, vector<16xi32>], vector<16xf32>, vector<16xi1>
        %gather3A_194 = tpu.vector_load_idx %arg17[%broadcast_in_dim3A_16, %get3A_9] : memref<4x128xf32, #tpu.memory_space<vmem>>[vector<16xi32>, vector<16xi32>], vector<16xf32>,
        %broadcast_in_dim3A_195 = arith.constant 1 : i32
        %broadcast_in_dim3A_196 = vector.broadcast %broadcast_in_dim3A_195 : i32 to vector<16xi32>
        tpu.vector_store_idx %arg19[%broadcast_in_dim3A_196, %max3A_13], %gather3A_194 masked %ge3A_11 : memref<8x5120xf32, #tpu.memory_space<vmem>>[vector<16xi32>, vector<16xi32>], vector<16xf32>, vector<16xi1>
        %add3A_197 = arith.constant 4992 : i32
        %add3A_198 = vector.broadcast %add3A_197 : i32 to vector<16xi32>
        %add3A_199 = arith.addi %add3A_198, %iota3A : vector<16xi32>
        %min3A_200 = arith.constant 4999 : i32
        %min3A_201 = vector.broadcast %min3A_200 : i32 to vector<16xi32>
        %min3A_202 = arith.minsi %add3A_199, %min3A_201 : vector<16xi32>
        %gather3A_203 = tpu.vector_load_idx %arg10[%min3A_202] : memref<5000xi32, #tpu.memory_space<vmem>>[vector<16xi32>], vector<16xi32>,
        %gather3A_204 = tpu.vector_load_idx %arg15[%broadcast_in_dim3A_18, %gather3A_203] : memref<4x9984xf32, #tpu.memory_space<vmem>>[vector<16xi32>, vector<16xi32>], vector<16xf32>,
        %broadcast_in_dim3A_205 = arith.constant 2 : i32
        %broadcast_in_dim3A_206 = vector.broadcast %broadcast_in_dim3A_205 : i32 to vector<16xi32>
        %lt3A_207 = arith.constant 8 : i32
        %lt3A_208 = vector.broadcast %lt3A_207 : i32 to vector<16xi32>
        %lt3A_209 = arith.cmpi slt, %iota3A, %lt3A_208 : vector<16xi32>
        tpu.vector_store_idx %arg19[%broadcast_in_dim3A_206, %min3A_202], %gather3A_204 masked %lt3A_209 : memref<8x5120xf32, #tpu.memory_space<vmem>>[vector<16xi32>, vector<16xi32>], vector<16xf32>, vector<16xi1>
        %gather3A_210 = tpu.vector_load_idx %arg17[%broadcast_in_dim3A_18, %get3A_9] : memref<4x128xf32, #tpu.memory_space<vmem>>[vector<16xi32>, vector<16xi32>], vector<16xf32>,
        %broadcast_in_dim3A_211 = arith.constant 2 : i32
        %broadcast_in_dim3A_212 = vector.broadcast %broadcast_in_dim3A_211 : i32 to vector<16xi32>
        tpu.vector_store_idx %arg19[%broadcast_in_dim3A_212, %max3A_13], %gather3A_210 masked %ge3A_11 : memref<8x5120xf32, #tpu.memory_space<vmem>>[vector<16xi32>, vector<16xi32>], vector<16xf32>, vector<16xi1>
        %add3A_213 = arith.constant 4992 : i32
        %add3A_214 = vector.broadcast %add3A_213 : i32 to vector<16xi32>
        %add3A_215 = arith.addi %add3A_214, %iota3A : vector<16xi32>
        %min3A_216 = arith.constant 4999 : i32
        %min3A_217 = vector.broadcast %min3A_216 : i32 to vector<16xi32>
        %min3A_218 = arith.minsi %add3A_215, %min3A_217 : vector<16xi32>
        %gather3A_219 = tpu.vector_load_idx %arg10[%min3A_218] : memref<5000xi32, #tpu.memory_space<vmem>>[vector<16xi32>], vector<16xi32>,
        %gather3A_220 = tpu.vector_load_idx %arg15[%broadcast_in_dim3A_20, %gather3A_219] : memref<4x9984xf32, #tpu.memory_space<vmem>>[vector<16xi32>, vector<16xi32>], vector<16xf32>,
        %broadcast_in_dim3A_221 = arith.constant 3 : i32
        %broadcast_in_dim3A_222 = vector.broadcast %broadcast_in_dim3A_221 : i32 to vector<16xi32>
        %lt3A_223 = arith.constant 8 : i32
        %lt3A_224 = vector.broadcast %lt3A_223 : i32 to vector<16xi32>
        %lt3A_225 = arith.cmpi slt, %iota3A, %lt3A_224 : vector<16xi32>
        tpu.vector_store_idx %arg19[%broadcast_in_dim3A_222, %min3A_218], %gather3A_220 masked %lt3A_225 : memref<8x5120xf32, #tpu.memory_space<vmem>>[vector<16xi32>, vector<16xi32>], vector<16xf32>, vector<16xi1>
        %gather3A_226 = tpu.vector_load_idx %arg17[%broadcast_in_dim3A_20, %get3A_9] : memref<4x128xf32, #tpu.memory_space<vmem>>[vector<16xi32>, vector<16xi32>], vector<16xf32>,
        %broadcast_in_dim3A_227 = arith.constant 3 : i32
        %broadcast_in_dim3A_228 = vector.broadcast %broadcast_in_dim3A_227 : i32 to vector<16xi32>
        tpu.vector_store_idx %arg19[%broadcast_in_dim3A_228, %max3A_13], %gather3A_226 masked %ge3A_11 : memref<8x5120xf32, #tpu.memory_space<vmem>>[vector<16xi32>, vector<16xi32>], vector<16xf32>, vector<16xi1>
      } else {
      }
      %jit3A_127 = arith.constant 4 : i32
      %eq3A_128 = arith.constant 0 : i32
      %eq3A_129 = arith.cmpi eq, %jit3A_127, %eq3A_128 : i32
      %jit3A_130 = arith.constant 1 : i32
      %select_n3A_131 = arith.select %eq3A_129, %jit3A_130, %jit3A_127 : i32
      %rem3A_132 = arith.remsi %while3A_66, %select_n3A_131 : i32
      %ne3A_133 = arith.constant 0 : i32
      %ne3A_134 = arith.cmpi ne, %rem3A_132, %ne3A_133 : i32
      %lt3A_135 = arith.constant 0 : i32
      %lt3A_136 = arith.cmpi slt, %rem3A_132, %lt3A_135 : i32
      %lt3A_137 = arith.constant 0 : i32
      %lt3A_138 = arith.cmpi slt, %select_n3A_131, %lt3A_137 : i32
      %ne3A_139 = arith.xori %lt3A_136, %lt3A_138 : i1
      %and3A_140 = arith.andi %ne3A_139, %ne3A_134 : i1
      %add3A_141 = arith.addi %rem3A_132, %select_n3A_131 : i32
      %select_n3A_142 = arith.select %and3A_140, %add3A_141, %rem3A_132 : i32
      %eq3A_143 = arith.constant 3 : i32
      %eq3A_144 = arith.cmpi eq, %select_n3A_142, %eq3A_143 : i32
      %convert_element_type3A_145 = arith.extui %eq3A_144 : i1 to i32
      %cond3A_146 = arith.constant 0 : i32
      %cond3A_147 = arith.cmpi ne, %convert_element_type3A_145, %cond3A_146 : i32
      scf.if %cond3A_147 {
        %lt3A_149 = arith.cmpi slt, %add3A_69, %mul3A_6 : i32
        %convert_element_type3A_150 = arith.extui %lt3A_149 : i1 to i32
        %cond3A_151 = arith.constant 0 : i32
        %cond3A_152 = arith.cmpi ne, %convert_element_type3A_150, %cond3A_151 : i32
        scf.if %cond3A_152 {
          %mul3A_277 = arith.constant 2 : i32
          %mul3A_278 = arith.muli %mul3A_277, %add3A : i32
          %jit3A_279 = arith.constant 2 : i32
          %div3A_280 = arith.divsi %add3A_69, %jit3A_279 : i32
          %sign3A_281 = arith.constant 0 : i32
          %sign3A_282 = arith.cmpi sgt, %add3A_69, %sign3A_281 : i32
          %sign3A_283 = arith.extui %sign3A_282 : i1 to i32
          %sign3A_284 = arith.constant 0 : i32
          %sign3A_285 = arith.cmpi slt, %add3A_69, %sign3A_284 : i32
          %sign3A_286 = arith.extui %sign3A_285 : i1 to i32
          %sign3A_287 = arith.subi %sign3A_283, %sign3A_286 : i32
          %sign3A_288 = arith.constant 0 : i32
          %sign3A_289 = arith.cmpi sgt, %jit3A_279, %sign3A_288 : i32
          %sign3A_290 = arith.extui %sign3A_289 : i1 to i32
          %sign3A_291 = arith.constant 0 : i32
          %sign3A_292 = arith.cmpi slt, %jit3A_279, %sign3A_291 : i32
          %sign3A_293 = arith.extui %sign3A_292 : i1 to i32
          %sign3A_294 = arith.subi %sign3A_290, %sign3A_293 : i32
          %ne3A_295 = arith.cmpi ne, %sign3A_287, %sign3A_294 : i32
          %rem3A_296 = arith.remsi %add3A_69, %jit3A_279 : i32
          %ne3A_297 = arith.constant 0 : i32
          %ne3A_298 = arith.cmpi ne, %rem3A_296, %ne3A_297 : i32
          %and3A_299 = arith.andi %ne3A_295, %ne3A_298 : i1
          %sub3A_300 = arith.constant 1 : i32
          %sub3A_301 = arith.subi %div3A_280, %sub3A_300 : i32
          %select_n3A_302 = arith.select %and3A_299, %sub3A_301, %div3A_280 : i32
          %mul3A_303 = arith.constant 64 : i32
          %mul3A_304 = arith.muli %mul3A_303, %select_n3A_302 : i32
          %add3A_305 = arith.addi %mul3A_278, %mul3A_304 : i32
          %jit3A_306 = arith.constant 2 : i32
          %eq3A_307 = arith.constant 0 : i32
          %eq3A_308 = arith.cmpi eq, %jit3A_306, %eq3A_307 : i32
          %jit3A_309 = arith.constant 1 : i32
          %select_n3A_310 = arith.select %eq3A_308, %jit3A_309, %jit3A_306 : i32
          %rem3A_311 = arith.remsi %add3A_69, %select_n3A_310 : i32
          %ne3A_312 = arith.constant 0 : i32
          %ne3A_313 = arith.cmpi ne, %rem3A_311, %ne3A_312 : i32
          %lt3A_314 = arith.constant 0 : i32
          %lt3A_315 = arith.cmpi slt, %rem3A_311, %lt3A_314 : i32
          %lt3A_316 = arith.constant 0 : i32
          %lt3A_317 = arith.cmpi slt, %select_n3A_310, %lt3A_316 : i32
          %ne3A_318 = arith.xori %lt3A_315, %lt3A_317 : i1
          %and3A_319 = arith.andi %ne3A_318, %ne3A_313 : i1
          %add3A_320 = arith.addi %rem3A_311, %select_n3A_310 : i32
          %select_n3A_321 = arith.select %and3A_319, %add3A_320, %rem3A_311 : i32
          %add3A_322 = arith.addi %add3A_305, %select_n3A_321 : i32
          %mul3A_323 = arith.constant 4 : i32
          %mul3A_324 = arith.muli %mul3A_323, %add3A_322 : i32
          %add3A_325 = vector.broadcast %mul3A_324 : i32 to vector<16xi32>
          %add3A_326 = arith.addi %add3A_325, %iota3A : vector<16xi32>
          %min3A_327 = arith.constant 4999 : i32
          %min3A_328 = vector.broadcast %min3A_327 : i32 to vector<16xi32>
          %min3A_329 = arith.minsi %add3A_326, %min3A_328 : vector<16xi32>
          %gather3A_330 = tpu.vector_load_idx %arg10[%min3A_329] : memref<5000xi32, #tpu.memory_space<vmem>>[vector<16xi32>], vector<16xi32>,
          %min3A_331 = arith.constant 3 : i32
          %min3A_332 = vector.broadcast %min3A_331 : i32 to vector<16xi32>
          %min3A_333 = arith.minsi %iota3A, %min3A_332 : vector<16xi32>
          %lt3A_334 = arith.constant 4 : i32
          %lt3A_335 = vector.broadcast %lt3A_334 : i32 to vector<16xi32>
          %lt3A_336 = arith.cmpi slt, %iota3A, %lt3A_335 : vector<16xi32>
          tpu.vector_store_idx %arg13[%min3A_333], %gather3A_330 masked %lt3A_336 : memref<4xi32, #tpu.memory_space<vmem>>[vector<16xi32>], vector<16xi32>, vector<16xi1>
          %dma_start3A_337 = arith.constant 0 : i32
          %dma_start3A_338 = arith.constant 0 : i32
          %dma_start3A_339 = tpu.memref_slice %arg5[%dma_start3A_337, %dma_start3A_338] : memref<10000x10000xf32, #tpu.memory_space<hbm>> -> memref<10000x9984xf32, #tpu.memory_space<hbm>>
          tpu.enqueue_indirect_dma source(%dma_start3A_339 : memref<10000x9984xf32, #tpu.memory_space<hbm>>) target(%arg15 : memref<4x9984xf32, #tpu.memory_space<vmem>>) offsets(%arg13 : memref<4xi32, #tpu.memory_space<vmem>>) semaphore(%arg22 : memref<!tpu.dma_semaphore, #tpu.memory_space<semaphore_mem>>)
          %dma_start3A_340 = arith.constant 0 : i32
          %dma_start3A_341 = arith.constant 0 : i32
          %dma_start3A_342 = tpu.memref_slice %arg6[%dma_start3A_340, %dma_start3A_341] : memref<10000x128xf32, #tpu.memory_space<hbm>> -> memref<10000x128xf32, #tpu.memory_space<hbm>>
          tpu.enqueue_indirect_dma source(%dma_start3A_342 : memref<10000x128xf32, #tpu.memory_space<hbm>>) target(%arg17 : memref<4x128xf32, #tpu.memory_space<vmem>>) offsets(%arg13 : memref<4xi32, #tpu.memory_space<vmem>>) semaphore(%arg24 : memref<!tpu.dma_semaphore, #tpu.memory_space<semaphore_mem>>)
          %dma_start3A_343 = arith.constant 0 : i32
          %dma_start3A_344 = arith.constant 0 : i32
          %dma_start3A_345 = tpu.memref_slice %arg20[%dma_start3A_343, %dma_start3A_344] : memref<8x128xf32, #tpu.memory_space<vmem>> -> memref<4x128xf32, #tpu.memory_space<vmem>>
          %dma_start3A_346 = arith.constant 0 : i32
          %dma_start3A_347 = arith.constant 0 : i32
          %dma_start3A_348 = tpu.memref_slice %arg7[%dma_start3A_346, %dma_start3A_347] : memref<10000x128xf32, #tpu.memory_space<hbm>> -> memref<10000x128xf32, #tpu.memory_space<hbm>>
          tpu.enqueue_indirect_dma source(%dma_start3A_348 : memref<10000x128xf32, #tpu.memory_space<hbm>>) target(%dma_start3A_345 : memref<4x128xf32, #tpu.memory_space<vmem>>) offsets(%arg13 : memref<4xi32, #tpu.memory_space<vmem>>) semaphore(%arg26 : memref<!tpu.dma_semaphore, #tpu.memory_space<semaphore_mem>>)
        } else {
        }
        %jit3A_153 = arith.constant 2 : i32
        %div3A = arith.divsi %while3A_66, %jit3A_153 : i32
        %sign3A = arith.constant 0 : i32
        %sign3A_154 = arith.cmpi sgt, %while3A_66, %sign3A : i32
        %sign3A_155 = arith.extui %sign3A_154 : i1 to i32
        %sign3A_156 = arith.constant 0 : i32
        %sign3A_157 = arith.cmpi slt, %while3A_66, %sign3A_156 : i32
        %sign3A_158 = arith.extui %sign3A_157 : i1 to i32
        %sign3A_159 = arith.subi %sign3A_155, %sign3A_158 : i32
        %sign3A_160 = arith.constant 0 : i32
        %sign3A_161 = arith.cmpi sgt, %jit3A_153, %sign3A_160 : i32
        %sign3A_162 = arith.extui %sign3A_161 : i1 to i32
        %sign3A_163 = arith.constant 0 : i32
        %sign3A_164 = arith.cmpi slt, %jit3A_153, %sign3A_163 : i32
        %sign3A_165 = arith.extui %sign3A_164 : i1 to i32
        %sign3A_166 = arith.subi %sign3A_162, %sign3A_165 : i32
        %ne3A_167 = arith.cmpi ne, %sign3A_159, %sign3A_166 : i32
        %rem3A_168 = arith.remsi %while3A_66, %jit3A_153 : i32
        %ne3A_169 = arith.constant 0 : i32
        %ne3A_170 = arith.cmpi ne, %rem3A_168, %ne3A_169 : i32
        %and3A_171 = arith.andi %ne3A_167, %ne3A_170 : i1
        %sub3A = arith.constant 1 : i32
        %sub3A_172 = arith.subi %div3A, %sub3A : i32
        %select_n3A_173 = arith.select %and3A_171, %sub3A_172, %div3A : i32
        %mul3A_174 = arith.constant 32 : i32
        %mul3A_175 = arith.muli %mul3A_174, %select_n3A_173 : i32
        %add3A_176 = arith.addi %add3A, %mul3A_175 : i32
        %dma_wait3A_177 = arith.constant 0 : i32
        %dma_wait3A_178 = arith.constant 0 : i32
        %dma_wait3A_179 = tpu.memref_slice %arg5[%dma_wait3A_177, %dma_wait3A_178] : memref<10000x10000xf32, #tpu.memory_space<hbm>> -> memref<10000x9984xf32, #tpu.memory_space<hbm>>
        tpu.wait_indirect_dma semaphore(%arg23 : memref<!tpu.dma_semaphore, #tpu.memory_space<semaphore_mem>>) src(%dma_wait3A_179 : memref<10000x9984xf32, #tpu.memory_space<hbm>>) dst(%arg16 : memref<4x9984xf32, #tpu.memory_space<vmem>>)
        %dma_wait3A_180 = arith.constant 0 : i32
        %dma_wait3A_181 = arith.constant 0 : i32
        %dma_wait3A_182 = tpu.memref_slice %arg6[%dma_wait3A_180, %dma_wait3A_181] : memref<10000x128xf32, #tpu.memory_space<hbm>> -> memref<10000x128xf32, #tpu.memory_space<hbm>>
        tpu.wait_indirect_dma semaphore(%arg25 : memref<!tpu.dma_semaphore, #tpu.memory_space<semaphore_mem>>) src(%dma_wait3A_182 : memref<10000x128xf32, #tpu.memory_space<hbm>>) dst(%arg18 : memref<4x128xf32, #tpu.memory_space<vmem>>)
        %parallel_loop3A = arith.constant 0 : i32
        %parallel_loop3A_183 = arith.constant 312 : i32
        %parallel_loop3A_184 = arith.constant 1 : i32
        scf.for %parallel_loop3A_277 = %parallel_loop3A to %parallel_loop3A_183 step %parallel_loop3A_184  : i32 {
          %parallel_loop3A_278 = arith.constant 16 : i32
          %parallel_loop3A_279 = arith.muli %parallel_loop3A_278, %parallel_loop3A_277 : i32
          %parallel_loop3A_280 = arith.index_cast %parallel_loop3A_279 : i32 to index
          %parallel_loop3A_281 = tpu.vector_load %arg10[%parallel_loop3A_280] {strides = array<i32>} : memref<5000xi32, #tpu.memory_space<vmem>>, vector<16xi32>,
          %parallel_loop3A_282 = tpu.vector_load_idx %arg16[%broadcast_in_dim3A_14, %parallel_loop3A_281] : memref<4x9984xf32, #tpu.memory_space<vmem>>[vector<16xi32>, vector<16xi32>], vector<16xf32>,
          %parallel_loop3A_283 = arith.constant 4 : i32
          %parallel_loop3A_284 = arith.index_cast %parallel_loop3A_283 : i32 to index
          %parallel_loop3A_285 = arith.index_cast %parallel_loop3A_279 : i32 to index
          %parallel_loop3A_286 = tpu.vector_load %arg19[%parallel_loop3A_284, %parallel_loop3A_285] {strides = array<i32>} : memref<8x5120xf32, #tpu.memory_space<vmem>>, vector<16xf32>,
          tpu.vector_store %arg19[%parallel_loop3A_284, %parallel_loop3A_285], %parallel_loop3A_282 {strides = array<i32>} : memref<8x5120xf32, #tpu.memory_space<vmem>>, vector<16xf32>,
          %parallel_loop3A_287 = tpu.vector_load_idx %arg16[%broadcast_in_dim3A_16, %parallel_loop3A_281] : memref<4x9984xf32, #tpu.memory_space<vmem>>[vector<16xi32>, vector<16xi32>], vector<16xf32>,
          %parallel_loop3A_288 = arith.constant 5 : i32
          %parallel_loop3A_289 = arith.index_cast %parallel_loop3A_288 : i32 to index
          %parallel_loop3A_290 = arith.index_cast %parallel_loop3A_279 : i32 to index
          %parallel_loop3A_291 = tpu.vector_load %arg19[%parallel_loop3A_289, %parallel_loop3A_290] {strides = array<i32>} : memref<8x5120xf32, #tpu.memory_space<vmem>>, vector<16xf32>,
          tpu.vector_store %arg19[%parallel_loop3A_289, %parallel_loop3A_290], %parallel_loop3A_287 {strides = array<i32>} : memref<8x5120xf32, #tpu.memory_space<vmem>>, vector<16xf32>,
          %parallel_loop3A_292 = tpu.vector_load_idx %arg16[%broadcast_in_dim3A_18, %parallel_loop3A_281] : memref<4x9984xf32, #tpu.memory_space<vmem>>[vector<16xi32>, vector<16xi32>], vector<16xf32>,
          %parallel_loop3A_293 = arith.constant 6 : i32
          %parallel_loop3A_294 = arith.index_cast %parallel_loop3A_293 : i32 to index
          %parallel_loop3A_295 = arith.index_cast %parallel_loop3A_279 : i32 to index
          %parallel_loop3A_296 = tpu.vector_load %arg19[%parallel_loop3A_294, %parallel_loop3A_295] {strides = array<i32>} : memref<8x5120xf32, #tpu.memory_space<vmem>>, vector<16xf32>,
          tpu.vector_store %arg19[%parallel_loop3A_294, %parallel_loop3A_295], %parallel_loop3A_292 {strides = array<i32>} : memref<8x5120xf32, #tpu.memory_space<vmem>>, vector<16xf32>,
          %parallel_loop3A_297 = tpu.vector_load_idx %arg16[%broadcast_in_dim3A_20, %parallel_loop3A_281] : memref<4x9984xf32, #tpu.memory_space<vmem>>[vector<16xi32>, vector<16xi32>], vector<16xf32>,
          %parallel_loop3A_298 = arith.constant 7 : i32
          %parallel_loop3A_299 = arith.index_cast %parallel_loop3A_298 : i32 to index
          %parallel_loop3A_300 = arith.index_cast %parallel_loop3A_279 : i32 to index
          %parallel_loop3A_301 = tpu.vector_load %arg19[%parallel_loop3A_299, %parallel_loop3A_300] {strides = array<i32>} : memref<8x5120xf32, #tpu.memory_space<vmem>>, vector<16xf32>,
          tpu.vector_store %arg19[%parallel_loop3A_299, %parallel_loop3A_300], %parallel_loop3A_297 {strides = array<i32>} : memref<8x5120xf32, #tpu.memory_space<vmem>>, vector<16xf32>,
        } {sc.loop_unroll_factor = 8 : i64, sc.parallel_access}
        %add3A_185 = arith.constant 4992 : i32
        %add3A_186 = vector.broadcast %add3A_185 : i32 to vector<16xi32>
        %add3A_187 = arith.addi %add3A_186, %iota3A : vector<16xi32>
        %min3A_188 = arith.constant 4999 : i32
        %min3A_189 = vector.broadcast %min3A_188 : i32 to vector<16xi32>
        %min3A_190 = arith.minsi %add3A_187, %min3A_189 : vector<16xi32>
        %gather3A_191 = tpu.vector_load_idx %arg10[%min3A_190] : memref<5000xi32, #tpu.memory_space<vmem>>[vector<16xi32>], vector<16xi32>,
        %gather3A_192 = tpu.vector_load_idx %arg16[%broadcast_in_dim3A_14, %gather3A_191] : memref<4x9984xf32, #tpu.memory_space<vmem>>[vector<16xi32>, vector<16xi32>], vector<16xf32>,
        %broadcast_in_dim3A_193 = arith.constant 4 : i32
        %broadcast_in_dim3A_194 = vector.broadcast %broadcast_in_dim3A_193 : i32 to vector<16xi32>
        %lt3A_195 = arith.constant 8 : i32
        %lt3A_196 = vector.broadcast %lt3A_195 : i32 to vector<16xi32>
        %lt3A_197 = arith.cmpi slt, %iota3A, %lt3A_196 : vector<16xi32>
        tpu.vector_store_idx %arg19[%broadcast_in_dim3A_194, %min3A_190], %gather3A_192 masked %lt3A_197 : memref<8x5120xf32, #tpu.memory_space<vmem>>[vector<16xi32>, vector<16xi32>], vector<16xf32>, vector<16xi1>
        %gather3A_198 = tpu.vector_load_idx %arg18[%broadcast_in_dim3A_14, %get3A_9] : memref<4x128xf32, #tpu.memory_space<vmem>>[vector<16xi32>, vector<16xi32>], vector<16xf32>,
        %broadcast_in_dim3A_199 = arith.constant 4 : i32
        %broadcast_in_dim3A_200 = vector.broadcast %broadcast_in_dim3A_199 : i32 to vector<16xi32>
        tpu.vector_store_idx %arg19[%broadcast_in_dim3A_200, %max3A_13], %gather3A_198 masked %ge3A_11 : memref<8x5120xf32, #tpu.memory_space<vmem>>[vector<16xi32>, vector<16xi32>], vector<16xf32>, vector<16xi1>
        %add3A_201 = arith.constant 4992 : i32
        %add3A_202 = vector.broadcast %add3A_201 : i32 to vector<16xi32>
        %add3A_203 = arith.addi %add3A_202, %iota3A : vector<16xi32>
        %min3A_204 = arith.constant 4999 : i32
        %min3A_205 = vector.broadcast %min3A_204 : i32 to vector<16xi32>
        %min3A_206 = arith.minsi %add3A_203, %min3A_205 : vector<16xi32>
        %gather3A_207 = tpu.vector_load_idx %arg10[%min3A_206] : memref<5000xi32, #tpu.memory_space<vmem>>[vector<16xi32>], vector<16xi32>,
        %gather3A_208 = tpu.vector_load_idx %arg16[%broadcast_in_dim3A_16, %gather3A_207] : memref<4x9984xf32, #tpu.memory_space<vmem>>[vector<16xi32>, vector<16xi32>], vector<16xf32>,
        %broadcast_in_dim3A_209 = arith.constant 5 : i32
        %broadcast_in_dim3A_210 = vector.broadcast %broadcast_in_dim3A_209 : i32 to vector<16xi32>
        %lt3A_211 = arith.constant 8 : i32
        %lt3A_212 = vector.broadcast %lt3A_211 : i32 to vector<16xi32>
        %lt3A_213 = arith.cmpi slt, %iota3A, %lt3A_212 : vector<16xi32>
        tpu.vector_store_idx %arg19[%broadcast_in_dim3A_210, %min3A_206], %gather3A_208 masked %lt3A_213 : memref<8x5120xf32, #tpu.memory_space<vmem>>[vector<16xi32>, vector<16xi32>], vector<16xf32>, vector<16xi1>
        %gather3A_214 = tpu.vector_load_idx %arg18[%broadcast_in_dim3A_16, %get3A_9] : memref<4x128xf32, #tpu.memory_space<vmem>>[vector<16xi32>, vector<16xi32>], vector<16xf32>,
        %broadcast_in_dim3A_215 = arith.constant 5 : i32
        %broadcast_in_dim3A_216 = vector.broadcast %broadcast_in_dim3A_215 : i32 to vector<16xi32>
        tpu.vector_store_idx %arg19[%broadcast_in_dim3A_216, %max3A_13], %gather3A_214 masked %ge3A_11 : memref<8x5120xf32, #tpu.memory_space<vmem>>[vector<16xi32>, vector<16xi32>], vector<16xf32>, vector<16xi1>
        %add3A_217 = arith.constant 4992 : i32
        %add3A_218 = vector.broadcast %add3A_217 : i32 to vector<16xi32>
        %add3A_219 = arith.addi %add3A_218, %iota3A : vector<16xi32>
        %min3A_220 = arith.constant 4999 : i32
        %min3A_221 = vector.broadcast %min3A_220 : i32 to vector<16xi32>
        %min3A_222 = arith.minsi %add3A_219, %min3A_221 : vector<16xi32>
        %gather3A_223 = tpu.vector_load_idx %arg10[%min3A_222] : memref<5000xi32, #tpu.memory_space<vmem>>[vector<16xi32>], vector<16xi32>,
        %gather3A_224 = tpu.vector_load_idx %arg16[%broadcast_in_dim3A_18, %gather3A_223] : memref<4x9984xf32, #tpu.memory_space<vmem>>[vector<16xi32>, vector<16xi32>], vector<16xf32>,
        %broadcast_in_dim3A_225 = arith.constant 6 : i32
        %broadcast_in_dim3A_226 = vector.broadcast %broadcast_in_dim3A_225 : i32 to vector<16xi32>
        %lt3A_227 = arith.constant 8 : i32
        %lt3A_228 = vector.broadcast %lt3A_227 : i32 to vector<16xi32>
        %lt3A_229 = arith.cmpi slt, %iota3A, %lt3A_228 : vector<16xi32>
        tpu.vector_store_idx %arg19[%broadcast_in_dim3A_226, %min3A_222], %gather3A_224 masked %lt3A_229 : memref<8x5120xf32, #tpu.memory_space<vmem>>[vector<16xi32>, vector<16xi32>], vector<16xf32>, vector<16xi1>
        %gather3A_230 = tpu.vector_load_idx %arg18[%broadcast_in_dim3A_18, %get3A_9] : memref<4x128xf32, #tpu.memory_space<vmem>>[vector<16xi32>, vector<16xi32>], vector<16xf32>,
        %broadcast_in_dim3A_231 = arith.constant 6 : i32
        %broadcast_in_dim3A_232 = vector.broadcast %broadcast_in_dim3A_231 : i32 to vector<16xi32>
        tpu.vector_store_idx %arg19[%broadcast_in_dim3A_232, %max3A_13], %gather3A_230 masked %ge3A_11 : memref<8x5120xf32, #tpu.memory_space<vmem>>[vector<16xi32>, vector<16xi32>], vector<16xf32>, vector<16xi1>
        %add3A_233 = arith.constant 4992 : i32
        %add3A_234 = vector.broadcast %add3A_233 : i32 to vector<16xi32>
        %add3A_235 = arith.addi %add3A_234, %iota3A : vector<16xi32>
        %min3A_236 = arith.constant 4999 : i32
        %min3A_237 = vector.broadcast %min3A_236 : i32 to vector<16xi32>
        %min3A_238 = arith.minsi %add3A_235, %min3A_237 : vector<16xi32>
        %gather3A_239 = tpu.vector_load_idx %arg10[%min3A_238] : memref<5000xi32, #tpu.memory_space<vmem>>[vector<16xi32>], vector<16xi32>,
        %gather3A_240 = tpu.vector_load_idx %arg16[%broadcast_in_dim3A_20, %gather3A_239] : memref<4x9984xf32, #tpu.memory_space<vmem>>[vector<16xi32>, vector<16xi32>], vector<16xf32>,
        %broadcast_in_dim3A_241 = arith.constant 7 : i32
        %broadcast_in_dim3A_242 = vector.broadcast %broadcast_in_dim3A_241 : i32 to vector<16xi32>
        %lt3A_243 = arith.constant 8 : i32
        %lt3A_244 = vector.broadcast %lt3A_243 : i32 to vector<16xi32>
        %lt3A_245 = arith.cmpi slt, %iota3A, %lt3A_244 : vector<16xi32>
        tpu.vector_store_idx %arg19[%broadcast_in_dim3A_242, %min3A_238], %gather3A_240 masked %lt3A_245 : memref<8x5120xf32, #tpu.memory_space<vmem>>[vector<16xi32>, vector<16xi32>], vector<16xf32>, vector<16xi1>
        %gather3A_246 = tpu.vector_load_idx %arg18[%broadcast_in_dim3A_20, %get3A_9] : memref<4x128xf32, #tpu.memory_space<vmem>>[vector<16xi32>, vector<16xi32>], vector<16xf32>,
        %broadcast_in_dim3A_247 = arith.constant 7 : i32
        %broadcast_in_dim3A_248 = vector.broadcast %broadcast_in_dim3A_247 : i32 to vector<16xi32>
        tpu.vector_store_idx %arg19[%broadcast_in_dim3A_248, %max3A_13], %gather3A_246 masked %ge3A_11 : memref<8x5120xf32, #tpu.memory_space<vmem>>[vector<16xi32>, vector<16xi32>], vector<16xf32>, vector<16xi1>
        %mul3A_249 = arith.constant 8 : i32
        %mul3A_250 = arith.muli %mul3A_249, %add3A_176 : i32
        %dma_start3A_251 = arith.constant 0 : i32
        %dma_start3A_252 = tpu.memref_slice %arg8[%mul3A_250, %dma_start3A_251] : memref<5000x5120xf32, #tpu.memory_space<hbm>> -> memref<8x5120xf32, #tpu.memory_space<hbm>>
        %dma_start3A_253 = arith.constant 0 : i32
        %dma_start3A_254 = tpu.memref_slice %arg8[%mul3A_250, %dma_start3A_253] : memref<5000x5120xf32, #tpu.memory_space<hbm>> -> memref<8x5120xf32, #tpu.memory_space<hbm>>
        tpu.enqueue_dma source(%arg19 : memref<8x5120xf32, #tpu.memory_space<vmem>>) target(%dma_start3A_254 : memref<8x5120xf32, #tpu.memory_space<hbm>>) target_semaphore(%arg28 : memref<!tpu.dma_semaphore, #tpu.memory_space<semaphore_mem>>)
        %dma_wait3A_255 = arith.constant 0 : i32
        %dma_wait3A_256 = arith.constant 0 : i32
        %dma_wait3A_257 = tpu.memref_slice %arg21[%dma_wait3A_255, %dma_wait3A_256] : memref<8x128xf32, #tpu.memory_space<vmem>> -> memref<4x128xf32, #tpu.memory_space<vmem>>
        %dma_wait3A_258 = arith.constant 0 : i32
        %dma_wait3A_259 = arith.constant 0 : i32
        %dma_wait3A_260 = tpu.memref_slice %arg7[%dma_wait3A_258, %dma_wait3A_259] : memref<10000x128xf32, #tpu.memory_space<hbm>> -> memref<10000x128xf32, #tpu.memory_space<hbm>>
        tpu.wait_indirect_dma semaphore(%arg26 : memref<!tpu.dma_semaphore, #tpu.memory_space<semaphore_mem>>) src(%dma_wait3A_260 : memref<10000x128xf32, #tpu.memory_space<hbm>>) dst(%dma_wait3A_257 : memref<4x128xf32, #tpu.memory_space<vmem>>)
        %dma_wait3A_261 = arith.constant 4 : i32
        %dma_wait3A_262 = arith.constant 0 : i32
        %dma_wait3A_263 = tpu.memref_slice %arg21[%dma_wait3A_261, %dma_wait3A_262] : memref<8x128xf32, #tpu.memory_space<vmem>> -> memref<4x128xf32, #tpu.memory_space<vmem>>
        %dma_wait3A_264 = arith.constant 0 : i32
        %dma_wait3A_265 = arith.constant 0 : i32
        %dma_wait3A_266 = tpu.memref_slice %arg7[%dma_wait3A_264, %dma_wait3A_265] : memref<10000x128xf32, #tpu.memory_space<hbm>> -> memref<10000x128xf32, #tpu.memory_space<hbm>>
        tpu.wait_indirect_dma semaphore(%arg27 : memref<!tpu.dma_semaphore, #tpu.memory_space<semaphore_mem>>) src(%dma_wait3A_266 : memref<10000x128xf32, #tpu.memory_space<hbm>>) dst(%dma_wait3A_263 : memref<4x128xf32, #tpu.memory_space<vmem>>)
        %mul3A_267 = arith.constant 8 : i32
        %mul3A_268 = arith.muli %mul3A_267, %add3A_176 : i32
        %dma_start3A_269 = arith.constant 0 : i32
        %dma_start3A_270 = tpu.memref_slice %arg9[%mul3A_268, %dma_start3A_269] : memref<5000x128xf32, #tpu.memory_space<hbm>> -> memref<8x128xf32, #tpu.memory_space<hbm>>
        %dma_start3A_271 = arith.constant 0 : i32
        %dma_start3A_272 = tpu.memref_slice %arg9[%mul3A_268, %dma_start3A_271] : memref<5000x128xf32, #tpu.memory_space<hbm>> -> memref<8x128xf32, #tpu.memory_space<hbm>>
        tpu.enqueue_dma source(%arg21 : memref<8x128xf32, #tpu.memory_space<vmem>>) target(%dma_start3A_272 : memref<8x128xf32, #tpu.memory_space<hbm>>) target_semaphore(%arg29 : memref<!tpu.dma_semaphore, #tpu.memory_space<semaphore_mem>>)
        %dma_wait3A_273 = arith.constant 0 : i32
        %dma_wait3A_274 = tpu.memref_slice %arg9[%mul3A_268, %dma_wait3A_273] : memref<5000x128xf32, #tpu.memory_space<hbm>> -> memref<8x128xf32, #tpu.memory_space<hbm>>
        %dma_wait3A_275 = arith.constant 0 : i32
        %dma_wait3A_276 = tpu.memref_slice %arg9[%mul3A_268, %dma_wait3A_275] : memref<5000x128xf32, #tpu.memory_space<hbm>> -> memref<8x128xf32, #tpu.memory_space<hbm>>
        tpu.wait_dma2 semaphore(%arg29 : memref<!tpu.dma_semaphore, #tpu.memory_space<semaphore_mem>>) src(%arg21 : memref<8x128xf32, #tpu.memory_space<vmem>>) dst(%dma_wait3A_276 : memref<8x128xf32, #tpu.memory_space<hbm>>)
      } else {
      }
      %while3A_148 = arith.constant 0 : i32
      scf.yield %while3A_148 : i32
    }
    %while3A_59 = arith.constant 1 : i32
    %while3A_60 = scf.for %while3A_66 = %while3A_56 to %while3A_52 step %while3A_59 iter_args(%while3A_67 = %while3A_58) -> (i32)  : i32 {
      %add3A_68 = arith.constant 1 : i32
      %add3A_69 = arith.addi %while3A_66, %add3A_68 : i32
      %jit3A_70 = arith.constant 4 : i32
      %eq3A = arith.constant 0 : i32
      %eq3A_71 = arith.cmpi eq, %jit3A_70, %eq3A : i32
      %jit3A_72 = arith.constant 1 : i32
      %select_n3A_73 = arith.select %eq3A_71, %jit3A_72, %jit3A_70 : i32
      %rem3A = arith.remsi %while3A_66, %select_n3A_73 : i32
      %ne3A = arith.constant 0 : i32
      %ne3A_74 = arith.cmpi ne, %rem3A, %ne3A : i32
      %lt3A_75 = arith.constant 0 : i32
      %lt3A_76 = arith.cmpi slt, %rem3A, %lt3A_75 : i32
      %lt3A_77 = arith.constant 0 : i32
      %lt3A_78 = arith.cmpi slt, %select_n3A_73, %lt3A_77 : i32
      %ne3A_79 = arith.xori %lt3A_76, %lt3A_78 : i1
      %and3A = arith.andi %ne3A_79, %ne3A_74 : i1
      %add3A_80 = arith.addi %rem3A, %select_n3A_73 : i32
      %select_n3A_81 = arith.select %and3A, %add3A_80, %rem3A : i32
      %eq3A_82 = arith.constant 0 : i32
      %eq3A_83 = arith.cmpi eq, %select_n3A_81, %eq3A_82 : i32
      %convert_element_type3A = arith.extui %eq3A_83 : i1 to i32
      %cond3A = arith.constant 0 : i32
      %cond3A_84 = arith.cmpi ne, %convert_element_type3A, %cond3A : i32
      scf.if %cond3A_84 {
        %lt3A_149 = arith.cmpi slt, %add3A_69, %mul3A_6 : i32
        %convert_element_type3A_150 = arith.extui %lt3A_149 : i1 to i32
        %cond3A_151 = arith.constant 0 : i32
        %cond3A_152 = arith.cmpi ne, %convert_element_type3A_150, %cond3A_151 : i32
        scf.if %cond3A_152 {
          %mul3A_229 = arith.constant 2 : i32
          %mul3A_230 = arith.muli %mul3A_229, %add3A : i32
          %jit3A_231 = arith.constant 2 : i32
          %div3A = arith.divsi %add3A_69, %jit3A_231 : i32
          %sign3A = arith.constant 0 : i32
          %sign3A_232 = arith.cmpi sgt, %add3A_69, %sign3A : i32
          %sign3A_233 = arith.extui %sign3A_232 : i1 to i32
          %sign3A_234 = arith.constant 0 : i32
          %sign3A_235 = arith.cmpi slt, %add3A_69, %sign3A_234 : i32
          %sign3A_236 = arith.extui %sign3A_235 : i1 to i32
          %sign3A_237 = arith.subi %sign3A_233, %sign3A_236 : i32
          %sign3A_238 = arith.constant 0 : i32
          %sign3A_239 = arith.cmpi sgt, %jit3A_231, %sign3A_238 : i32
          %sign3A_240 = arith.extui %sign3A_239 : i1 to i32
          %sign3A_241 = arith.constant 0 : i32
          %sign3A_242 = arith.cmpi slt, %jit3A_231, %sign3A_241 : i32
          %sign3A_243 = arith.extui %sign3A_242 : i1 to i32
          %sign3A_244 = arith.subi %sign3A_240, %sign3A_243 : i32
          %ne3A_245 = arith.cmpi ne, %sign3A_237, %sign3A_244 : i32
          %rem3A_246 = arith.remsi %add3A_69, %jit3A_231 : i32
          %ne3A_247 = arith.constant 0 : i32
          %ne3A_248 = arith.cmpi ne, %rem3A_246, %ne3A_247 : i32
          %and3A_249 = arith.andi %ne3A_245, %ne3A_248 : i1
          %sub3A = arith.constant 1 : i32
          %sub3A_250 = arith.subi %div3A, %sub3A : i32
          %select_n3A_251 = arith.select %and3A_249, %sub3A_250, %div3A : i32
          %mul3A_252 = arith.constant 64 : i32
          %mul3A_253 = arith.muli %mul3A_252, %select_n3A_251 : i32
          %add3A_254 = arith.addi %mul3A_230, %mul3A_253 : i32
          %jit3A_255 = arith.constant 2 : i32
          %eq3A_256 = arith.constant 0 : i32
          %eq3A_257 = arith.cmpi eq, %jit3A_255, %eq3A_256 : i32
          %jit3A_258 = arith.constant 1 : i32
          %select_n3A_259 = arith.select %eq3A_257, %jit3A_258, %jit3A_255 : i32
          %rem3A_260 = arith.remsi %add3A_69, %select_n3A_259 : i32
          %ne3A_261 = arith.constant 0 : i32
          %ne3A_262 = arith.cmpi ne, %rem3A_260, %ne3A_261 : i32
          %lt3A_263 = arith.constant 0 : i32
          %lt3A_264 = arith.cmpi slt, %rem3A_260, %lt3A_263 : i32
          %lt3A_265 = arith.constant 0 : i32
          %lt3A_266 = arith.cmpi slt, %select_n3A_259, %lt3A_265 : i32
          %ne3A_267 = arith.xori %lt3A_264, %lt3A_266 : i1
          %and3A_268 = arith.andi %ne3A_267, %ne3A_262 : i1
          %add3A_269 = arith.addi %rem3A_260, %select_n3A_259 : i32
          %select_n3A_270 = arith.select %and3A_268, %add3A_269, %rem3A_260 : i32
          %add3A_271 = arith.addi %add3A_254, %select_n3A_270 : i32
          %mul3A_272 = arith.constant 4 : i32
          %mul3A_273 = arith.muli %mul3A_272, %add3A_271 : i32
          %add3A_274 = vector.broadcast %mul3A_273 : i32 to vector<16xi32>
          %add3A_275 = arith.addi %add3A_274, %iota3A : vector<16xi32>
          %min3A_276 = arith.constant 4999 : i32
          %min3A_277 = vector.broadcast %min3A_276 : i32 to vector<16xi32>
          %min3A_278 = arith.minsi %add3A_275, %min3A_277 : vector<16xi32>
          %gather3A_279 = tpu.vector_load_idx %arg10[%min3A_278] : memref<5000xi32, #tpu.memory_space<vmem>>[vector<16xi32>], vector<16xi32>,
          %min3A_280 = arith.constant 3 : i32
          %min3A_281 = vector.broadcast %min3A_280 : i32 to vector<16xi32>
          %min3A_282 = arith.minsi %iota3A, %min3A_281 : vector<16xi32>
          %lt3A_283 = arith.constant 4 : i32
          %lt3A_284 = vector.broadcast %lt3A_283 : i32 to vector<16xi32>
          %lt3A_285 = arith.cmpi slt, %iota3A, %lt3A_284 : vector<16xi32>
          tpu.vector_store_idx %arg14[%min3A_282], %gather3A_279 masked %lt3A_285 : memref<4xi32, #tpu.memory_space<vmem>>[vector<16xi32>], vector<16xi32>, vector<16xi1>
          %dma_start3A_286 = arith.constant 0 : i32
          %dma_start3A_287 = arith.constant 0 : i32
          %dma_start3A_288 = tpu.memref_slice %arg5[%dma_start3A_286, %dma_start3A_287] : memref<10000x10000xf32, #tpu.memory_space<hbm>> -> memref<10000x9984xf32, #tpu.memory_space<hbm>>
          tpu.enqueue_indirect_dma source(%dma_start3A_288 : memref<10000x9984xf32, #tpu.memory_space<hbm>>) target(%arg16 : memref<4x9984xf32, #tpu.memory_space<vmem>>) offsets(%arg14 : memref<4xi32, #tpu.memory_space<vmem>>) semaphore(%arg23 : memref<!tpu.dma_semaphore, #tpu.memory_space<semaphore_mem>>)
          %dma_start3A_289 = arith.constant 0 : i32
          %dma_start3A_290 = arith.constant 0 : i32
          %dma_start3A_291 = tpu.memref_slice %arg6[%dma_start3A_289, %dma_start3A_290] : memref<10000x128xf32, #tpu.memory_space<hbm>> -> memref<10000x128xf32, #tpu.memory_space<hbm>>
          tpu.enqueue_indirect_dma source(%dma_start3A_291 : memref<10000x128xf32, #tpu.memory_space<hbm>>) target(%arg18 : memref<4x128xf32, #tpu.memory_space<vmem>>) offsets(%arg14 : memref<4xi32, #tpu.memory_space<vmem>>) semaphore(%arg25 : memref<!tpu.dma_semaphore, #tpu.memory_space<semaphore_mem>>)
          %dma_start3A_292 = arith.constant 4 : i32
          %dma_start3A_293 = arith.constant 0 : i32
          %dma_start3A_294 = tpu.memref_slice %arg20[%dma_start3A_292, %dma_start3A_293] : memref<8x128xf32, #tpu.memory_space<vmem>> -> memref<4x128xf32, #tpu.memory_space<vmem>>
          %dma_start3A_295 = arith.constant 0 : i32
          %dma_start3A_296 = arith.constant 0 : i32
          %dma_start3A_297 = tpu.memref_slice %arg7[%dma_start3A_295, %dma_start3A_296] : memref<10000x128xf32, #tpu.memory_space<hbm>> -> memref<10000x128xf32, #tpu.memory_space<hbm>>
          tpu.enqueue_indirect_dma source(%dma_start3A_297 : memref<10000x128xf32, #tpu.memory_space<hbm>>) target(%dma_start3A_294 : memref<4x128xf32, #tpu.memory_space<vmem>>) offsets(%arg14 : memref<4xi32, #tpu.memory_space<vmem>>) semaphore(%arg27 : memref<!tpu.dma_semaphore, #tpu.memory_space<semaphore_mem>>)
        } else {
        }
        %dma_wait3A_153 = arith.constant 0 : i32
        %dma_wait3A_154 = arith.constant 0 : i32
        %dma_wait3A_155 = tpu.memref_slice %arg5[%dma_wait3A_153, %dma_wait3A_154] : memref<10000x10000xf32, #tpu.memory_space<hbm>> -> memref<10000x9984xf32, #tpu.memory_space<hbm>>
        tpu.wait_indirect_dma semaphore(%arg22 : memref<!tpu.dma_semaphore, #tpu.memory_space<semaphore_mem>>) src(%dma_wait3A_155 : memref<10000x9984xf32, #tpu.memory_space<hbm>>) dst(%arg15 : memref<4x9984xf32, #tpu.memory_space<vmem>>)
        %dma_wait3A_156 = arith.constant 0 : i32
        %dma_wait3A_157 = arith.constant 0 : i32
        %dma_wait3A_158 = tpu.memref_slice %arg6[%dma_wait3A_156, %dma_wait3A_157] : memref<10000x128xf32, #tpu.memory_space<hbm>> -> memref<10000x128xf32, #tpu.memory_space<hbm>>
        tpu.wait_indirect_dma semaphore(%arg24 : memref<!tpu.dma_semaphore, #tpu.memory_space<semaphore_mem>>) src(%dma_wait3A_158 : memref<10000x128xf32, #tpu.memory_space<hbm>>) dst(%arg17 : memref<4x128xf32, #tpu.memory_space<vmem>>)
        %gt3A = arith.constant 0 : i32
        %gt3A_159 = arith.cmpi sgt, %while3A_66, %gt3A : i32
        %convert_element_type3A_160 = arith.extui %gt3A_159 : i1 to i32
        %cond3A_161 = arith.constant 0 : i32
        %cond3A_162 = arith.cmpi ne, %convert_element_type3A_160, %cond3A_161 : i32
        scf.if %cond3A_162 {
          %dma_wait3A_229 = arith.constant 0 : i32
          %dma_wait3A_230 = arith.constant 0 : i32
          %dma_wait3A_231 = tpu.memref_slice %arg8[%dma_wait3A_229, %dma_wait3A_230] : memref<5000x5120xf32, #tpu.memory_space<hbm>> -> memref<8x5120xf32, #tpu.memory_space<hbm>>
          %dma_wait3A_232 = arith.constant 0 : i32
          %dma_wait3A_233 = arith.constant 0 : i32
          %dma_wait3A_234 = tpu.memref_slice %arg8[%dma_wait3A_232, %dma_wait3A_233] : memref<5000x5120xf32, #tpu.memory_space<hbm>> -> memref<8x5120xf32, #tpu.memory_space<hbm>>
          tpu.wait_dma2 semaphore(%arg28 : memref<!tpu.dma_semaphore, #tpu.memory_space<semaphore_mem>>) src(%arg19 : memref<8x5120xf32, #tpu.memory_space<vmem>>) dst(%dma_wait3A_234 : memref<8x5120xf32, #tpu.memory_space<hbm>>)
        } else {
        }
        %parallel_loop3A = arith.constant 0 : i32
        %parallel_loop3A_163 = arith.constant 312 : i32
        %parallel_loop3A_164 = arith.constant 1 : i32
        scf.for %parallel_loop3A_229 = %parallel_loop3A to %parallel_loop3A_163 step %parallel_loop3A_164  : i32 {
          %parallel_loop3A_230 = arith.constant 16 : i32
          %parallel_loop3A_231 = arith.muli %parallel_loop3A_230, %parallel_loop3A_229 : i32
          %parallel_loop3A_232 = arith.index_cast %parallel_loop3A_231 : i32 to index
          %parallel_loop3A_233 = tpu.vector_load %arg10[%parallel_loop3A_232] {strides = array<i32>} : memref<5000xi32, #tpu.memory_space<vmem>>, vector<16xi32>,
          %parallel_loop3A_234 = tpu.vector_load_idx %arg15[%broadcast_in_dim3A_14, %parallel_loop3A_233] : memref<4x9984xf32, #tpu.memory_space<vmem>>[vector<16xi32>, vector<16xi32>], vector<16xf32>,
          %parallel_loop3A_235 = arith.constant 0 : i32
          %parallel_loop3A_236 = arith.index_cast %parallel_loop3A_235 : i32 to index
          %parallel_loop3A_237 = arith.index_cast %parallel_loop3A_231 : i32 to index
          %parallel_loop3A_238 = tpu.vector_load %arg19[%parallel_loop3A_236, %parallel_loop3A_237] {strides = array<i32>} : memref<8x5120xf32, #tpu.memory_space<vmem>>, vector<16xf32>,
          tpu.vector_store %arg19[%parallel_loop3A_236, %parallel_loop3A_237], %parallel_loop3A_234 {strides = array<i32>} : memref<8x5120xf32, #tpu.memory_space<vmem>>, vector<16xf32>,
          %parallel_loop3A_239 = tpu.vector_load_idx %arg15[%broadcast_in_dim3A_16, %parallel_loop3A_233] : memref<4x9984xf32, #tpu.memory_space<vmem>>[vector<16xi32>, vector<16xi32>], vector<16xf32>,
          %parallel_loop3A_240 = arith.constant 1 : i32
          %parallel_loop3A_241 = arith.index_cast %parallel_loop3A_240 : i32 to index
          %parallel_loop3A_242 = arith.index_cast %parallel_loop3A_231 : i32 to index
          %parallel_loop3A_243 = tpu.vector_load %arg19[%parallel_loop3A_241, %parallel_loop3A_242] {strides = array<i32>} : memref<8x5120xf32, #tpu.memory_space<vmem>>, vector<16xf32>,
          tpu.vector_store %arg19[%parallel_loop3A_241, %parallel_loop3A_242], %parallel_loop3A_239 {strides = array<i32>} : memref<8x5120xf32, #tpu.memory_space<vmem>>, vector<16xf32>,
          %parallel_loop3A_244 = tpu.vector_load_idx %arg15[%broadcast_in_dim3A_18, %parallel_loop3A_233] : memref<4x9984xf32, #tpu.memory_space<vmem>>[vector<16xi32>, vector<16xi32>], vector<16xf32>,
          %parallel_loop3A_245 = arith.constant 2 : i32
          %parallel_loop3A_246 = arith.index_cast %parallel_loop3A_245 : i32 to index
          %parallel_loop3A_247 = arith.index_cast %parallel_loop3A_231 : i32 to index
          %parallel_loop3A_248 = tpu.vector_load %arg19[%parallel_loop3A_246, %parallel_loop3A_247] {strides = array<i32>} : memref<8x5120xf32, #tpu.memory_space<vmem>>, vector<16xf32>,
          tpu.vector_store %arg19[%parallel_loop3A_246, %parallel_loop3A_247], %parallel_loop3A_244 {strides = array<i32>} : memref<8x5120xf32, #tpu.memory_space<vmem>>, vector<16xf32>,
          %parallel_loop3A_249 = tpu.vector_load_idx %arg15[%broadcast_in_dim3A_20, %parallel_loop3A_233] : memref<4x9984xf32, #tpu.memory_space<vmem>>[vector<16xi32>, vector<16xi32>], vector<16xf32>,
          %parallel_loop3A_250 = arith.constant 3 : i32
          %parallel_loop3A_251 = arith.index_cast %parallel_loop3A_250 : i32 to index
          %parallel_loop3A_252 = arith.index_cast %parallel_loop3A_231 : i32 to index
          %parallel_loop3A_253 = tpu.vector_load %arg19[%parallel_loop3A_251, %parallel_loop3A_252] {strides = array<i32>} : memref<8x5120xf32, #tpu.memory_space<vmem>>, vector<16xf32>,
          tpu.vector_store %arg19[%parallel_loop3A_251, %parallel_loop3A_252], %parallel_loop3A_249 {strides = array<i32>} : memref<8x5120xf32, #tpu.memory_space<vmem>>, vector<16xf32>,
        } {sc.loop_unroll_factor = 8 : i64, sc.parallel_access}
        %add3A_165 = arith.constant 4992 : i32
        %add3A_166 = vector.broadcast %add3A_165 : i32 to vector<16xi32>
        %add3A_167 = arith.addi %add3A_166, %iota3A : vector<16xi32>
        %min3A_168 = arith.constant 4999 : i32
        %min3A_169 = vector.broadcast %min3A_168 : i32 to vector<16xi32>
        %min3A_170 = arith.minsi %add3A_167, %min3A_169 : vector<16xi32>
        %gather3A_171 = tpu.vector_load_idx %arg10[%min3A_170] : memref<5000xi32, #tpu.memory_space<vmem>>[vector<16xi32>], vector<16xi32>,
        %gather3A_172 = tpu.vector_load_idx %arg15[%broadcast_in_dim3A_14, %gather3A_171] : memref<4x9984xf32, #tpu.memory_space<vmem>>[vector<16xi32>, vector<16xi32>], vector<16xf32>,
        %broadcast_in_dim3A_173 = arith.constant 0 : i32
        %broadcast_in_dim3A_174 = vector.broadcast %broadcast_in_dim3A_173 : i32 to vector<16xi32>
        %lt3A_175 = arith.constant 8 : i32
        %lt3A_176 = vector.broadcast %lt3A_175 : i32 to vector<16xi32>
        %lt3A_177 = arith.cmpi slt, %iota3A, %lt3A_176 : vector<16xi32>
        tpu.vector_store_idx %arg19[%broadcast_in_dim3A_174, %min3A_170], %gather3A_172 masked %lt3A_177 : memref<8x5120xf32, #tpu.memory_space<vmem>>[vector<16xi32>, vector<16xi32>], vector<16xf32>, vector<16xi1>
        %gather3A_178 = tpu.vector_load_idx %arg17[%broadcast_in_dim3A_14, %get3A_9] : memref<4x128xf32, #tpu.memory_space<vmem>>[vector<16xi32>, vector<16xi32>], vector<16xf32>,
        %broadcast_in_dim3A_179 = arith.constant 0 : i32
        %broadcast_in_dim3A_180 = vector.broadcast %broadcast_in_dim3A_179 : i32 to vector<16xi32>
        tpu.vector_store_idx %arg19[%broadcast_in_dim3A_180, %max3A_13], %gather3A_178 masked %ge3A_11 : memref<8x5120xf32, #tpu.memory_space<vmem>>[vector<16xi32>, vector<16xi32>], vector<16xf32>, vector<16xi1>
        %add3A_181 = arith.constant 4992 : i32
        %add3A_182 = vector.broadcast %add3A_181 : i32 to vector<16xi32>
        %add3A_183 = arith.addi %add3A_182, %iota3A : vector<16xi32>
        %min3A_184 = arith.constant 4999 : i32
        %min3A_185 = vector.broadcast %min3A_184 : i32 to vector<16xi32>
        %min3A_186 = arith.minsi %add3A_183, %min3A_185 : vector<16xi32>
        %gather3A_187 = tpu.vector_load_idx %arg10[%min3A_186] : memref<5000xi32, #tpu.memory_space<vmem>>[vector<16xi32>], vector<16xi32>,
        %gather3A_188 = tpu.vector_load_idx %arg15[%broadcast_in_dim3A_16, %gather3A_187] : memref<4x9984xf32, #tpu.memory_space<vmem>>[vector<16xi32>, vector<16xi32>], vector<16xf32>,
        %broadcast_in_dim3A_189 = arith.constant 1 : i32
        %broadcast_in_dim3A_190 = vector.broadcast %broadcast_in_dim3A_189 : i32 to vector<16xi32>
        %lt3A_191 = arith.constant 8 : i32
        %lt3A_192 = vector.broadcast %lt3A_191 : i32 to vector<16xi32>
        %lt3A_193 = arith.cmpi slt, %iota3A, %lt3A_192 : vector<16xi32>
        tpu.vector_store_idx %arg19[%broadcast_in_dim3A_190, %min3A_186], %gather3A_188 masked %lt3A_193 : memref<8x5120xf32, #tpu.memory_space<vmem>>[vector<16xi32>, vector<16xi32>], vector<16xf32>, vector<16xi1>
        %gather3A_194 = tpu.vector_load_idx %arg17[%broadcast_in_dim3A_16, %get3A_9] : memref<4x128xf32, #tpu.memory_space<vmem>>[vector<16xi32>, vector<16xi32>], vector<16xf32>,
        %broadcast_in_dim3A_195 = arith.constant 1 : i32
        %broadcast_in_dim3A_196 = vector.broadcast %broadcast_in_dim3A_195 : i32 to vector<16xi32>
        tpu.vector_store_idx %arg19[%broadcast_in_dim3A_196, %max3A_13], %gather3A_194 masked %ge3A_11 : memref<8x5120xf32, #tpu.memory_space<vmem>>[vector<16xi32>, vector<16xi32>], vector<16xf32>, vector<16xi1>
        %add3A_197 = arith.constant 4992 : i32
        %add3A_198 = vector.broadcast %add3A_197 : i32 to vector<16xi32>
        %add3A_199 = arith.addi %add3A_198, %iota3A : vector<16xi32>
        %min3A_200 = arith.constant 4999 : i32
        %min3A_201 = vector.broadcast %min3A_200 : i32 to vector<16xi32>
        %min3A_202 = arith.minsi %add3A_199, %min3A_201 : vector<16xi32>
        %gather3A_203 = tpu.vector_load_idx %arg10[%min3A_202] : memref<5000xi32, #tpu.memory_space<vmem>>[vector<16xi32>], vector<16xi32>,
        %gather3A_204 = tpu.vector_load_idx %arg15[%broadcast_in_dim3A_18, %gather3A_203] : memref<4x9984xf32, #tpu.memory_space<vmem>>[vector<16xi32>, vector<16xi32>], vector<16xf32>,
        %broadcast_in_dim3A_205 = arith.constant 2 : i32
        %broadcast_in_dim3A_206 = vector.broadcast %broadcast_in_dim3A_205 : i32 to vector<16xi32>
        %lt3A_207 = arith.constant 8 : i32
        %lt3A_208 = vector.broadcast %lt3A_207 : i32 to vector<16xi32>
        %lt3A_209 = arith.cmpi slt, %iota3A, %lt3A_208 : vector<16xi32>
        tpu.vector_store_idx %arg19[%broadcast_in_dim3A_206, %min3A_202], %gather3A_204 masked %lt3A_209 : memref<8x5120xf32, #tpu.memory_space<vmem>>[vector<16xi32>, vector<16xi32>], vector<16xf32>, vector<16xi1>
        %gather3A_210 = tpu.vector_load_idx %arg17[%broadcast_in_dim3A_18, %get3A_9] : memref<4x128xf32, #tpu.memory_space<vmem>>[vector<16xi32>, vector<16xi32>], vector<16xf32>,
        %broadcast_in_dim3A_211 = arith.constant 2 : i32
        %broadcast_in_dim3A_212 = vector.broadcast %broadcast_in_dim3A_211 : i32 to vector<16xi32>
        tpu.vector_store_idx %arg19[%broadcast_in_dim3A_212, %max3A_13], %gather3A_210 masked %ge3A_11 : memref<8x5120xf32, #tpu.memory_space<vmem>>[vector<16xi32>, vector<16xi32>], vector<16xf32>, vector<16xi1>
        %add3A_213 = arith.constant 4992 : i32
        %add3A_214 = vector.broadcast %add3A_213 : i32 to vector<16xi32>
        %add3A_215 = arith.addi %add3A_214, %iota3A : vector<16xi32>
        %min3A_216 = arith.constant 4999 : i32
        %min3A_217 = vector.broadcast %min3A_216 : i32 to vector<16xi32>
        %min3A_218 = arith.minsi %add3A_215, %min3A_217 : vector<16xi32>
        %gather3A_219 = tpu.vector_load_idx %arg10[%min3A_218] : memref<5000xi32, #tpu.memory_space<vmem>>[vector<16xi32>], vector<16xi32>,
        %gather3A_220 = tpu.vector_load_idx %arg15[%broadcast_in_dim3A_20, %gather3A_219] : memref<4x9984xf32, #tpu.memory_space<vmem>>[vector<16xi32>, vector<16xi32>], vector<16xf32>,
        %broadcast_in_dim3A_221 = arith.constant 3 : i32
        %broadcast_in_dim3A_222 = vector.broadcast %broadcast_in_dim3A_221 : i32 to vector<16xi32>
        %lt3A_223 = arith.constant 8 : i32
        %lt3A_224 = vector.broadcast %lt3A_223 : i32 to vector<16xi32>
        %lt3A_225 = arith.cmpi slt, %iota3A, %lt3A_224 : vector<16xi32>
        tpu.vector_store_idx %arg19[%broadcast_in_dim3A_222, %min3A_218], %gather3A_220 masked %lt3A_225 : memref<8x5120xf32, #tpu.memory_space<vmem>>[vector<16xi32>, vector<16xi32>], vector<16xf32>, vector<16xi1>
        %gather3A_226 = tpu.vector_load_idx %arg17[%broadcast_in_dim3A_20, %get3A_9] : memref<4x128xf32, #tpu.memory_space<vmem>>[vector<16xi32>, vector<16xi32>], vector<16xf32>,
        %broadcast_in_dim3A_227 = arith.constant 3 : i32
        %broadcast_in_dim3A_228 = vector.broadcast %broadcast_in_dim3A_227 : i32 to vector<16xi32>
        tpu.vector_store_idx %arg19[%broadcast_in_dim3A_228, %max3A_13], %gather3A_226 masked %ge3A_11 : memref<8x5120xf32, #tpu.memory_space<vmem>>[vector<16xi32>, vector<16xi32>], vector<16xf32>, vector<16xi1>
      } else {
      }
      %jit3A_85 = arith.constant 4 : i32
      %eq3A_86 = arith.constant 0 : i32
      %eq3A_87 = arith.cmpi eq, %jit3A_85, %eq3A_86 : i32
      %jit3A_88 = arith.constant 1 : i32
      %select_n3A_89 = arith.select %eq3A_87, %jit3A_88, %jit3A_85 : i32
      %rem3A_90 = arith.remsi %while3A_66, %select_n3A_89 : i32
      %ne3A_91 = arith.constant 0 : i32
      %ne3A_92 = arith.cmpi ne, %rem3A_90, %ne3A_91 : i32
      %lt3A_93 = arith.constant 0 : i32
      %lt3A_94 = arith.cmpi slt, %rem3A_90, %lt3A_93 : i32
      %lt3A_95 = arith.constant 0 : i32
      %lt3A_96 = arith.cmpi slt, %select_n3A_89, %lt3A_95 : i32
      %ne3A_97 = arith.xori %lt3A_94, %lt3A_96 : i1
      %and3A_98 = arith.andi %ne3A_97, %ne3A_92 : i1
      %add3A_99 = arith.addi %rem3A_90, %select_n3A_89 : i32
      %select_n3A_100 = arith.select %and3A_98, %add3A_99, %rem3A_90 : i32
      %eq3A_101 = arith.constant 1 : i32
      %eq3A_102 = arith.cmpi eq, %select_n3A_100, %eq3A_101 : i32
      %convert_element_type3A_103 = arith.extui %eq3A_102 : i1 to i32
      %cond3A_104 = arith.constant 0 : i32
      %cond3A_105 = arith.cmpi ne, %convert_element_type3A_103, %cond3A_104 : i32
      scf.if %cond3A_105 {
        %lt3A_149 = arith.cmpi slt, %add3A_69, %mul3A_6 : i32
        %convert_element_type3A_150 = arith.extui %lt3A_149 : i1 to i32
        %cond3A_151 = arith.constant 0 : i32
        %cond3A_152 = arith.cmpi ne, %convert_element_type3A_150, %cond3A_151 : i32
        scf.if %cond3A_152 {
          %mul3A_277 = arith.constant 2 : i32
          %mul3A_278 = arith.muli %mul3A_277, %add3A : i32
          %jit3A_279 = arith.constant 2 : i32
          %div3A_280 = arith.divsi %add3A_69, %jit3A_279 : i32
          %sign3A_281 = arith.constant 0 : i32
          %sign3A_282 = arith.cmpi sgt, %add3A_69, %sign3A_281 : i32
          %sign3A_283 = arith.extui %sign3A_282 : i1 to i32
          %sign3A_284 = arith.constant 0 : i32
          %sign3A_285 = arith.cmpi slt, %add3A_69, %sign3A_284 : i32
          %sign3A_286 = arith.extui %sign3A_285 : i1 to i32
          %sign3A_287 = arith.subi %sign3A_283, %sign3A_286 : i32
          %sign3A_288 = arith.constant 0 : i32
          %sign3A_289 = arith.cmpi sgt, %jit3A_279, %sign3A_288 : i32
          %sign3A_290 = arith.extui %sign3A_289 : i1 to i32
          %sign3A_291 = arith.constant 0 : i32
          %sign3A_292 = arith.cmpi slt, %jit3A_279, %sign3A_291 : i32
          %sign3A_293 = arith.extui %sign3A_292 : i1 to i32
          %sign3A_294 = arith.subi %sign3A_290, %sign3A_293 : i32
          %ne3A_295 = arith.cmpi ne, %sign3A_287, %sign3A_294 : i32
          %rem3A_296 = arith.remsi %add3A_69, %jit3A_279 : i32
          %ne3A_297 = arith.constant 0 : i32
          %ne3A_298 = arith.cmpi ne, %rem3A_296, %ne3A_297 : i32
          %and3A_299 = arith.andi %ne3A_295, %ne3A_298 : i1
          %sub3A_300 = arith.constant 1 : i32
          %sub3A_301 = arith.subi %div3A_280, %sub3A_300 : i32
          %select_n3A_302 = arith.select %and3A_299, %sub3A_301, %div3A_280 : i32
          %mul3A_303 = arith.constant 64 : i32
          %mul3A_304 = arith.muli %mul3A_303, %select_n3A_302 : i32
          %add3A_305 = arith.addi %mul3A_278, %mul3A_304 : i32
          %jit3A_306 = arith.constant 2 : i32
          %eq3A_307 = arith.constant 0 : i32
          %eq3A_308 = arith.cmpi eq, %jit3A_306, %eq3A_307 : i32
          %jit3A_309 = arith.constant 1 : i32
          %select_n3A_310 = arith.select %eq3A_308, %jit3A_309, %jit3A_306 : i32
          %rem3A_311 = arith.remsi %add3A_69, %select_n3A_310 : i32
          %ne3A_312 = arith.constant 0 : i32
          %ne3A_313 = arith.cmpi ne, %rem3A_311, %ne3A_312 : i32
          %lt3A_314 = arith.constant 0 : i32
          %lt3A_315 = arith.cmpi slt, %rem3A_311, %lt3A_314 : i32
          %lt3A_316 = arith.constant 0 : i32
          %lt3A_317 = arith.cmpi slt, %select_n3A_310, %lt3A_316 : i32
          %ne3A_318 = arith.xori %lt3A_315, %lt3A_317 : i1
          %and3A_319 = arith.andi %ne3A_318, %ne3A_313 : i1
          %add3A_320 = arith.addi %rem3A_311, %select_n3A_310 : i32
          %select_n3A_321 = arith.select %and3A_319, %add3A_320, %rem3A_311 : i32
          %add3A_322 = arith.addi %add3A_305, %select_n3A_321 : i32
          %mul3A_323 = arith.constant 4 : i32
          %mul3A_324 = arith.muli %mul3A_323, %add3A_322 : i32
          %add3A_325 = vector.broadcast %mul3A_324 : i32 to vector<16xi32>
          %add3A_326 = arith.addi %add3A_325, %iota3A : vector<16xi32>
          %min3A_327 = arith.constant 4999 : i32
          %min3A_328 = vector.broadcast %min3A_327 : i32 to vector<16xi32>
          %min3A_329 = arith.minsi %add3A_326, %min3A_328 : vector<16xi32>
          %gather3A_330 = tpu.vector_load_idx %arg10[%min3A_329] : memref<5000xi32, #tpu.memory_space<vmem>>[vector<16xi32>], vector<16xi32>,
          %min3A_331 = arith.constant 3 : i32
          %min3A_332 = vector.broadcast %min3A_331 : i32 to vector<16xi32>
          %min3A_333 = arith.minsi %iota3A, %min3A_332 : vector<16xi32>
          %lt3A_334 = arith.constant 4 : i32
          %lt3A_335 = vector.broadcast %lt3A_334 : i32 to vector<16xi32>
          %lt3A_336 = arith.cmpi slt, %iota3A, %lt3A_335 : vector<16xi32>
          tpu.vector_store_idx %arg13[%min3A_333], %gather3A_330 masked %lt3A_336 : memref<4xi32, #tpu.memory_space<vmem>>[vector<16xi32>], vector<16xi32>, vector<16xi1>
          %dma_start3A_337 = arith.constant 0 : i32
          %dma_start3A_338 = arith.constant 0 : i32
          %dma_start3A_339 = tpu.memref_slice %arg5[%dma_start3A_337, %dma_start3A_338] : memref<10000x10000xf32, #tpu.memory_space<hbm>> -> memref<10000x9984xf32, #tpu.memory_space<hbm>>
          tpu.enqueue_indirect_dma source(%dma_start3A_339 : memref<10000x9984xf32, #tpu.memory_space<hbm>>) target(%arg15 : memref<4x9984xf32, #tpu.memory_space<vmem>>) offsets(%arg13 : memref<4xi32, #tpu.memory_space<vmem>>) semaphore(%arg22 : memref<!tpu.dma_semaphore, #tpu.memory_space<semaphore_mem>>)
          %dma_start3A_340 = arith.constant 0 : i32
          %dma_start3A_341 = arith.constant 0 : i32
          %dma_start3A_342 = tpu.memref_slice %arg6[%dma_start3A_340, %dma_start3A_341] : memref<10000x128xf32, #tpu.memory_space<hbm>> -> memref<10000x128xf32, #tpu.memory_space<hbm>>
          tpu.enqueue_indirect_dma source(%dma_start3A_342 : memref<10000x128xf32, #tpu.memory_space<hbm>>) target(%arg17 : memref<4x128xf32, #tpu.memory_space<vmem>>) offsets(%arg13 : memref<4xi32, #tpu.memory_space<vmem>>) semaphore(%arg24 : memref<!tpu.dma_semaphore, #tpu.memory_space<semaphore_mem>>)
          %dma_start3A_343 = arith.constant 0 : i32
          %dma_start3A_344 = arith.constant 0 : i32
          %dma_start3A_345 = tpu.memref_slice %arg21[%dma_start3A_343, %dma_start3A_344] : memref<8x128xf32, #tpu.memory_space<vmem>> -> memref<4x128xf32, #tpu.memory_space<vmem>>
          %dma_start3A_346 = arith.constant 0 : i32
          %dma_start3A_347 = arith.constant 0 : i32
          %dma_start3A_348 = tpu.memref_slice %arg7[%dma_start3A_346, %dma_start3A_347] : memref<10000x128xf32, #tpu.memory_space<hbm>> -> memref<10000x128xf32, #tpu.memory_space<hbm>>
          tpu.enqueue_indirect_dma source(%dma_start3A_348 : memref<10000x128xf32, #tpu.memory_space<hbm>>) target(%dma_start3A_345 : memref<4x128xf32, #tpu.memory_space<vmem>>) offsets(%arg13 : memref<4xi32, #tpu.memory_space<vmem>>) semaphore(%arg26 : memref<!tpu.dma_semaphore, #tpu.memory_space<semaphore_mem>>)
        } else {
        }
        %jit3A_153 = arith.constant 2 : i32
        %div3A = arith.divsi %while3A_66, %jit3A_153 : i32
        %sign3A = arith.constant 0 : i32
        %sign3A_154 = arith.cmpi sgt, %while3A_66, %sign3A : i32
        %sign3A_155 = arith.extui %sign3A_154 : i1 to i32
        %sign3A_156 = arith.constant 0 : i32
        %sign3A_157 = arith.cmpi slt, %while3A_66, %sign3A_156 : i32
        %sign3A_158 = arith.extui %sign3A_157 : i1 to i32
        %sign3A_159 = arith.subi %sign3A_155, %sign3A_158 : i32
        %sign3A_160 = arith.constant 0 : i32
        %sign3A_161 = arith.cmpi sgt, %jit3A_153, %sign3A_160 : i32
        %sign3A_162 = arith.extui %sign3A_161 : i1 to i32
        %sign3A_163 = arith.constant 0 : i32
        %sign3A_164 = arith.cmpi slt, %jit3A_153, %sign3A_163 : i32
        %sign3A_165 = arith.extui %sign3A_164 : i1 to i32
        %sign3A_166 = arith.subi %sign3A_162, %sign3A_165 : i32
        %ne3A_167 = arith.cmpi ne, %sign3A_159, %sign3A_166 : i32
        %rem3A_168 = arith.remsi %while3A_66, %jit3A_153 : i32
        %ne3A_169 = arith.constant 0 : i32
        %ne3A_170 = arith.cmpi ne, %rem3A_168, %ne3A_169 : i32
        %and3A_171 = arith.andi %ne3A_167, %ne3A_170 : i1
        %sub3A = arith.constant 1 : i32
        %sub3A_172 = arith.subi %div3A, %sub3A : i32
        %select_n3A_173 = arith.select %and3A_171, %sub3A_172, %div3A : i32
        %mul3A_174 = arith.constant 32 : i32
        %mul3A_175 = arith.muli %mul3A_174, %select_n3A_173 : i32
        %add3A_176 = arith.addi %add3A, %mul3A_175 : i32
        %dma_wait3A_177 = arith.constant 0 : i32
        %dma_wait3A_178 = arith.constant 0 : i32
        %dma_wait3A_179 = tpu.memref_slice %arg5[%dma_wait3A_177, %dma_wait3A_178] : memref<10000x10000xf32, #tpu.memory_space<hbm>> -> memref<10000x9984xf32, #tpu.memory_space<hbm>>
        tpu.wait_indirect_dma semaphore(%arg23 : memref<!tpu.dma_semaphore, #tpu.memory_space<semaphore_mem>>) src(%dma_wait3A_179 : memref<10000x9984xf32, #tpu.memory_space<hbm>>) dst(%arg16 : memref<4x9984xf32, #tpu.memory_space<vmem>>)
        %dma_wait3A_180 = arith.constant 0 : i32
        %dma_wait3A_181 = arith.constant 0 : i32
        %dma_wait3A_182 = tpu.memref_slice %arg6[%dma_wait3A_180, %dma_wait3A_181] : memref<10000x128xf32, #tpu.memory_space<hbm>> -> memref<10000x128xf32, #tpu.memory_space<hbm>>
        tpu.wait_indirect_dma semaphore(%arg25 : memref<!tpu.dma_semaphore, #tpu.memory_space<semaphore_mem>>) src(%dma_wait3A_182 : memref<10000x128xf32, #tpu.memory_space<hbm>>) dst(%arg18 : memref<4x128xf32, #tpu.memory_space<vmem>>)
        %parallel_loop3A = arith.constant 0 : i32
        %parallel_loop3A_183 = arith.constant 312 : i32
        %parallel_loop3A_184 = arith.constant 1 : i32
        scf.for %parallel_loop3A_277 = %parallel_loop3A to %parallel_loop3A_183 step %parallel_loop3A_184  : i32 {
          %parallel_loop3A_278 = arith.constant 16 : i32
          %parallel_loop3A_279 = arith.muli %parallel_loop3A_278, %parallel_loop3A_277 : i32
          %parallel_loop3A_280 = arith.index_cast %parallel_loop3A_279 : i32 to index
          %parallel_loop3A_281 = tpu.vector_load %arg10[%parallel_loop3A_280] {strides = array<i32>} : memref<5000xi32, #tpu.memory_space<vmem>>, vector<16xi32>,
          %parallel_loop3A_282 = tpu.vector_load_idx %arg16[%broadcast_in_dim3A_14, %parallel_loop3A_281] : memref<4x9984xf32, #tpu.memory_space<vmem>>[vector<16xi32>, vector<16xi32>], vector<16xf32>,
          %parallel_loop3A_283 = arith.constant 4 : i32
          %parallel_loop3A_284 = arith.index_cast %parallel_loop3A_283 : i32 to index
          %parallel_loop3A_285 = arith.index_cast %parallel_loop3A_279 : i32 to index
          %parallel_loop3A_286 = tpu.vector_load %arg19[%parallel_loop3A_284, %parallel_loop3A_285] {strides = array<i32>} : memref<8x5120xf32, #tpu.memory_space<vmem>>, vector<16xf32>,
          tpu.vector_store %arg19[%parallel_loop3A_284, %parallel_loop3A_285], %parallel_loop3A_282 {strides = array<i32>} : memref<8x5120xf32, #tpu.memory_space<vmem>>, vector<16xf32>,
          %parallel_loop3A_287 = tpu.vector_load_idx %arg16[%broadcast_in_dim3A_16, %parallel_loop3A_281] : memref<4x9984xf32, #tpu.memory_space<vmem>>[vector<16xi32>, vector<16xi32>], vector<16xf32>,
          %parallel_loop3A_288 = arith.constant 5 : i32
          %parallel_loop3A_289 = arith.index_cast %parallel_loop3A_288 : i32 to index
          %parallel_loop3A_290 = arith.index_cast %parallel_loop3A_279 : i32 to index
          %parallel_loop3A_291 = tpu.vector_load %arg19[%parallel_loop3A_289, %parallel_loop3A_290] {strides = array<i32>} : memref<8x5120xf32, #tpu.memory_space<vmem>>, vector<16xf32>,
          tpu.vector_store %arg19[%parallel_loop3A_289, %parallel_loop3A_290], %parallel_loop3A_287 {strides = array<i32>} : memref<8x5120xf32, #tpu.memory_space<vmem>>, vector<16xf32>,
          %parallel_loop3A_292 = tpu.vector_load_idx %arg16[%broadcast_in_dim3A_18, %parallel_loop3A_281] : memref<4x9984xf32, #tpu.memory_space<vmem>>[vector<16xi32>, vector<16xi32>], vector<16xf32>,
          %parallel_loop3A_293 = arith.constant 6 : i32
          %parallel_loop3A_294 = arith.index_cast %parallel_loop3A_293 : i32 to index
          %parallel_loop3A_295 = arith.index_cast %parallel_loop3A_279 : i32 to index
          %parallel_loop3A_296 = tpu.vector_load %arg19[%parallel_loop3A_294, %parallel_loop3A_295] {strides = array<i32>} : memref<8x5120xf32, #tpu.memory_space<vmem>>, vector<16xf32>,
          tpu.vector_store %arg19[%parallel_loop3A_294, %parallel_loop3A_295], %parallel_loop3A_292 {strides = array<i32>} : memref<8x5120xf32, #tpu.memory_space<vmem>>, vector<16xf32>,
          %parallel_loop3A_297 = tpu.vector_load_idx %arg16[%broadcast_in_dim3A_20, %parallel_loop3A_281] : memref<4x9984xf32, #tpu.memory_space<vmem>>[vector<16xi32>, vector<16xi32>], vector<16xf32>,
          %parallel_loop3A_298 = arith.constant 7 : i32
          %parallel_loop3A_299 = arith.index_cast %parallel_loop3A_298 : i32 to index
          %parallel_loop3A_300 = arith.index_cast %parallel_loop3A_279 : i32 to index
          %parallel_loop3A_301 = tpu.vector_load %arg19[%parallel_loop3A_299, %parallel_loop3A_300] {strides = array<i32>} : memref<8x5120xf32, #tpu.memory_space<vmem>>, vector<16xf32>,
          tpu.vector_store %arg19[%parallel_loop3A_299, %parallel_loop3A_300], %parallel_loop3A_297 {strides = array<i32>} : memref<8x5120xf32, #tpu.memory_space<vmem>>, vector<16xf32>,
        } {sc.loop_unroll_factor = 8 : i64, sc.parallel_access}
        %add3A_185 = arith.constant 4992 : i32
        %add3A_186 = vector.broadcast %add3A_185 : i32 to vector<16xi32>
        %add3A_187 = arith.addi %add3A_186, %iota3A : vector<16xi32>
        %min3A_188 = arith.constant 4999 : i32
        %min3A_189 = vector.broadcast %min3A_188 : i32 to vector<16xi32>
        %min3A_190 = arith.minsi %add3A_187, %min3A_189 : vector<16xi32>
        %gather3A_191 = tpu.vector_load_idx %arg10[%min3A_190] : memref<5000xi32, #tpu.memory_space<vmem>>[vector<16xi32>], vector<16xi32>,
        %gather3A_192 = tpu.vector_load_idx %arg16[%broadcast_in_dim3A_14, %gather3A_191] : memref<4x9984xf32, #tpu.memory_space<vmem>>[vector<16xi32>, vector<16xi32>], vector<16xf32>,
        %broadcast_in_dim3A_193 = arith.constant 4 : i32
        %broadcast_in_dim3A_194 = vector.broadcast %broadcast_in_dim3A_193 : i32 to vector<16xi32>
        %lt3A_195 = arith.constant 8 : i32
        %lt3A_196 = vector.broadcast %lt3A_195 : i32 to vector<16xi32>
        %lt3A_197 = arith.cmpi slt, %iota3A, %lt3A_196 : vector<16xi32>
        tpu.vector_store_idx %arg19[%broadcast_in_dim3A_194, %min3A_190], %gather3A_192 masked %lt3A_197 : memref<8x5120xf32, #tpu.memory_space<vmem>>[vector<16xi32>, vector<16xi32>], vector<16xf32>, vector<16xi1>
        %gather3A_198 = tpu.vector_load_idx %arg18[%broadcast_in_dim3A_14, %get3A_9] : memref<4x128xf32, #tpu.memory_space<vmem>>[vector<16xi32>, vector<16xi32>], vector<16xf32>,
        %broadcast_in_dim3A_199 = arith.constant 4 : i32
        %broadcast_in_dim3A_200 = vector.broadcast %broadcast_in_dim3A_199 : i32 to vector<16xi32>
        tpu.vector_store_idx %arg19[%broadcast_in_dim3A_200, %max3A_13], %gather3A_198 masked %ge3A_11 : memref<8x5120xf32, #tpu.memory_space<vmem>>[vector<16xi32>, vector<16xi32>], vector<16xf32>, vector<16xi1>
        %add3A_201 = arith.constant 4992 : i32
        %add3A_202 = vector.broadcast %add3A_201 : i32 to vector<16xi32>
        %add3A_203 = arith.addi %add3A_202, %iota3A : vector<16xi32>
        %min3A_204 = arith.constant 4999 : i32
        %min3A_205 = vector.broadcast %min3A_204 : i32 to vector<16xi32>
        %min3A_206 = arith.minsi %add3A_203, %min3A_205 : vector<16xi32>
        %gather3A_207 = tpu.vector_load_idx %arg10[%min3A_206] : memref<5000xi32, #tpu.memory_space<vmem>>[vector<16xi32>], vector<16xi32>,
        %gather3A_208 = tpu.vector_load_idx %arg16[%broadcast_in_dim3A_16, %gather3A_207] : memref<4x9984xf32, #tpu.memory_space<vmem>>[vector<16xi32>, vector<16xi32>], vector<16xf32>,
        %broadcast_in_dim3A_209 = arith.constant 5 : i32
        %broadcast_in_dim3A_210 = vector.broadcast %broadcast_in_dim3A_209 : i32 to vector<16xi32>
        %lt3A_211 = arith.constant 8 : i32
        %lt3A_212 = vector.broadcast %lt3A_211 : i32 to vector<16xi32>
        %lt3A_213 = arith.cmpi slt, %iota3A, %lt3A_212 : vector<16xi32>
        tpu.vector_store_idx %arg19[%broadcast_in_dim3A_210, %min3A_206], %gather3A_208 masked %lt3A_213 : memref<8x5120xf32, #tpu.memory_space<vmem>>[vector<16xi32>, vector<16xi32>], vector<16xf32>, vector<16xi1>
        %gather3A_214 = tpu.vector_load_idx %arg18[%broadcast_in_dim3A_16, %get3A_9] : memref<4x128xf32, #tpu.memory_space<vmem>>[vector<16xi32>, vector<16xi32>], vector<16xf32>,
        %broadcast_in_dim3A_215 = arith.constant 5 : i32
        %broadcast_in_dim3A_216 = vector.broadcast %broadcast_in_dim3A_215 : i32 to vector<16xi32>
        tpu.vector_store_idx %arg19[%broadcast_in_dim3A_216, %max3A_13], %gather3A_214 masked %ge3A_11 : memref<8x5120xf32, #tpu.memory_space<vmem>>[vector<16xi32>, vector<16xi32>], vector<16xf32>, vector<16xi1>
        %add3A_217 = arith.constant 4992 : i32
        %add3A_218 = vector.broadcast %add3A_217 : i32 to vector<16xi32>
        %add3A_219 = arith.addi %add3A_218, %iota3A : vector<16xi32>
        %min3A_220 = arith.constant 4999 : i32
        %min3A_221 = vector.broadcast %min3A_220 : i32 to vector<16xi32>
        %min3A_222 = arith.minsi %add3A_219, %min3A_221 : vector<16xi32>
        %gather3A_223 = tpu.vector_load_idx %arg10[%min3A_222] : memref<5000xi32, #tpu.memory_space<vmem>>[vector<16xi32>], vector<16xi32>,
        %gather3A_224 = tpu.vector_load_idx %arg16[%broadcast_in_dim3A_18, %gather3A_223] : memref<4x9984xf32, #tpu.memory_space<vmem>>[vector<16xi32>, vector<16xi32>], vector<16xf32>,
        %broadcast_in_dim3A_225 = arith.constant 6 : i32
        %broadcast_in_dim3A_226 = vector.broadcast %broadcast_in_dim3A_225 : i32 to vector<16xi32>
        %lt3A_227 = arith.constant 8 : i32
        %lt3A_228 = vector.broadcast %lt3A_227 : i32 to vector<16xi32>
        %lt3A_229 = arith.cmpi slt, %iota3A, %lt3A_228 : vector<16xi32>
        tpu.vector_store_idx %arg19[%broadcast_in_dim3A_226, %min3A_222], %gather3A_224 masked %lt3A_229 : memref<8x5120xf32, #tpu.memory_space<vmem>>[vector<16xi32>, vector<16xi32>], vector<16xf32>, vector<16xi1>
        %gather3A_230 = tpu.vector_load_idx %arg18[%broadcast_in_dim3A_18, %get3A_9] : memref<4x128xf32, #tpu.memory_space<vmem>>[vector<16xi32>, vector<16xi32>], vector<16xf32>,
        %broadcast_in_dim3A_231 = arith.constant 6 : i32
        %broadcast_in_dim3A_232 = vector.broadcast %broadcast_in_dim3A_231 : i32 to vector<16xi32>
        tpu.vector_store_idx %arg19[%broadcast_in_dim3A_232, %max3A_13], %gather3A_230 masked %ge3A_11 : memref<8x5120xf32, #tpu.memory_space<vmem>>[vector<16xi32>, vector<16xi32>], vector<16xf32>, vector<16xi1>
        %add3A_233 = arith.constant 4992 : i32
        %add3A_234 = vector.broadcast %add3A_233 : i32 to vector<16xi32>
        %add3A_235 = arith.addi %add3A_234, %iota3A : vector<16xi32>
        %min3A_236 = arith.constant 4999 : i32
        %min3A_237 = vector.broadcast %min3A_236 : i32 to vector<16xi32>
        %min3A_238 = arith.minsi %add3A_235, %min3A_237 : vector<16xi32>
        %gather3A_239 = tpu.vector_load_idx %arg10[%min3A_238] : memref<5000xi32, #tpu.memory_space<vmem>>[vector<16xi32>], vector<16xi32>,
        %gather3A_240 = tpu.vector_load_idx %arg16[%broadcast_in_dim3A_20, %gather3A_239] : memref<4x9984xf32, #tpu.memory_space<vmem>>[vector<16xi32>, vector<16xi32>], vector<16xf32>,
        %broadcast_in_dim3A_241 = arith.constant 7 : i32
        %broadcast_in_dim3A_242 = vector.broadcast %broadcast_in_dim3A_241 : i32 to vector<16xi32>
        %lt3A_243 = arith.constant 8 : i32
        %lt3A_244 = vector.broadcast %lt3A_243 : i32 to vector<16xi32>
        %lt3A_245 = arith.cmpi slt, %iota3A, %lt3A_244 : vector<16xi32>
        tpu.vector_store_idx %arg19[%broadcast_in_dim3A_242, %min3A_238], %gather3A_240 masked %lt3A_245 : memref<8x5120xf32, #tpu.memory_space<vmem>>[vector<16xi32>, vector<16xi32>], vector<16xf32>, vector<16xi1>
        %gather3A_246 = tpu.vector_load_idx %arg18[%broadcast_in_dim3A_20, %get3A_9] : memref<4x128xf32, #tpu.memory_space<vmem>>[vector<16xi32>, vector<16xi32>], vector<16xf32>,
        %broadcast_in_dim3A_247 = arith.constant 7 : i32
        %broadcast_in_dim3A_248 = vector.broadcast %broadcast_in_dim3A_247 : i32 to vector<16xi32>
        tpu.vector_store_idx %arg19[%broadcast_in_dim3A_248, %max3A_13], %gather3A_246 masked %ge3A_11 : memref<8x5120xf32, #tpu.memory_space<vmem>>[vector<16xi32>, vector<16xi32>], vector<16xf32>, vector<16xi1>
        %mul3A_249 = arith.constant 8 : i32
        %mul3A_250 = arith.muli %mul3A_249, %add3A_176 : i32
        %dma_start3A_251 = arith.constant 0 : i32
        %dma_start3A_252 = tpu.memref_slice %arg8[%mul3A_250, %dma_start3A_251] : memref<5000x5120xf32, #tpu.memory_space<hbm>> -> memref<8x5120xf32, #tpu.memory_space<hbm>>
        %dma_start3A_253 = arith.constant 0 : i32
        %dma_start3A_254 = tpu.memref_slice %arg8[%mul3A_250, %dma_start3A_253] : memref<5000x5120xf32, #tpu.memory_space<hbm>> -> memref<8x5120xf32, #tpu.memory_space<hbm>>
        tpu.enqueue_dma source(%arg19 : memref<8x5120xf32, #tpu.memory_space<vmem>>) target(%dma_start3A_254 : memref<8x5120xf32, #tpu.memory_space<hbm>>) target_semaphore(%arg28 : memref<!tpu.dma_semaphore, #tpu.memory_space<semaphore_mem>>)
        %dma_wait3A_255 = arith.constant 0 : i32
        %dma_wait3A_256 = arith.constant 0 : i32
        %dma_wait3A_257 = tpu.memref_slice %arg20[%dma_wait3A_255, %dma_wait3A_256] : memref<8x128xf32, #tpu.memory_space<vmem>> -> memref<4x128xf32, #tpu.memory_space<vmem>>
        %dma_wait3A_258 = arith.constant 0 : i32
        %dma_wait3A_259 = arith.constant 0 : i32
        %dma_wait3A_260 = tpu.memref_slice %arg7[%dma_wait3A_258, %dma_wait3A_259] : memref<10000x128xf32, #tpu.memory_space<hbm>> -> memref<10000x128xf32, #tpu.memory_space<hbm>>
        tpu.wait_indirect_dma semaphore(%arg26 : memref<!tpu.dma_semaphore, #tpu.memory_space<semaphore_mem>>) src(%dma_wait3A_260 : memref<10000x128xf32, #tpu.memory_space<hbm>>) dst(%dma_wait3A_257 : memref<4x128xf32, #tpu.memory_space<vmem>>)
        %dma_wait3A_261 = arith.constant 4 : i32
        %dma_wait3A_262 = arith.constant 0 : i32
        %dma_wait3A_263 = tpu.memref_slice %arg20[%dma_wait3A_261, %dma_wait3A_262] : memref<8x128xf32, #tpu.memory_space<vmem>> -> memref<4x128xf32, #tpu.memory_space<vmem>>
        %dma_wait3A_264 = arith.constant 0 : i32
        %dma_wait3A_265 = arith.constant 0 : i32
        %dma_wait3A_266 = tpu.memref_slice %arg7[%dma_wait3A_264, %dma_wait3A_265] : memref<10000x128xf32, #tpu.memory_space<hbm>> -> memref<10000x128xf32, #tpu.memory_space<hbm>>
        tpu.wait_indirect_dma semaphore(%arg27 : memref<!tpu.dma_semaphore, #tpu.memory_space<semaphore_mem>>) src(%dma_wait3A_266 : memref<10000x128xf32, #tpu.memory_space<hbm>>) dst(%dma_wait3A_263 : memref<4x128xf32, #tpu.memory_space<vmem>>)
        %mul3A_267 = arith.constant 8 : i32
        %mul3A_268 = arith.muli %mul3A_267, %add3A_176 : i32
        %dma_start3A_269 = arith.constant 0 : i32
        %dma_start3A_270 = tpu.memref_slice %arg9[%mul3A_268, %dma_start3A_269] : memref<5000x128xf32, #tpu.memory_space<hbm>> -> memref<8x128xf32, #tpu.memory_space<hbm>>
        %dma_start3A_271 = arith.constant 0 : i32
        %dma_start3A_272 = tpu.memref_slice %arg9[%mul3A_268, %dma_start3A_271] : memref<5000x128xf32, #tpu.memory_space<hbm>> -> memref<8x128xf32, #tpu.memory_space<hbm>>
        tpu.enqueue_dma source(%arg20 : memref<8x128xf32, #tpu.memory_space<vmem>>) target(%dma_start3A_272 : memref<8x128xf32, #tpu.memory_space<hbm>>) target_semaphore(%arg29 : memref<!tpu.dma_semaphore, #tpu.memory_space<semaphore_mem>>)
        %dma_wait3A_273 = arith.constant 0 : i32
        %dma_wait3A_274 = tpu.memref_slice %arg9[%mul3A_268, %dma_wait3A_273] : memref<5000x128xf32, #tpu.memory_space<hbm>> -> memref<8x128xf32, #tpu.memory_space<hbm>>
        %dma_wait3A_275 = arith.constant 0 : i32
        %dma_wait3A_276 = tpu.memref_slice %arg9[%mul3A_268, %dma_wait3A_275] : memref<5000x128xf32, #tpu.memory_space<hbm>> -> memref<8x128xf32, #tpu.memory_space<hbm>>
        tpu.wait_dma2 semaphore(%arg29 : memref<!tpu.dma_semaphore, #tpu.memory_space<semaphore_mem>>) src(%arg20 : memref<8x128xf32, #tpu.memory_space<vmem>>) dst(%dma_wait3A_276 : memref<8x128xf32, #tpu.memory_space<hbm>>)
      } else {
      }
      %jit3A_106 = arith.constant 4 : i32
      %eq3A_107 = arith.constant 0 : i32
      %eq3A_108 = arith.cmpi eq, %jit3A_106, %eq3A_107 : i32
      %jit3A_109 = arith.constant 1 : i32
      %select_n3A_110 = arith.select %eq3A_108, %jit3A_109, %jit3A_106 : i32
      %rem3A_111 = arith.remsi %while3A_66, %select_n3A_110 : i32
      %ne3A_112 = arith.constant 0 : i32
      %ne3A_113 = arith.cmpi ne, %rem3A_111, %ne3A_112 : i32
      %lt3A_114 = arith.constant 0 : i32
      %lt3A_115 = arith.cmpi slt, %rem3A_111, %lt3A_114 : i32
      %lt3A_116 = arith.constant 0 : i32
      %lt3A_117 = arith.cmpi slt, %select_n3A_110, %lt3A_116 : i32
      %ne3A_118 = arith.xori %lt3A_115, %lt3A_117 : i1
      %and3A_119 = arith.andi %ne3A_118, %ne3A_113 : i1
      %add3A_120 = arith.addi %rem3A_111, %select_n3A_110 : i32
      %select_n3A_121 = arith.select %and3A_119, %add3A_120, %rem3A_111 : i32
      %eq3A_122 = arith.constant 2 : i32
      %eq3A_123 = arith.cmpi eq, %select_n3A_121, %eq3A_122 : i32
      %convert_element_type3A_124 = arith.extui %eq3A_123 : i1 to i32
      %cond3A_125 = arith.constant 0 : i32
      %cond3A_126 = arith.cmpi ne, %convert_element_type3A_124, %cond3A_125 : i32
      scf.if %cond3A_126 {
        %lt3A_149 = arith.cmpi slt, %add3A_69, %mul3A_6 : i32
        %convert_element_type3A_150 = arith.extui %lt3A_149 : i1 to i32
        %cond3A_151 = arith.constant 0 : i32
        %cond3A_152 = arith.cmpi ne, %convert_element_type3A_150, %cond3A_151 : i32
        scf.if %cond3A_152 {
          %mul3A_229 = arith.constant 2 : i32
          %mul3A_230 = arith.muli %mul3A_229, %add3A : i32
          %jit3A_231 = arith.constant 2 : i32
          %div3A = arith.divsi %add3A_69, %jit3A_231 : i32
          %sign3A = arith.constant 0 : i32
          %sign3A_232 = arith.cmpi sgt, %add3A_69, %sign3A : i32
          %sign3A_233 = arith.extui %sign3A_232 : i1 to i32
          %sign3A_234 = arith.constant 0 : i32
          %sign3A_235 = arith.cmpi slt, %add3A_69, %sign3A_234 : i32
          %sign3A_236 = arith.extui %sign3A_235 : i1 to i32
          %sign3A_237 = arith.subi %sign3A_233, %sign3A_236 : i32
          %sign3A_238 = arith.constant 0 : i32
          %sign3A_239 = arith.cmpi sgt, %jit3A_231, %sign3A_238 : i32
          %sign3A_240 = arith.extui %sign3A_239 : i1 to i32
          %sign3A_241 = arith.constant 0 : i32
          %sign3A_242 = arith.cmpi slt, %jit3A_231, %sign3A_241 : i32
          %sign3A_243 = arith.extui %sign3A_242 : i1 to i32
          %sign3A_244 = arith.subi %sign3A_240, %sign3A_243 : i32
          %ne3A_245 = arith.cmpi ne, %sign3A_237, %sign3A_244 : i32
          %rem3A_246 = arith.remsi %add3A_69, %jit3A_231 : i32
          %ne3A_247 = arith.constant 0 : i32
          %ne3A_248 = arith.cmpi ne, %rem3A_246, %ne3A_247 : i32
          %and3A_249 = arith.andi %ne3A_245, %ne3A_248 : i1
          %sub3A = arith.constant 1 : i32
          %sub3A_250 = arith.subi %div3A, %sub3A : i32
          %select_n3A_251 = arith.select %and3A_249, %sub3A_250, %div3A : i32
          %mul3A_252 = arith.constant 64 : i32
          %mul3A_253 = arith.muli %mul3A_252, %select_n3A_251 : i32
          %add3A_254 = arith.addi %mul3A_230, %mul3A_253 : i32
          %jit3A_255 = arith.constant 2 : i32
          %eq3A_256 = arith.constant 0 : i32
          %eq3A_257 = arith.cmpi eq, %jit3A_255, %eq3A_256 : i32
          %jit3A_258 = arith.constant 1 : i32
          %select_n3A_259 = arith.select %eq3A_257, %jit3A_258, %jit3A_255 : i32
          %rem3A_260 = arith.remsi %add3A_69, %select_n3A_259 : i32
          %ne3A_261 = arith.constant 0 : i32
          %ne3A_262 = arith.cmpi ne, %rem3A_260, %ne3A_261 : i32
          %lt3A_263 = arith.constant 0 : i32
          %lt3A_264 = arith.cmpi slt, %rem3A_260, %lt3A_263 : i32
          %lt3A_265 = arith.constant 0 : i32
          %lt3A_266 = arith.cmpi slt, %select_n3A_259, %lt3A_265 : i32
          %ne3A_267 = arith.xori %lt3A_264, %lt3A_266 : i1
          %and3A_268 = arith.andi %ne3A_267, %ne3A_262 : i1
          %add3A_269 = arith.addi %rem3A_260, %select_n3A_259 : i32
          %select_n3A_270 = arith.select %and3A_268, %add3A_269, %rem3A_260 : i32
          %add3A_271 = arith.addi %add3A_254, %select_n3A_270 : i32
          %mul3A_272 = arith.constant 4 : i32
          %mul3A_273 = arith.muli %mul3A_272, %add3A_271 : i32
          %add3A_274 = vector.broadcast %mul3A_273 : i32 to vector<16xi32>
          %add3A_275 = arith.addi %add3A_274, %iota3A : vector<16xi32>
          %min3A_276 = arith.constant 4999 : i32
          %min3A_277 = vector.broadcast %min3A_276 : i32 to vector<16xi32>
          %min3A_278 = arith.minsi %add3A_275, %min3A_277 : vector<16xi32>
          %gather3A_279 = tpu.vector_load_idx %arg10[%min3A_278] : memref<5000xi32, #tpu.memory_space<vmem>>[vector<16xi32>], vector<16xi32>,
          %min3A_280 = arith.constant 3 : i32
          %min3A_281 = vector.broadcast %min3A_280 : i32 to vector<16xi32>
          %min3A_282 = arith.minsi %iota3A, %min3A_281 : vector<16xi32>
          %lt3A_283 = arith.constant 4 : i32
          %lt3A_284 = vector.broadcast %lt3A_283 : i32 to vector<16xi32>
          %lt3A_285 = arith.cmpi slt, %iota3A, %lt3A_284 : vector<16xi32>
          tpu.vector_store_idx %arg14[%min3A_282], %gather3A_279 masked %lt3A_285 : memref<4xi32, #tpu.memory_space<vmem>>[vector<16xi32>], vector<16xi32>, vector<16xi1>
          %dma_start3A_286 = arith.constant 0 : i32
          %dma_start3A_287 = arith.constant 0 : i32
          %dma_start3A_288 = tpu.memref_slice %arg5[%dma_start3A_286, %dma_start3A_287] : memref<10000x10000xf32, #tpu.memory_space<hbm>> -> memref<10000x9984xf32, #tpu.memory_space<hbm>>
          tpu.enqueue_indirect_dma source(%dma_start3A_288 : memref<10000x9984xf32, #tpu.memory_space<hbm>>) target(%arg16 : memref<4x9984xf32, #tpu.memory_space<vmem>>) offsets(%arg14 : memref<4xi32, #tpu.memory_space<vmem>>) semaphore(%arg23 : memref<!tpu.dma_semaphore, #tpu.memory_space<semaphore_mem>>)
          %dma_start3A_289 = arith.constant 0 : i32
          %dma_start3A_290 = arith.constant 0 : i32
          %dma_start3A_291 = tpu.memref_slice %arg6[%dma_start3A_289, %dma_start3A_290] : memref<10000x128xf32, #tpu.memory_space<hbm>> -> memref<10000x128xf32, #tpu.memory_space<hbm>>
          tpu.enqueue_indirect_dma source(%dma_start3A_291 : memref<10000x128xf32, #tpu.memory_space<hbm>>) target(%arg18 : memref<4x128xf32, #tpu.memory_space<vmem>>) offsets(%arg14 : memref<4xi32, #tpu.memory_space<vmem>>) semaphore(%arg25 : memref<!tpu.dma_semaphore, #tpu.memory_space<semaphore_mem>>)
          %dma_start3A_292 = arith.constant 4 : i32
          %dma_start3A_293 = arith.constant 0 : i32
          %dma_start3A_294 = tpu.memref_slice %arg21[%dma_start3A_292, %dma_start3A_293] : memref<8x128xf32, #tpu.memory_space<vmem>> -> memref<4x128xf32, #tpu.memory_space<vmem>>
          %dma_start3A_295 = arith.constant 0 : i32
          %dma_start3A_296 = arith.constant 0 : i32
          %dma_start3A_297 = tpu.memref_slice %arg7[%dma_start3A_295, %dma_start3A_296] : memref<10000x128xf32, #tpu.memory_space<hbm>> -> memref<10000x128xf32, #tpu.memory_space<hbm>>
          tpu.enqueue_indirect_dma source(%dma_start3A_297 : memref<10000x128xf32, #tpu.memory_space<hbm>>) target(%dma_start3A_294 : memref<4x128xf32, #tpu.memory_space<vmem>>) offsets(%arg14 : memref<4xi32, #tpu.memory_space<vmem>>) semaphore(%arg27 : memref<!tpu.dma_semaphore, #tpu.memory_space<semaphore_mem>>)
        } else {
        }
        %dma_wait3A_153 = arith.constant 0 : i32
        %dma_wait3A_154 = arith.constant 0 : i32
        %dma_wait3A_155 = tpu.memref_slice %arg5[%dma_wait3A_153, %dma_wait3A_154] : memref<10000x10000xf32, #tpu.memory_space<hbm>> -> memref<10000x9984xf32, #tpu.memory_space<hbm>>
        tpu.wait_indirect_dma semaphore(%arg22 : memref<!tpu.dma_semaphore, #tpu.memory_space<semaphore_mem>>) src(%dma_wait3A_155 : memref<10000x9984xf32, #tpu.memory_space<hbm>>) dst(%arg15 : memref<4x9984xf32, #tpu.memory_space<vmem>>)
        %dma_wait3A_156 = arith.constant 0 : i32
        %dma_wait3A_157 = arith.constant 0 : i32
        %dma_wait3A_158 = tpu.memref_slice %arg6[%dma_wait3A_156, %dma_wait3A_157] : memref<10000x128xf32, #tpu.memory_space<hbm>> -> memref<10000x128xf32, #tpu.memory_space<hbm>>
        tpu.wait_indirect_dma semaphore(%arg24 : memref<!tpu.dma_semaphore, #tpu.memory_space<semaphore_mem>>) src(%dma_wait3A_158 : memref<10000x128xf32, #tpu.memory_space<hbm>>) dst(%arg17 : memref<4x128xf32, #tpu.memory_space<vmem>>)
        %gt3A = arith.constant 0 : i32
        %gt3A_159 = arith.cmpi sgt, %while3A_66, %gt3A : i32
        %convert_element_type3A_160 = arith.extui %gt3A_159 : i1 to i32
        %cond3A_161 = arith.constant 0 : i32
        %cond3A_162 = arith.cmpi ne, %convert_element_type3A_160, %cond3A_161 : i32
        scf.if %cond3A_162 {
          %dma_wait3A_229 = arith.constant 0 : i32
          %dma_wait3A_230 = arith.constant 0 : i32
          %dma_wait3A_231 = tpu.memref_slice %arg8[%dma_wait3A_229, %dma_wait3A_230] : memref<5000x5120xf32, #tpu.memory_space<hbm>> -> memref<8x5120xf32, #tpu.memory_space<hbm>>
          %dma_wait3A_232 = arith.constant 0 : i32
          %dma_wait3A_233 = arith.constant 0 : i32
          %dma_wait3A_234 = tpu.memref_slice %arg8[%dma_wait3A_232, %dma_wait3A_233] : memref<5000x5120xf32, #tpu.memory_space<hbm>> -> memref<8x5120xf32, #tpu.memory_space<hbm>>
          tpu.wait_dma2 semaphore(%arg28 : memref<!tpu.dma_semaphore, #tpu.memory_space<semaphore_mem>>) src(%arg19 : memref<8x5120xf32, #tpu.memory_space<vmem>>) dst(%dma_wait3A_234 : memref<8x5120xf32, #tpu.memory_space<hbm>>)
        } else {
        }
        %parallel_loop3A = arith.constant 0 : i32
        %parallel_loop3A_163 = arith.constant 312 : i32
        %parallel_loop3A_164 = arith.constant 1 : i32
        scf.for %parallel_loop3A_229 = %parallel_loop3A to %parallel_loop3A_163 step %parallel_loop3A_164  : i32 {
          %parallel_loop3A_230 = arith.constant 16 : i32
          %parallel_loop3A_231 = arith.muli %parallel_loop3A_230, %parallel_loop3A_229 : i32
          %parallel_loop3A_232 = arith.index_cast %parallel_loop3A_231 : i32 to index
          %parallel_loop3A_233 = tpu.vector_load %arg10[%parallel_loop3A_232] {strides = array<i32>} : memref<5000xi32, #tpu.memory_space<vmem>>, vector<16xi32>,
          %parallel_loop3A_234 = tpu.vector_load_idx %arg15[%broadcast_in_dim3A_14, %parallel_loop3A_233] : memref<4x9984xf32, #tpu.memory_space<vmem>>[vector<16xi32>, vector<16xi32>], vector<16xf32>,
          %parallel_loop3A_235 = arith.constant 0 : i32
          %parallel_loop3A_236 = arith.index_cast %parallel_loop3A_235 : i32 to index
          %parallel_loop3A_237 = arith.index_cast %parallel_loop3A_231 : i32 to index
          %parallel_loop3A_238 = tpu.vector_load %arg19[%parallel_loop3A_236, %parallel_loop3A_237] {strides = array<i32>} : memref<8x5120xf32, #tpu.memory_space<vmem>>, vector<16xf32>,
          tpu.vector_store %arg19[%parallel_loop3A_236, %parallel_loop3A_237], %parallel_loop3A_234 {strides = array<i32>} : memref<8x5120xf32, #tpu.memory_space<vmem>>, vector<16xf32>,
          %parallel_loop3A_239 = tpu.vector_load_idx %arg15[%broadcast_in_dim3A_16, %parallel_loop3A_233] : memref<4x9984xf32, #tpu.memory_space<vmem>>[vector<16xi32>, vector<16xi32>], vector<16xf32>,
          %parallel_loop3A_240 = arith.constant 1 : i32
          %parallel_loop3A_241 = arith.index_cast %parallel_loop3A_240 : i32 to index
          %parallel_loop3A_242 = arith.index_cast %parallel_loop3A_231 : i32 to index
          %parallel_loop3A_243 = tpu.vector_load %arg19[%parallel_loop3A_241, %parallel_loop3A_242] {strides = array<i32>} : memref<8x5120xf32, #tpu.memory_space<vmem>>, vector<16xf32>,
          tpu.vector_store %arg19[%parallel_loop3A_241, %parallel_loop3A_242], %parallel_loop3A_239 {strides = array<i32>} : memref<8x5120xf32, #tpu.memory_space<vmem>>, vector<16xf32>,
          %parallel_loop3A_244 = tpu.vector_load_idx %arg15[%broadcast_in_dim3A_18, %parallel_loop3A_233] : memref<4x9984xf32, #tpu.memory_space<vmem>>[vector<16xi32>, vector<16xi32>], vector<16xf32>,
          %parallel_loop3A_245 = arith.constant 2 : i32
          %parallel_loop3A_246 = arith.index_cast %parallel_loop3A_245 : i32 to index
          %parallel_loop3A_247 = arith.index_cast %parallel_loop3A_231 : i32 to index
          %parallel_loop3A_248 = tpu.vector_load %arg19[%parallel_loop3A_246, %parallel_loop3A_247] {strides = array<i32>} : memref<8x5120xf32, #tpu.memory_space<vmem>>, vector<16xf32>,
          tpu.vector_store %arg19[%parallel_loop3A_246, %parallel_loop3A_247], %parallel_loop3A_244 {strides = array<i32>} : memref<8x5120xf32, #tpu.memory_space<vmem>>, vector<16xf32>,
          %parallel_loop3A_249 = tpu.vector_load_idx %arg15[%broadcast_in_dim3A_20, %parallel_loop3A_233] : memref<4x9984xf32, #tpu.memory_space<vmem>>[vector<16xi32>, vector<16xi32>], vector<16xf32>,
          %parallel_loop3A_250 = arith.constant 3 : i32
          %parallel_loop3A_251 = arith.index_cast %parallel_loop3A_250 : i32 to index
          %parallel_loop3A_252 = arith.index_cast %parallel_loop3A_231 : i32 to index
          %parallel_loop3A_253 = tpu.vector_load %arg19[%parallel_loop3A_251, %parallel_loop3A_252] {strides = array<i32>} : memref<8x5120xf32, #tpu.memory_space<vmem>>, vector<16xf32>,
          tpu.vector_store %arg19[%parallel_loop3A_251, %parallel_loop3A_252], %parallel_loop3A_249 {strides = array<i32>} : memref<8x5120xf32, #tpu.memory_space<vmem>>, vector<16xf32>,
        } {sc.loop_unroll_factor = 8 : i64, sc.parallel_access}
        %add3A_165 = arith.constant 4992 : i32
        %add3A_166 = vector.broadcast %add3A_165 : i32 to vector<16xi32>
        %add3A_167 = arith.addi %add3A_166, %iota3A : vector<16xi32>
        %min3A_168 = arith.constant 4999 : i32
        %min3A_169 = vector.broadcast %min3A_168 : i32 to vector<16xi32>
        %min3A_170 = arith.minsi %add3A_167, %min3A_169 : vector<16xi32>
        %gather3A_171 = tpu.vector_load_idx %arg10[%min3A_170] : memref<5000xi32, #tpu.memory_space<vmem>>[vector<16xi32>], vector<16xi32>,
        %gather3A_172 = tpu.vector_load_idx %arg15[%broadcast_in_dim3A_14, %gather3A_171] : memref<4x9984xf32, #tpu.memory_space<vmem>>[vector<16xi32>, vector<16xi32>], vector<16xf32>,
        %broadcast_in_dim3A_173 = arith.constant 0 : i32
        %broadcast_in_dim3A_174 = vector.broadcast %broadcast_in_dim3A_173 : i32 to vector<16xi32>
        %lt3A_175 = arith.constant 8 : i32
        %lt3A_176 = vector.broadcast %lt3A_175 : i32 to vector<16xi32>
        %lt3A_177 = arith.cmpi slt, %iota3A, %lt3A_176 : vector<16xi32>
        tpu.vector_store_idx %arg19[%broadcast_in_dim3A_174, %min3A_170], %gather3A_172 masked %lt3A_177 : memref<8x5120xf32, #tpu.memory_space<vmem>>[vector<16xi32>, vector<16xi32>], vector<16xf32>, vector<16xi1>
        %gather3A_178 = tpu.vector_load_idx %arg17[%broadcast_in_dim3A_14, %get3A_9] : memref<4x128xf32, #tpu.memory_space<vmem>>[vector<16xi32>, vector<16xi32>], vector<16xf32>,
        %broadcast_in_dim3A_179 = arith.constant 0 : i32
        %broadcast_in_dim3A_180 = vector.broadcast %broadcast_in_dim3A_179 : i32 to vector<16xi32>
        tpu.vector_store_idx %arg19[%broadcast_in_dim3A_180, %max3A_13], %gather3A_178 masked %ge3A_11 : memref<8x5120xf32, #tpu.memory_space<vmem>>[vector<16xi32>, vector<16xi32>], vector<16xf32>, vector<16xi1>
        %add3A_181 = arith.constant 4992 : i32
        %add3A_182 = vector.broadcast %add3A_181 : i32 to vector<16xi32>
        %add3A_183 = arith.addi %add3A_182, %iota3A : vector<16xi32>
        %min3A_184 = arith.constant 4999 : i32
        %min3A_185 = vector.broadcast %min3A_184 : i32 to vector<16xi32>
        %min3A_186 = arith.minsi %add3A_183, %min3A_185 : vector<16xi32>
        %gather3A_187 = tpu.vector_load_idx %arg10[%min3A_186] : memref<5000xi32, #tpu.memory_space<vmem>>[vector<16xi32>], vector<16xi32>,
        %gather3A_188 = tpu.vector_load_idx %arg15[%broadcast_in_dim3A_16, %gather3A_187] : memref<4x9984xf32, #tpu.memory_space<vmem>>[vector<16xi32>, vector<16xi32>], vector<16xf32>,
        %broadcast_in_dim3A_189 = arith.constant 1 : i32
        %broadcast_in_dim3A_190 = vector.broadcast %broadcast_in_dim3A_189 : i32 to vector<16xi32>
        %lt3A_191 = arith.constant 8 : i32
        %lt3A_192 = vector.broadcast %lt3A_191 : i32 to vector<16xi32>
        %lt3A_193 = arith.cmpi slt, %iota3A, %lt3A_192 : vector<16xi32>
        tpu.vector_store_idx %arg19[%broadcast_in_dim3A_190, %min3A_186], %gather3A_188 masked %lt3A_193 : memref<8x5120xf32, #tpu.memory_space<vmem>>[vector<16xi32>, vector<16xi32>], vector<16xf32>, vector<16xi1>
        %gather3A_194 = tpu.vector_load_idx %arg17[%broadcast_in_dim3A_16, %get3A_9] : memref<4x128xf32, #tpu.memory_space<vmem>>[vector<16xi32>, vector<16xi32>], vector<16xf32>,
        %broadcast_in_dim3A_195 = arith.constant 1 : i32
        %broadcast_in_dim3A_196 = vector.broadcast %broadcast_in_dim3A_195 : i32 to vector<16xi32>
        tpu.vector_store_idx %arg19[%broadcast_in_dim3A_196, %max3A_13], %gather3A_194 masked %ge3A_11 : memref<8x5120xf32, #tpu.memory_space<vmem>>[vector<16xi32>, vector<16xi32>], vector<16xf32>, vector<16xi1>
        %add3A_197 = arith.constant 4992 : i32
        %add3A_198 = vector.broadcast %add3A_197 : i32 to vector<16xi32>
        %add3A_199 = arith.addi %add3A_198, %iota3A : vector<16xi32>
        %min3A_200 = arith.constant 4999 : i32
        %min3A_201 = vector.broadcast %min3A_200 : i32 to vector<16xi32>
        %min3A_202 = arith.minsi %add3A_199, %min3A_201 : vector<16xi32>
        %gather3A_203 = tpu.vector_load_idx %arg10[%min3A_202] : memref<5000xi32, #tpu.memory_space<vmem>>[vector<16xi32>], vector<16xi32>,
        %gather3A_204 = tpu.vector_load_idx %arg15[%broadcast_in_dim3A_18, %gather3A_203] : memref<4x9984xf32, #tpu.memory_space<vmem>>[vector<16xi32>, vector<16xi32>], vector<16xf32>,
        %broadcast_in_dim3A_205 = arith.constant 2 : i32
        %broadcast_in_dim3A_206 = vector.broadcast %broadcast_in_dim3A_205 : i32 to vector<16xi32>
        %lt3A_207 = arith.constant 8 : i32
        %lt3A_208 = vector.broadcast %lt3A_207 : i32 to vector<16xi32>
        %lt3A_209 = arith.cmpi slt, %iota3A, %lt3A_208 : vector<16xi32>
        tpu.vector_store_idx %arg19[%broadcast_in_dim3A_206, %min3A_202], %gather3A_204 masked %lt3A_209 : memref<8x5120xf32, #tpu.memory_space<vmem>>[vector<16xi32>, vector<16xi32>], vector<16xf32>, vector<16xi1>
        %gather3A_210 = tpu.vector_load_idx %arg17[%broadcast_in_dim3A_18, %get3A_9] : memref<4x128xf32, #tpu.memory_space<vmem>>[vector<16xi32>, vector<16xi32>], vector<16xf32>,
        %broadcast_in_dim3A_211 = arith.constant 2 : i32
        %broadcast_in_dim3A_212 = vector.broadcast %broadcast_in_dim3A_211 : i32 to vector<16xi32>
        tpu.vector_store_idx %arg19[%broadcast_in_dim3A_212, %max3A_13], %gather3A_210 masked %ge3A_11 : memref<8x5120xf32, #tpu.memory_space<vmem>>[vector<16xi32>, vector<16xi32>], vector<16xf32>, vector<16xi1>
        %add3A_213 = arith.constant 4992 : i32
        %add3A_214 = vector.broadcast %add3A_213 : i32 to vector<16xi32>
        %add3A_215 = arith.addi %add3A_214, %iota3A : vector<16xi32>
        %min3A_216 = arith.constant 4999 : i32
        %min3A_217 = vector.broadcast %min3A_216 : i32 to vector<16xi32>
        %min3A_218 = arith.minsi %add3A_215, %min3A_217 : vector<16xi32>
        %gather3A_219 = tpu.vector_load_idx %arg10[%min3A_218] : memref<5000xi32, #tpu.memory_space<vmem>>[vector<16xi32>], vector<16xi32>,
        %gather3A_220 = tpu.vector_load_idx %arg15[%broadcast_in_dim3A_20, %gather3A_219] : memref<4x9984xf32, #tpu.memory_space<vmem>>[vector<16xi32>, vector<16xi32>], vector<16xf32>,
        %broadcast_in_dim3A_221 = arith.constant 3 : i32
        %broadcast_in_dim3A_222 = vector.broadcast %broadcast_in_dim3A_221 : i32 to vector<16xi32>
        %lt3A_223 = arith.constant 8 : i32
        %lt3A_224 = vector.broadcast %lt3A_223 : i32 to vector<16xi32>
        %lt3A_225 = arith.cmpi slt, %iota3A, %lt3A_224 : vector<16xi32>
        tpu.vector_store_idx %arg19[%broadcast_in_dim3A_222, %min3A_218], %gather3A_220 masked %lt3A_225 : memref<8x5120xf32, #tpu.memory_space<vmem>>[vector<16xi32>, vector<16xi32>], vector<16xf32>, vector<16xi1>
        %gather3A_226 = tpu.vector_load_idx %arg17[%broadcast_in_dim3A_20, %get3A_9] : memref<4x128xf32, #tpu.memory_space<vmem>>[vector<16xi32>, vector<16xi32>], vector<16xf32>,
        %broadcast_in_dim3A_227 = arith.constant 3 : i32
        %broadcast_in_dim3A_228 = vector.broadcast %broadcast_in_dim3A_227 : i32 to vector<16xi32>
        tpu.vector_store_idx %arg19[%broadcast_in_dim3A_228, %max3A_13], %gather3A_226 masked %ge3A_11 : memref<8x5120xf32, #tpu.memory_space<vmem>>[vector<16xi32>, vector<16xi32>], vector<16xf32>, vector<16xi1>
      } else {
      }
      %jit3A_127 = arith.constant 4 : i32
      %eq3A_128 = arith.constant 0 : i32
      %eq3A_129 = arith.cmpi eq, %jit3A_127, %eq3A_128 : i32
      %jit3A_130 = arith.constant 1 : i32
      %select_n3A_131 = arith.select %eq3A_129, %jit3A_130, %jit3A_127 : i32
      %rem3A_132 = arith.remsi %while3A_66, %select_n3A_131 : i32
      %ne3A_133 = arith.constant 0 : i32
      %ne3A_134 = arith.cmpi ne, %rem3A_132, %ne3A_133 : i32
      %lt3A_135 = arith.constant 0 : i32
      %lt3A_136 = arith.cmpi slt, %rem3A_132, %lt3A_135 : i32
      %lt3A_137 = arith.constant 0 : i32
      %lt3A_138 = arith.cmpi slt, %select_n3A_131, %lt3A_137 : i32
      %ne3A_139 = arith.xori %lt3A_136, %lt3A_138 : i1
      %and3A_140 = arith.andi %ne3A_139, %ne3A_134 : i1
      %add3A_141 = arith.addi %rem3A_132, %select_n3A_131 : i32
      %select_n3A_142 = arith.select %and3A_140, %add3A_141, %rem3A_132 : i32
      %eq3A_143 = arith.constant 3 : i32
      %eq3A_144 = arith.cmpi eq, %select_n3A_142, %eq3A_143 : i32
      %convert_element_type3A_145 = arith.extui %eq3A_144 : i1 to i32
      %cond3A_146 = arith.constant 0 : i32
      %cond3A_147 = arith.cmpi ne, %convert_element_type3A_145, %cond3A_146 : i32
      scf.if %cond3A_147 {
        %lt3A_149 = arith.cmpi slt, %add3A_69, %mul3A_6 : i32
        %convert_element_type3A_150 = arith.extui %lt3A_149 : i1 to i32
        %cond3A_151 = arith.constant 0 : i32
        %cond3A_152 = arith.cmpi ne, %convert_element_type3A_150, %cond3A_151 : i32
        scf.if %cond3A_152 {
          %mul3A_277 = arith.constant 2 : i32
          %mul3A_278 = arith.muli %mul3A_277, %add3A : i32
          %jit3A_279 = arith.constant 2 : i32
          %div3A_280 = arith.divsi %add3A_69, %jit3A_279 : i32
          %sign3A_281 = arith.constant 0 : i32
          %sign3A_282 = arith.cmpi sgt, %add3A_69, %sign3A_281 : i32
          %sign3A_283 = arith.extui %sign3A_282 : i1 to i32
          %sign3A_284 = arith.constant 0 : i32
          %sign3A_285 = arith.cmpi slt, %add3A_69, %sign3A_284 : i32
          %sign3A_286 = arith.extui %sign3A_285 : i1 to i32
          %sign3A_287 = arith.subi %sign3A_283, %sign3A_286 : i32
          %sign3A_288 = arith.constant 0 : i32
          %sign3A_289 = arith.cmpi sgt, %jit3A_279, %sign3A_288 : i32
          %sign3A_290 = arith.extui %sign3A_289 : i1 to i32
          %sign3A_291 = arith.constant 0 : i32
          %sign3A_292 = arith.cmpi slt, %jit3A_279, %sign3A_291 : i32
          %sign3A_293 = arith.extui %sign3A_292 : i1 to i32
          %sign3A_294 = arith.subi %sign3A_290, %sign3A_293 : i32
          %ne3A_295 = arith.cmpi ne, %sign3A_287, %sign3A_294 : i32
          %rem3A_296 = arith.remsi %add3A_69, %jit3A_279 : i32
          %ne3A_297 = arith.constant 0 : i32
          %ne3A_298 = arith.cmpi ne, %rem3A_296, %ne3A_297 : i32
          %and3A_299 = arith.andi %ne3A_295, %ne3A_298 : i1
          %sub3A_300 = arith.constant 1 : i32
          %sub3A_301 = arith.subi %div3A_280, %sub3A_300 : i32
          %select_n3A_302 = arith.select %and3A_299, %sub3A_301, %div3A_280 : i32
          %mul3A_303 = arith.constant 64 : i32
          %mul3A_304 = arith.muli %mul3A_303, %select_n3A_302 : i32
          %add3A_305 = arith.addi %mul3A_278, %mul3A_304 : i32
          %jit3A_306 = arith.constant 2 : i32
          %eq3A_307 = arith.constant 0 : i32
          %eq3A_308 = arith.cmpi eq, %jit3A_306, %eq3A_307 : i32
          %jit3A_309 = arith.constant 1 : i32
          %select_n3A_310 = arith.select %eq3A_308, %jit3A_309, %jit3A_306 : i32
          %rem3A_311 = arith.remsi %add3A_69, %select_n3A_310 : i32
          %ne3A_312 = arith.constant 0 : i32
          %ne3A_313 = arith.cmpi ne, %rem3A_311, %ne3A_312 : i32
          %lt3A_314 = arith.constant 0 : i32
          %lt3A_315 = arith.cmpi slt, %rem3A_311, %lt3A_314 : i32
          %lt3A_316 = arith.constant 0 : i32
          %lt3A_317 = arith.cmpi slt, %select_n3A_310, %lt3A_316 : i32
          %ne3A_318 = arith.xori %lt3A_315, %lt3A_317 : i1
          %and3A_319 = arith.andi %ne3A_318, %ne3A_313 : i1
          %add3A_320 = arith.addi %rem3A_311, %select_n3A_310 : i32
          %select_n3A_321 = arith.select %and3A_319, %add3A_320, %rem3A_311 : i32
          %add3A_322 = arith.addi %add3A_305, %select_n3A_321 : i32
          %mul3A_323 = arith.constant 4 : i32
          %mul3A_324 = arith.muli %mul3A_323, %add3A_322 : i32
          %add3A_325 = vector.broadcast %mul3A_324 : i32 to vector<16xi32>
          %add3A_326 = arith.addi %add3A_325, %iota3A : vector<16xi32>
          %min3A_327 = arith.constant 4999 : i32
          %min3A_328 = vector.broadcast %min3A_327 : i32 to vector<16xi32>
          %min3A_329 = arith.minsi %add3A_326, %min3A_328 : vector<16xi32>
          %gather3A_330 = tpu.vector_load_idx %arg10[%min3A_329] : memref<5000xi32, #tpu.memory_space<vmem>>[vector<16xi32>], vector<16xi32>,
          %min3A_331 = arith.constant 3 : i32
          %min3A_332 = vector.broadcast %min3A_331 : i32 to vector<16xi32>
          %min3A_333 = arith.minsi %iota3A, %min3A_332 : vector<16xi32>
          %lt3A_334 = arith.constant 4 : i32
          %lt3A_335 = vector.broadcast %lt3A_334 : i32 to vector<16xi32>
          %lt3A_336 = arith.cmpi slt, %iota3A, %lt3A_335 : vector<16xi32>
          tpu.vector_store_idx %arg13[%min3A_333], %gather3A_330 masked %lt3A_336 : memref<4xi32, #tpu.memory_space<vmem>>[vector<16xi32>], vector<16xi32>, vector<16xi1>
          %dma_start3A_337 = arith.constant 0 : i32
          %dma_start3A_338 = arith.constant 0 : i32
          %dma_start3A_339 = tpu.memref_slice %arg5[%dma_start3A_337, %dma_start3A_338] : memref<10000x10000xf32, #tpu.memory_space<hbm>> -> memref<10000x9984xf32, #tpu.memory_space<hbm>>
          tpu.enqueue_indirect_dma source(%dma_start3A_339 : memref<10000x9984xf32, #tpu.memory_space<hbm>>) target(%arg15 : memref<4x9984xf32, #tpu.memory_space<vmem>>) offsets(%arg13 : memref<4xi32, #tpu.memory_space<vmem>>) semaphore(%arg22 : memref<!tpu.dma_semaphore, #tpu.memory_space<semaphore_mem>>)
          %dma_start3A_340 = arith.constant 0 : i32
          %dma_start3A_341 = arith.constant 0 : i32
          %dma_start3A_342 = tpu.memref_slice %arg6[%dma_start3A_340, %dma_start3A_341] : memref<10000x128xf32, #tpu.memory_space<hbm>> -> memref<10000x128xf32, #tpu.memory_space<hbm>>
          tpu.enqueue_indirect_dma source(%dma_start3A_342 : memref<10000x128xf32, #tpu.memory_space<hbm>>) target(%arg17 : memref<4x128xf32, #tpu.memory_space<vmem>>) offsets(%arg13 : memref<4xi32, #tpu.memory_space<vmem>>) semaphore(%arg24 : memref<!tpu.dma_semaphore, #tpu.memory_space<semaphore_mem>>)
          %dma_start3A_343 = arith.constant 0 : i32
          %dma_start3A_344 = arith.constant 0 : i32
          %dma_start3A_345 = tpu.memref_slice %arg20[%dma_start3A_343, %dma_start3A_344] : memref<8x128xf32, #tpu.memory_space<vmem>> -> memref<4x128xf32, #tpu.memory_space<vmem>>
          %dma_start3A_346 = arith.constant 0 : i32
          %dma_start3A_347 = arith.constant 0 : i32
          %dma_start3A_348 = tpu.memref_slice %arg7[%dma_start3A_346, %dma_start3A_347] : memref<10000x128xf32, #tpu.memory_space<hbm>> -> memref<10000x128xf32, #tpu.memory_space<hbm>>
          tpu.enqueue_indirect_dma source(%dma_start3A_348 : memref<10000x128xf32, #tpu.memory_space<hbm>>) target(%dma_start3A_345 : memref<4x128xf32, #tpu.memory_space<vmem>>) offsets(%arg13 : memref<4xi32, #tpu.memory_space<vmem>>) semaphore(%arg26 : memref<!tpu.dma_semaphore, #tpu.memory_space<semaphore_mem>>)
        } else {
        }
        %jit3A_153 = arith.constant 2 : i32
        %div3A = arith.divsi %while3A_66, %jit3A_153 : i32
        %sign3A = arith.constant 0 : i32
        %sign3A_154 = arith.cmpi sgt, %while3A_66, %sign3A : i32
        %sign3A_155 = arith.extui %sign3A_154 : i1 to i32
        %sign3A_156 = arith.constant 0 : i32
        %sign3A_157 = arith.cmpi slt, %while3A_66, %sign3A_156 : i32
        %sign3A_158 = arith.extui %sign3A_157 : i1 to i32
        %sign3A_159 = arith.subi %sign3A_155, %sign3A_158 : i32
        %sign3A_160 = arith.constant 0 : i32
        %sign3A_161 = arith.cmpi sgt, %jit3A_153, %sign3A_160 : i32
        %sign3A_162 = arith.extui %sign3A_161 : i1 to i32
        %sign3A_163 = arith.constant 0 : i32
        %sign3A_164 = arith.cmpi slt, %jit3A_153, %sign3A_163 : i32
        %sign3A_165 = arith.extui %sign3A_164 : i1 to i32
        %sign3A_166 = arith.subi %sign3A_162, %sign3A_165 : i32
        %ne3A_167 = arith.cmpi ne, %sign3A_159, %sign3A_166 : i32
        %rem3A_168 = arith.remsi %while3A_66, %jit3A_153 : i32
        %ne3A_169 = arith.constant 0 : i32
        %ne3A_170 = arith.cmpi ne, %rem3A_168, %ne3A_169 : i32
        %and3A_171 = arith.andi %ne3A_167, %ne3A_170 : i1
        %sub3A = arith.constant 1 : i32
        %sub3A_172 = arith.subi %div3A, %sub3A : i32
        %select_n3A_173 = arith.select %and3A_171, %sub3A_172, %div3A : i32
        %mul3A_174 = arith.constant 32 : i32
        %mul3A_175 = arith.muli %mul3A_174, %select_n3A_173 : i32
        %add3A_176 = arith.addi %add3A, %mul3A_175 : i32
        %dma_wait3A_177 = arith.constant 0 : i32
        %dma_wait3A_178 = arith.constant 0 : i32
        %dma_wait3A_179 = tpu.memref_slice %arg5[%dma_wait3A_177, %dma_wait3A_178] : memref<10000x10000xf32, #tpu.memory_space<hbm>> -> memref<10000x9984xf32, #tpu.memory_space<hbm>>
        tpu.wait_indirect_dma semaphore(%arg23 : memref<!tpu.dma_semaphore, #tpu.memory_space<semaphore_mem>>) src(%dma_wait3A_179 : memref<10000x9984xf32, #tpu.memory_space<hbm>>) dst(%arg16 : memref<4x9984xf32, #tpu.memory_space<vmem>>)
        %dma_wait3A_180 = arith.constant 0 : i32
        %dma_wait3A_181 = arith.constant 0 : i32
        %dma_wait3A_182 = tpu.memref_slice %arg6[%dma_wait3A_180, %dma_wait3A_181] : memref<10000x128xf32, #tpu.memory_space<hbm>> -> memref<10000x128xf32, #tpu.memory_space<hbm>>
        tpu.wait_indirect_dma semaphore(%arg25 : memref<!tpu.dma_semaphore, #tpu.memory_space<semaphore_mem>>) src(%dma_wait3A_182 : memref<10000x128xf32, #tpu.memory_space<hbm>>) dst(%arg18 : memref<4x128xf32, #tpu.memory_space<vmem>>)
        %parallel_loop3A = arith.constant 0 : i32
        %parallel_loop3A_183 = arith.constant 312 : i32
        %parallel_loop3A_184 = arith.constant 1 : i32
        scf.for %parallel_loop3A_277 = %parallel_loop3A to %parallel_loop3A_183 step %parallel_loop3A_184  : i32 {
          %parallel_loop3A_278 = arith.constant 16 : i32
          %parallel_loop3A_279 = arith.muli %parallel_loop3A_278, %parallel_loop3A_277 : i32
          %parallel_loop3A_280 = arith.index_cast %parallel_loop3A_279 : i32 to index
          %parallel_loop3A_281 = tpu.vector_load %arg10[%parallel_loop3A_280] {strides = array<i32>} : memref<5000xi32, #tpu.memory_space<vmem>>, vector<16xi32>,
          %parallel_loop3A_282 = tpu.vector_load_idx %arg16[%broadcast_in_dim3A_14, %parallel_loop3A_281] : memref<4x9984xf32, #tpu.memory_space<vmem>>[vector<16xi32>, vector<16xi32>], vector<16xf32>,
          %parallel_loop3A_283 = arith.constant 4 : i32
          %parallel_loop3A_284 = arith.index_cast %parallel_loop3A_283 : i32 to index
          %parallel_loop3A_285 = arith.index_cast %parallel_loop3A_279 : i32 to index
          %parallel_loop3A_286 = tpu.vector_load %arg19[%parallel_loop3A_284, %parallel_loop3A_285] {strides = array<i32>} : memref<8x5120xf32, #tpu.memory_space<vmem>>, vector<16xf32>,
          tpu.vector_store %arg19[%parallel_loop3A_284, %parallel_loop3A_285], %parallel_loop3A_282 {strides = array<i32>} : memref<8x5120xf32, #tpu.memory_space<vmem>>, vector<16xf32>,
          %parallel_loop3A_287 = tpu.vector_load_idx %arg16[%broadcast_in_dim3A_16, %parallel_loop3A_281] : memref<4x9984xf32, #tpu.memory_space<vmem>>[vector<16xi32>, vector<16xi32>], vector<16xf32>,
          %parallel_loop3A_288 = arith.constant 5 : i32
          %parallel_loop3A_289 = arith.index_cast %parallel_loop3A_288 : i32 to index
          %parallel_loop3A_290 = arith.index_cast %parallel_loop3A_279 : i32 to index
          %parallel_loop3A_291 = tpu.vector_load %arg19[%parallel_loop3A_289, %parallel_loop3A_290] {strides = array<i32>} : memref<8x5120xf32, #tpu.memory_space<vmem>>, vector<16xf32>,
          tpu.vector_store %arg19[%parallel_loop3A_289, %parallel_loop3A_290], %parallel_loop3A_287 {strides = array<i32>} : memref<8x5120xf32, #tpu.memory_space<vmem>>, vector<16xf32>,
          %parallel_loop3A_292 = tpu.vector_load_idx %arg16[%broadcast_in_dim3A_18, %parallel_loop3A_281] : memref<4x9984xf32, #tpu.memory_space<vmem>>[vector<16xi32>, vector<16xi32>], vector<16xf32>,
          %parallel_loop3A_293 = arith.constant 6 : i32
          %parallel_loop3A_294 = arith.index_cast %parallel_loop3A_293 : i32 to index
          %parallel_loop3A_295 = arith.index_cast %parallel_loop3A_279 : i32 to index
          %parallel_loop3A_296 = tpu.vector_load %arg19[%parallel_loop3A_294, %parallel_loop3A_295] {strides = array<i32>} : memref<8x5120xf32, #tpu.memory_space<vmem>>, vector<16xf32>,
          tpu.vector_store %arg19[%parallel_loop3A_294, %parallel_loop3A_295], %parallel_loop3A_292 {strides = array<i32>} : memref<8x5120xf32, #tpu.memory_space<vmem>>, vector<16xf32>,
          %parallel_loop3A_297 = tpu.vector_load_idx %arg16[%broadcast_in_dim3A_20, %parallel_loop3A_281] : memref<4x9984xf32, #tpu.memory_space<vmem>>[vector<16xi32>, vector<16xi32>], vector<16xf32>,
          %parallel_loop3A_298 = arith.constant 7 : i32
          %parallel_loop3A_299 = arith.index_cast %parallel_loop3A_298 : i32 to index
          %parallel_loop3A_300 = arith.index_cast %parallel_loop3A_279 : i32 to index
          %parallel_loop3A_301 = tpu.vector_load %arg19[%parallel_loop3A_299, %parallel_loop3A_300] {strides = array<i32>} : memref<8x5120xf32, #tpu.memory_space<vmem>>, vector<16xf32>,
          tpu.vector_store %arg19[%parallel_loop3A_299, %parallel_loop3A_300], %parallel_loop3A_297 {strides = array<i32>} : memref<8x5120xf32, #tpu.memory_space<vmem>>, vector<16xf32>,
        } {sc.loop_unroll_factor = 8 : i64, sc.parallel_access}
        %add3A_185 = arith.constant 4992 : i32
        %add3A_186 = vector.broadcast %add3A_185 : i32 to vector<16xi32>
        %add3A_187 = arith.addi %add3A_186, %iota3A : vector<16xi32>
        %min3A_188 = arith.constant 4999 : i32
        %min3A_189 = vector.broadcast %min3A_188 : i32 to vector<16xi32>
        %min3A_190 = arith.minsi %add3A_187, %min3A_189 : vector<16xi32>
        %gather3A_191 = tpu.vector_load_idx %arg10[%min3A_190] : memref<5000xi32, #tpu.memory_space<vmem>>[vector<16xi32>], vector<16xi32>,
        %gather3A_192 = tpu.vector_load_idx %arg16[%broadcast_in_dim3A_14, %gather3A_191] : memref<4x9984xf32, #tpu.memory_space<vmem>>[vector<16xi32>, vector<16xi32>], vector<16xf32>,
        %broadcast_in_dim3A_193 = arith.constant 4 : i32
        %broadcast_in_dim3A_194 = vector.broadcast %broadcast_in_dim3A_193 : i32 to vector<16xi32>
        %lt3A_195 = arith.constant 8 : i32
        %lt3A_196 = vector.broadcast %lt3A_195 : i32 to vector<16xi32>
        %lt3A_197 = arith.cmpi slt, %iota3A, %lt3A_196 : vector<16xi32>
        tpu.vector_store_idx %arg19[%broadcast_in_dim3A_194, %min3A_190], %gather3A_192 masked %lt3A_197 : memref<8x5120xf32, #tpu.memory_space<vmem>>[vector<16xi32>, vector<16xi32>], vector<16xf32>, vector<16xi1>
        %gather3A_198 = tpu.vector_load_idx %arg18[%broadcast_in_dim3A_14, %get3A_9] : memref<4x128xf32, #tpu.memory_space<vmem>>[vector<16xi32>, vector<16xi32>], vector<16xf32>,
        %broadcast_in_dim3A_199 = arith.constant 4 : i32
        %broadcast_in_dim3A_200 = vector.broadcast %broadcast_in_dim3A_199 : i32 to vector<16xi32>
        tpu.vector_store_idx %arg19[%broadcast_in_dim3A_200, %max3A_13], %gather3A_198 masked %ge3A_11 : memref<8x5120xf32, #tpu.memory_space<vmem>>[vector<16xi32>, vector<16xi32>], vector<16xf32>, vector<16xi1>
        %add3A_201 = arith.constant 4992 : i32
        %add3A_202 = vector.broadcast %add3A_201 : i32 to vector<16xi32>
        %add3A_203 = arith.addi %add3A_202, %iota3A : vector<16xi32>
        %min3A_204 = arith.constant 4999 : i32
        %min3A_205 = vector.broadcast %min3A_204 : i32 to vector<16xi32>
        %min3A_206 = arith.minsi %add3A_203, %min3A_205 : vector<16xi32>
        %gather3A_207 = tpu.vector_load_idx %arg10[%min3A_206] : memref<5000xi32, #tpu.memory_space<vmem>>[vector<16xi32>], vector<16xi32>,
        %gather3A_208 = tpu.vector_load_idx %arg16[%broadcast_in_dim3A_16, %gather3A_207] : memref<4x9984xf32, #tpu.memory_space<vmem>>[vector<16xi32>, vector<16xi32>], vector<16xf32>,
        %broadcast_in_dim3A_209 = arith.constant 5 : i32
        %broadcast_in_dim3A_210 = vector.broadcast %broadcast_in_dim3A_209 : i32 to vector<16xi32>
        %lt3A_211 = arith.constant 8 : i32
        %lt3A_212 = vector.broadcast %lt3A_211 : i32 to vector<16xi32>
        %lt3A_213 = arith.cmpi slt, %iota3A, %lt3A_212 : vector<16xi32>
        tpu.vector_store_idx %arg19[%broadcast_in_dim3A_210, %min3A_206], %gather3A_208 masked %lt3A_213 : memref<8x5120xf32, #tpu.memory_space<vmem>>[vector<16xi32>, vector<16xi32>], vector<16xf32>, vector<16xi1>
        %gather3A_214 = tpu.vector_load_idx %arg18[%broadcast_in_dim3A_16, %get3A_9] : memref<4x128xf32, #tpu.memory_space<vmem>>[vector<16xi32>, vector<16xi32>], vector<16xf32>,
        %broadcast_in_dim3A_215 = arith.constant 5 : i32
        %broadcast_in_dim3A_216 = vector.broadcast %broadcast_in_dim3A_215 : i32 to vector<16xi32>
        tpu.vector_store_idx %arg19[%broadcast_in_dim3A_216, %max3A_13], %gather3A_214 masked %ge3A_11 : memref<8x5120xf32, #tpu.memory_space<vmem>>[vector<16xi32>, vector<16xi32>], vector<16xf32>, vector<16xi1>
        %add3A_217 = arith.constant 4992 : i32
        %add3A_218 = vector.broadcast %add3A_217 : i32 to vector<16xi32>
        %add3A_219 = arith.addi %add3A_218, %iota3A : vector<16xi32>
        %min3A_220 = arith.constant 4999 : i32
        %min3A_221 = vector.broadcast %min3A_220 : i32 to vector<16xi32>
        %min3A_222 = arith.minsi %add3A_219, %min3A_221 : vector<16xi32>
        %gather3A_223 = tpu.vector_load_idx %arg10[%min3A_222] : memref<5000xi32, #tpu.memory_space<vmem>>[vector<16xi32>], vector<16xi32>,
        %gather3A_224 = tpu.vector_load_idx %arg16[%broadcast_in_dim3A_18, %gather3A_223] : memref<4x9984xf32, #tpu.memory_space<vmem>>[vector<16xi32>, vector<16xi32>], vector<16xf32>,
        %broadcast_in_dim3A_225 = arith.constant 6 : i32
        %broadcast_in_dim3A_226 = vector.broadcast %broadcast_in_dim3A_225 : i32 to vector<16xi32>
        %lt3A_227 = arith.constant 8 : i32
        %lt3A_228 = vector.broadcast %lt3A_227 : i32 to vector<16xi32>
        %lt3A_229 = arith.cmpi slt, %iota3A, %lt3A_228 : vector<16xi32>
        tpu.vector_store_idx %arg19[%broadcast_in_dim3A_226, %min3A_222], %gather3A_224 masked %lt3A_229 : memref<8x5120xf32, #tpu.memory_space<vmem>>[vector<16xi32>, vector<16xi32>], vector<16xf32>, vector<16xi1>
        %gather3A_230 = tpu.vector_load_idx %arg18[%broadcast_in_dim3A_18, %get3A_9] : memref<4x128xf32, #tpu.memory_space<vmem>>[vector<16xi32>, vector<16xi32>], vector<16xf32>,
        %broadcast_in_dim3A_231 = arith.constant 6 : i32
        %broadcast_in_dim3A_232 = vector.broadcast %broadcast_in_dim3A_231 : i32 to vector<16xi32>
        tpu.vector_store_idx %arg19[%broadcast_in_dim3A_232, %max3A_13], %gather3A_230 masked %ge3A_11 : memref<8x5120xf32, #tpu.memory_space<vmem>>[vector<16xi32>, vector<16xi32>], vector<16xf32>, vector<16xi1>
        %add3A_233 = arith.constant 4992 : i32
        %add3A_234 = vector.broadcast %add3A_233 : i32 to vector<16xi32>
        %add3A_235 = arith.addi %add3A_234, %iota3A : vector<16xi32>
        %min3A_236 = arith.constant 4999 : i32
        %min3A_237 = vector.broadcast %min3A_236 : i32 to vector<16xi32>
        %min3A_238 = arith.minsi %add3A_235, %min3A_237 : vector<16xi32>
        %gather3A_239 = tpu.vector_load_idx %arg10[%min3A_238] : memref<5000xi32, #tpu.memory_space<vmem>>[vector<16xi32>], vector<16xi32>,
        %gather3A_240 = tpu.vector_load_idx %arg16[%broadcast_in_dim3A_20, %gather3A_239] : memref<4x9984xf32, #tpu.memory_space<vmem>>[vector<16xi32>, vector<16xi32>], vector<16xf32>,
        %broadcast_in_dim3A_241 = arith.constant 7 : i32
        %broadcast_in_dim3A_242 = vector.broadcast %broadcast_in_dim3A_241 : i32 to vector<16xi32>
        %lt3A_243 = arith.constant 8 : i32
        %lt3A_244 = vector.broadcast %lt3A_243 : i32 to vector<16xi32>
        %lt3A_245 = arith.cmpi slt, %iota3A, %lt3A_244 : vector<16xi32>
        tpu.vector_store_idx %arg19[%broadcast_in_dim3A_242, %min3A_238], %gather3A_240 masked %lt3A_245 : memref<8x5120xf32, #tpu.memory_space<vmem>>[vector<16xi32>, vector<16xi32>], vector<16xf32>, vector<16xi1>
        %gather3A_246 = tpu.vector_load_idx %arg18[%broadcast_in_dim3A_20, %get3A_9] : memref<4x128xf32, #tpu.memory_space<vmem>>[vector<16xi32>, vector<16xi32>], vector<16xf32>,
        %broadcast_in_dim3A_247 = arith.constant 7 : i32
        %broadcast_in_dim3A_248 = vector.broadcast %broadcast_in_dim3A_247 : i32 to vector<16xi32>
        tpu.vector_store_idx %arg19[%broadcast_in_dim3A_248, %max3A_13], %gather3A_246 masked %ge3A_11 : memref<8x5120xf32, #tpu.memory_space<vmem>>[vector<16xi32>, vector<16xi32>], vector<16xf32>, vector<16xi1>
        %mul3A_249 = arith.constant 8 : i32
        %mul3A_250 = arith.muli %mul3A_249, %add3A_176 : i32
        %dma_start3A_251 = arith.constant 0 : i32
        %dma_start3A_252 = tpu.memref_slice %arg8[%mul3A_250, %dma_start3A_251] : memref<5000x5120xf32, #tpu.memory_space<hbm>> -> memref<8x5120xf32, #tpu.memory_space<hbm>>
        %dma_start3A_253 = arith.constant 0 : i32
        %dma_start3A_254 = tpu.memref_slice %arg8[%mul3A_250, %dma_start3A_253] : memref<5000x5120xf32, #tpu.memory_space<hbm>> -> memref<8x5120xf32, #tpu.memory_space<hbm>>
        tpu.enqueue_dma source(%arg19 : memref<8x5120xf32, #tpu.memory_space<vmem>>) target(%dma_start3A_254 : memref<8x5120xf32, #tpu.memory_space<hbm>>) target_semaphore(%arg28 : memref<!tpu.dma_semaphore, #tpu.memory_space<semaphore_mem>>)
        %dma_wait3A_255 = arith.constant 0 : i32
        %dma_wait3A_256 = arith.constant 0 : i32
        %dma_wait3A_257 = tpu.memref_slice %arg21[%dma_wait3A_255, %dma_wait3A_256] : memref<8x128xf32, #tpu.memory_space<vmem>> -> memref<4x128xf32, #tpu.memory_space<vmem>>
        %dma_wait3A_258 = arith.constant 0 : i32
        %dma_wait3A_259 = arith.constant 0 : i32
        %dma_wait3A_260 = tpu.memref_slice %arg7[%dma_wait3A_258, %dma_wait3A_259] : memref<10000x128xf32, #tpu.memory_space<hbm>> -> memref<10000x128xf32, #tpu.memory_space<hbm>>
        tpu.wait_indirect_dma semaphore(%arg26 : memref<!tpu.dma_semaphore, #tpu.memory_space<semaphore_mem>>) src(%dma_wait3A_260 : memref<10000x128xf32, #tpu.memory_space<hbm>>) dst(%dma_wait3A_257 : memref<4x128xf32, #tpu.memory_space<vmem>>)
        %dma_wait3A_261 = arith.constant 4 : i32
        %dma_wait3A_262 = arith.constant 0 : i32
        %dma_wait3A_263 = tpu.memref_slice %arg21[%dma_wait3A_261, %dma_wait3A_262] : memref<8x128xf32, #tpu.memory_space<vmem>> -> memref<4x128xf32, #tpu.memory_space<vmem>>
        %dma_wait3A_264 = arith.constant 0 : i32
        %dma_wait3A_265 = arith.constant 0 : i32
        %dma_wait3A_266 = tpu.memref_slice %arg7[%dma_wait3A_264, %dma_wait3A_265] : memref<10000x128xf32, #tpu.memory_space<hbm>> -> memref<10000x128xf32, #tpu.memory_space<hbm>>
        tpu.wait_indirect_dma semaphore(%arg27 : memref<!tpu.dma_semaphore, #tpu.memory_space<semaphore_mem>>) src(%dma_wait3A_266 : memref<10000x128xf32, #tpu.memory_space<hbm>>) dst(%dma_wait3A_263 : memref<4x128xf32, #tpu.memory_space<vmem>>)
        %mul3A_267 = arith.constant 8 : i32
        %mul3A_268 = arith.muli %mul3A_267, %add3A_176 : i32
        %dma_start3A_269 = arith.constant 0 : i32
        %dma_start3A_270 = tpu.memref_slice %arg9[%mul3A_268, %dma_start3A_269] : memref<5000x128xf32, #tpu.memory_space<hbm>> -> memref<8x128xf32, #tpu.memory_space<hbm>>
        %dma_start3A_271 = arith.constant 0 : i32
        %dma_start3A_272 = tpu.memref_slice %arg9[%mul3A_268, %dma_start3A_271] : memref<5000x128xf32, #tpu.memory_space<hbm>> -> memref<8x128xf32, #tpu.memory_space<hbm>>
        tpu.enqueue_dma source(%arg21 : memref<8x128xf32, #tpu.memory_space<vmem>>) target(%dma_start3A_272 : memref<8x128xf32, #tpu.memory_space<hbm>>) target_semaphore(%arg29 : memref<!tpu.dma_semaphore, #tpu.memory_space<semaphore_mem>>)
        %dma_wait3A_273 = arith.constant 0 : i32
        %dma_wait3A_274 = tpu.memref_slice %arg9[%mul3A_268, %dma_wait3A_273] : memref<5000x128xf32, #tpu.memory_space<hbm>> -> memref<8x128xf32, #tpu.memory_space<hbm>>
        %dma_wait3A_275 = arith.constant 0 : i32
        %dma_wait3A_276 = tpu.memref_slice %arg9[%mul3A_268, %dma_wait3A_275] : memref<5000x128xf32, #tpu.memory_space<hbm>> -> memref<8x128xf32, #tpu.memory_space<hbm>>
        tpu.wait_dma2 semaphore(%arg29 : memref<!tpu.dma_semaphore, #tpu.memory_space<semaphore_mem>>) src(%arg21 : memref<8x128xf32, #tpu.memory_space<vmem>>) dst(%dma_wait3A_276 : memref<8x128xf32, #tpu.memory_space<hbm>>)
      } else {
      }
      %while3A_148 = arith.constant 0 : i32
      scf.yield %while3A_148 : i32
    }
    %dma_wait3A = arith.constant 0 : i32
    %dma_wait3A_61 = arith.constant 0 : i32
    %dma_wait3A_62 = tpu.memref_slice %arg8[%dma_wait3A, %dma_wait3A_61] : memref<5000x5120xf32, #tpu.memory_space<hbm>> -> memref<8x5120xf32, #tpu.memory_space<hbm>>
    %dma_wait3A_63 = arith.constant 0 : i32
    %dma_wait3A_64 = arith.constant 0 : i32
    %dma_wait3A_65 = tpu.memref_slice %arg8[%dma_wait3A_63, %dma_wait3A_64] : memref<5000x5120xf32, #tpu.memory_space<hbm>> -> memref<8x5120xf32, #tpu.memory_space<hbm>>
    tpu.wait_dma2 semaphore(%arg28 : memref<!tpu.dma_semaphore, #tpu.memory_space<semaphore_mem>>) src(%arg19 : memref<8x5120xf32, #tpu.memory_space<vmem>>) dst(%dma_wait3A_65 : memref<8x5120xf32, #tpu.memory_space<hbm>>)
    return
  }
}

module attributes {stable_mosaic.version = 14 : i64} {
  func.func @_tail_kernel(%arg0: i32, %arg1: memref<1000x128xf32, #tpu.memory_space<vmem>>, %arg2: memref<1000x128xf32, #tpu.memory_space<vmem>>) attributes {dimension_semantics = [#tpu.dimension_semantics<arbitrary>], iteration_bounds = array<i64: 10>, scalar_prefetch = 0 : i64, scratch_operands = 0 : i64, tpu.core_type = #tpu.core_type<tc>, window_params = [{transform_indices = @transform_0, window_bounds = array<i64: 1000, 128>}, {transform_indices = @transform_1, window_bounds = array<i64: 1000, 128>}]} {
    %get3A = arith.constant 0 : index
    %get3A_0 = arith.constant 0 : index
    %get3A_1 = vector.load %arg1[%get3A, %get3A_0] : memref<1000x128xf32, #tpu.memory_space<vmem>>, vector<1000x128xf32>
    %swap3A = arith.constant 0 : index
    %swap3A_2 = arith.constant 0 : index
    %swap3A_3 = vector.load %arg2[%swap3A, %swap3A_2] : memref<1000x128xf32, #tpu.memory_space<vmem>>, vector<1000x128xf32>
    tpu.vector_store %arg2[%swap3A, %swap3A_2], %get3A_1 {strides = array<i32>} : memref<1000x128xf32, #tpu.memory_space<vmem>>, vector<1000x128xf32>,
    return
  }
  func.func @transform_0(%arg0: i32) -> (i32, i32) {
    %c78_i32 = arith.constant 78 : i32
    %c0_i32 = arith.constant 0 : i32
    return %arg0, %c78_i32 : i32, i32
  }
  func.func @transform_1(%arg0: i32) -> (i32, i32) {
    %c0_i32 = arith.constant 0 : i32
    %c0_i32_0 = arith.constant 0 : i32
    return %arg0, %c0_i32 : i32, i32
  }
}

module attributes {stable_mosaic.version = 14 : i64} {
  func.func @_m_kernel(%arg0: i32, %arg1: memref<1000x128xf32, #tpu.memory_space<vmem>>, %arg2: memref<1000x1xf32, #tpu.memory_space<vmem>>, %arg3: memref<128x128xf32, #tpu.memory_space<vmem>>, %arg4: memref<1000x128xf32, #tpu.memory_space<vmem>>) attributes {dimension_semantics = [#tpu.dimension_semantics<arbitrary>], iteration_bounds = array<i64: 5>, scalar_prefetch = 0 : i64, scratch_operands = 0 : i64, tpu.core_type = #tpu.core_type<tc>, window_params = [{transform_indices = @transform_0, window_bounds = array<i64: 1000, 128>}, {transform_indices = @transform_1, window_bounds = array<i64: 1000, 1>}, {pipeline_mode = #tpu.pipeline_mode<synchronous>, transform_indices = @transform_2, window_bounds = array<i64: 128, 128>}, {transform_indices = @transform_3, window_bounds = array<i64: 1000, 128>}]} {
    %get3A = arith.constant 0 : index
    %get3A_0 = arith.constant 0 : index
    %get3A_1 = vector.load %arg1[%get3A, %get3A_0] : memref<1000x128xf32, #tpu.memory_space<vmem>>, vector<1000x128xf32>
    %get3A_2 = arith.constant 0 : index
    %get3A_3 = arith.constant 0 : index
    %get3A_4 = vector.load %arg2[%get3A_2, %get3A_3] : memref<1000x1xf32, #tpu.memory_space<vmem>>, vector<1000x1xf32>
    %mul3A = vector.broadcast %get3A_4 : vector<1000x1xf32> to vector<1000x128xf32>
    %mul3A_5 = arith.mulf %get3A_1, %mul3A : vector<1000x128xf32>
    %get3A_6 = arith.constant 0 : index
    %get3A_7 = arith.constant 0 : index
    %get3A_8 = vector.load %arg3[%get3A_6, %get3A_7] : memref<128x128xf32, #tpu.memory_space<vmem>>, vector<128x128xf32>
    %dot_general3A = arith.constant dense<0.000000e+00> : vector<1000x128xf32>
    %dot_general3A_9 = tpu.matmul %mul3A_5, %get3A_8, %dot_general3A {dimension_numbers = #tpu.dot_dimension_numbers<[1], [0], [0], [1], [0, 0, 1, 1], [], []>, transpose_lhs_hint = false} : vector<1000x128xf32>, vector<128x128xf32>, vector<1000x128xf32> -> vector<1000x128xf32>
    %swap3A = arith.constant 0 : index
    %swap3A_10 = arith.constant 0 : index
    %swap3A_11 = vector.load %arg4[%swap3A, %swap3A_10] : memref<1000x128xf32, #tpu.memory_space<vmem>>, vector<1000x128xf32>
    tpu.vector_store %arg4[%swap3A, %swap3A_10], %dot_general3A_9 {strides = array<i32>} : memref<1000x128xf32, #tpu.memory_space<vmem>>, vector<1000x128xf32>,
    return
  }
  func.func @transform_0(%arg0: i32) -> (i32, i32) {
    %c0_i32 = arith.constant 0 : i32
    %c0_i32_0 = arith.constant 0 : i32
    return %arg0, %c0_i32 : i32, i32
  }
  func.func @transform_1(%arg0: i32) -> (i32, i32) {
    %c0_i32 = arith.constant 0 : i32
    %c0_i32_0 = arith.constant 0 : i32
    return %arg0, %c0_i32 : i32, i32
  }
  func.func @transform_2(%arg0: i32) -> (i32, i32) {
    %c0_i32 = arith.constant 0 : i32
    %c0_i32_0 = arith.constant 0 : i32
    %c0_i32_1 = arith.constant 0 : i32
    return %c0_i32, %c0_i32_0 : i32, i32
  }
  func.func @transform_3(%arg0: i32) -> (i32, i32) {
    %c0_i32 = arith.constant 0 : i32
    %c0_i32_0 = arith.constant 0 : i32
    return %arg0, %c0_i32 : i32, i32
  }
}

module attributes {stable_mosaic.version = 14 : i64} {
  func.func @_am_kernel(%arg0: i32, %arg1: memref<200x5120xf32, #tpu.memory_space<vmem>>, %arg2: memref<5000x128xf32, #tpu.memory_space<vmem>>, %arg3: memref<200x128xf32, #tpu.memory_space<vmem>>, %arg4: memref<200x5000xf32, #tpu.memory_space<vmem>>) attributes {dimension_semantics = [#tpu.dimension_semantics<arbitrary>], iteration_bounds = array<i64: 25>, scalar_prefetch = 0 : i64, scratch_operands = 0 : i64, tpu.core_type = #tpu.core_type<tc>, window_params = [{transform_indices = @transform_0, window_bounds = array<i64: 200, 5120>}, {pipeline_mode = #tpu.pipeline_mode<synchronous>, transform_indices = @transform_1, window_bounds = array<i64: 5000, 128>}, {transform_indices = @transform_2, window_bounds = array<i64: 200, 128>}, {transform_indices = @transform_3, window_bounds = array<i64: 200, 5000>}]} {
    %get3A = arith.constant 0 : index
    %get3A_0 = arith.constant 0 : index
    %get3A_1 = vector.load %arg1[%get3A, %get3A_0] : memref<200x5120xf32, #tpu.memory_space<vmem>>, vector<200x5000xf32>
    %swap3A = arith.constant 0 : index
    %swap3A_2 = arith.constant 0 : index
    %swap3A_3 = vector.load %arg4[%swap3A, %swap3A_2] : memref<200x5000xf32, #tpu.memory_space<vmem>>, vector<200x5000xf32>
    tpu.vector_store %arg4[%swap3A, %swap3A_2], %get3A_1 {strides = array<i32>} : memref<200x5000xf32, #tpu.memory_space<vmem>>, vector<200x5000xf32>,
    %get3A_4 = arith.constant 0 : index
    %get3A_5 = arith.constant 0 : index
    %get3A_6 = vector.load %arg2[%get3A_4, %get3A_5] : memref<5000x128xf32, #tpu.memory_space<vmem>>, vector<5000x128xf32>
    %dot_general3A = arith.constant dense<0.000000e+00> : vector<200x128xf32>
    %dot_general3A_7 = tpu.matmul %get3A_1, %get3A_6, %dot_general3A {dimension_numbers = #tpu.dot_dimension_numbers<[1], [0], [0], [1], [0, 0, 1, 1], [], []>, transpose_lhs_hint = false} : vector<200x5000xf32>, vector<5000x128xf32>, vector<200x128xf32> -> vector<200x128xf32>
    %max3A = arith.constant 0.000000e+00 : f32
    %max3A_8 = vector.broadcast %max3A : f32 to vector<200x128xf32>
    %max3A_9 = arith.maximumf %dot_general3A_7, %max3A_8 : vector<200x128xf32>
    %swap3A_10 = arith.constant 0 : index
    %swap3A_11 = arith.constant 0 : index
    %swap3A_12 = vector.load %arg3[%swap3A_10, %swap3A_11] : memref<200x128xf32, #tpu.memory_space<vmem>>, vector<200x128xf32>
    tpu.vector_store %arg3[%swap3A_10, %swap3A_11], %max3A_9 {strides = array<i32>} : memref<200x128xf32, #tpu.memory_space<vmem>>, vector<200x128xf32>,
    return
  }
  func.func @transform_0(%arg0: i32) -> (i32, i32) {
    %c0_i32 = arith.constant 0 : i32
    %c0_i32_0 = arith.constant 0 : i32
    return %arg0, %c0_i32 : i32, i32
  }
  func.func @transform_1(%arg0: i32) -> (i32, i32) {
    %c0_i32 = arith.constant 0 : i32
    %c0_i32_0 = arith.constant 0 : i32
    %c0_i32_1 = arith.constant 0 : i32
    return %c0_i32, %c0_i32_0 : i32, i32
  }
  func.func @transform_2(%arg0: i32) -> (i32, i32) {
    %c0_i32 = arith.constant 0 : i32
    %c0_i32_0 = arith.constant 0 : i32
    return %arg0, %c0_i32 : i32, i32
  }
  func.func @transform_3(%arg0: i32) -> (i32, i32) {
    %c0_i32 = arith.constant 0 : i32
    %c0_i32_0 = arith.constant 0 : i32
    return %arg0, %c0_i32 : i32, i32
  }
}

</mosaic_0001>

<sc_bundles>
// kernel: kernel.6.cloned.1.call-start
scs
__scs_entry_jumppad:
0x0: {  	(pc) =	sbr.rel $0x88, $3  }
0x1: {  	(tag) =	ssettag $0x0;
	lr =	simm.s32 $0x1  }
0x2: {  	[smem:$0x3F9C] =	sst lr;
	_ =	strace $0xD0000000  }
0x3: {  	_ = 	snop  }
0x4: {  	_ = 	snop  }
0x5: {  	_ = 	snop  }
0x6: {  	_ = 	snop  }
0x7: {  	_ = 	snop  }
__scs_overlays_trampoline_lowered:
0x8: {  	[smem:$0x3FAB] =	sst s0  }
0x9: {  	[smem:$0x3FAC] =	sst s1  }
0xa: {  	[smem:$0x3FAD] =	sst s2  }
0xb: {  	[smem:$0x3FAE] =	sst s3  }
0xc: {  	[smem:$0x3FAF] =	sst s4  }
0xd: {  	[smem:$0x3FB0] =	sst s5  }
0xe: {  	[smem:$0x3FB1] =	sst s6  }
0xf: {  	[smem:$0x3FB2] =	sst s7  }
0x10: {  	[smem:$0x3FB3] =	sst s8  }
0x11: {  	[smem:$0x3FB4] =	sst s9;
	s0 =	simm.s32 @!p0 $0x0  }
0x12: {  	s1 =	sld [smem:$0x3F9A];
	s0 =	simm.s32 @p0 $0x1  }
0x13: {  	[smem:$0x3FB5] =	sst s0;
	s0 =	simm.s32 @!p1 $0x0  }
0x14: {  	s2 =	sld [smem:$0x3F99];
	s0 =	simm.s32 @p1 $0x1  }
0x15: {  	[smem:$0x3FB6] =	sst s0;
	s0 =	simm.s32 @!p2 $0x0  }
0x16: {  	s3 =	sld [smem:$0x3FDB];
	s0 =	simm.s32 @p2 $0x1  }
0x17: {  	s4 =	simm.s32 $0x1BF5;
	[smem:$0x3FB8] =	sst s0  }
0x18: {  	s0 =	sld [smem:$0x3F9B];
	_ =	swait.ge [sflag:s4], $0x0  }
0x19: {  	s7 =	sld [smem:$0x3F9C]  }
0x1a: {  	s8 =	sadd.s32 $0xFFFFE003, lr  }
0x1b: {  	s9 =	sadd.s32 $0xFFFFFEF7, lr;
	s5 =	simm.s32 $0xFFFFFFFF;
	p2 =	slt.u32 s8, $0xFFFFF086  }
0x1c: {  	p1 =	slt.u32 s9, $0xF7A;
	s5 =	simm.s32 @!p2 $0x0  }
0x1d: {  	s5 =	simm.s32 @p1 $0x1;
	p0 =	seq.s32 s7, s2  }
0x1e: {  	s7 =	smul.u32 @!p0 $0xF7A, s2;
	p2 =	seq.s32 @!p0 s5, $0x0  }
0x1f: {  	s9 =	smul.u32 $0xF7A, s1;
	s8 =	simm.s32 @!p0 $0x1BF5;
	p2 =	por !p2, p0  }
0x20: {  	[sflag:s8] =	ssyncset.s32 @!p0 $0xFFFFF086;
	s6 =	sadd.s32 @!p0 s3, s7;
	s7 =	simm.s32 @!p0 $0x108  }
0x21: {  	s3 =	sadd.s32 s3, s9;
	s6 =	sadd.s32 @!p0 $0x88, s6;
	s7 =	simm.s32 @p2 $0x1082  }
0x22: {  	[simem:s7], [sflag:s8] =	dma.local @!p0 [hbm:s6], $0xF7A  }
0x23: {  	s9 =	sor.u32 $0xD0000000, s2;
	s6 =	simm.s32 $0x108;
	_ =	swait.ge @!p0 [sflag:s8], $0x0  }
0x24: {  	s3 =	sadd.s32 $0x88, s3;
	s6 =	simm.s32 @!p1 $0x1082;
	[sflag:s4] =	ssyncset.s32 $0xFFFFF086  }
0x25: {  	[simem:s6], [sflag:s4] =	dma.local [hbm:s3], $0xF7A  }
0x26: {  	[smem:$0x3F9C] =	sst s1;
	(tag) =	ssettag s2;
	_ =	strace s9  }
0x27: {  	s1 =	sld [smem:$0x3FAC]  }
0x28: {  	s2 =	sld [smem:$0x3FAD]  }
0x29: {  	s4 =	sld [smem:$0x3FAF]  }
0x2a: {  	p0 =	seq.s32 s5, $0x0;
	s5 =	sld [smem:$0x3FB0]  }
0x2b: {  	s6 =	sld [smem:$0x3FB1]  }
0x2c: {  	s7 =	sld [smem:$0x3FB2]  }
0x2d: {  	s3 =	simm.s32 $0x108;
	s8 =	sld [smem:$0x3FB3]  }
0x2e: {  	s3 =	simm.s32 @!p0 $0x1082;
	s9 =	sld [smem:$0x3FB4]  }
0x2f: {  	lr =	sadd.s32 s0, s3;
	s0 =	sld [smem:$0x3FAB]  }
0x30: {  	s3 =	sld [smem:$0x3FAE]  }
0x31: {  	[smem:$0x3FB7] =	sst s10  }
0x32: {  	s10 =	sld [smem:$0x3FB5];
	_ =	sdelay $0x3  }
0x33: {  	p0 =	seq.s32 s10, $0x1;
	s10 =	sld [smem:$0x3FB7];
	_ =	sdelay $0x3  }
0x34: {  	[smem:$0x3FB7] =	sst s10  }
0x35: {  	s10 =	sld [smem:$0x3FB6];
	_ =	sdelay $0x3  }
0x36: {  	p1 =	seq.s32 s10, $0x1;
	s10 =	sld [smem:$0x3FB7];
	_ =	sdelay $0x3  }
0x37: {  	[smem:$0x3FB7] =	sst s10  }
0x38: {  	s10 =	sld [smem:$0x3FB8]  }
0x39: {  	_ = 	snop;
	(pc) =	sbr.ind lr, $3  }
0x3a: {  	_ = 	snop  }
0x3b: {  	_ = 	snop  }
0x3c: {  	p2 =	seq.s32 s10, $0x1;
	s10 =	sld [smem:$0x3FB7]  }
0x3d: {  	_ =	shalt  }
0x3e: {  	_ =	shalt  }
0x3f: {  	_ =	shalt  }
0x40: {  	_ =	shalt  }
0x41: {  	_ =	shalt  }
0x42: {  	_ =	shalt  }
0x43: {  	_ =	shalt  }
0x44: {  	_ =	shalt  }
0x45: {  	_ =	shalt  }
0x46: {  	_ =	shalt  }
0x47: {  	_ =	shalt  }
0x48: {  	_ =	shalt  }
0x49: {  	_ =	shalt  }
0x4a: {  	_ =	shalt  }
0x4b: {  	_ =	shalt  }
0x4c: {  	_ =	shalt  }
0x4d: {  	_ =	shalt  }
0x4e: {  	_ =	shalt  }
0x4f: {  	_ =	shalt  }
0x50: {  	_ =	shalt  }
0x51: {  	_ =	shalt  }
0x52: {  	_ =	shalt  }
0x53: {  	_ =	shalt  }
0x54: {  	_ =	shalt  }
0x55: {  	_ =	shalt  }
0x56: {  	_ =	shalt  }
0x57: {  	_ =	shalt  }
0x58: {  	_ =	shalt  }
0x59: {  	_ =	shalt  }
0x5a: {  	_ =	shalt  }
0x5b: {  	_ =	shalt  }
0x5c: {  	_ =	shalt  }
0x5d: {  	_ =	shalt  }
0x5e: {  	_ =	shalt  }
0x5f: {  	_ =	shalt  }
0x60: {  	_ =	shalt  }
0x61: {  	_ =	shalt  }
0x62: {  	_ =	shalt  }
0x63: {  	_ =	shalt  }
0x64: {  	_ =	shalt  }
0x65: {  	_ =	shalt  }
0x66: {  	_ =	shalt  }
0x67: {  	_ =	shalt  }
0x68: {  	_ =	shalt  }
0x69: {  	_ =	shalt  }
0x6a: {  	_ =	shalt  }
0x6b: {  	_ =	shalt  }
0x6c: {  	_ =	shalt  }
0x6d: {  	_ =	shalt  }
0x6e: {  	_ =	shalt  }
0x6f: {  	_ =	shalt  }
0x70: {  	_ =	shalt  }
0x71: {  	_ =	shalt  }
0x72: {  	_ =	shalt  }
0x73: {  	_ =	shalt  }
0x74: {  	_ =	shalt  }
0x75: {  	_ =	shalt  }
0x76: {  	_ =	shalt  }
0x77: {  	_ =	shalt  }
0x78: {  	_ =	shalt  }
0x79: {  	_ =	shalt  }
0x7a: {  	_ =	shalt  }
0x7b: {  	_ =	shalt  }
0x7c: {  	_ =	shalt  }
0x7d: {  	_ =	shalt  }
0x7e: {  	_ =	shalt  }
0x7f: {  	_ =	shalt  }
0x80: {  	_ =	shalt  }
0x81: {  	_ =	shalt  }
0x82: {  	_ =	shalt  }
0x83: {  	_ =	shalt  }
0x84: {  	_ =	shalt  }
0x85: {  	_ =	shalt  }
0x86: {  	_ =	shalt  }
0x87: {  	_ =	shalt  }
.Lfunc_end0:
.L_simem_size_0:
called_computation_lowered:
.L_overlay_start_0:
0x88: {  	s2 =	sld [smem:$0x3FD9]  }
0x89: {  	s3 =	sld [smem:$0x3FFE];
	_ =	sdelay $0x1  }
0x8a: {  	s1 =	srdreg.scid  }
0x8b: {  	s0 =	sand.u32 $0x1, s1  }
0x8c: {  	s14 =	sshll.u32 s0, $0xA;
	s2 =	sadd.s32 s3, s2  }
0x8d: {  	s2 =	sadd.s32 s2, s14  }
0x8e: {  	[smem:$0x3FC3] =	sst s2  }
0x8f: {  	_ = 	snop  }
0x90: {  	s2 =	sld [smem:$0x3FD0];
	_ =	sdelay $0x1  }
0x91: {  	s15 =	sld [smem:$0x3FC9]  }
0x92: {  	s5 =	simm.s32 $0xA;
	s6 =	simm.s32 $0x10;
	s4 =	sld [smem:$0x3FC8]  }
0x93: {  	[smem:s6], [sflag:s5] =	dma.local [hbm:s2], $0x1  }
0x94: {  	_ =	swait.eq [sflag:s5], $0x1  }
0x95: {  	s16 =	sld [smem:$0x10];
	[sflag:s5] =	ssyncset.done $0x0  }
0x96: {  	s17 =	sld [smem:$0x11];
	[sflag:s5] =	ssyncadd.s32 $0xFFFFFFFF  }
0x97: {  	s18 =	sld [smem:$0x12];
	(tm) =	ssettm $0x1  }
0x98: {  	s7 =	sld [smem:$0x3FFB];
	_ =	sdelay $0x3  }
0x99: {  	_ =	strace s7  }
0x9a: {  	s7 =	sld [smem:$0x3FFC];
	_ =	sdelay $0x3  }
0x9b: {  	_ =	strace s7  }
0x9c: {  	s7 =	sld [smem:$0x3FFD];
	_ =	sdelay $0x3  }
0x9d: {  	_ =	strace s7  }
0x9e: {  	_ =	strace $0x8FFFFFFF  }
0x9f: {  	s19 =	sld [smem:$0x3FDB];
	_ =	sdelay $0x1  }
0xa0: {  	s8 =	simm.s32 $_scs_section_size  }
0xa1: {  	s9 =	simm.s32 $_size__tile_overlayer_lowered;
	s10 =	simm.s32 $_tile_overlayer_lowered  }
0xa2: {  	s22 =	simm.s32 $0x1BFF;
	s21 =	sshll.u32 s10, $0x1;
	s7 =	sadd.s32 s8, s19  }
0xa3: {  	s11 =	simm.s32 $0x0;
	s20 =	sshll.u32 s9, $0x1;
	s9 =	sadd.s32 s21, s7  }
0xa4: {  	[timem:s11], [sflag:s22] =	dma.local [hbm:s9], s20  }
0xa5: {  	_ =	swait.ge [sflag:s22], s20  }
0xa6: {  	s8 =	ssub.s32 $0x0, s20;
	[sflag:s22] =	ssyncset.done $0x0  }
0xa7: {  	[sflag:s22] =	ssyncadd.s32 s8;
	_ =	sdelay $0x1  }
0xa8: {  	s23 =	simm.s32 $0x1B8B  }
0xa9: {  	_ =	swait.ge [sflag:s23], $0x1  }
0xaa: {  	[sflag:s23] =	ssyncset.done $0x0  }
0xab: {  	s25 =	simm.s32 $0x1B8E;
	s24 =	sld [smem:$0x3FFE];
	[sflag:s23] =	ssyncadd.s32 $0xFFFFFFFF  }
0xac: {  	s26 =	simm.s32 $execute0_lowered;
	[smem:$0x3FD2] =	sst s25  }
0xad: {  	s9 =	sshll.u32 s26, $0x1;
	_ =	strace $0x80000046;
	[dreg:$0x1] =	wrdreg $0xFFFFFFFF  }
0xae: {  	s28 =	simm.s32 $_size_execute0_lowered;
	s7 =	sadd.s32 s7, s9;
	[dreg:$0x0] =	wrdreg $0x0  }
0xaf: {  	s9 =	sshll.u32 s28, $0x1;
	[dreg:$0x2] =	wrdreg s7  }
0xb0: {  	[dreg:$0x3] =	wrdreg s9  }
0xb1: {  	[dreg:$0x4] =	wrdreg $0xC0  }
0xb2: {  	_ =	task [dreg:s11], $0x5FFFF  }
0xb3: {  	[dreg:$0x1] =	wrdreg $0xFFFFFFFF  }
0xb4: {  	[dreg:$0x0] =	wrdreg $0x60  }
0xb5: {  	[dreg:$0x2] =	wrdreg s18  }
0xb6: {  	[dreg:$0x3] =	wrdreg s24  }
0xb7: {  	[dreg:$0x4] =	wrdreg s4  }
0xb8: {  	[dreg:$0x5] =	wrdreg s17  }
0xb9: {  	[dreg:$0x6] =	wrdreg s15  }
0xba: {  	[dreg:$0x7] =	wrdreg s16  }
0xbb: {  	[dreg:$0x8] =	wrdreg $0x9  }
0xbc: {  	_ =	task.clear_ibuf [dreg:s11], $0x9FFFF;
	_ =	strace $0x90000046  }
0xbd: {  	s29 =	simm.s32 $0x9;
	_ =	strace $0x80000048  }
0xbe: {  	_ =	swait.ge [sflag:s29], $0x1  }
0xbf: {  	[sflag:s29] =	ssyncadd.s32 $0xFFFFFFFF  }
0xc0: {  	_ =	strace $0x90000048  }
0xc1: {  	_ =	sfence  }
0xc2: {  	s30 =	sld [smem:$0x0];
	_ =	sdelay $0x2  }
0xc3: {  	s31 =	sshll.u32 s1, $0xD;
	s1 =	sshrl.u32 s1, $0x2  }
0xc4: {  	s3 =	sand.u32 $0x4000, s31;
	s1 =	sadd.s32 s1, s30  }
0xc5: {  	s0 =	sor.u32 s3, s0;
	s1 =	sshll.u32 s1, $0x11  }
0xc6: {  	s0 =	sor.u32 s1, s0  }
0xc7: {  	s0 =	sadd.s32 $0x8F2B, s0  }
0xc8: {  	[sflag:s0] =	ssyncadd.remote.s32 $0x1  }
0xc9: {  	_ =	sfence.sel $0xFFFF  }
0xca: {  	[dreg:$0x0] =	wrdreg $0xFFFFFFFF;
	(pc) =	sbr.abs _section_cstart, $3  }
0xcb: {  	[dreg:$0x1] =	wrdreg $0xFFFFFFFF  }
0xcc: {  	_ =	task.clear_ibuf [dreg:s11], $0x2FFFF;
	_ =	strace $0x9FFFFFFF  }
0xcd: {  	(tm) =	ssettm $0x7FFFFFFF  }
tec
execute0_lowered:
.L_overlay_start_1:
0x0: {  	(tag) =	ssettag $0x1  }
0x1: {  	v1 =	vimm.s32 $0x3020100;
	v0 =	vlaneseq.u32;
	vm0 =	vmmov $0xffff  }
0x2: {  	vm1 =	vcmask $0xF00;
	v4 =	vimm.s32 $0x1387;
	vm2 =	vcmask $0x300  }
0x3: {  	vm3 =	vcmask $0x704;
	vm4 =	vcmask $0xB08;
	vm5 =	vcmask $0xF0C  }
0x4: {  	v7 =	vimm.s32 $0x9C87;
	vm6 =	vcmask $0x1310;
	vm7 =	vcmask $0x1714  }
0x5: {  	vm8 =	vcmask $0x1B18;
	v8 =	vimm.s32 $0x9D07;
	v9 =	vimm.s32 $0x9D87  }
0x6: {  	v10 =	vimm.s32 $0x9E07;
	v11 =	vimm.s32 $0x9E87;
	v12 =	vimm.s32 $0x9F07  }
0x7: {  	s0 =	rddreg [dreg:$0x1];
	v13 =	vimm.s32 $0x9F87;
	v2 =	vunpack.c.0.s8.s32 v1;
	v3 =	vand.u32 $0x3, v0  }
0x8: {  	s3 =	rddreg [dreg:$0x2];
	s7 =	simm.s32 $0x0;
	v4 =	vsel vm2, $0x1380, v4;
	v5 =	vshrl.u32 v0, $0x2;
	v7 =	vsel vm2, $0x9C80, v7  }
0x9: {  	s1 =	srdreg.scid;
	s2 =	stileid.u32;
	s8 =	simm.s32 $0x4;
	v8 =	vsel vm2, $0x9D00, v8;
	v9 =	vsel vm2, $0x9D80, v9;
	v10 =	vsel vm2, $0x9E00, v10  }
0xa: {  	s5 =	simm.s32 $0x14E00;
	s9 =	simm.s32 $0x3;
	s11 =	simm.s32 $0x15200;
	v11 =	vsel vm2, $0x9E80, v11;
	v12 =	vsel vm2, $0x9F00, v12;
	v13 =	vsel vm2, $0x9F80, v13  }
0xb: {  	s10 =	simm.s32 $0x2;
	[smem:$0x7FF] =	sst s7;
	s1 =	sand.u32 $0x1, s1;
	v6 =	vsel vm3, $0x1381, v4;
	v4 =	vmul.u32 $0x8, v5;
	v7 =	vsel vm3, $0x9C81, v7  }
0xc: {  	s2 =	sshll.u32 s2, $0x1;
	s4 =	sadd.s32 $0x600, s0;
	s12 =	sadd.s32 $0x800, s0;
	v8 =	vsel vm3, $0x9D01, v8;
	v9 =	vsel vm3, $0x9D81, v9;
	v10 =	vsel vm3, $0x9E01, v10  }
0xd: {  	s0 =	sadd.s32 $0xA00, s0;
	_ =	strace $0x80000047;
	[dreg:$0x7] =	wrdreg s4;
	v11 =	vsel vm3, $0x9E81, v11;
	v12 =	vsel vm3, $0x9F01, v12;
	v13 =	vsel vm3, $0x9F81, v13  }
0xe: {  	s17 =	sadd.s32 $0x200, s3;
	s18 =	sadd.s32 $0x400, s3;
	[dreg:$0x8] =	wrdreg s12;
	v2 =	vnsel vm1, $0x3, v2;
	vm1 =	vmmov $0xff;
	v5 =	vsel vm4, $0x1382, v6  }
0xf: {  	s19 =	sadd.s32 $0x600, s3;
	s13 =	sor.u32 s1, s2;
	[dreg:$0xa] =	wrdreg s0;
	v6 =	vimm.s32 $0x9C07;
	v7 =	vsel vm4, $0x9C82, v7;
	v8 =	vsel vm4, $0x9D02, v8  }
0x10: {  	s20 =	sadd.s32 $0x800, s3;
	[dreg:$0xb] =	wrdreg s17;
	s15 =	sshll.u32 s13, $0x3;
	v9 =	vsel vm4, $0x9D82, v9;
	v10 =	vsel vm4, $0x9E02, v10;
	v11 =	vsel vm4, $0x9E82, v11  }
0x11: {  	s21 =	sadd.s32 $0xA00, s3;
	s22 =	sadd.s32 $0xC00, s3;
	[dreg:$0xc] =	wrdreg s18;
	v12 =	vsel vm4, $0x9F02, v12;
	v13 =	vsel vm4, $0x9F82, v13;
	v1 =	vadd.s32 s15, v0  }
0x12: {  	s23 =	sadd.s32 $0xE00, s3;
	s24 =	sadd.s32 $0x1000, s3;
	[dreg:$0xd] =	wrdreg s19;
	v5 =	vsel vm5, $0x1383, v5;
	v6 =	vsel vm2, $0x9C00, v6;
	v7 =	vsel vm5, $0x9C83, v7  }
0x13: {  	s26 =	sadd.s32 $0x1A00, s3;
	s28 =	sadd.s32 $0x1C00, s3;
	[dreg:$0xe] =	wrdreg s20;
	v8 =	vsel vm5, $0x9D03, v8;
	v9 =	vsel vm5, $0x9D83, v9;
	v10 =	vsel vm5, $0x9E03, v10  }
0x14: {  	s29 =	sadd.s32 $0x1E00, s3;
	s30 =	sadd.s32 $0x2000, s3;
	[dreg:$0xf] =	wrdreg s21;
	v11 =	vsel vm5, $0x9E83, v11;
	v12 =	vsel vm5, $0x9F03, v12;
	v13 =	vsel vm5, $0x9F83, v13  }
0x15: {  	s31 =	sadd.s32 $0x2200, s3;
	s6 =	sadd.s32 $0x2600, s3;
	[dreg:$0x10] =	wrdreg s22;
	v6 =	vsel vm3, $0x9C01, v6;
	v5 =	vsel vm6, $0x1384, v5;
	v7 =	vsel vm6, $0x9C84, v7  }
0x16: {  	s14 =	ssub.s32 $0x2, s1;
	s12 =	simm.s32 $0x28;
	[dreg:$0x11] =	wrdreg s23;
	v8 =	vsel vm6, $0x9D04, v8;
	v9 =	vsel vm6, $0x9D84, v9;
	v10 =	vsel vm6, $0x9E04, v10  }
0x17: {  	[dreg:$0x12] =	wrdreg s24;
	s21 =	sadd.s32 $0x1200, s3;
	s22 =	sadd.s32 $0x1400, s3;
	v11 =	vsel vm6, $0x9E84, v11;
	v12 =	vsel vm6, $0x9F04, v12;
	v13 =	vsel vm6, $0x9F84, v13  }
0x18: {  	s23 =	sadd.s32 $0x1600, s3;
	s24 =	sadd.s32 $0x1800, s3;
	s4 =	simm.s32 $0xB200;
	v6 =	vsel vm4, $0x9C02, v6;
	v5 =	vsel vm7, $0x1385, v5;
	v7 =	vsel vm7, $0x9C85, v7  }
0x19: {  	s2 =	simm.s32 $0x15000;
	s1 =	simm.s32 $0x5;
	s17 =	simm.s32 $0x0;
	v8 =	vsel vm7, $0x9D05, v8;
	v9 =	vsel vm7, $0x9D85, v9;
	v10 =	vsel vm7, $0x9E05, v10  }
.Ltmp0:
0x1a: {  	s16 =	sshrl.u32 s14, $0x1;
	p0 =	slt.u32 s13, $0x11;
	v11 =	vsel vm7, $0x9E85, v11;
	v12 =	vsel vm7, $0x9F05, v12;
	v13 =	vsel vm7, $0x9F85, v13;
	(pc) =	sbr.rel .LBB2_1-.Ltmp0, $4  }
0x1b: {  	[dreg:$0x9] =	wrdreg s13;
	s25 =	sshll.u32 s13, $0x1;
	s13 =	simm.s32 $0x6;
	v6 =	vsel vm5, $0x9C03, v6;
	v5 =	vsel vm8, $0x1386, v5;
	v7 =	vsel vm8, $0x9C86, v7  }
0x1c: {  	s0 =	ssub.s32 s14, s16;
	s12 =	simm.s32 @!p0 $0x26;
	[dreg:$0x14] =	wrdreg s25;
	v8 =	vsel vm8, $0x9D06, v8;
	v9 =	vsel vm8, $0x9D86, v9;
	v6 =	vsel vm6, $0x9C04, v6  }
0x1d: {  	s25 =	simm.s32 $0x1600;
	s14 =	simm.s32 $0x8;
	s0 =	smax.u32 s0, $0x1;
	v10 =	vsel vm8, $0x9E06, v10;
	v11 =	vsel vm8, $0x9E86, v11;
	v6 =	vsel vm7, $0x9C05, v6  }
0x1e: {  	[dreg:$0x13] =	wrdreg s0;
	s0 =	sadd.s32 $0x2400, s3;
	s3 =	simm.s32 $0x1;
	v12 =	vsel vm8, $0x9F06, v12;
	v13 =	vsel vm8, $0x9F86, v13;
	v6 =	vsel vm8, $0x9C06, v6  }
.LBB2_26:
0x1f: {  	s16 =	simm.s32 $0x7  }
0x20: {  	_ =	swait.ge [sflag:s16], $0xA000  }
0x21: {  	s17 =	rddreg [dreg:$0x15]  }
0x22: {  	s15 =	rddreg [dreg:$0x13];
	s17 =	sadd.s32 $0x1, s17  }
0x23: {  	p0 =	sne.s32 s17, s15  }
.Ltmp1:
0x24: {  	_ = 	snop;
	(pc) =	sbr.rel @!p0 .LBB2_27-.Ltmp1, $3  }
0x25: {  	_ =	sdelay $0x1  }
0x26: {  	[sflag:s16] =	ssyncset.done $0x0  }
0x27: {  	[sflag:s16] =	ssyncadd.s32 $0xFFFF6000  }
.LBB2_1:
0x28: {  	[dreg:$0x15] =	wrdreg s17  }
0x29: {  	s15 =	rddreg [dreg:$0x0];
	s16 =	simm.s32 $0x9  }
0x2a: {  	[tilespmem:s7], [sflag:$0x9] =	stream.linear.gather [hbm4b:s15+s7], $0x1400, $0x38;
	[tilespmem:$0x1FA00] =	vst v63  }
0x2b: {  	_ =	swait.ge [sflag:s16], $0x1400  }
0x2c: {  	[sflag:s16] =	ssyncset.done $0x0  }
0x2d: {  	s18 =	simm.s32 $0x1400;
	s17 =	rddreg [dreg:$0x7];
	[sflag:s16] =	ssyncadd.s32 $0xFFFFEC00  }
0x2e: {  	[tilespmem:s18], [sflag:$0x9] =	stream.linear.gather [hbm4b:s17+s7], $0x80, $0x38;
	[tilespmem:$0x1FA00] =	vst v63  }
0x2f: {  	_ =	swait.ge [sflag:s16], $0x80  }
0x30: {  	[sflag:s16] =	ssyncset.done $0x0  }
0x31: {  	s20 =	simm.s32 $0x1480;
	s19 =	rddreg [dreg:$0x8];
	[sflag:s16] =	ssyncadd.s32 $0xFFFFFF80  }
0x32: {  	[tilespmem:s20], [sflag:$0x9] =	stream.linear.gather [hbm4b:s19+s7], $0x80, $0x38;
	[tilespmem:$0x1FA00] =	vst v63  }
0x33: {  	_ =	swait.ge [sflag:s16], $0x80  }
0x34: {  	[sflag:s16] =	ssyncset.done $0x0  }
0x35: {  	[sflag:s16] =	ssyncadd.s32 $0xFFFFFF80  }
0x36: {  	v15 =	vld.idx.msk [tilespmem:v1+s7+$0x0], $0xffff;
	_ =	sdelay $0x3  }
0x37: {  	s16 =	simm.s32 $0x1500;
	v26 =	vld [tilespmem:$0x1400]  }
0x38: {  	v14 =	vld [tilespmem:$0x1480];
	[tilespmem:v2+s16+$0x0] =	vst.idx.msk $0xf, v15  }
0x39: {  	v15 =	vld.msk [tilespmem:$0x1500], $0xf;
	_ =	sdelay $0x4  }
0x3a: {  	v16 =	vshrl.u32 v15, $0x3  }
0x3b: {  	v16 =	vmul.u32 $0x278, v16  }
0x3c: {  	v15 =	vand.u32 $0x7, v15  }
0x3d: {  	v15 =	vor.u32 v15, v16  }
0x3e: {  	v15 =	vperm.xlane v15, v3;
	_ =	sdelay $0x1  }
0x3f: {  	v15 =	vadd.s32 v4, v15;
	_ =	sdelay $0x3  }
0x40: {  	s18 =	rddreg [dreg:$0x2]  }
0x41: {  	[tilespmem:s25], [sflag:$0x1] =	stream.indirect_vreg.gather [hbm4b:s18+s7], $0x80, v15, vm0, $0xb8;
	[tilespmem:$0x1FA00] =	vst v63  }
0x42: {  	s20 =	simm.s32 $0x1E00;
	s19 =	rddreg [dreg:$0xb]  }
0x43: {  	[tilespmem:s20], [sflag:$0x1] =	stream.indirect_vreg.gather [hbm4b:s19+s7], $0x80, v15, vm0, $0xb8;
	[tilespmem:$0x1FA00] =	vst v63  }
0x44: {  	s17 =	rddreg [dreg:$0xc];
	s18 =	simm.s32 $0x2600  }
0x45: {  	[tilespmem:s18], [sflag:$0x1] =	stream.indirect_vreg.gather [hbm4b:s17+s7], $0x80, v15, vm0, $0xb8;
	[tilespmem:$0x1FA00] =	vst v63  }
0x46: {  	s19 =	rddreg [dreg:$0xd];
	s20 =	simm.s32 $0x2E00  }
0x47: {  	[tilespmem:s20], [sflag:$0x1] =	stream.indirect_vreg.gather [hbm4b:s19+s7], $0x80, v15, vm0, $0xb8;
	[tilespmem:$0x1FA00] =	vst v63  }
0x48: {  	s17 =	rddreg [dreg:$0xe];
	s18 =	simm.s32 $0x3600  }
0x49: {  	[tilespmem:s18], [sflag:$0x1] =	stream.indirect_vreg.gather [hbm4b:s17+s7], $0x80, v15, vm0, $0xb8;
	[tilespmem:$0x1FA00] =	vst v63  }
0x4a: {  	s19 =	rddreg [dreg:$0xf];
	s20 =	simm.s32 $0x3E00  }
0x4b: {  	[tilespmem:s20], [sflag:$0x1] =	stream.indirect_vreg.gather [hbm4b:s19+s7], $0x80, v15, vm0, $0xb8;
	[tilespmem:$0x1FA00] =	vst v63  }
0x4c: {  	s17 =	rddreg [dreg:$0x10];
	s18 =	simm.s32 $0x4600  }
0x4d: {  	[tilespmem:s18], [sflag:$0x1] =	stream.indirect_vreg.gather [hbm4b:s17+s7], $0x80, v15, vm0, $0xb8;
	[tilespmem:$0x1FA00] =	vst v63  }
0x4e: {  	s19 =	rddreg [dreg:$0x11];
	s20 =	simm.s32 $0x4E00  }
0x4f: {  	[tilespmem:s20], [sflag:$0x1] =	stream.indirect_vreg.gather [hbm4b:s19+s7], $0x80, v15, vm0, $0xb8;
	[tilespmem:$0x1FA00] =	vst v63  }
0x50: {  	s17 =	rddreg [dreg:$0x12];
	s18 =	simm.s32 $0x5600  }
0x51: {  	[tilespmem:s18], [sflag:$0x1] =	stream.indirect_vreg.gather [hbm4b:s17+s7], $0x80, v15, vm0, $0xb8;
	[tilespmem:$0x1FA00] =	vst v63  }
0x52: {  	s19 =	simm.s32 $0x5E00  }
0x53: {  	[tilespmem:s19], [sflag:$0x1] =	stream.indirect_vreg.gather [hbm4b:s21+s7], $0x80, v15, vm0, $0xb8;
	[tilespmem:$0x1FA00] =	vst v63  }
0x54: {  	s20 =	simm.s32 $0x6600  }
0x55: {  	[tilespmem:s20], [sflag:$0x1] =	stream.indirect_vreg.gather [hbm4b:s22+s7], $0x80, v15, vm0, $0xb8;
	[tilespmem:$0x1FA00] =	vst v63  }
0x56: {  	s17 =	simm.s32 $0x6E00  }
0x57: {  	[tilespmem:s17], [sflag:$0x1] =	stream.indirect_vreg.gather [hbm4b:s23+s7], $0x80, v15, vm0, $0xb8;
	[tilespmem:$0x1FA00] =	vst v63  }
0x58: {  	s18 =	simm.s32 $0x7600  }
0x59: {  	[tilespmem:s18], [sflag:$0x1] =	stream.indirect_vreg.gather [hbm4b:s24+s7], $0x80, v15, vm0, $0xb8;
	[tilespmem:$0x1FA00] =	vst v63  }
0x5a: {  	s19 =	simm.s32 $0x7E00  }
0x5b: {  	[tilespmem:s19], [sflag:$0x1] =	stream.indirect_vreg.gather [hbm4b:s26+s7], $0x80, v15, vm0, $0xb8;
	[tilespmem:$0x1FA00] =	vst v63  }
0x5c: {  	s20 =	simm.s32 $0x8600  }
0x5d: {  	[tilespmem:s20], [sflag:$0x1] =	stream.indirect_vreg.gather [hbm4b:s28+s7], $0x80, v15, vm0, $0xb8;
	[tilespmem:$0x1FA00] =	vst v63  }
0x5e: {  	s17 =	simm.s32 $0x8E00  }
0x5f: {  	[tilespmem:s17], [sflag:$0x1] =	stream.indirect_vreg.gather [hbm4b:s29+s7], $0x80, v15, vm0, $0xb8;
	[tilespmem:$0x1FA00] =	vst v63  }
0x60: {  	s18 =	simm.s32 $0x9600  }
0x61: {  	[tilespmem:s18], [sflag:$0x1] =	stream.indirect_vreg.gather [hbm4b:s30+s7], $0x80, v15, vm0, $0xb8;
	[tilespmem:$0x1FA00] =	vst v63  }
0x62: {  	s19 =	simm.s32 $0x9E00  }
0x63: {  	[tilespmem:s19], [sflag:$0x1] =	stream.indirect_vreg.gather [hbm4b:s31+s7], $0x80, v15, vm0, $0xb8;
	[tilespmem:$0x1FA00] =	vst v63  }
0x64: {  	s20 =	simm.s32 $0xA600  }
0x65: {  	vm2 =	vgt.s32 v26, $0x0;
	[tilespmem:s20], [sflag:$0x1] =	stream.indirect_vreg.gather [hbm4b:s0+s7], $0x80, v15, vm0, $0xb8;
	[tilespmem:$0x1FA00] =	vst v63  }
0x66: {  	v16 =	vnsel vm2, $0x0, v26;
	s17 =	simm.s32 $0xAE00  }
0x67: {  	[tilespmem:s17], [sflag:$0x1] =	stream.indirect_vreg.gather [hbm4b:s6+s7], $0x80, v15, vm1, $0xb8;
	v15 =	vshll.u32 v16, $0x3;
	[tilespmem:$0x1FA00] =	vst v63  }
.Ltmp2:
0x68: {  	s18 =	rddreg [dreg:$0x3];
	v16 =	vand.u32 $0x7F, v16;
	v15 =	vand.u32 $0xFFFFFC00, v15;
	(pc) =	sbr.rel .LBB2_2-.Ltmp2, $4  }
0x69: {  	v17 =	vadd.s32 $0x80, v14;
	v19 =	vadd.s32 $0x100, v14;
	[tilespmem:s5], [sflag:$0x3] =	stream.indirect.gather [hbm4b:s18+s8], $0x80, s16, s8, $0xb8;
	v15 =	vor.u32 v16, v15;
	[tilespmem:$0x1FA00] =	vst v63  }
0x6a: {  	v21 =	vadd.s32 $0x180, v14;
	vm2 =	vgt.s32 v26, $0xFFFFFFFF;
	s19 =	rddreg [dreg:$0x4];
	s20 =	simm.s32 $0x1F200;
	v16 =	vor.u32 $0x200, v15  }
0x6b: {  	v18 =	vor.u32 $0x280, v15;
	v20 =	vor.u32 $0x300, v15;
	v22 =	vor.u32 $0x380, v15;
	[tilespmem:s20], [sflag:$0x5] =	stream.indirect.gather [hbm4b:s19+s8], $0x80, s16, s8, $0xb8;
	[tilespmem:$0x1FA00] =	vst v63  }
0x6c: {  	v23 =	vor.u32 $0x80, v15;
	v24 =	vor.u32 $0x100, v15;
	v25 =	vor.u32 $0x180, v15;
	s16 =	simm.s32 $0x0  }
.LBB2_24:
0x6d: {  	_ =	sdelay $0x1  }
0x6e: {  	[tilespmem:s17+$0xFFFFFE50] =	vst v39  }
0x6f: {  	[tilespmem:s17+$0xFFFFFE60] =	vst v43  }
0x70: {  	v55 =	vld.idx.msk [tilespmem:v29+s4+$0x0], $0xffff;
	[tilespmem:s17+$0xFFFFFE90] =	vst v44  }
0x71: {  	v57 =	vor.u32 $0x80, v32;
	[tilespmem:s17+$0xFFFFFE20] =	vst v45;
	v56 =	vld.idx.msk [tilespmem:v46+s4+$0x0], $0xffff  }
0x72: {  	v58 =	vor.u32 $0x100, v30;
	[tilespmem:s17+$0xFFFFFE30] =	vst v37;
	v38 =	vld.idx.msk [tilespmem:v38+s4+$0x0], $0xffff  }
0x73: {  	[tilespmem:s17+$0xFFFFFE40] =	vst v42;
	v59 =	vld.idx.msk [tilespmem:v40+s4+$0x0], $0xffff  }
0x74: {  	v61 =	vor.u32 $0x100, v31;
	[tilespmem:s17+$0xFFFFFE70] =	vst v36;
	v60 =	vld.idx.msk [tilespmem:v41+s4+$0x0], $0xffff  }
0x75: {  	v63 =	vor.u32 $0x100, v33;
	v35 =	vld.idx.msk [tilespmem:v35+s4+$0x0], $0xffff;
	[tilespmem:s17+$0xFFFFFE80] =	vst v55  }
0x76: {  	v48 =	vor.u32 $0x100, v28;
	v62 =	vld.idx.msk [tilespmem:v57+s4+$0x0], $0xffff;
	[tilespmem:s17+$0xFFFFFED0] =	vst v56  }
0x77: {  	v51 =	vor.u32 $0x100, v27;
	v45 =	vld.idx.msk [tilespmem:v58+s4+$0x0], $0xffff;
	[tilespmem:s17+$0xFFFFFEE0] =	vst v38  }
0x78: {  	v53 =	vor.u32 $0x100, v26;
	v34 =	vld.idx.msk [tilespmem:v34+s4+$0x0], $0xffff;
	[tilespmem:s17+$0xFFFFFEA0] =	vst v59  }
0x79: {  	v46 =	vor.u32 $0x100, v32;
	[tilespmem:s17+$0xFFFFFEB0] =	vst v60;
	v49 =	vld.idx.msk [tilespmem:v61+s4+$0x0], $0xffff  }
0x7a: {  	v47 =	vor.u32 $0x180, v30;
	[tilespmem:s17+$0xFFFFFEF0] =	vst v35;
	v52 =	vld.idx.msk [tilespmem:v63+s4+$0x0], $0xffff  }
0x7b: {  	v50 =	vor.u32 $0x100, v29;
	v56 =	vld.idx.msk [tilespmem:v48+s4+$0x0], $0xffff;
	[tilespmem:s17+$0xFFFFFEC0] =	vst v62  }
0x7c: {  	v54 =	vor.u32 $0x180, v33;
	v59 =	vld.idx.msk [tilespmem:v51+s4+$0x0], $0xffff;
	[tilespmem:s17+$0xFFFFFF10] =	vst v45  }
0x7d: {  	v57 =	vor.u32 $0x180, v31;
	v62 =	vld.idx.msk [tilespmem:v53+s4+$0x0], $0xffff;
	[tilespmem:s17+$0xFFFFFF00] =	vst v34  }
0x7e: {  	v61 =	vor.u32 $0x180, v28;
	v38 =	vld.idx.msk [tilespmem:v46+s4+$0x0], $0xffff;
	[tilespmem:s17+$0xFFFFFF60] =	vst v49  }
0x7f: {  	v27 =	vor.u32 $0x180, v27;
	v30 =	vld.idx.msk [tilespmem:v47+s4+$0x0], $0xffff;
	[tilespmem:s17+$0xFFFFFF20] =	vst v52  }
0x80: {  	v26 =	vor.u32 $0x180, v26;
	v58 =	vld.idx.msk [tilespmem:v50+s4+$0x0], $0xffff;
	[tilespmem:s17+$0xFFFFFF30] =	vst v56  }
0x81: {  	v55 =	vor.u32 $0x180, v32;
	[tilespmem:s17+$0xFFFFFF70] =	vst v59;
	v33 =	vld.idx.msk [tilespmem:v54+s4+$0x0], $0xffff  }
0x82: {  	v60 =	vor.u32 $0x180, v29;
	v31 =	vld.idx.msk [tilespmem:v57+s4+$0x0], $0xffff;
	[tilespmem:s17+$0xFFFFFF50] =	vst v62  }
0x83: {  	v28 =	vld.idx.msk [tilespmem:v61+s4+$0x0], $0xffff;
	[tilespmem:s17+$0xFFFFFF40] =	vst v38  }
0x84: {  	v27 =	vld.idx.msk [tilespmem:v27+s4+$0x0], $0xffff;
	[tilespmem:s17+$0xFFFFFF90] =	vst v30  }
0x85: {  	v26 =	vld.idx.msk [tilespmem:v26+s4+$0x0], $0xffff;
	[tilespmem:s17+$0xFFFFFF80] =	vst v58  }
0x86: {  	v63 =	vld.idx.msk [tilespmem:v55+s4+$0x0], $0xffff;
	[tilespmem:s17+$0xFFFFFFA0] =	vst v33  }
0x87: {  	v29 =	vld.idx.msk [tilespmem:v60+s4+$0x0], $0xffff;
	[tilespmem:s17+$0xFFFFFFE0] =	vst v31  }
0x88: {  	[tilespmem:s17+$0xFFFFFFB0] =	vst v28  }
0x89: {  	[tilespmem:s17+$0xFFFFFFF0] =	vst v27  }
0x8a: {  	[tilespmem:s17+$0xFFFFFFD0] =	vst v26  }
0x8b: {  	[tilespmem:s17+$0xFFFFFFC0] =	vst v63  }
0x8c: {  	[tilespmem:s17+$0x0] =	vst v29  }
0x8d: {  	v26 =	vld.idx.msk [tilespmem:v5+s7+$0x0], $0xffff;
	_ =	sdelay $0x4  }
0x8e: {  	v27 =	vshll.u32 v26, $0x2  }
0x8f: {  	v26 =	vand.u32 $0x7F, v26;
	v27 =	vand.u32 $0xFFFFFE00, v27  }
0x90: {  	v26 =	vor.u32 v26, v27;
	_ =	sdelay $0x4  }
0x91: {  	v26 =	vld.idx.msk [tilespmem:v26+s4+$0x0], $0xffff;
	_ =	sdelay $0x4  }
0x92: {  	[tilespmem:v10+s11+$0x0] =	vst.idx.msk $0xff, v26  }
0x93: {  	v26 =	vld.idx.msk [tilespmem:v14+s2+$0x0], $0xffff;
	_ =	sdelay $0x4  }
0x94: {  	[tilespmem:v16+s11+$0x0] =	vst.idx.msk vm2, v26  }
0x95: {  	v26 =	vld.idx.msk [tilespmem:v5+s7+$0x0], $0xffff;
	_ =	sdelay $0x4  }
0x96: {  	v27 =	vshll.u32 v26, $0x2  }
0x97: {  	v26 =	vand.u32 $0x7F, v26;
	v27 =	vand.u32 $0xFFFFFE00, v27  }
0x98: {  	v26 =	vor.u32 v27, v26  }
0x99: {  	v26 =	vor.u32 $0x80, v26;
	_ =	sdelay $0x4  }
0x9a: {  	v26 =	vld.idx.msk [tilespmem:v26+s4+$0x0], $0xffff;
	_ =	sdelay $0x4  }
0x9b: {  	[tilespmem:v11+s11+$0x0] =	vst.idx.msk $0xff, v26  }
0x9c: {  	v26 =	vld.idx.msk [tilespmem:v17+s2+$0x0], $0xffff;
	_ =	sdelay $0x4  }
0x9d: {  	[tilespmem:v18+s11+$0x0] =	vst.idx.msk vm2, v26  }
0x9e: {  	v26 =	vld.idx.msk [tilespmem:v5+s7+$0x0], $0xffff;
	_ =	sdelay $0x4  }
0x9f: {  	v27 =	vshll.u32 v26, $0x2  }
0xa0: {  	v26 =	vand.u32 $0x7F, v26;
	v27 =	vand.u32 $0xFFFFFE00, v27  }
0xa1: {  	v26 =	vor.u32 v27, v26  }
0xa2: {  	v26 =	vor.u32 $0x100, v26;
	_ =	sdelay $0x4  }
0xa3: {  	v26 =	vld.idx.msk [tilespmem:v26+s4+$0x0], $0xffff;
	_ =	sdelay $0x4  }
0xa4: {  	[tilespmem:v12+s11+$0x0] =	vst.idx.msk $0xff, v26  }
0xa5: {  	v26 =	vld.idx.msk [tilespmem:v19+s2+$0x0], $0xffff;
	_ =	sdelay $0x4  }
0xa6: {  	[tilespmem:v20+s11+$0x0] =	vst.idx.msk vm2, v26  }
0xa7: {  	v26 =	vld.idx.msk [tilespmem:v5+s7+$0x0], $0xffff;
	_ =	sdelay $0x4  }
0xa8: {  	v27 =	vshll.u32 v26, $0x2  }
0xa9: {  	v26 =	vand.u32 $0x7F, v26;
	v27 =	vand.u32 $0xFFFFFE00, v27  }
0xaa: {  	v26 =	vor.u32 v27, v26  }
0xab: {  	v26 =	vor.u32 $0x180, v26;
	_ =	sdelay $0x4  }
0xac: {  	v26 =	vld.idx.msk [tilespmem:v26+s4+$0x0], $0xffff;
	_ =	sdelay $0x4  }
0xad: {  	[tilespmem:v13+s11+$0x0] =	vst.idx.msk $0xff, v26  }
0xae: {  	s15 =	sshll.u32 s15, $0x4;
	v26 =	vld.idx.msk [tilespmem:v21+s2+$0x0], $0xffff  }
0xaf: {  	s15 =	sand.u32 $0xFFFFFFE0, s15;
	s17 =	rddreg [dreg:$0x9]  }
0xb0: {  	s15 =	sor.u32 s17, s15  }
0xb1: {  	s17 =	smul.u32 $0x1400, s15  }
0xb2: {  	s18 =	rddreg [dreg:$0xa]  }
0xb3: {  	s17 =	sadd.s32 s18, s17;
	[tilespmem:v22+s11+$0x0] =	vst.idx.msk vm2, v26  }
0xb4: {  	[hbm4b:s17+s7] =	stream.linear.scatter [tilespmem:s11], [sflag:$0x7], $0xA000, $0x38;
	[tilespmem:$0x1FA00] =	vst v63  }
0xb5: {  	_ =	swait.ge [sflag:s1], $0x200  }
0xb6: {  	[sflag:s1] =	ssyncset.done $0x0  }
0xb7: {  	[sflag:s1] =	ssyncadd.s32 $0xFFFFFE00  }
0xb8: {  	_ =	swait.ge [sflag:s13], $0x200  }
0xb9: {  	[sflag:s13] =	ssyncset.done $0x0  }
0xba: {  	s15 =	sshll.u32 s15, $0x7;
	[sflag:s13] =	ssyncadd.s32 $0xFFFFFE00  }
0xbb: {  	s15 =	sand.u32 $0x1FFFFF80, s15;
	s19 =	rddreg [dreg:$0x5]  }
0xbc: {  	s20 =	simm.s32 $0x1F600;
	s15 =	sadd.s32 s19, s15  }
0xbd: {  	[hbm4b:s15+s7] =	stream.linear.scatter [tilespmem:s20], [sflag:$0x8], $0x400, $0x38;
	[tilespmem:$0x1FA00] =	vst v63  }
0xbe: {  	_ =	swait.ge [sflag:s14], $0x400  }
0xbf: {  	[sflag:s14] =	ssyncset.done $0x0  }
0xc0: {  	[sflag:s14] =	ssyncadd.s32 $0xFFFFFC00  }
.LBB2_25:
0xc1: {  	p0 =	sne.s32 s16, s12  }
.Ltmp3:
0xc2: {  	_ = 	snop;
	(pc) =	sbr.rel @!p0 .LBB2_26-.Ltmp3, $1  }
0xc3: {  	_ =	sdelay $0x3  }
.LBB2_2:
0xc4: {  	s17 =	sand.u32 $0x3, s16  }
0xc5: {  	p0 =	sgt.s32 s17, $0x1  }
.Ltmp4:
0xc6: {  	_ = 	snop;
	(pc) =	sbr.rel @p0 .LBB2_19-.Ltmp4, $2  }
0xc7: {  	_ =	sdelay $0x2  }
0xc8: {  	s15 =	smov.u32 s16;
	s16 =	sadd.s32 $0x1, s16  }
0xc9: {  	p0 =	seq.s32 s17, $0x0  }
.Ltmp5:
0xca: {  	_ = 	snop;
	(pc) =	sbr.rel @!p0 .LBB2_9-.Ltmp5, $1  }
0xcb: {  	_ =	sdelay $0x3  }
0xcc: {  	p0 =	sge.u32 s16, s12  }
.Ltmp6:
0xcd: {  	_ = 	snop;
	(pc) =	sbr.rel @p0 .LBB2_6-.Ltmp6, $1  }
0xce: {  	_ =	sdelay $0x3  }
0xcf: {  	s17 =	sshll.u32 s16, $0x5  }
0xd0: {  	s18 =	sand.u32 $0x1, s16;
	s17 =	sand.u32 $0x3FFFFFC0, s17  }
0xd1: {  	s20 =	rddreg [dreg:$0x14];
	s17 =	sor.u32 s18, s17  }
0xd2: {  	s17 =	sor.u32 s20, s17  }
0xd3: {  	s17 =	sshll.u32 s17, $0x2  }
0xd4: {  	v26 =	vadd.s32 s17, v0  }
0xd5: {  	vm3 =	vlt.s32 v26, $0x1387  }
0xd6: {  	v26 =	vnsel vm3, $0x1387, v26;
	_ =	sdelay $0x4  }
0xd7: {  	v26 =	vld.idx.msk [tilespmem:v26+s7+$0x0], $0xffff;
	_ =	sdelay $0x3  }
0xd8: {  	s18 =	simm.s32 $0x1580  }
0xd9: {  	[tilespmem:v2+s18+$0x0] =	vst.idx.msk $0xf, v26  }
0xda: {  	v26 =	vld.msk [tilespmem:$0x1580], $0xf;
	_ =	sdelay $0x4  }
0xdb: {  	v27 =	vshrl.u32 v26, $0x3  }
0xdc: {  	v27 =	vmul.u32 $0x278, v27  }
0xdd: {  	v26 =	vand.u32 $0x7, v26  }
0xde: {  	v26 =	vor.u32 v26, v27  }
0xdf: {  	v26 =	vperm.xlane v26, v3;
	_ =	sdelay $0x1  }
0xe0: {  	v26 =	vadd.s32 v4, v26;
	_ =	sdelay $0x3  }
0xe1: {  	s19 =	rddreg [dreg:$0x2]  }
0xe2: {  	[tilespmem:s4], [sflag:$0x2] =	stream.indirect_vreg.gather [hbm4b:s19+s7], $0x80, v26, vm0, $0xb8;
	[tilespmem:$0x1FA00] =	vst v63  }
0xe3: {  	s20 =	rddreg [dreg:$0xb];
	s19 =	simm.s32 $0xBA00  }
0xe4: {  	[tilespmem:s19], [sflag:$0x2] =	stream.indirect_vreg.gather [hbm4b:s20+s7], $0x80, v26, vm0, $0xb8;
	[tilespmem:$0x1FA00] =	vst v63  }
0xe5: {  	s19 =	rddreg [dreg:$0xc];
	s20 =	simm.s32 $0xC200  }
0xe6: {  	[tilespmem:s20], [sflag:$0x2] =	stream.indirect_vreg.gather [hbm4b:s19+s7], $0x80, v26, vm0, $0xb8;
	[tilespmem:$0x1FA00] =	vst v63  }
0xe7: {  	s19 =	rddreg [dreg:$0xd];
	s20 =	simm.s32 $0xCA00  }
0xe8: {  	[tilespmem:s20], [sflag:$0x2] =	stream.indirect_vreg.gather [hbm4b:s19+s7], $0x80, v26, vm0, $0xb8;
	[tilespmem:$0x1FA00] =	vst v63  }
0xe9: {  	s19 =	rddreg [dreg:$0xe];
	s20 =	simm.s32 $0xD200  }
0xea: {  	[tilespmem:s20], [sflag:$0x2] =	stream.indirect_vreg.gather [hbm4b:s19+s7], $0x80, v26, vm0, $0xb8;
	[tilespmem:$0x1FA00] =	vst v63  }
0xeb: {  	s19 =	rddreg [dreg:$0xf];
	s20 =	simm.s32 $0xDA00  }
0xec: {  	[tilespmem:s20], [sflag:$0x2] =	stream.indirect_vreg.gather [hbm4b:s19+s7], $0x80, v26, vm0, $0xb8;
	[tilespmem:$0x1FA00] =	vst v63  }
0xed: {  	s19 =	rddreg [dreg:$0x10];
	s20 =	simm.s32 $0xE200  }
0xee: {  	[tilespmem:s20], [sflag:$0x2] =	stream.indirect_vreg.gather [hbm4b:s19+s7], $0x80, v26, vm0, $0xb8;
	[tilespmem:$0x1FA00] =	vst v63  }
0xef: {  	s19 =	rddreg [dreg:$0x11];
	s20 =	simm.s32 $0xEA00  }
0xf0: {  	[tilespmem:s20], [sflag:$0x2] =	stream.indirect_vreg.gather [hbm4b:s19+s7], $0x80, v26, vm0, $0xb8;
	[tilespmem:$0x1FA00] =	vst v63  }
0xf1: {  	s19 =	rddreg [dreg:$0x12];
	s20 =	simm.s32 $0xF200  }
0xf2: {  	[tilespmem:s20], [sflag:$0x2] =	stream.indirect_vreg.gather [hbm4b:s19+s7], $0x80, v26, vm0, $0xb8;
	[tilespmem:$0x1FA00] =	vst v63  }
0xf3: {  	s19 =	simm.s32 $0xFA00  }
0xf4: {  	[tilespmem:s19], [sflag:$0x2] =	stream.indirect_vreg.gather [hbm4b:s21+s7], $0x80, v26, vm0, $0xb8;
	[tilespmem:$0x1FA00] =	vst v63  }
0xf5: {  	s20 =	simm.s32 $0x10200  }
0xf6: {  	[tilespmem:s20], [sflag:$0x2] =	stream.indirect_vreg.gather [hbm4b:s22+s7], $0x80, v26, vm0, $0xb8;
	[tilespmem:$0x1FA00] =	vst v63  }
0xf7: {  	s19 =	simm.s32 $0x10A00  }
0xf8: {  	[tilespmem:s19], [sflag:$0x2] =	stream.indirect_vreg.gather [hbm4b:s23+s7], $0x80, v26, vm0, $0xb8;
	[tilespmem:$0x1FA00] =	vst v63  }
0xf9: {  	s20 =	simm.s32 $0x11200  }
0xfa: {  	[tilespmem:s20], [sflag:$0x2] =	stream.indirect_vreg.gather [hbm4b:s24+s7], $0x80, v26, vm0, $0xb8;
	[tilespmem:$0x1FA00] =	vst v63  }
0xfb: {  	s19 =	simm.s32 $0x11A00  }
0xfc: {  	[tilespmem:s19], [sflag:$0x2] =	stream.indirect_vreg.gather [hbm4b:s26+s7], $0x80, v26, vm0, $0xb8;
	[tilespmem:$0x1FA00] =	vst v63  }
0xfd: {  	s20 =	simm.s32 $0x12200  }
0xfe: {  	[tilespmem:s20], [sflag:$0x2] =	stream.indirect_vreg.gather [hbm4b:s28+s7], $0x80, v26, vm0, $0xb8;
	[tilespmem:$0x1FA00] =	vst v63  }
0xff: {  	s19 =	simm.s32 $0x12A00  }
0x100: {  	[tilespmem:s19], [sflag:$0x2] =	stream.indirect_vreg.gather [hbm4b:s29+s7], $0x80, v26, vm0, $0xb8;
	[tilespmem:$0x1FA00] =	vst v63  }
0x101: {  	s20 =	simm.s32 $0x13200  }
0x102: {  	[tilespmem:s20], [sflag:$0x2] =	stream.indirect_vreg.gather [hbm4b:s30+s7], $0x80, v26, vm0, $0xb8;
	[tilespmem:$0x1FA00] =	vst v63  }
0x103: {  	s19 =	simm.s32 $0x13A00  }
0x104: {  	[tilespmem:s19], [sflag:$0x2] =	stream.indirect_vreg.gather [hbm4b:s31+s7], $0x80, v26, vm0, $0xb8;
	[tilespmem:$0x1FA00] =	vst v63  }
0x105: {  	s20 =	simm.s32 $0x14200  }
0x106: {  	[tilespmem:s20], [sflag:$0x2] =	stream.indirect_vreg.gather [hbm4b:s0+s7], $0x80, v26, vm0, $0xb8;
	[tilespmem:$0x1FA00] =	vst v63  }
0x107: {  	s19 =	simm.s32 $0x14A00  }
0x108: {  	[tilespmem:s19], [sflag:$0x2] =	stream.indirect_vreg.gather [hbm4b:s6+s7], $0x80, v26, vm1, $0xb8;
	[tilespmem:$0x1FA00] =	vst v63  }
0x109: {  	s20 =	rddreg [dreg:$0x3]  }
0x10a: {  	[tilespmem:s2], [sflag:$0x4] =	stream.indirect.gather [hbm4b:s20+s8], $0x80, s18, s8, $0xb8;
	[tilespmem:$0x1FA00] =	vst v63  }
0x10b: {  	s19 =	rddreg [dreg:$0x4];
	s20 =	simm.s32 $0x1F400  }
0x10c: {  	[tilespmem:s20], [sflag:$0x6] =	stream.indirect.gather [hbm4b:s19+s8], $0x80, s18, s8, $0xb8;
	[tilespmem:$0x1FA00] =	vst v63  }
.LBB2_6:
0x10d: {  	_ =	swait.ge [sflag:s3], $0x9C00  }
0x10e: {  	[sflag:s3] =	ssyncset.done $0x0  }
0x10f: {  	[sflag:s3] =	ssyncadd.s32 $0xFFFF6400  }
0x110: {  	_ =	swait.ge [sflag:s9], $0x200  }
0x111: {  	p0 =	seq.s32 s15, $0x0;
	[sflag:s9] =	ssyncset.done $0x0  }
0x112: {  	s15 =	simm.s32 @!p0 $0x7;
	[sflag:s9] =	ssyncadd.s32 $0xFFFFFE00  }
0x113: {  	_ =	swait.ge @!p0 [sflag:s15], $0xA000  }
0x114: {  	[sflag:s15] =	ssyncset.done @!p0 $0x0  }
0x115: {  	s20 =	simm.s32 $0x40;
	[sflag:s15] =	ssyncadd.s32 @!p0 $0xFFFF6000  }
0x116: {  	v26 =	vld [tilespmem:s20+$0xFFFFFFC0]  }
0x117: {  	v27 =	vld [tilespmem:s20+$0x10]  }
0x118: {  	v28 =	vld [tilespmem:s20+$0x0]  }
0x119: {  	v29 =	vld [tilespmem:s20+$0xFFFFFFE0]  }
0x11a: {  	v33 =	vld [tilespmem:s20+$0xFFFFFFF0];
	_ =	sdelay $0x1  }
0x11b: {  	v30 =	vshll.u32 v26, $0x2  }
0x11c: {  	v32 =	vld [tilespmem:s20+$0x20];
	v26 =	vand.u32 $0x7F, v26;
	v31 =	vshll.u32 v27, $0x2;
	v27 =	vand.u32 $0x7F, v27  }
0x11d: {  	v35 =	vshll.u32 v29, $0x2;
	v29 =	vand.u32 $0x7F, v29;
	v30 =	vand.u32 $0xFFFFFE00, v30  }
0x11e: {  	v34 =	vld [tilespmem:s20+$0xFFFFFFD0];
	v62 =	vshll.u32 v33, $0x2;
	v30 =	vor.u32 v26, v30;
	v26 =	vshll.u32 v28, $0x2  }
0x11f: {  	v31 =	vand.u32 $0xFFFFFE00, v31;
	v28 =	vand.u32 $0x7F, v28;
	v26 =	vand.u32 $0xFFFFFE00, v26  }
0x120: {  	v61 =	vld [tilespmem:s20+$0x30];
	v31 =	vor.u32 v27, v31;
	v26 =	vor.u32 v28, v26;
	v28 =	vand.u32 $0xFFFFFE00, v35  }
0x121: {  	v37 =	vand.u32 $0x7F, v33;
	v28 =	vor.u32 v29, v28;
	v29 =	vshll.u32 v32, $0x2  }
0x122: {  	v27 =	vand.u32 $0x7F, v32;
	v32 =	vand.u32 $0xFFFFFE00, v62;
	v29 =	vand.u32 $0xFFFFFE00, v29  }
0x123: {  	v32 =	vor.u32 v37, v32;
	v36 =	vld.idx.msk [tilespmem:v30+s25+$0x0], $0xffff;
	v27 =	vor.u32 v27, v29;
	v29 =	vshll.u32 v34, $0x2  }
0x124: {  	v38 =	vor.u32 $0x80, v30;
	v34 =	vand.u32 $0x7F, v34;
	v29 =	vand.u32 $0xFFFFFE00, v29  }
0x125: {  	v43 =	vld.idx.msk [tilespmem:v31+s25+$0x0], $0xffff;
	v33 =	vor.u32 v34, v29;
	v29 =	vshll.u32 v61, $0x2  }
0x126: {  	v63 =	vand.u32 $0x7F, v61;
	v39 =	vld.idx.msk [tilespmem:v26+s25+$0x0], $0xffff;
	v29 =	vand.u32 $0xFFFFFE00, v29  }
0x127: {  	s15 =	simm.s32 $0x15300;
	v37 =	vld.idx.msk [tilespmem:v28+s25+$0x0], $0xffff;
	v29 =	vor.u32 v63, v29  }
0x128: {  	v46 =	vor.u32 $0x80, v26;
	v42 =	vld.idx.msk [tilespmem:v32+s25+$0x0], $0xffff;
	[tilespmem:s15+$0xFFFFFF00] =	vst v36  }
0x129: {  	v44 =	vld.idx.msk [tilespmem:v38+s25+$0x0], $0xffff;
	v38 =	vor.u32 $0x80, v31  }
0x12a: {  	v41 =	vor.u32 $0x80, v28;
	v36 =	vld.idx.msk [tilespmem:v27+s25+$0x0], $0xffff  }
0x12b: {  	s17 =	simm.s32 $0x0;
	s18 =	simm.s32 $0xC0;
	s19 =	simm.s32 $0x15300;
	v35 =	vor.u32 $0x80, v27;
	v40 =	vor.u32 $0x80, v33;
	v34 =	vor.u32 $0x80, v29;
	v45 =	vld.idx.msk [tilespmem:v33+s25+$0x0], $0xffff  }
.LBB2_7:
0x12c: {  	s17 =	sadd.s32 $0x8, s17;
	[tilespmem:s15+$0xFFFFFF40] =	vst v39;
	v39 =	vld.idx.msk [tilespmem:v29+s25+$0x0], $0xffff;
	s19 =	sadd.s32 $0x400, s19  }
0x12d: {  	p0 =	slt.u32 s17, $0x130;
	v46 =	vld.idx.msk [tilespmem:v46+s25+$0x0], $0xffff;
	[tilespmem:s15+$0xFFFFFF50] =	vst v43  }
0x12e: {  	v43 =	vor.u32 $0x100, v30;
	v38 =	vld.idx.msk [tilespmem:v38+s25+$0x0], $0xffff  }
0x12f: {  	v47 =	vld [tilespmem:s18+$0x10];
	[tilespmem:s15+$0xFFFFFF80] =	vst v44  }
0x130: {  	v44 =	vld [tilespmem:s18+$0xFFFFFFE0];
	[tilespmem:s15+$0xFFFFFF10] =	vst v45;
	v45 =	vor.u32 $0x80, v32  }
0x131: {  	v40 =	vld.idx.msk [tilespmem:v40+s25+$0x0], $0xffff;
	[tilespmem:s15+$0xFFFFFF20] =	vst v37  }
0x132: {  	v37 =	vld.idx.msk [tilespmem:v41+s25+$0x0], $0xffff;
	[tilespmem:s15+$0xFFFFFF70] =	vst v39  }
0x133: {  	v39 =	vld.idx.msk [tilespmem:v43+s25+$0x0], $0xffff;
	[tilespmem:s15+$0xFFFFFFC0] =	vst v46  }
0x134: {  	v41 =	vld [tilespmem:s18+$0xFFFFFFF0];
	[tilespmem:s15+$0xFFFFFF30] =	vst v42  }
0x135: {  	v42 =	vld.idx.msk [tilespmem:v45+s25+$0x0], $0xffff;
	[tilespmem:s15+$0xFFFFFFD0] =	vst v38  }
0x136: {  	v38 =	vld [tilespmem:s18+$0xFFFFFFC0];
	[tilespmem:s15+$0xFFFFFF60] =	vst v36  }
0x137: {  	[tilespmem:s15+$0xFFFFFF90] =	vst v40;
	v34 =	vld.idx.msk [tilespmem:v34+s25+$0x0], $0xffff  }
0x138: {  	v36 =	vld [tilespmem:s18+$0x20];
	[tilespmem:s15+$0xFFFFFFA0] =	vst v37;
	v37 =	vor.u32 $0x100, v31  }
0x139: {  	v40 =	vld [tilespmem:s18+$0x30];
	[tilespmem:s15+$0x0] =	vst v39;
	v39 =	vor.u32 $0x100, v33  }
0x13a: {  	v45 =	vor.u32 $0x100, v32;
	v43 =	vld [tilespmem:s18+$0xFFFFFFD0]  }
0x13b: {  	v46 =	vor.u32 $0x180, v30;
	[tilespmem:s15+$0xFFFFFFB0] =	vst v42;
	v35 =	vld.idx.msk [tilespmem:v35+s25+$0x0], $0xffff  }
0x13c: {  	v48 =	vor.u32 $0x100, v28;
	v49 =	vor.u32 $0x180, v31;
	v31 =	vor.u32 $0x100, v27;
	v42 =	vld [tilespmem:s18+$0x0]  }
0x13d: {  	v50 =	vor.u32 $0x100, v26;
	v30 =	vshll.u32 v38, $0x2;
	v37 =	vld.idx.msk [tilespmem:v37+s25+$0x0], $0xffff;
	[tilespmem:s15+$0xFFFFFFF0] =	vst v34;
	v34 =	vor.u32 $0x100, v29  }
0x13e: {  	v30 =	vand.u32 $0xFFFFFE00, v30;
	v51 =	vand.u32 $0x7F, v40;
	v40 =	vshll.u32 v40, $0x2;
	v39 =	vld.idx.msk [tilespmem:v39+s25+$0x0], $0xffff  }
0x13f: {  	v32 =	vor.u32 $0x180, v32;
	v38 =	vand.u32 $0x7F, v38;
	v40 =	vand.u32 $0xFFFFFE00, v40;
	v45 =	vld.idx.msk [tilespmem:v45+s25+$0x0], $0xffff  }
0x140: {  	v33 =	vor.u32 $0x180, v33;
	v30 =	vor.u32 v38, v30;
	v38 =	vshll.u32 v47, $0x2;
	v46 =	vld.idx.msk [tilespmem:v46+s25+$0x0], $0xffff  }
0x141: {  	v52 =	vshll.u32 v41, $0x2;
	v40 =	vor.u32 v51, v40;
	v53 =	vshll.u32 v42, $0x2;
	v48 =	vld.idx.msk [tilespmem:v48+s25+$0x0], $0xffff;
	[tilespmem:s15+$0xFFFFFFE0] =	vst v35  }
0x142: {  	v47 =	vand.u32 $0x7F, v47;
	v35 =	vand.u32 $0xFFFFFE00, v52;
	v42 =	vand.u32 $0x7F, v42;
	v51 =	vld.idx.msk [tilespmem:v31+s25+$0x0], $0xffff  }
0x143: {  	v38 =	vand.u32 $0xFFFFFE00, v38;
	v52 =	vor.u32 $0x180, v28;
	v31 =	vand.u32 $0xFFFFFE00, v53;
	[tilespmem:s15+$0x50] =	vst v37;
	v34 =	vld.idx.msk [tilespmem:v34+s25+$0x0], $0xffff  }
0x144: {  	v28 =	vshll.u32 v44, $0x2;
	v37 =	vor.u32 v42, v31;
	v31 =	vor.u32 v47, v38;
	[tilespmem:s15+$0x10] =	vst v39;
	v38 =	vld.idx.msk [tilespmem:v50+s25+$0x0], $0xffff  }
0x145: {  	v28 =	vand.u32 $0xFFFFFE00, v28;
	v39 =	vor.u32 $0x180, v29;
	v29 =	vmov v40;
	v33 =	vld.idx.msk [tilespmem:v33+s25+$0x0], $0xffff;
	[tilespmem:s15+$0x30] =	vst v45  }
0x146: {  	v40 =	vand.u32 $0x7F, v44;
	v44 =	vor.u32 $0x180, v26;
	v26 =	vmovc v37;
	v45 =	vor.u32 $0x180, v27;
	[tilespmem:s15+$0x80] =	vst v46;
	v42 =	vld.idx.msk [tilespmem:v32+s25+$0x0], $0xffff  }
0x147: {  	v47 =	vor.u32 $0x80, v30;
	v28 =	vor.u32 v40, v28;
	v27 =	vand.u32 $0x7F, v41;
	[tilespmem:s15+$0x20] =	vst v48;
	v37 =	vld.idx.msk [tilespmem:v49+s25+$0x0], $0xffff  }
0x148: {  	v32 =	vor.u32 v27, v35;
	v27 =	vshll.u32 v36, $0x2;
	v35 =	vld.idx.msk [tilespmem:v52+s25+$0x0], $0xffff;
	[tilespmem:s15+$0x60] =	vst v51  }
0x149: {  	v36 =	vand.u32 $0x7F, v36;
	v27 =	vand.u32 $0xFFFFFE00, v27;
	v41 =	vld.idx.msk [tilespmem:v30+s25+$0x0], $0xffff;
	[tilespmem:s15+$0x70] =	vst v34  }
0x14a: {  	v27 =	vor.u32 v36, v27;
	[tilespmem:s15+$0x40] =	vst v38;
	v48 =	vld.idx.msk [tilespmem:v39+s25+$0x0], $0xffff  }
0x14b: {  	v34 =	vshll.u32 v43, $0x2;
	v38 =	vor.u32 $0x80, v31;
	v39 =	vld.idx.msk [tilespmem:v26+s25+$0x0], $0xffff;
	[tilespmem:s15+$0x90] =	vst v33  }
0x14c: {  	v36 =	vand.u32 $0xFFFFFE00, v34;
	v34 =	vor.u32 $0x80, v29;
	v33 =	vand.u32 $0x7F, v43;
	[tilespmem:s15+$0xB0] =	vst v42;
	v42 =	vld.idx.msk [tilespmem:v44+s25+$0x0], $0xffff  }
0x14d: {  	v33 =	vor.u32 v33, v36;
	[tilespmem:s15+$0xD0] =	vst v37;
	v49 =	vld.idx.msk [tilespmem:v45+s25+$0x0], $0xffff  }
0x14e: {  	v40 =	vor.u32 $0x80, v33;
	v37 =	vld.idx.msk [tilespmem:v28+s25+$0x0], $0xffff  }
.Ltmp7:
0x14f: {  	[tilespmem:s19+$0xFFFFFF00] =	vst v41;
	v41 =	vor.u32 $0x80, v28;
	v43 =	vld.idx.msk [tilespmem:v31+s25+$0x0], $0xffff;
	(pc) =	sbr.rel @p0 .LBB2_7-.Ltmp7, $4  }
0x150: {  	v46 =	vor.u32 $0x80, v26;
	v36 =	vld.idx.msk [tilespmem:v27+s25+$0x0], $0xffff;
	[tilespmem:s15+$0xF0] =	vst v48  }
0x151: {  	v44 =	vld.idx.msk [tilespmem:v47+s25+$0x0], $0xffff;
	[tilespmem:s15+$0xA0] =	vst v35  }
0x152: {  	v45 =	vld.idx.msk [tilespmem:v33+s25+$0x0], $0xffff;
	[tilespmem:s15+$0xC0] =	vst v42  }
0x153: {  	s18 =	sadd.s32 $0x80, s18;
	v35 =	vor.u32 $0x80, v27;
	v42 =	vld.idx.msk [tilespmem:v32+s25+$0x0], $0xffff;
	[tilespmem:s15+$0xE0] =	vst v49;
	s15 =	smov.u32 s19  }
0x154: {  	_ =	sdelay $0x1  }
0x155: {  	[tilespmem:s15+$0xFFFFFF40] =	vst v39  }
0x156: {  	[tilespmem:s15+$0xFFFFFF50] =	vst v43  }
0x157: {  	v55 =	vld.idx.msk [tilespmem:v29+s25+$0x0], $0xffff;
	[tilespmem:s15+$0xFFFFFF20] =	vst v37  }
0x158: {  	v57 =	vor.u32 $0x80, v32;
	v56 =	vld.idx.msk [tilespmem:v46+s25+$0x0], $0xffff;
	[tilespmem:s15+$0xFFFFFF60] =	vst v36  }
0x159: {  	v58 =	vor.u32 $0x100, v30;
	v38 =	vld.idx.msk [tilespmem:v38+s25+$0x0], $0xffff;
	[tilespmem:s15+$0xFFFFFF80] =	vst v44  }
0x15a: {  	v60 =	vld.idx.msk [tilespmem:v41+s25+$0x0], $0xffff;
	[tilespmem:s15+$0xFFFFFF10] =	vst v45  }
0x15b: {  	v61 =	vor.u32 $0x100, v31;
	v35 =	vld.idx.msk [tilespmem:v35+s25+$0x0], $0xffff;
	[tilespmem:s15+$0xFFFFFF30] =	vst v42  }
0x15c: {  	v48 =	vor.u32 $0x100, v28;
	v59 =	vld.idx.msk [tilespmem:v40+s25+$0x0], $0xffff;
	[tilespmem:s15+$0xFFFFFF70] =	vst v55  }
0x15d: {  	v51 =	vor.u32 $0x100, v27;
	v62 =	vld.idx.msk [tilespmem:v57+s25+$0x0], $0xffff;
	[tilespmem:s15+$0xFFFFFFC0] =	vst v56  }
0x15e: {  	v63 =	vor.u32 $0x100, v33;
	v45 =	vld.idx.msk [tilespmem:v58+s25+$0x0], $0xffff;
	[tilespmem:s15+$0xFFFFFFD0] =	vst v38  }
0x15f: {  	v53 =	vor.u32 $0x100, v26;
	v34 =	vld.idx.msk [tilespmem:v34+s25+$0x0], $0xffff;
	[tilespmem:s15+$0xFFFFFFA0] =	vst v60  }
0x160: {  	v46 =	vor.u32 $0x100, v32;
	v49 =	vld.idx.msk [tilespmem:v61+s25+$0x0], $0xffff;
	[tilespmem:s15+$0xFFFFFFE0] =	vst v35  }
0x161: {  	v47 =	vor.u32 $0x180, v30;
	v56 =	vld.idx.msk [tilespmem:v48+s25+$0x0], $0xffff;
	[tilespmem:s15+$0xFFFFFF90] =	vst v59  }
0x162: {  	v50 =	vor.u32 $0x100, v29;
	v59 =	vld.idx.msk [tilespmem:v51+s25+$0x0], $0xffff;
	[tilespmem:s15+$0xFFFFFFB0] =	vst v62  }
0x163: {  	v57 =	vor.u32 $0x180, v31;
	v52 =	vld.idx.msk [tilespmem:v63+s25+$0x0], $0xffff;
	[tilespmem:s15+$0x0] =	vst v45  }
0x164: {  	v61 =	vor.u32 $0x180, v28;
	v62 =	vld.idx.msk [tilespmem:v53+s25+$0x0], $0xffff;
	[tilespmem:s15+$0xFFFFFFF0] =	vst v34  }
0x165: {  	v27 =	vor.u32 $0x180, v27;
	v38 =	vld.idx.msk [tilespmem:v46+s25+$0x0], $0xffff;
	[tilespmem:s15+$0x50] =	vst v49  }
0x166: {  	v54 =	vor.u32 $0x180, v33;
	v30 =	vld.idx.msk [tilespmem:v47+s25+$0x0], $0xffff;
	[tilespmem:s15+$0x20] =	vst v56  }
0x167: {  	v26 =	vor.u32 $0x180, v26;
	v58 =	vld.idx.msk [tilespmem:v50+s25+$0x0], $0xffff;
	[tilespmem:s15+$0x60] =	vst v59  }
0x168: {  	v55 =	vor.u32 $0x180, v32;
	v31 =	vld.idx.msk [tilespmem:v57+s25+$0x0], $0xffff;
	[tilespmem:s15+$0x10] =	vst v52  }
0x169: {  	v60 =	vor.u32 $0x180, v29;
	v28 =	vld.idx.msk [tilespmem:v61+s25+$0x0], $0xffff;
	[tilespmem:s15+$0x40] =	vst v62  }
0x16a: {  	v27 =	vld.idx.msk [tilespmem:v27+s25+$0x0], $0xffff;
	[tilespmem:s15+$0x30] =	vst v38  }
0x16b: {  	v33 =	vld.idx.msk [tilespmem:v54+s25+$0x0], $0xffff;
	[tilespmem:s15+$0x80] =	vst v30  }
0x16c: {  	v26 =	vld.idx.msk [tilespmem:v26+s25+$0x0], $0xffff;
	[tilespmem:s15+$0x70] =	vst v58  }
0x16d: {  	v63 =	vld.idx.msk [tilespmem:v55+s25+$0x0], $0xffff;
	[tilespmem:s15+$0xD0] =	vst v31  }
0x16e: {  	v29 =	vld.idx.msk [tilespmem:v60+s25+$0x0], $0xffff;
	[tilespmem:s15+$0xA0] =	vst v28  }
0x16f: {  	[tilespmem:s15+$0xE0] =	vst v27  }
0x170: {  	[tilespmem:s15+$0x90] =	vst v33  }
0x171: {  	[tilespmem:s15+$0xC0] =	vst v26  }
0x172: {  	[tilespmem:s15+$0xB0] =	vst v63  }
0x173: {  	[tilespmem:s15+$0xF0] =	vst v29  }
0x174: {  	v26 =	vld.idx.msk [tilespmem:v5+s7+$0x0], $0xffff;
	_ =	sdelay $0x4  }
0x175: {  	v27 =	vshll.u32 v26, $0x2  }
0x176: {  	v26 =	vand.u32 $0x7F, v26;
	v27 =	vand.u32 $0xFFFFFE00, v27  }
0x177: {  	v26 =	vor.u32 v26, v27;
	_ =	sdelay $0x4  }
0x178: {  	v26 =	vld.idx.msk [tilespmem:v26+s25+$0x0], $0xffff;
	_ =	sdelay $0x4  }
0x179: {  	[tilespmem:v6+s11+$0x0] =	vst.idx.msk $0xff, v26  }
0x17a: {  	v26 =	vld.idx.msk [tilespmem:v14+s5+$0x0], $0xffff;
	_ =	sdelay $0x4  }
0x17b: {  	[tilespmem:v15+s11+$0x0] =	vst.idx.msk vm2, v26  }
0x17c: {  	v26 =	vld.idx.msk [tilespmem:v5+s7+$0x0], $0xffff;
	_ =	sdelay $0x4  }
0x17d: {  	v27 =	vshll.u32 v26, $0x2  }
0x17e: {  	v26 =	vand.u32 $0x7F, v26;
	v27 =	vand.u32 $0xFFFFFE00, v27  }
0x17f: {  	v26 =	vor.u32 v27, v26  }
0x180: {  	v26 =	vor.u32 $0x80, v26;
	_ =	sdelay $0x4  }
0x181: {  	v26 =	vld.idx.msk [tilespmem:v26+s25+$0x0], $0xffff;
	_ =	sdelay $0x4  }
0x182: {  	[tilespmem:v7+s11+$0x0] =	vst.idx.msk $0xff, v26  }
0x183: {  	v26 =	vld.idx.msk [tilespmem:v17+s5+$0x0], $0xffff;
	_ =	sdelay $0x4  }
0x184: {  	[tilespmem:v23+s11+$0x0] =	vst.idx.msk vm2, v26  }
0x185: {  	v26 =	vld.idx.msk [tilespmem:v5+s7+$0x0], $0xffff;
	_ =	sdelay $0x4  }
0x186: {  	v27 =	vshll.u32 v26, $0x2  }
0x187: {  	v26 =	vand.u32 $0x7F, v26;
	v27 =	vand.u32 $0xFFFFFE00, v27  }
0x188: {  	v26 =	vor.u32 v27, v26  }
0x189: {  	v26 =	vor.u32 $0x100, v26;
	_ =	sdelay $0x4  }
0x18a: {  	v26 =	vld.idx.msk [tilespmem:v26+s25+$0x0], $0xffff;
	_ =	sdelay $0x4  }
0x18b: {  	[tilespmem:v8+s11+$0x0] =	vst.idx.msk $0xff, v26  }
0x18c: {  	v26 =	vld.idx.msk [tilespmem:v19+s5+$0x0], $0xffff;
	_ =	sdelay $0x4  }
0x18d: {  	[tilespmem:v24+s11+$0x0] =	vst.idx.msk vm2, v26  }
0x18e: {  	v26 =	vld.idx.msk [tilespmem:v5+s7+$0x0], $0xffff;
	_ =	sdelay $0x4  }
0x18f: {  	v27 =	vshll.u32 v26, $0x2  }
0x190: {  	v26 =	vand.u32 $0x7F, v26;
	v27 =	vand.u32 $0xFFFFFE00, v27  }
0x191: {  	v26 =	vor.u32 v27, v26  }
0x192: {  	v26 =	vor.u32 $0x180, v26;
	_ =	sdelay $0x4  }
0x193: {  	v26 =	vld.idx.msk [tilespmem:v26+s25+$0x0], $0xffff;
	_ =	sdelay $0x4  }
0x194: {  	[tilespmem:v9+s11+$0x0] =	vst.idx.msk $0xff, v26  }
0x195: {  	v26 =	vld.idx.msk [tilespmem:v21+s5+$0x0], $0xffff  }
.Ltmp8:
0x196: {  	_ = 	snop;
	(pc) =	sbr.rel .LBB2_25-.Ltmp8, $2  }
0x197: {  	_ =	sdelay $0x2  }
0x198: {  	[tilespmem:v25+s11+$0x0] =	vst.idx.msk vm2, v26  }
.LBB2_19:
0x199: {  	p1 =	seq.s32 s17, $0x2  }
.Ltmp9:
0x19a: {  	_ = 	snop;
	(pc) =	sbr.rel @!p1 .LBB2_20-.Ltmp9, $2  }
0x19b: {  	_ =	sdelay $0x2  }
0x19c: {  	p0 =	sge.u32 s16, s12  }
.Ltmp10:
0x19d: {  	(pc) =	sbr.rel @p0 .LBB2_16-.Ltmp10, $1  }
0x19e: {  	_ =	sdelay $0x3  }
0x19f: {  	s17 =	sshll.u32 s16, $0x5  }
0x1a0: {  	s18 =	sand.u32 $0x1, s16;
	s17 =	sand.u32 $0x3FFFFFC0, s17  }
0x1a1: {  	s20 =	rddreg [dreg:$0x14];
	s17 =	sor.u32 s18, s17  }
0x1a2: {  	s17 =	sor.u32 s20, s17  }
0x1a3: {  	s17 =	sshll.u32 s17, $0x2  }
0x1a4: {  	v26 =	vadd.s32 s17, v0  }
0x1a5: {  	vm3 =	vlt.s32 v26, $0x1387  }
0x1a6: {  	v26 =	vnsel vm3, $0x1387, v26;
	_ =	sdelay $0x4  }
0x1a7: {  	v26 =	vld.idx.msk [tilespmem:v26+s7+$0x0], $0xffff;
	_ =	sdelay $0x3  }
0x1a8: {  	s18 =	simm.s32 $0x1580  }
0x1a9: {  	[tilespmem:v2+s18+$0x0] =	vst.idx.msk $0xf, v26  }
0x1aa: {  	v26 =	vld.msk [tilespmem:$0x1580], $0xf;
	_ =	sdelay $0x4  }
0x1ab: {  	v27 =	vshrl.u32 v26, $0x3  }
0x1ac: {  	v27 =	vmul.u32 $0x278, v27  }
0x1ad: {  	v26 =	vand.u32 $0x7, v26  }
0x1ae: {  	v26 =	vor.u32 v26, v27  }
0x1af: {  	v26 =	vperm.xlane v26, v3;
	_ =	sdelay $0x1  }
0x1b0: {  	v26 =	vadd.s32 v4, v26;
	_ =	sdelay $0x3  }
0x1b1: {  	s19 =	rddreg [dreg:$0x2]  }
0x1b2: {  	[tilespmem:s4], [sflag:$0x2] =	stream.indirect_vreg.gather [hbm4b:s19+s7], $0x80, v26, vm0, $0xb8;
	[tilespmem:$0x1FA00] =	vst v63  }
0x1b3: {  	s20 =	rddreg [dreg:$0xb];
	s19 =	simm.s32 $0xBA00  }
0x1b4: {  	[tilespmem:s19], [sflag:$0x2] =	stream.indirect_vreg.gather [hbm4b:s20+s7], $0x80, v26, vm0, $0xb8;
	[tilespmem:$0x1FA00] =	vst v63  }
0x1b5: {  	s19 =	rddreg [dreg:$0xc];
	s20 =	simm.s32 $0xC200  }
0x1b6: {  	[tilespmem:s20], [sflag:$0x2] =	stream.indirect_vreg.gather [hbm4b:s19+s7], $0x80, v26, vm0, $0xb8;
	[tilespmem:$0x1FA00] =	vst v63  }
0x1b7: {  	s19 =	rddreg [dreg:$0xd];
	s20 =	simm.s32 $0xCA00  }
0x1b8: {  	[tilespmem:s20], [sflag:$0x2] =	stream.indirect_vreg.gather [hbm4b:s19+s7], $0x80, v26, vm0, $0xb8;
	[tilespmem:$0x1FA00] =	vst v63  }
0x1b9: {  	s19 =	rddreg [dreg:$0xe];
	s20 =	simm.s32 $0xD200  }
0x1ba: {  	[tilespmem:s20], [sflag:$0x2] =	stream.indirect_vreg.gather [hbm4b:s19+s7], $0x80, v26, vm0, $0xb8;
	[tilespmem:$0x1FA00] =	vst v63  }
0x1bb: {  	s19 =	rddreg [dreg:$0xf];
	s20 =	simm.s32 $0xDA00  }
0x1bc: {  	[tilespmem:s20], [sflag:$0x2] =	stream.indirect_vreg.gather [hbm4b:s19+s7], $0x80, v26, vm0, $0xb8;
	[tilespmem:$0x1FA00] =	vst v63  }
0x1bd: {  	s19 =	rddreg [dreg:$0x10];
	s20 =	simm.s32 $0xE200  }
0x1be: {  	[tilespmem:s20], [sflag:$0x2] =	stream.indirect_vreg.gather [hbm4b:s19+s7], $0x80, v26, vm0, $0xb8;
	[tilespmem:$0x1FA00] =	vst v63  }
0x1bf: {  	s19 =	rddreg [dreg:$0x11];
	s20 =	simm.s32 $0xEA00  }
0x1c0: {  	[tilespmem:s20], [sflag:$0x2] =	stream.indirect_vreg.gather [hbm4b:s19+s7], $0x80, v26, vm0, $0xb8;
	[tilespmem:$0x1FA00] =	vst v63  }
0x1c1: {  	s19 =	rddreg [dreg:$0x12];
	s20 =	simm.s32 $0xF200  }
0x1c2: {  	[tilespmem:s20], [sflag:$0x2] =	stream.indirect_vreg.gather [hbm4b:s19+s7], $0x80, v26, vm0, $0xb8;
	[tilespmem:$0x1FA00] =	vst v63  }
0x1c3: {  	s19 =	simm.s32 $0xFA00  }
0x1c4: {  	[tilespmem:s19], [sflag:$0x2] =	stream.indirect_vreg.gather [hbm4b:s21+s7], $0x80, v26, vm0, $0xb8;
	[tilespmem:$0x1FA00] =	vst v63  }
0x1c5: {  	s20 =	simm.s32 $0x10200  }
0x1c6: {  	[tilespmem:s20], [sflag:$0x2] =	stream.indirect_vreg.gather [hbm4b:s22+s7], $0x80, v26, vm0, $0xb8;
	[tilespmem:$0x1FA00] =	vst v63  }
0x1c7: {  	s19 =	simm.s32 $0x10A00  }
0x1c8: {  	[tilespmem:s19], [sflag:$0x2] =	stream.indirect_vreg.gather [hbm4b:s23+s7], $0x80, v26, vm0, $0xb8;
	[tilespmem:$0x1FA00] =	vst v63  }
0x1c9: {  	s20 =	simm.s32 $0x11200  }
0x1ca: {  	[tilespmem:s20], [sflag:$0x2] =	stream.indirect_vreg.gather [hbm4b:s24+s7], $0x80, v26, vm0, $0xb8;
	[tilespmem:$0x1FA00] =	vst v63  }
0x1cb: {  	s19 =	simm.s32 $0x11A00  }
0x1cc: {  	[tilespmem:s19], [sflag:$0x2] =	stream.indirect_vreg.gather [hbm4b:s26+s7], $0x80, v26, vm0, $0xb8;
	[tilespmem:$0x1FA00] =	vst v63  }
0x1cd: {  	s20 =	simm.s32 $0x12200  }
0x1ce: {  	[tilespmem:s20], [sflag:$0x2] =	stream.indirect_vreg.gather [hbm4b:s28+s7], $0x80, v26, vm0, $0xb8;
	[tilespmem:$0x1FA00] =	vst v63  }
0x1cf: {  	s19 =	simm.s32 $0x12A00  }
0x1d0: {  	[tilespmem:s19], [sflag:$0x2] =	stream.indirect_vreg.gather [hbm4b:s29+s7], $0x80, v26, vm0, $0xb8;
	[tilespmem:$0x1FA00] =	vst v63  }
0x1d1: {  	s20 =	simm.s32 $0x13200  }
0x1d2: {  	[tilespmem:s20], [sflag:$0x2] =	stream.indirect_vreg.gather [hbm4b:s30+s7], $0x80, v26, vm0, $0xb8;
	[tilespmem:$0x1FA00] =	vst v63  }
0x1d3: {  	s19 =	simm.s32 $0x13A00  }
0x1d4: {  	[tilespmem:s19], [sflag:$0x2] =	stream.indirect_vreg.gather [hbm4b:s31+s7], $0x80, v26, vm0, $0xb8;
	[tilespmem:$0x1FA00] =	vst v63  }
0x1d5: {  	s20 =	simm.s32 $0x14200  }
0x1d6: {  	[tilespmem:s20], [sflag:$0x2] =	stream.indirect_vreg.gather [hbm4b:s0+s7], $0x80, v26, vm0, $0xb8;
	[tilespmem:$0x1FA00] =	vst v63  }
0x1d7: {  	s19 =	simm.s32 $0x14A00  }
0x1d8: {  	[tilespmem:s19], [sflag:$0x2] =	stream.indirect_vreg.gather [hbm4b:s6+s7], $0x80, v26, vm1, $0xb8;
	[tilespmem:$0x1FA00] =	vst v63  }
0x1d9: {  	s20 =	rddreg [dreg:$0x3]  }
0x1da: {  	[tilespmem:s2], [sflag:$0x4] =	stream.indirect.gather [hbm4b:s20+s8], $0x80, s18, s8, $0xb8;
	[tilespmem:$0x1FA00] =	vst v63  }
0x1db: {  	s19 =	rddreg [dreg:$0x4];
	s20 =	simm.s32 $0x1F800  }
0x1dc: {  	[tilespmem:s20], [sflag:$0x6] =	stream.indirect.gather [hbm4b:s19+s8], $0x80, s18, s8, $0xb8;
	[tilespmem:$0x1FA00] =	vst v63  }
.LBB2_16:
0x1dd: {  	_ =	swait.ge [sflag:s3], $0x9C00  }
0x1de: {  	[sflag:s3] =	ssyncset.done $0x0  }
0x1df: {  	[sflag:s3] =	ssyncadd.s32 $0xFFFF6400  }
0x1e0: {  	_ =	swait.ge [sflag:s9], $0x200  }
0x1e1: {  	p0 =	seq.s32 s15, $0x0;
	[sflag:s9] =	ssyncset.done $0x0  }
0x1e2: {  	s15 =	simm.s32 @!p0 $0x7;
	[sflag:s9] =	ssyncadd.s32 $0xFFFFFE00  }
0x1e3: {  	_ =	swait.ge @!p0 [sflag:s15], $0xA000  }
0x1e4: {  	[sflag:s15] =	ssyncset.done @!p0 $0x0  }
0x1e5: {  	s20 =	simm.s32 $0x40;
	[sflag:s15] =	ssyncadd.s32 @!p0 $0xFFFF6000  }
0x1e6: {  	v26 =	vld [tilespmem:s20+$0xFFFFFFC0]  }
0x1e7: {  	v27 =	vld [tilespmem:s20+$0x10]  }
0x1e8: {  	v28 =	vld [tilespmem:s20+$0x0]  }
0x1e9: {  	v29 =	vld [tilespmem:s20+$0xFFFFFFE0]  }
0x1ea: {  	v33 =	vld [tilespmem:s20+$0xFFFFFFF0];
	_ =	sdelay $0x1  }
0x1eb: {  	v30 =	vshll.u32 v26, $0x2  }
0x1ec: {  	v32 =	vld [tilespmem:s20+$0x20];
	v26 =	vand.u32 $0x7F, v26;
	v31 =	vshll.u32 v27, $0x2;
	v27 =	vand.u32 $0x7F, v27  }
0x1ed: {  	v35 =	vshll.u32 v29, $0x2;
	v29 =	vand.u32 $0x7F, v29;
	v30 =	vand.u32 $0xFFFFFE00, v30  }
0x1ee: {  	v34 =	vld [tilespmem:s20+$0xFFFFFFD0];
	v62 =	vshll.u32 v33, $0x2;
	v30 =	vor.u32 v26, v30;
	v26 =	vshll.u32 v28, $0x2  }
0x1ef: {  	v31 =	vand.u32 $0xFFFFFE00, v31;
	v28 =	vand.u32 $0x7F, v28;
	v26 =	vand.u32 $0xFFFFFE00, v26  }
0x1f0: {  	v61 =	vld [tilespmem:s20+$0x30];
	v31 =	vor.u32 v27, v31;
	v26 =	vor.u32 v28, v26;
	v28 =	vand.u32 $0xFFFFFE00, v35  }
0x1f1: {  	v37 =	vand.u32 $0x7F, v33;
	v28 =	vor.u32 v29, v28;
	v29 =	vshll.u32 v32, $0x2  }
0x1f2: {  	v27 =	vand.u32 $0x7F, v32;
	v32 =	vand.u32 $0xFFFFFE00, v62;
	v29 =	vand.u32 $0xFFFFFE00, v29  }
0x1f3: {  	v32 =	vor.u32 v37, v32;
	v36 =	vld.idx.msk [tilespmem:v30+s25+$0x0], $0xffff;
	v27 =	vor.u32 v27, v29;
	v29 =	vshll.u32 v34, $0x2  }
0x1f4: {  	v38 =	vor.u32 $0x80, v30;
	v34 =	vand.u32 $0x7F, v34;
	v29 =	vand.u32 $0xFFFFFE00, v29  }
0x1f5: {  	v43 =	vld.idx.msk [tilespmem:v31+s25+$0x0], $0xffff;
	v33 =	vor.u32 v34, v29;
	v29 =	vshll.u32 v61, $0x2  }
0x1f6: {  	v63 =	vand.u32 $0x7F, v61;
	v39 =	vld.idx.msk [tilespmem:v26+s25+$0x0], $0xffff;
	v29 =	vand.u32 $0xFFFFFE00, v29  }
0x1f7: {  	s15 =	simm.s32 $0x15300;
	v37 =	vld.idx.msk [tilespmem:v28+s25+$0x0], $0xffff;
	v29 =	vor.u32 v63, v29  }
0x1f8: {  	v46 =	vor.u32 $0x80, v26;
	v42 =	vld.idx.msk [tilespmem:v32+s25+$0x0], $0xffff;
	[tilespmem:s15+$0xFFFFFF00] =	vst v36  }
0x1f9: {  	v44 =	vld.idx.msk [tilespmem:v38+s25+$0x0], $0xffff;
	v38 =	vor.u32 $0x80, v31  }
0x1fa: {  	v41 =	vor.u32 $0x80, v28;
	v36 =	vld.idx.msk [tilespmem:v27+s25+$0x0], $0xffff  }
0x1fb: {  	s17 =	simm.s32 $0x0;
	s18 =	simm.s32 $0xC0;
	s19 =	simm.s32 $0x15300;
	v35 =	vor.u32 $0x80, v27;
	v40 =	vor.u32 $0x80, v33;
	v34 =	vor.u32 $0x80, v29;
	v45 =	vld.idx.msk [tilespmem:v33+s25+$0x0], $0xffff  }
.LBB2_17:
0x1fc: {  	s17 =	sadd.s32 $0x8, s17;
	[tilespmem:s15+$0xFFFFFF40] =	vst v39;
	v39 =	vld.idx.msk [tilespmem:v29+s25+$0x0], $0xffff;
	s19 =	sadd.s32 $0x400, s19  }
0x1fd: {  	p0 =	slt.u32 s17, $0x130;
	v46 =	vld.idx.msk [tilespmem:v46+s25+$0x0], $0xffff;
	[tilespmem:s15+$0xFFFFFF50] =	vst v43  }
0x1fe: {  	v43 =	vor.u32 $0x100, v30;
	v38 =	vld.idx.msk [tilespmem:v38+s25+$0x0], $0xffff  }
0x1ff: {  	v47 =	vld [tilespmem:s18+$0x10];
	[tilespmem:s15+$0xFFFFFF80] =	vst v44  }
0x200: {  	v44 =	vld [tilespmem:s18+$0xFFFFFFE0];
	[tilespmem:s15+$0xFFFFFF10] =	vst v45;
	v45 =	vor.u32 $0x80, v32  }
0x201: {  	v40 =	vld.idx.msk [tilespmem:v40+s25+$0x0], $0xffff;
	[tilespmem:s15+$0xFFFFFF20] =	vst v37  }
0x202: {  	v37 =	vld.idx.msk [tilespmem:v41+s25+$0x0], $0xffff;
	[tilespmem:s15+$0xFFFFFF70] =	vst v39  }
0x203: {  	v39 =	vld.idx.msk [tilespmem:v43+s25+$0x0], $0xffff;
	[tilespmem:s15+$0xFFFFFFC0] =	vst v46  }
0x204: {  	v41 =	vld [tilespmem:s18+$0xFFFFFFF0];
	[tilespmem:s15+$0xFFFFFF30] =	vst v42  }
0x205: {  	v42 =	vld.idx.msk [tilespmem:v45+s25+$0x0], $0xffff;
	[tilespmem:s15+$0xFFFFFFD0] =	vst v38  }
0x206: {  	v38 =	vld [tilespmem:s18+$0xFFFFFFC0];
	[tilespmem:s15+$0xFFFFFF60] =	vst v36  }
0x207: {  	[tilespmem:s15+$0xFFFFFF90] =	vst v40;
	v34 =	vld.idx.msk [tilespmem:v34+s25+$0x0], $0xffff  }
0x208: {  	v36 =	vld [tilespmem:s18+$0x20];
	[tilespmem:s15+$0xFFFFFFA0] =	vst v37;
	v37 =	vor.u32 $0x100, v31  }
0x209: {  	v40 =	vld [tilespmem:s18+$0x30];
	[tilespmem:s15+$0x0] =	vst v39;
	v39 =	vor.u32 $0x100, v33  }
0x20a: {  	v45 =	vor.u32 $0x100, v32;
	v43 =	vld [tilespmem:s18+$0xFFFFFFD0]  }
0x20b: {  	v46 =	vor.u32 $0x180, v30;
	[tilespmem:s15+$0xFFFFFFB0] =	vst v42;
	v35 =	vld.idx.msk [tilespmem:v35+s25+$0x0], $0xffff  }
0x20c: {  	v48 =	vor.u32 $0x100, v28;
	v49 =	vor.u32 $0x180, v31;
	v31 =	vor.u32 $0x100, v27;
	v42 =	vld [tilespmem:s18+$0x0]  }
0x20d: {  	v50 =	vor.u32 $0x100, v26;
	v30 =	vshll.u32 v38, $0x2;
	v37 =	vld.idx.msk [tilespmem:v37+s25+$0x0], $0xffff;
	[tilespmem:s15+$0xFFFFFFF0] =	vst v34;
	v34 =	vor.u32 $0x100, v29  }
0x20e: {  	v30 =	vand.u32 $0xFFFFFE00, v30;
	v51 =	vand.u32 $0x7F, v40;
	v40 =	vshll.u32 v40, $0x2;
	v39 =	vld.idx.msk [tilespmem:v39+s25+$0x0], $0xffff  }
0x20f: {  	v32 =	vor.u32 $0x180, v32;
	v38 =	vand.u32 $0x7F, v38;
	v40 =	vand.u32 $0xFFFFFE00, v40;
	v45 =	vld.idx.msk [tilespmem:v45+s25+$0x0], $0xffff  }
0x210: {  	v33 =	vor.u32 $0x180, v33;
	v30 =	vor.u32 v38, v30;
	v38 =	vshll.u32 v47, $0x2;
	v46 =	vld.idx.msk [tilespmem:v46+s25+$0x0], $0xffff  }
0x211: {  	v52 =	vshll.u32 v41, $0x2;
	v40 =	vor.u32 v51, v40;
	v53 =	vshll.u32 v42, $0x2;
	v48 =	vld.idx.msk [tilespmem:v48+s25+$0x0], $0xffff;
	[tilespmem:s15+$0xFFFFFFE0] =	vst v35  }
0x212: {  	v47 =	vand.u32 $0x7F, v47;
	v35 =	vand.u32 $0xFFFFFE00, v52;
	v42 =	vand.u32 $0x7F, v42;
	v51 =	vld.idx.msk [tilespmem:v31+s25+$0x0], $0xffff  }
0x213: {  	v38 =	vand.u32 $0xFFFFFE00, v38;
	v52 =	vor.u32 $0x180, v28;
	v31 =	vand.u32 $0xFFFFFE00, v53;
	[tilespmem:s15+$0x50] =	vst v37;
	v34 =	vld.idx.msk [tilespmem:v34+s25+$0x0], $0xffff  }
0x214: {  	v28 =	vshll.u32 v44, $0x2;
	v37 =	vor.u32 v42, v31;
	v31 =	vor.u32 v47, v38;
	[tilespmem:s15+$0x10] =	vst v39;
	v38 =	vld.idx.msk [tilespmem:v50+s25+$0x0], $0xffff  }
0x215: {  	v28 =	vand.u32 $0xFFFFFE00, v28;
	v39 =	vor.u32 $0x180, v29;
	v29 =	vmov v40;
	v33 =	vld.idx.msk [tilespmem:v33+s25+$0x0], $0xffff;
	[tilespmem:s15+$0x30] =	vst v45  }
0x216: {  	v40 =	vand.u32 $0x7F, v44;
	v44 =	vor.u32 $0x180, v26;
	v26 =	vmovc v37;
	v45 =	vor.u32 $0x180, v27;
	[tilespmem:s15+$0x80] =	vst v46;
	v42 =	vld.idx.msk [tilespmem:v32+s25+$0x0], $0xffff  }
0x217: {  	v47 =	vor.u32 $0x80, v30;
	v28 =	vor.u32 v40, v28;
	v27 =	vand.u32 $0x7F, v41;
	[tilespmem:s15+$0x20] =	vst v48;
	v37 =	vld.idx.msk [tilespmem:v49+s25+$0x0], $0xffff  }
0x218: {  	v32 =	vor.u32 v27, v35;
	v27 =	vshll.u32 v36, $0x2;
	v35 =	vld.idx.msk [tilespmem:v52+s25+$0x0], $0xffff;
	[tilespmem:s15+$0x60] =	vst v51  }
0x219: {  	v36 =	vand.u32 $0x7F, v36;
	v27 =	vand.u32 $0xFFFFFE00, v27;
	v41 =	vld.idx.msk [tilespmem:v30+s25+$0x0], $0xffff;
	[tilespmem:s15+$0x70] =	vst v34  }
0x21a: {  	v27 =	vor.u32 v36, v27;
	[tilespmem:s15+$0x40] =	vst v38;
	v48 =	vld.idx.msk [tilespmem:v39+s25+$0x0], $0xffff  }
0x21b: {  	v34 =	vshll.u32 v43, $0x2;
	v38 =	vor.u32 $0x80, v31;
	v39 =	vld.idx.msk [tilespmem:v26+s25+$0x0], $0xffff;
	[tilespmem:s15+$0x90] =	vst v33  }
0x21c: {  	v36 =	vand.u32 $0xFFFFFE00, v34;
	v34 =	vor.u32 $0x80, v29;
	v33 =	vand.u32 $0x7F, v43;
	[tilespmem:s15+$0xB0] =	vst v42;
	v42 =	vld.idx.msk [tilespmem:v44+s25+$0x0], $0xffff  }
0x21d: {  	v33 =	vor.u32 v33, v36;
	[tilespmem:s15+$0xD0] =	vst v37;
	v49 =	vld.idx.msk [tilespmem:v45+s25+$0x0], $0xffff  }
0x21e: {  	v40 =	vor.u32 $0x80, v33;
	v37 =	vld.idx.msk [tilespmem:v28+s25+$0x0], $0xffff  }
.Ltmp11:
0x21f: {  	[tilespmem:s19+$0xFFFFFF00] =	vst v41;
	v41 =	vor.u32 $0x80, v28;
	v43 =	vld.idx.msk [tilespmem:v31+s25+$0x0], $0xffff;
	(pc) =	sbr.rel @p0 .LBB2_17-.Ltmp11, $4  }
0x220: {  	v46 =	vor.u32 $0x80, v26;
	v36 =	vld.idx.msk [tilespmem:v27+s25+$0x0], $0xffff;
	[tilespmem:s15+$0xF0] =	vst v48  }
0x221: {  	v44 =	vld.idx.msk [tilespmem:v47+s25+$0x0], $0xffff;
	[tilespmem:s15+$0xA0] =	vst v35  }
0x222: {  	v45 =	vld.idx.msk [tilespmem:v33+s25+$0x0], $0xffff;
	[tilespmem:s15+$0xC0] =	vst v42  }
0x223: {  	s18 =	sadd.s32 $0x80, s18;
	v35 =	vor.u32 $0x80, v27;
	v42 =	vld.idx.msk [tilespmem:v32+s25+$0x0], $0xffff;
	[tilespmem:s15+$0xE0] =	vst v49;
	s15 =	smov.u32 s19  }
0x224: {  	_ =	sdelay $0x1  }
0x225: {  	[tilespmem:s15+$0xFFFFFF40] =	vst v39  }
0x226: {  	[tilespmem:s15+$0xFFFFFF50] =	vst v43  }
0x227: {  	v55 =	vld.idx.msk [tilespmem:v29+s25+$0x0], $0xffff;
	[tilespmem:s15+$0xFFFFFF20] =	vst v37  }
0x228: {  	v57 =	vor.u32 $0x80, v32;
	v56 =	vld.idx.msk [tilespmem:v46+s25+$0x0], $0xffff;
	[tilespmem:s15+$0xFFFFFF60] =	vst v36  }
0x229: {  	v58 =	vor.u32 $0x100, v30;
	v38 =	vld.idx.msk [tilespmem:v38+s25+$0x0], $0xffff;
	[tilespmem:s15+$0xFFFFFF80] =	vst v44  }
0x22a: {  	v60 =	vld.idx.msk [tilespmem:v41+s25+$0x0], $0xffff;
	[tilespmem:s15+$0xFFFFFF10] =	vst v45  }
0x22b: {  	v61 =	vor.u32 $0x100, v31;
	v35 =	vld.idx.msk [tilespmem:v35+s25+$0x0], $0xffff;
	[tilespmem:s15+$0xFFFFFF30] =	vst v42  }
0x22c: {  	v48 =	vor.u32 $0x100, v28;
	v59 =	vld.idx.msk [tilespmem:v40+s25+$0x0], $0xffff;
	[tilespmem:s15+$0xFFFFFF70] =	vst v55  }
0x22d: {  	v51 =	vor.u32 $0x100, v27;
	v62 =	vld.idx.msk [tilespmem:v57+s25+$0x0], $0xffff;
	[tilespmem:s15+$0xFFFFFFC0] =	vst v56  }
0x22e: {  	v63 =	vor.u32 $0x100, v33;
	v45 =	vld.idx.msk [tilespmem:v58+s25+$0x0], $0xffff;
	[tilespmem:s15+$0xFFFFFFD0] =	vst v38  }
0x22f: {  	v53 =	vor.u32 $0x100, v26;
	v34 =	vld.idx.msk [tilespmem:v34+s25+$0x0], $0xffff;
	[tilespmem:s15+$0xFFFFFFA0] =	vst v60  }
0x230: {  	v46 =	vor.u32 $0x100, v32;
	v49 =	vld.idx.msk [tilespmem:v61+s25+$0x0], $0xffff;
	[tilespmem:s15+$0xFFFFFFE0] =	vst v35  }
0x231: {  	v47 =	vor.u32 $0x180, v30;
	v56 =	vld.idx.msk [tilespmem:v48+s25+$0x0], $0xffff;
	[tilespmem:s15+$0xFFFFFF90] =	vst v59  }
0x232: {  	v50 =	vor.u32 $0x100, v29;
	v59 =	vld.idx.msk [tilespmem:v51+s25+$0x0], $0xffff;
	[tilespmem:s15+$0xFFFFFFB0] =	vst v62  }
0x233: {  	v57 =	vor.u32 $0x180, v31;
	v52 =	vld.idx.msk [tilespmem:v63+s25+$0x0], $0xffff;
	[tilespmem:s15+$0x0] =	vst v45  }
0x234: {  	v61 =	vor.u32 $0x180, v28;
	v62 =	vld.idx.msk [tilespmem:v53+s25+$0x0], $0xffff;
	[tilespmem:s15+$0xFFFFFFF0] =	vst v34  }
0x235: {  	v27 =	vor.u32 $0x180, v27;
	v38 =	vld.idx.msk [tilespmem:v46+s25+$0x0], $0xffff;
	[tilespmem:s15+$0x50] =	vst v49  }
0x236: {  	v54 =	vor.u32 $0x180, v33;
	v30 =	vld.idx.msk [tilespmem:v47+s25+$0x0], $0xffff;
	[tilespmem:s15+$0x20] =	vst v56  }
0x237: {  	v26 =	vor.u32 $0x180, v26;
	v58 =	vld.idx.msk [tilespmem:v50+s25+$0x0], $0xffff;
	[tilespmem:s15+$0x60] =	vst v59  }
0x238: {  	v55 =	vor.u32 $0x180, v32;
	v31 =	vld.idx.msk [tilespmem:v57+s25+$0x0], $0xffff;
	[tilespmem:s15+$0x10] =	vst v52  }
0x239: {  	v60 =	vor.u32 $0x180, v29;
	v28 =	vld.idx.msk [tilespmem:v61+s25+$0x0], $0xffff;
	[tilespmem:s15+$0x40] =	vst v62  }
0x23a: {  	v27 =	vld.idx.msk [tilespmem:v27+s25+$0x0], $0xffff;
	[tilespmem:s15+$0x30] =	vst v38  }
0x23b: {  	v33 =	vld.idx.msk [tilespmem:v54+s25+$0x0], $0xffff;
	[tilespmem:s15+$0x80] =	vst v30  }
0x23c: {  	v26 =	vld.idx.msk [tilespmem:v26+s25+$0x0], $0xffff;
	[tilespmem:s15+$0x70] =	vst v58  }
0x23d: {  	v63 =	vld.idx.msk [tilespmem:v55+s25+$0x0], $0xffff;
	[tilespmem:s15+$0xD0] =	vst v31  }
0x23e: {  	v29 =	vld.idx.msk [tilespmem:v60+s25+$0x0], $0xffff;
	[tilespmem:s15+$0xA0] =	vst v28  }
0x23f: {  	[tilespmem:s15+$0xE0] =	vst v27  }
0x240: {  	[tilespmem:s15+$0x90] =	vst v33  }
0x241: {  	[tilespmem:s15+$0xC0] =	vst v26  }
0x242: {  	[tilespmem:s15+$0xB0] =	vst v63  }
0x243: {  	[tilespmem:s15+$0xF0] =	vst v29  }
0x244: {  	v26 =	vld.idx.msk [tilespmem:v5+s7+$0x0], $0xffff;
	_ =	sdelay $0x4  }
0x245: {  	v27 =	vshll.u32 v26, $0x2  }
0x246: {  	v26 =	vand.u32 $0x7F, v26;
	v27 =	vand.u32 $0xFFFFFE00, v27  }
0x247: {  	v26 =	vor.u32 v26, v27;
	_ =	sdelay $0x4  }
0x248: {  	v26 =	vld.idx.msk [tilespmem:v26+s25+$0x0], $0xffff;
	_ =	sdelay $0x4  }
0x249: {  	[tilespmem:v6+s11+$0x0] =	vst.idx.msk $0xff, v26  }
0x24a: {  	v26 =	vld.idx.msk [tilespmem:v14+s5+$0x0], $0xffff;
	_ =	sdelay $0x4  }
0x24b: {  	[tilespmem:v15+s11+$0x0] =	vst.idx.msk vm2, v26  }
0x24c: {  	v26 =	vld.idx.msk [tilespmem:v5+s7+$0x0], $0xffff;
	_ =	sdelay $0x4  }
0x24d: {  	v27 =	vshll.u32 v26, $0x2  }
0x24e: {  	v26 =	vand.u32 $0x7F, v26;
	v27 =	vand.u32 $0xFFFFFE00, v27  }
0x24f: {  	v26 =	vor.u32 v27, v26  }
0x250: {  	v26 =	vor.u32 $0x80, v26;
	_ =	sdelay $0x4  }
0x251: {  	v26 =	vld.idx.msk [tilespmem:v26+s25+$0x0], $0xffff;
	_ =	sdelay $0x4  }
0x252: {  	[tilespmem:v7+s11+$0x0] =	vst.idx.msk $0xff, v26  }
0x253: {  	v26 =	vld.idx.msk [tilespmem:v17+s5+$0x0], $0xffff;
	_ =	sdelay $0x4  }
0x254: {  	[tilespmem:v23+s11+$0x0] =	vst.idx.msk vm2, v26  }
0x255: {  	v26 =	vld.idx.msk [tilespmem:v5+s7+$0x0], $0xffff;
	_ =	sdelay $0x4  }
0x256: {  	v27 =	vshll.u32 v26, $0x2  }
0x257: {  	v26 =	vand.u32 $0x7F, v26;
	v27 =	vand.u32 $0xFFFFFE00, v27  }
0x258: {  	v26 =	vor.u32 v27, v26  }
0x259: {  	v26 =	vor.u32 $0x100, v26;
	_ =	sdelay $0x4  }
0x25a: {  	v26 =	vld.idx.msk [tilespmem:v26+s25+$0x0], $0xffff;
	_ =	sdelay $0x4  }
0x25b: {  	[tilespmem:v8+s11+$0x0] =	vst.idx.msk $0xff, v26  }
0x25c: {  	v26 =	vld.idx.msk [tilespmem:v19+s5+$0x0], $0xffff;
	_ =	sdelay $0x4  }
0x25d: {  	[tilespmem:v24+s11+$0x0] =	vst.idx.msk vm2, v26  }
0x25e: {  	v26 =	vld.idx.msk [tilespmem:v5+s7+$0x0], $0xffff;
	_ =	sdelay $0x4  }
0x25f: {  	v27 =	vshll.u32 v26, $0x2  }
0x260: {  	v26 =	vand.u32 $0x7F, v26;
	v27 =	vand.u32 $0xFFFFFE00, v27  }
0x261: {  	v26 =	vor.u32 v27, v26  }
0x262: {  	v26 =	vor.u32 $0x180, v26;
	_ =	sdelay $0x4  }
0x263: {  	v26 =	vld.idx.msk [tilespmem:v26+s25+$0x0], $0xffff;
	_ =	sdelay $0x4  }
0x264: {  	[tilespmem:v9+s11+$0x0] =	vst.idx.msk $0xff, v26  }
0x265: {  	v26 =	vld.idx.msk [tilespmem:v21+s5+$0x0], $0xffff  }
.Ltmp12:
0x266: {  	_ = 	snop;
	(pc) =	sbr.rel .LBB2_25-.Ltmp12, $2  }
0x267: {  	_ =	sdelay $0x2  }
0x268: {  	[tilespmem:v25+s11+$0x0] =	vst.idx.msk vm2, v26  }
.LBB2_9:
0x269: {  	p0 =	sge.u32 s16, s12  }
.Ltmp13:
0x26a: {  	_ = 	snop;
	(pc) =	sbr.rel @p0 .LBB2_11-.Ltmp13, $1  }
0x26b: {  	_ =	sdelay $0x3  }
0x26c: {  	s17 =	sshll.u32 s16, $0x5  }
0x26d: {  	s18 =	sand.u32 $0x1, s16;
	s17 =	sand.u32 $0x3FFFFFC0, s17  }
0x26e: {  	s20 =	rddreg [dreg:$0x14];
	s17 =	sor.u32 s18, s17  }
0x26f: {  	s17 =	sor.u32 s20, s17  }
0x270: {  	s17 =	sshll.u32 s17, $0x2  }
0x271: {  	v26 =	vadd.s32 s17, v0  }
0x272: {  	vm3 =	vlt.s32 v26, $0x1387  }
0x273: {  	v26 =	vnsel vm3, $0x1387, v26;
	_ =	sdelay $0x4  }
0x274: {  	v26 =	vld.idx.msk [tilespmem:v26+s7+$0x0], $0xffff;
	_ =	sdelay $0x3  }
0x275: {  	s18 =	simm.s32 $0x1500  }
0x276: {  	[tilespmem:v2+s18+$0x0] =	vst.idx.msk $0xf, v26  }
0x277: {  	v26 =	vld.msk [tilespmem:$0x1500], $0xf;
	_ =	sdelay $0x4  }
0x278: {  	v27 =	vshrl.u32 v26, $0x3  }
0x279: {  	v27 =	vmul.u32 $0x278, v27  }
0x27a: {  	v26 =	vand.u32 $0x7, v26  }
0x27b: {  	v26 =	vor.u32 v26, v27  }
0x27c: {  	v26 =	vperm.xlane v26, v3;
	_ =	sdelay $0x1  }
0x27d: {  	v26 =	vadd.s32 v4, v26;
	_ =	sdelay $0x3  }
0x27e: {  	s19 =	rddreg [dreg:$0x2]  }
0x27f: {  	[tilespmem:s25], [sflag:$0x1] =	stream.indirect_vreg.gather [hbm4b:s19+s7], $0x80, v26, vm0, $0xb8;
	[tilespmem:$0x1FA00] =	vst v63  }
0x280: {  	s20 =	rddreg [dreg:$0xb];
	s19 =	simm.s32 $0x1E00  }
0x281: {  	[tilespmem:s19], [sflag:$0x1] =	stream.indirect_vreg.gather [hbm4b:s20+s7], $0x80, v26, vm0, $0xb8;
	[tilespmem:$0x1FA00] =	vst v63  }
0x282: {  	s19 =	rddreg [dreg:$0xc];
	s20 =	simm.s32 $0x2600  }
0x283: {  	[tilespmem:s20], [sflag:$0x1] =	stream.indirect_vreg.gather [hbm4b:s19+s7], $0x80, v26, vm0, $0xb8;
	[tilespmem:$0x1FA00] =	vst v63  }
0x284: {  	s19 =	rddreg [dreg:$0xd];
	s20 =	simm.s32 $0x2E00  }
0x285: {  	[tilespmem:s20], [sflag:$0x1] =	stream.indirect_vreg.gather [hbm4b:s19+s7], $0x80, v26, vm0, $0xb8;
	[tilespmem:$0x1FA00] =	vst v63  }
0x286: {  	s19 =	rddreg [dreg:$0xe];
	s20 =	simm.s32 $0x3600  }
0x287: {  	[tilespmem:s20], [sflag:$0x1] =	stream.indirect_vreg.gather [hbm4b:s19+s7], $0x80, v26, vm0, $0xb8;
	[tilespmem:$0x1FA00] =	vst v63  }
0x288: {  	s19 =	rddreg [dreg:$0xf];
	s20 =	simm.s32 $0x3E00  }
0x289: {  	[tilespmem:s20], [sflag:$0x1] =	stream.indirect_vreg.gather [hbm4b:s19+s7], $0x80, v26, vm0, $0xb8;
	[tilespmem:$0x1FA00] =	vst v63  }
0x28a: {  	s19 =	rddreg [dreg:$0x10];
	s20 =	simm.s32 $0x4600  }
0x28b: {  	[tilespmem:s20], [sflag:$0x1] =	stream.indirect_vreg.gather [hbm4b:s19+s7], $0x80, v26, vm0, $0xb8;
	[tilespmem:$0x1FA00] =	vst v63  }
0x28c: {  	s19 =	rddreg [dreg:$0x11];
	s20 =	simm.s32 $0x4E00  }
0x28d: {  	[tilespmem:s20], [sflag:$0x1] =	stream.indirect_vreg.gather [hbm4b:s19+s7], $0x80, v26, vm0, $0xb8;
	[tilespmem:$0x1FA00] =	vst v63  }
0x28e: {  	s19 =	rddreg [dreg:$0x12];
	s20 =	simm.s32 $0x5600  }
0x28f: {  	[tilespmem:s20], [sflag:$0x1] =	stream.indirect_vreg.gather [hbm4b:s19+s7], $0x80, v26, vm0, $0xb8;
	[tilespmem:$0x1FA00] =	vst v63  }
0x290: {  	s19 =	simm.s32 $0x5E00  }
0x291: {  	[tilespmem:s19], [sflag:$0x1] =	stream.indirect_vreg.gather [hbm4b:s21+s7], $0x80, v26, vm0, $0xb8;
	[tilespmem:$0x1FA00] =	vst v63  }
0x292: {  	s20 =	simm.s32 $0x6600  }
0x293: {  	[tilespmem:s20], [sflag:$0x1] =	stream.indirect_vreg.gather [hbm4b:s22+s7], $0x80, v26, vm0, $0xb8;
	[tilespmem:$0x1FA00] =	vst v63  }
0x294: {  	s19 =	simm.s32 $0x6E00  }
0x295: {  	[tilespmem:s19], [sflag:$0x1] =	stream.indirect_vreg.gather [hbm4b:s23+s7], $0x80, v26, vm0, $0xb8;
	[tilespmem:$0x1FA00] =	vst v63  }
0x296: {  	s20 =	simm.s32 $0x7600  }
0x297: {  	[tilespmem:s20], [sflag:$0x1] =	stream.indirect_vreg.gather [hbm4b:s24+s7], $0x80, v26, vm0, $0xb8;
	[tilespmem:$0x1FA00] =	vst v63  }
0x298: {  	s19 =	simm.s32 $0x7E00  }
0x299: {  	[tilespmem:s19], [sflag:$0x1] =	stream.indirect_vreg.gather [hbm4b:s26+s7], $0x80, v26, vm0, $0xb8;
	[tilespmem:$0x1FA00] =	vst v63  }
0x29a: {  	s20 =	simm.s32 $0x8600  }
0x29b: {  	[tilespmem:s20], [sflag:$0x1] =	stream.indirect_vreg.gather [hbm4b:s28+s7], $0x80, v26, vm0, $0xb8;
	[tilespmem:$0x1FA00] =	vst v63  }
0x29c: {  	s19 =	simm.s32 $0x8E00  }
0x29d: {  	[tilespmem:s19], [sflag:$0x1] =	stream.indirect_vreg.gather [hbm4b:s29+s7], $0x80, v26, vm0, $0xb8;
	[tilespmem:$0x1FA00] =	vst v63  }
0x29e: {  	s20 =	simm.s32 $0x9600  }
0x29f: {  	[tilespmem:s20], [sflag:$0x1] =	stream.indirect_vreg.gather [hbm4b:s30+s7], $0x80, v26, vm0, $0xb8;
	[tilespmem:$0x1FA00] =	vst v63  }
0x2a0: {  	s19 =	simm.s32 $0x9E00  }
0x2a1: {  	[tilespmem:s19], [sflag:$0x1] =	stream.indirect_vreg.gather [hbm4b:s31+s7], $0x80, v26, vm0, $0xb8;
	[tilespmem:$0x1FA00] =	vst v63  }
0x2a2: {  	s20 =	simm.s32 $0xA600  }
0x2a3: {  	[tilespmem:s20], [sflag:$0x1] =	stream.indirect_vreg.gather [hbm4b:s0+s7], $0x80, v26, vm0, $0xb8;
	[tilespmem:$0x1FA00] =	vst v63  }
0x2a4: {  	s19 =	simm.s32 $0xAE00  }
0x2a5: {  	[tilespmem:s19], [sflag:$0x1] =	stream.indirect_vreg.gather [hbm4b:s6+s7], $0x80, v26, vm1, $0xb8;
	[tilespmem:$0x1FA00] =	vst v63  }
0x2a6: {  	s20 =	rddreg [dreg:$0x3]  }
0x2a7: {  	[tilespmem:s5], [sflag:$0x3] =	stream.indirect.gather [hbm4b:s20+s8], $0x80, s18, s8, $0xb8;
	[tilespmem:$0x1FA00] =	vst v63  }
0x2a8: {  	s19 =	rddreg [dreg:$0x4];
	s20 =	simm.s32 $0x1F600  }
0x2a9: {  	[tilespmem:s20], [sflag:$0x5] =	stream.indirect.gather [hbm4b:s19+s8], $0x80, s18, s8, $0xb8;
	[tilespmem:$0x1FA00] =	vst v63  }
.LBB2_11:
0x2aa: {  	_ =	swait.ge [sflag:s10], $0x9C00  }
0x2ab: {  	[sflag:s10] =	ssyncset.done $0x0  }
0x2ac: {  	[sflag:s10] =	ssyncadd.s32 $0xFFFF6400  }
0x2ad: {  	_ =	swait.ge [sflag:s8], $0x200  }
0x2ae: {  	[sflag:s8] =	ssyncset.done $0x0  }
0x2af: {  	s17 =	simm.s32 $0x40;
	[sflag:s8] =	ssyncadd.s32 $0xFFFFFE00  }
0x2b0: {  	v26 =	vld [tilespmem:s17+$0xFFFFFFC0]  }
0x2b1: {  	v27 =	vld [tilespmem:s17+$0x10]  }
0x2b2: {  	v28 =	vld [tilespmem:s17+$0x0]  }
0x2b3: {  	v29 =	vld [tilespmem:s17+$0xFFFFFFE0]  }
0x2b4: {  	v33 =	vld [tilespmem:s17+$0xFFFFFFF0];
	_ =	sdelay $0x1  }
0x2b5: {  	v30 =	vshll.u32 v26, $0x2  }
0x2b6: {  	v32 =	vld [tilespmem:s17+$0x20];
	v26 =	vand.u32 $0x7F, v26;
	v31 =	vshll.u32 v27, $0x2;
	v27 =	vand.u32 $0x7F, v27  }
0x2b7: {  	v35 =	vshll.u32 v29, $0x2;
	v29 =	vand.u32 $0x7F, v29;
	v30 =	vand.u32 $0xFFFFFE00, v30  }
0x2b8: {  	v34 =	vld [tilespmem:s17+$0xFFFFFFD0];
	v62 =	vshll.u32 v33, $0x2;
	v30 =	vor.u32 v26, v30;
	v26 =	vshll.u32 v28, $0x2  }
0x2b9: {  	v31 =	vand.u32 $0xFFFFFE00, v31;
	v28 =	vand.u32 $0x7F, v28;
	v26 =	vand.u32 $0xFFFFFE00, v26  }
0x2ba: {  	v61 =	vld [tilespmem:s17+$0x30];
	v31 =	vor.u32 v27, v31;
	v26 =	vor.u32 v28, v26;
	v28 =	vand.u32 $0xFFFFFE00, v35  }
0x2bb: {  	v37 =	vand.u32 $0x7F, v33;
	v28 =	vor.u32 v29, v28;
	v29 =	vshll.u32 v32, $0x2  }
0x2bc: {  	v27 =	vand.u32 $0x7F, v32;
	v32 =	vand.u32 $0xFFFFFE00, v62;
	v29 =	vand.u32 $0xFFFFFE00, v29  }
0x2bd: {  	v32 =	vor.u32 v37, v32;
	v36 =	vld.idx.msk [tilespmem:v30+s4+$0x0], $0xffff;
	v27 =	vor.u32 v27, v29;
	v29 =	vshll.u32 v34, $0x2  }
0x2be: {  	v38 =	vor.u32 $0x80, v30;
	v34 =	vand.u32 $0x7F, v34;
	v29 =	vand.u32 $0xFFFFFE00, v29  }
0x2bf: {  	v43 =	vld.idx.msk [tilespmem:v31+s4+$0x0], $0xffff;
	v33 =	vor.u32 v34, v29;
	v29 =	vshll.u32 v61, $0x2  }
0x2c0: {  	v63 =	vand.u32 $0x7F, v61;
	v39 =	vld.idx.msk [tilespmem:v26+s4+$0x0], $0xffff;
	v29 =	vand.u32 $0xFFFFFE00, v29  }
0x2c1: {  	s17 =	simm.s32 $0x155F0;
	v37 =	vld.idx.msk [tilespmem:v28+s4+$0x0], $0xffff;
	v29 =	vor.u32 v63, v29  }
0x2c2: {  	v46 =	vor.u32 $0x80, v26;
	v42 =	vld.idx.msk [tilespmem:v32+s4+$0x0], $0xffff;
	[tilespmem:s17+$0xFFFFFE10] =	vst v36  }
0x2c3: {  	v44 =	vld.idx.msk [tilespmem:v38+s4+$0x0], $0xffff;
	v38 =	vor.u32 $0x80, v31  }
0x2c4: {  	v41 =	vor.u32 $0x80, v28;
	v36 =	vld.idx.msk [tilespmem:v27+s4+$0x0], $0xffff  }
0x2c5: {  	s18 =	simm.s32 $0x0;
	s19 =	simm.s32 $0xC0;
	s20 =	simm.s32 $0x155F0;
	v35 =	vor.u32 $0x80, v27;
	v40 =	vor.u32 $0x80, v33;
	v34 =	vor.u32 $0x80, v29;
	v45 =	vld.idx.msk [tilespmem:v33+s4+$0x0], $0xffff  }
.LBB2_12:
0x2c6: {  	s18 =	sadd.s32 $0x8, s18;
	[tilespmem:s17+$0xFFFFFE50] =	vst v39;
	v39 =	vld.idx.msk [tilespmem:v29+s4+$0x0], $0xffff;
	s20 =	sadd.s32 $0x400, s20  }
0x2c7: {  	p0 =	slt.u32 s18, $0x130;
	v46 =	vld.idx.msk [tilespmem:v46+s4+$0x0], $0xffff;
	[tilespmem:s17+$0xFFFFFE60] =	vst v43  }
0x2c8: {  	v43 =	vor.u32 $0x100, v30;
	v38 =	vld.idx.msk [tilespmem:v38+s4+$0x0], $0xffff  }
0x2c9: {  	v47 =	vld [tilespmem:s19+$0x10];
	[tilespmem:s17+$0xFFFFFE90] =	vst v44  }
0x2ca: {  	v44 =	vld [tilespmem:s19+$0xFFFFFFE0];
	[tilespmem:s17+$0xFFFFFE20] =	vst v45;
	v45 =	vor.u32 $0x80, v32  }
0x2cb: {  	v40 =	vld.idx.msk [tilespmem:v40+s4+$0x0], $0xffff;
	[tilespmem:s17+$0xFFFFFE30] =	vst v37  }
0x2cc: {  	v37 =	vld.idx.msk [tilespmem:v41+s4+$0x0], $0xffff;
	[tilespmem:s17+$0xFFFFFE80] =	vst v39  }
0x2cd: {  	v39 =	vld.idx.msk [tilespmem:v43+s4+$0x0], $0xffff;
	[tilespmem:s17+$0xFFFFFED0] =	vst v46  }
0x2ce: {  	v41 =	vld [tilespmem:s19+$0xFFFFFFF0];
	[tilespmem:s17+$0xFFFFFE40] =	vst v42  }
0x2cf: {  	v42 =	vld.idx.msk [tilespmem:v45+s4+$0x0], $0xffff;
	[tilespmem:s17+$0xFFFFFEE0] =	vst v38  }
0x2d0: {  	v38 =	vld [tilespmem:s19+$0xFFFFFFC0];
	[tilespmem:s17+$0xFFFFFE70] =	vst v36  }
0x2d1: {  	[tilespmem:s17+$0xFFFFFEA0] =	vst v40;
	v34 =	vld.idx.msk [tilespmem:v34+s4+$0x0], $0xffff  }
0x2d2: {  	v36 =	vld [tilespmem:s19+$0x20];
	[tilespmem:s17+$0xFFFFFEB0] =	vst v37;
	v37 =	vor.u32 $0x100, v31  }
0x2d3: {  	v40 =	vld [tilespmem:s19+$0x30];
	[tilespmem:s17+$0xFFFFFF10] =	vst v39;
	v39 =	vor.u32 $0x100, v33  }
0x2d4: {  	v45 =	vor.u32 $0x100, v32;
	v43 =	vld [tilespmem:s19+$0xFFFFFFD0]  }
0x2d5: {  	v46 =	vor.u32 $0x180, v30;
	[tilespmem:s17+$0xFFFFFEC0] =	vst v42;
	v35 =	vld.idx.msk [tilespmem:v35+s4+$0x0], $0xffff  }
0x2d6: {  	v48 =	vor.u32 $0x100, v28;
	v49 =	vor.u32 $0x180, v31;
	v31 =	vor.u32 $0x100, v27;
	v42 =	vld [tilespmem:s19+$0x0]  }
0x2d7: {  	v50 =	vor.u32 $0x100, v26;
	v30 =	vshll.u32 v38, $0x2;
	v37 =	vld.idx.msk [tilespmem:v37+s4+$0x0], $0xffff;
	[tilespmem:s17+$0xFFFFFF00] =	vst v34;
	v34 =	vor.u32 $0x100, v29  }
0x2d8: {  	v30 =	vand.u32 $0xFFFFFE00, v30;
	v51 =	vand.u32 $0x7F, v40;
	v40 =	vshll.u32 v40, $0x2;
	v39 =	vld.idx.msk [tilespmem:v39+s4+$0x0], $0xffff  }
0x2d9: {  	v32 =	vor.u32 $0x180, v32;
	v38 =	vand.u32 $0x7F, v38;
	v40 =	vand.u32 $0xFFFFFE00, v40;
	v45 =	vld.idx.msk [tilespmem:v45+s4+$0x0], $0xffff  }
0x2da: {  	v33 =	vor.u32 $0x180, v33;
	v30 =	vor.u32 v38, v30;
	v38 =	vshll.u32 v47, $0x2;
	v46 =	vld.idx.msk [tilespmem:v46+s4+$0x0], $0xffff  }
0x2db: {  	v52 =	vshll.u32 v41, $0x2;
	v40 =	vor.u32 v51, v40;
	v53 =	vshll.u32 v42, $0x2;
	v48 =	vld.idx.msk [tilespmem:v48+s4+$0x0], $0xffff;
	[tilespmem:s17+$0xFFFFFEF0] =	vst v35  }
0x2dc: {  	v47 =	vand.u32 $0x7F, v47;
	v35 =	vand.u32 $0xFFFFFE00, v52;
	v42 =	vand.u32 $0x7F, v42;
	v51 =	vld.idx.msk [tilespmem:v31+s4+$0x0], $0xffff  }
0x2dd: {  	v38 =	vand.u32 $0xFFFFFE00, v38;
	v52 =	vor.u32 $0x180, v28;
	v31 =	vand.u32 $0xFFFFFE00, v53;
	[tilespmem:s17+$0xFFFFFF60] =	vst v37;
	v34 =	vld.idx.msk [tilespmem:v34+s4+$0x0], $0xffff  }
0x2de: {  	v28 =	vshll.u32 v44, $0x2;
	v37 =	vor.u32 v42, v31;
	v31 =	vor.u32 v47, v38;
	[tilespmem:s17+$0xFFFFFF20] =	vst v39;
	v38 =	vld.idx.msk [tilespmem:v50+s4+$0x0], $0xffff  }
0x2df: {  	v28 =	vand.u32 $0xFFFFFE00, v28;
	v39 =	vor.u32 $0x180, v29;
	v29 =	vmov v40;
	v33 =	vld.idx.msk [tilespmem:v33+s4+$0x0], $0xffff;
	[tilespmem:s17+$0xFFFFFF40] =	vst v45  }
0x2e0: {  	v40 =	vand.u32 $0x7F, v44;
	v44 =	vor.u32 $0x180, v26;
	v26 =	vmovc v37;
	v45 =	vor.u32 $0x180, v27;
	[tilespmem:s17+$0xFFFFFF90] =	vst v46;
	v42 =	vld.idx.msk [tilespmem:v32+s4+$0x0], $0xffff  }
0x2e1: {  	v47 =	vor.u32 $0x80, v30;
	v28 =	vor.u32 v40, v28;
	v27 =	vand.u32 $0x7F, v41;
	[tilespmem:s17+$0xFFFFFF30] =	vst v48;
	v37 =	vld.idx.msk [tilespmem:v49+s4+$0x0], $0xffff  }
0x2e2: {  	v32 =	vor.u32 v27, v35;
	v27 =	vshll.u32 v36, $0x2;
	v35 =	vld.idx.msk [tilespmem:v52+s4+$0x0], $0xffff;
	[tilespmem:s17+$0xFFFFFF70] =	vst v51  }
0x2e3: {  	v36 =	vand.u32 $0x7F, v36;
	v27 =	vand.u32 $0xFFFFFE00, v27;
	v41 =	vld.idx.msk [tilespmem:v30+s4+$0x0], $0xffff;
	[tilespmem:s17+$0xFFFFFF80] =	vst v34  }
0x2e4: {  	v27 =	vor.u32 v36, v27;
	[tilespmem:s17+$0xFFFFFF50] =	vst v38;
	v48 =	vld.idx.msk [tilespmem:v39+s4+$0x0], $0xffff  }
0x2e5: {  	v34 =	vshll.u32 v43, $0x2;
	v38 =	vor.u32 $0x80, v31;
	v39 =	vld.idx.msk [tilespmem:v26+s4+$0x0], $0xffff;
	[tilespmem:s17+$0xFFFFFFA0] =	vst v33  }
0x2e6: {  	v36 =	vand.u32 $0xFFFFFE00, v34;
	v34 =	vor.u32 $0x80, v29;
	v33 =	vand.u32 $0x7F, v43;
	[tilespmem:s17+$0xFFFFFFC0] =	vst v42;
	v42 =	vld.idx.msk [tilespmem:v44+s4+$0x0], $0xffff  }
0x2e7: {  	v33 =	vor.u32 v33, v36;
	[tilespmem:s17+$0xFFFFFFE0] =	vst v37;
	v49 =	vld.idx.msk [tilespmem:v45+s4+$0x0], $0xffff  }
0x2e8: {  	v40 =	vor.u32 $0x80, v33;
	v37 =	vld.idx.msk [tilespmem:v28+s4+$0x0], $0xffff  }
.Ltmp14:
0x2e9: {  	[tilespmem:s20+$0xFFFFFE10] =	vst v41;
	v41 =	vor.u32 $0x80, v28;
	v43 =	vld.idx.msk [tilespmem:v31+s4+$0x0], $0xffff;
	(pc) =	sbr.rel @p0 .LBB2_12-.Ltmp14, $4  }
0x2ea: {  	v46 =	vor.u32 $0x80, v26;
	v36 =	vld.idx.msk [tilespmem:v27+s4+$0x0], $0xffff;
	[tilespmem:s17+$0x0] =	vst v48  }
0x2eb: {  	v44 =	vld.idx.msk [tilespmem:v47+s4+$0x0], $0xffff;
	[tilespmem:s17+$0xFFFFFFB0] =	vst v35  }
0x2ec: {  	v45 =	vld.idx.msk [tilespmem:v33+s4+$0x0], $0xffff;
	[tilespmem:s17+$0xFFFFFFD0] =	vst v42  }
0x2ed: {  	s19 =	sadd.s32 $0x80, s19;
	v35 =	vor.u32 $0x80, v27;
	v42 =	vld.idx.msk [tilespmem:v32+s4+$0x0], $0xffff;
	[tilespmem:s17+$0xFFFFFFF0] =	vst v49;
	s17 =	smov.u32 s20  }
0x2ee: {  	_ =	sdelay $0x1  }
0x2ef: {  	[tilespmem:s17+$0xFFFFFE50] =	vst v39  }
0x2f0: {  	[tilespmem:s17+$0xFFFFFE60] =	vst v43  }
0x2f1: {  	v55 =	vld.idx.msk [tilespmem:v29+s4+$0x0], $0xffff;
	[tilespmem:s17+$0xFFFFFE30] =	vst v37  }
0x2f2: {  	v57 =	vor.u32 $0x80, v32;
	v56 =	vld.idx.msk [tilespmem:v46+s4+$0x0], $0xffff;
	[tilespmem:s17+$0xFFFFFE70] =	vst v36  }
0x2f3: {  	v58 =	vor.u32 $0x100, v30;
	v38 =	vld.idx.msk [tilespmem:v38+s4+$0x0], $0xffff;
	[tilespmem:s17+$0xFFFFFE90] =	vst v44  }
0x2f4: {  	v60 =	vld.idx.msk [tilespmem:v41+s4+$0x0], $0xffff;
	[tilespmem:s17+$0xFFFFFE20] =	vst v45  }
0x2f5: {  	v61 =	vor.u32 $0x100, v31;
	v35 =	vld.idx.msk [tilespmem:v35+s4+$0x0], $0xffff;
	[tilespmem:s17+$0xFFFFFE40] =	vst v42  }
0x2f6: {  	v48 =	vor.u32 $0x100, v28;
	v59 =	vld.idx.msk [tilespmem:v40+s4+$0x0], $0xffff;
	[tilespmem:s17+$0xFFFFFE80] =	vst v55  }
0x2f7: {  	v51 =	vor.u32 $0x100, v27;
	v62 =	vld.idx.msk [tilespmem:v57+s4+$0x0], $0xffff;
	[tilespmem:s17+$0xFFFFFED0] =	vst v56  }
0x2f8: {  	v63 =	vor.u32 $0x100, v33;
	v45 =	vld.idx.msk [tilespmem:v58+s4+$0x0], $0xffff;
	[tilespmem:s17+$0xFFFFFEE0] =	vst v38  }
0x2f9: {  	v53 =	vor.u32 $0x100, v26;
	v34 =	vld.idx.msk [tilespmem:v34+s4+$0x0], $0xffff;
	[tilespmem:s17+$0xFFFFFEB0] =	vst v60  }
0x2fa: {  	v46 =	vor.u32 $0x100, v32;
	v49 =	vld.idx.msk [tilespmem:v61+s4+$0x0], $0xffff;
	[tilespmem:s17+$0xFFFFFEF0] =	vst v35  }
0x2fb: {  	v47 =	vor.u32 $0x180, v30;
	v56 =	vld.idx.msk [tilespmem:v48+s4+$0x0], $0xffff;
	[tilespmem:s17+$0xFFFFFEA0] =	vst v59  }
0x2fc: {  	v50 =	vor.u32 $0x100, v29;
	v59 =	vld.idx.msk [tilespmem:v51+s4+$0x0], $0xffff;
	[tilespmem:s17+$0xFFFFFEC0] =	vst v62  }
0x2fd: {  	v57 =	vor.u32 $0x180, v31;
	v52 =	vld.idx.msk [tilespmem:v63+s4+$0x0], $0xffff;
	[tilespmem:s17+$0xFFFFFF10] =	vst v45  }
0x2fe: {  	v61 =	vor.u32 $0x180, v28;
	v62 =	vld.idx.msk [tilespmem:v53+s4+$0x0], $0xffff;
	[tilespmem:s17+$0xFFFFFF00] =	vst v34  }
0x2ff: {  	v27 =	vor.u32 $0x180, v27;
	v38 =	vld.idx.msk [tilespmem:v46+s4+$0x0], $0xffff;
	[tilespmem:s17+$0xFFFFFF60] =	vst v49  }
0x300: {  	v54 =	vor.u32 $0x180, v33;
	v30 =	vld.idx.msk [tilespmem:v47+s4+$0x0], $0xffff;
	[tilespmem:s17+$0xFFFFFF30] =	vst v56  }
0x301: {  	v26 =	vor.u32 $0x180, v26;
	v58 =	vld.idx.msk [tilespmem:v50+s4+$0x0], $0xffff;
	[tilespmem:s17+$0xFFFFFF70] =	vst v59  }
0x302: {  	v55 =	vor.u32 $0x180, v32;
	v31 =	vld.idx.msk [tilespmem:v57+s4+$0x0], $0xffff;
	[tilespmem:s17+$0xFFFFFF20] =	vst v52  }
0x303: {  	v60 =	vor.u32 $0x180, v29;
	v28 =	vld.idx.msk [tilespmem:v61+s4+$0x0], $0xffff;
	[tilespmem:s17+$0xFFFFFF50] =	vst v62  }
0x304: {  	v27 =	vld.idx.msk [tilespmem:v27+s4+$0x0], $0xffff;
	[tilespmem:s17+$0xFFFFFF40] =	vst v38  }
0x305: {  	v33 =	vld.idx.msk [tilespmem:v54+s4+$0x0], $0xffff;
	[tilespmem:s17+$0xFFFFFF90] =	vst v30  }
0x306: {  	v26 =	vld.idx.msk [tilespmem:v26+s4+$0x0], $0xffff;
	[tilespmem:s17+$0xFFFFFF80] =	vst v58  }
0x307: {  	v63 =	vld.idx.msk [tilespmem:v55+s4+$0x0], $0xffff;
	[tilespmem:s17+$0xFFFFFFE0] =	vst v31  }
0x308: {  	v29 =	vld.idx.msk [tilespmem:v60+s4+$0x0], $0xffff;
	[tilespmem:s17+$0xFFFFFFB0] =	vst v28  }
0x309: {  	[tilespmem:s17+$0xFFFFFFF0] =	vst v27  }
0x30a: {  	[tilespmem:s17+$0xFFFFFFA0] =	vst v33  }
0x30b: {  	[tilespmem:s17+$0xFFFFFFD0] =	vst v26  }
0x30c: {  	[tilespmem:s17+$0xFFFFFFC0] =	vst v63  }
0x30d: {  	[tilespmem:s17+$0x0] =	vst v29  }
0x30e: {  	v26 =	vld.idx.msk [tilespmem:v5+s7+$0x0], $0xffff;
	_ =	sdelay $0x4  }
0x30f: {  	v27 =	vshll.u32 v26, $0x2  }
0x310: {  	v26 =	vand.u32 $0x7F, v26;
	v27 =	vand.u32 $0xFFFFFE00, v27  }
0x311: {  	v26 =	vor.u32 v26, v27;
	_ =	sdelay $0x4  }
0x312: {  	v26 =	vld.idx.msk [tilespmem:v26+s4+$0x0], $0xffff;
	_ =	sdelay $0x4  }
0x313: {  	[tilespmem:v10+s11+$0x0] =	vst.idx.msk $0xff, v26  }
0x314: {  	v26 =	vld.idx.msk [tilespmem:v14+s2+$0x0], $0xffff;
	_ =	sdelay $0x4  }
0x315: {  	[tilespmem:v16+s11+$0x0] =	vst.idx.msk vm2, v26  }
0x316: {  	v26 =	vld.idx.msk [tilespmem:v5+s7+$0x0], $0xffff;
	_ =	sdelay $0x4  }
0x317: {  	v27 =	vshll.u32 v26, $0x2  }
0x318: {  	v26 =	vand.u32 $0x7F, v26;
	v27 =	vand.u32 $0xFFFFFE00, v27  }
0x319: {  	v26 =	vor.u32 v27, v26  }
0x31a: {  	v26 =	vor.u32 $0x80, v26;
	_ =	sdelay $0x4  }
0x31b: {  	v26 =	vld.idx.msk [tilespmem:v26+s4+$0x0], $0xffff;
	_ =	sdelay $0x4  }
0x31c: {  	[tilespmem:v11+s11+$0x0] =	vst.idx.msk $0xff, v26  }
0x31d: {  	v26 =	vld.idx.msk [tilespmem:v17+s2+$0x0], $0xffff;
	_ =	sdelay $0x4  }
0x31e: {  	[tilespmem:v18+s11+$0x0] =	vst.idx.msk vm2, v26  }
0x31f: {  	v26 =	vld.idx.msk [tilespmem:v5+s7+$0x0], $0xffff;
	_ =	sdelay $0x4  }
0x320: {  	v27 =	vshll.u32 v26, $0x2  }
0x321: {  	v26 =	vand.u32 $0x7F, v26;
	v27 =	vand.u32 $0xFFFFFE00, v27  }
0x322: {  	v26 =	vor.u32 v27, v26  }
0x323: {  	v26 =	vor.u32 $0x100, v26;
	_ =	sdelay $0x4  }
0x324: {  	v26 =	vld.idx.msk [tilespmem:v26+s4+$0x0], $0xffff;
	_ =	sdelay $0x4  }
0x325: {  	[tilespmem:v12+s11+$0x0] =	vst.idx.msk $0xff, v26  }
0x326: {  	v26 =	vld.idx.msk [tilespmem:v19+s2+$0x0], $0xffff;
	_ =	sdelay $0x4  }
0x327: {  	[tilespmem:v20+s11+$0x0] =	vst.idx.msk vm2, v26  }
0x328: {  	v26 =	vld.idx.msk [tilespmem:v5+s7+$0x0], $0xffff;
	_ =	sdelay $0x4  }
0x329: {  	v27 =	vshll.u32 v26, $0x2  }
0x32a: {  	v26 =	vand.u32 $0x7F, v26;
	v27 =	vand.u32 $0xFFFFFE00, v27  }
0x32b: {  	v26 =	vor.u32 v27, v26  }
0x32c: {  	v26 =	vor.u32 $0x180, v26;
	_ =	sdelay $0x4  }
0x32d: {  	v26 =	vld.idx.msk [tilespmem:v26+s4+$0x0], $0xffff;
	_ =	sdelay $0x4  }
0x32e: {  	[tilespmem:v13+s11+$0x0] =	vst.idx.msk $0xff, v26  }
0x32f: {  	s15 =	sshll.u32 s15, $0x4;
	v26 =	vld.idx.msk [tilespmem:v21+s2+$0x0], $0xffff  }
0x330: {  	s15 =	sand.u32 $0xFFFFFFE0, s15;
	s17 =	rddreg [dreg:$0x9]  }
0x331: {  	s15 =	sor.u32 s17, s15  }
0x332: {  	s17 =	smul.u32 $0x1400, s15  }
0x333: {  	s18 =	rddreg [dreg:$0xa]  }
0x334: {  	s17 =	sadd.s32 s18, s17;
	[tilespmem:v22+s11+$0x0] =	vst.idx.msk vm2, v26  }
0x335: {  	[hbm4b:s17+s7] =	stream.linear.scatter [tilespmem:s11], [sflag:$0x7], $0xA000, $0x38;
	[tilespmem:$0x1FA00] =	vst v63  }
0x336: {  	_ =	swait.ge [sflag:s1], $0x200  }
0x337: {  	[sflag:s1] =	ssyncset.done $0x0  }
0x338: {  	[sflag:s1] =	ssyncadd.s32 $0xFFFFFE00  }
0x339: {  	_ =	swait.ge [sflag:s13], $0x200  }
0x33a: {  	[sflag:s13] =	ssyncset.done $0x0  }
0x33b: {  	s15 =	sshll.u32 s15, $0x7;
	[sflag:s13] =	ssyncadd.s32 $0xFFFFFE00  }
0x33c: {  	s15 =	sand.u32 $0x1FFFFF80, s15;
	s19 =	rddreg [dreg:$0x5]  }
.Ltmp15:
0x33d: {  	s20 =	simm.s32 $0x1F200;
	s15 =	sadd.s32 s19, s15;
	(pc) =	sbr.rel .LBB2_25-.Ltmp15, $4  }
0x33e: {  	[hbm4b:s15+s7] =	stream.linear.scatter [tilespmem:s20], [sflag:$0x8], $0x400, $0x38;
	[tilespmem:$0x1FA00] =	vst v63  }
0x33f: {  	_ =	swait.ge [sflag:s14], $0x400  }
0x340: {  	[sflag:s14] =	ssyncset.done $0x0  }
0x341: {  	[sflag:s14] =	ssyncadd.s32 $0xFFFFFC00  }
.LBB2_20:
.Ltmp16:
0x342: {  	(pc) =	sbr.rel @p0 .LBB2_22-.Ltmp16, $1  }
0x343: {  	_ =	sdelay $0x3  }
0x344: {  	s17 =	sshll.u32 s16, $0x5  }
0x345: {  	s18 =	sand.u32 $0x1, s16;
	s17 =	sand.u32 $0x3FFFFFC0, s17  }
0x346: {  	s20 =	rddreg [dreg:$0x14];
	s17 =	sor.u32 s18, s17  }
0x347: {  	s17 =	sor.u32 s20, s17  }
0x348: {  	s17 =	sshll.u32 s17, $0x2  }
0x349: {  	v26 =	vadd.s32 s17, v0  }
0x34a: {  	vm3 =	vlt.s32 v26, $0x1387  }
0x34b: {  	v26 =	vnsel vm3, $0x1387, v26;
	_ =	sdelay $0x4  }
0x34c: {  	v26 =	vld.idx.msk [tilespmem:v26+s7+$0x0], $0xffff;
	_ =	sdelay $0x3  }
0x34d: {  	s18 =	simm.s32 $0x1500  }
0x34e: {  	[tilespmem:v2+s18+$0x0] =	vst.idx.msk $0xf, v26  }
0x34f: {  	v26 =	vld.msk [tilespmem:$0x1500], $0xf;
	_ =	sdelay $0x4  }
0x350: {  	v27 =	vshrl.u32 v26, $0x3  }
0x351: {  	v27 =	vmul.u32 $0x278, v27  }
0x352: {  	v26 =	vand.u32 $0x7, v26  }
0x353: {  	v26 =	vor.u32 v26, v27  }
0x354: {  	v26 =	vperm.xlane v26, v3;
	_ =	sdelay $0x1  }
0x355: {  	v26 =	vadd.s32 v4, v26;
	_ =	sdelay $0x3  }
0x356: {  	s19 =	rddreg [dreg:$0x2]  }
0x357: {  	[tilespmem:s25], [sflag:$0x1] =	stream.indirect_vreg.gather [hbm4b:s19+s7], $0x80, v26, vm0, $0xb8;
	[tilespmem:$0x1FA00] =	vst v63  }
0x358: {  	s20 =	rddreg [dreg:$0xb];
	s19 =	simm.s32 $0x1E00  }
0x359: {  	[tilespmem:s19], [sflag:$0x1] =	stream.indirect_vreg.gather [hbm4b:s20+s7], $0x80, v26, vm0, $0xb8;
	[tilespmem:$0x1FA00] =	vst v63  }
0x35a: {  	s19 =	rddreg [dreg:$0xc];
	s20 =	simm.s32 $0x2600  }
0x35b: {  	[tilespmem:s20], [sflag:$0x1] =	stream.indirect_vreg.gather [hbm4b:s19+s7], $0x80, v26, vm0, $0xb8;
	[tilespmem:$0x1FA00] =	vst v63  }
0x35c: {  	s19 =	rddreg [dreg:$0xd];
	s20 =	simm.s32 $0x2E00  }
0x35d: {  	[tilespmem:s20], [sflag:$0x1] =	stream.indirect_vreg.gather [hbm4b:s19+s7], $0x80, v26, vm0, $0xb8;
	[tilespmem:$0x1FA00] =	vst v63  }
0x35e: {  	s19 =	rddreg [dreg:$0xe];
	s20 =	simm.s32 $0x3600  }
0x35f: {  	[tilespmem:s20], [sflag:$0x1] =	stream.indirect_vreg.gather [hbm4b:s19+s7], $0x80, v26, vm0, $0xb8;
	[tilespmem:$0x1FA00] =	vst v63  }
0x360: {  	s19 =	rddreg [dreg:$0xf];
	s20 =	simm.s32 $0x3E00  }
0x361: {  	[tilespmem:s20], [sflag:$0x1] =	stream.indirect_vreg.gather [hbm4b:s19+s7], $0x80, v26, vm0, $0xb8;
	[tilespmem:$0x1FA00] =	vst v63  }
0x362: {  	s19 =	rddreg [dreg:$0x10];
	s20 =	simm.s32 $0x4600  }
0x363: {  	[tilespmem:s20], [sflag:$0x1] =	stream.indirect_vreg.gather [hbm4b:s19+s7], $0x80, v26, vm0, $0xb8;
	[tilespmem:$0x1FA00] =	vst v63  }
0x364: {  	s19 =	rddreg [dreg:$0x11];
	s20 =	simm.s32 $0x4E00  }
0x365: {  	[tilespmem:s20], [sflag:$0x1] =	stream.indirect_vreg.gather [hbm4b:s19+s7], $0x80, v26, vm0, $0xb8;
	[tilespmem:$0x1FA00] =	vst v63  }
0x366: {  	s19 =	rddreg [dreg:$0x12];
	s20 =	simm.s32 $0x5600  }
0x367: {  	[tilespmem:s20], [sflag:$0x1] =	stream.indirect_vreg.gather [hbm4b:s19+s7], $0x80, v26, vm0, $0xb8;
	[tilespmem:$0x1FA00] =	vst v63  }
0x368: {  	s19 =	simm.s32 $0x5E00  }
0x369: {  	[tilespmem:s19], [sflag:$0x1] =	stream.indirect_vreg.gather [hbm4b:s21+s7], $0x80, v26, vm0, $0xb8;
	[tilespmem:$0x1FA00] =	vst v63  }
0x36a: {  	s20 =	simm.s32 $0x6600  }
0x36b: {  	[tilespmem:s20], [sflag:$0x1] =	stream.indirect_vreg.gather [hbm4b:s22+s7], $0x80, v26, vm0, $0xb8;
	[tilespmem:$0x1FA00] =	vst v63  }
0x36c: {  	s19 =	simm.s32 $0x6E00  }
0x36d: {  	[tilespmem:s19], [sflag:$0x1] =	stream.indirect_vreg.gather [hbm4b:s23+s7], $0x80, v26, vm0, $0xb8;
	[tilespmem:$0x1FA00] =	vst v63  }
0x36e: {  	s20 =	simm.s32 $0x7600  }
0x36f: {  	[tilespmem:s20], [sflag:$0x1] =	stream.indirect_vreg.gather [hbm4b:s24+s7], $0x80, v26, vm0, $0xb8;
	[tilespmem:$0x1FA00] =	vst v63  }
0x370: {  	s19 =	simm.s32 $0x7E00  }
0x371: {  	[tilespmem:s19], [sflag:$0x1] =	stream.indirect_vreg.gather [hbm4b:s26+s7], $0x80, v26, vm0, $0xb8;
	[tilespmem:$0x1FA00] =	vst v63  }
0x372: {  	s20 =	simm.s32 $0x8600  }
0x373: {  	[tilespmem:s20], [sflag:$0x1] =	stream.indirect_vreg.gather [hbm4b:s28+s7], $0x80, v26, vm0, $0xb8;
	[tilespmem:$0x1FA00] =	vst v63  }
0x374: {  	s19 =	simm.s32 $0x8E00  }
0x375: {  	[tilespmem:s19], [sflag:$0x1] =	stream.indirect_vreg.gather [hbm4b:s29+s7], $0x80, v26, vm0, $0xb8;
	[tilespmem:$0x1FA00] =	vst v63  }
0x376: {  	s20 =	simm.s32 $0x9600  }
0x377: {  	[tilespmem:s20], [sflag:$0x1] =	stream.indirect_vreg.gather [hbm4b:s30+s7], $0x80, v26, vm0, $0xb8;
	[tilespmem:$0x1FA00] =	vst v63  }
0x378: {  	s19 =	simm.s32 $0x9E00  }
0x379: {  	[tilespmem:s19], [sflag:$0x1] =	stream.indirect_vreg.gather [hbm4b:s31+s7], $0x80, v26, vm0, $0xb8;
	[tilespmem:$0x1FA00] =	vst v63  }
0x37a: {  	s20 =	simm.s32 $0xA600  }
0x37b: {  	[tilespmem:s20], [sflag:$0x1] =	stream.indirect_vreg.gather [hbm4b:s0+s7], $0x80, v26, vm0, $0xb8;
	[tilespmem:$0x1FA00] =	vst v63  }
0x37c: {  	s19 =	simm.s32 $0xAE00  }
0x37d: {  	[tilespmem:s19], [sflag:$0x1] =	stream.indirect_vreg.gather [hbm4b:s6+s7], $0x80, v26, vm1, $0xb8;
	[tilespmem:$0x1FA00] =	vst v63  }
0x37e: {  	s20 =	rddreg [dreg:$0x3]  }
0x37f: {  	[tilespmem:s5], [sflag:$0x3] =	stream.indirect.gather [hbm4b:s20+s8], $0x80, s18, s8, $0xb8;
	[tilespmem:$0x1FA00] =	vst v63  }
0x380: {  	s19 =	rddreg [dreg:$0x4];
	s20 =	simm.s32 $0x1F200  }
0x381: {  	[tilespmem:s20], [sflag:$0x5] =	stream.indirect.gather [hbm4b:s19+s8], $0x80, s18, s8, $0xb8;
	[tilespmem:$0x1FA00] =	vst v63  }
.LBB2_22:
0x382: {  	_ =	swait.ge [sflag:s10], $0x9C00  }
0x383: {  	[sflag:s10] =	ssyncset.done $0x0  }
0x384: {  	[sflag:s10] =	ssyncadd.s32 $0xFFFF6400  }
0x385: {  	_ =	swait.ge [sflag:s8], $0x200  }
0x386: {  	[sflag:s8] =	ssyncset.done $0x0  }
0x387: {  	s17 =	simm.s32 $0x40;
	[sflag:s8] =	ssyncadd.s32 $0xFFFFFE00  }
0x388: {  	v26 =	vld [tilespmem:s17+$0xFFFFFFC0]  }
0x389: {  	v27 =	vld [tilespmem:s17+$0x10]  }
0x38a: {  	v28 =	vld [tilespmem:s17+$0x0]  }
0x38b: {  	v29 =	vld [tilespmem:s17+$0xFFFFFFE0]  }
0x38c: {  	v33 =	vld [tilespmem:s17+$0xFFFFFFF0];
	_ =	sdelay $0x1  }
0x38d: {  	v30 =	vshll.u32 v26, $0x2  }
0x38e: {  	v32 =	vld [tilespmem:s17+$0x20];
	v26 =	vand.u32 $0x7F, v26;
	v31 =	vshll.u32 v27, $0x2;
	v27 =	vand.u32 $0x7F, v27  }
0x38f: {  	v35 =	vshll.u32 v29, $0x2;
	v29 =	vand.u32 $0x7F, v29;
	v30 =	vand.u32 $0xFFFFFE00, v30  }
0x390: {  	v34 =	vld [tilespmem:s17+$0xFFFFFFD0];
	v62 =	vshll.u32 v33, $0x2;
	v30 =	vor.u32 v26, v30;
	v26 =	vshll.u32 v28, $0x2  }
0x391: {  	v31 =	vand.u32 $0xFFFFFE00, v31;
	v28 =	vand.u32 $0x7F, v28;
	v26 =	vand.u32 $0xFFFFFE00, v26  }
0x392: {  	v61 =	vld [tilespmem:s17+$0x30];
	v31 =	vor.u32 v27, v31;
	v26 =	vor.u32 v28, v26;
	v28 =	vand.u32 $0xFFFFFE00, v35  }
0x393: {  	v37 =	vand.u32 $0x7F, v33;
	v28 =	vor.u32 v29, v28;
	v29 =	vshll.u32 v32, $0x2  }
0x394: {  	v27 =	vand.u32 $0x7F, v32;
	v32 =	vand.u32 $0xFFFFFE00, v62;
	v29 =	vand.u32 $0xFFFFFE00, v29  }
0x395: {  	v32 =	vor.u32 v37, v32;
	v36 =	vld.idx.msk [tilespmem:v30+s4+$0x0], $0xffff;
	v27 =	vor.u32 v27, v29;
	v29 =	vshll.u32 v34, $0x2  }
0x396: {  	v38 =	vor.u32 $0x80, v30;
	v34 =	vand.u32 $0x7F, v34;
	v29 =	vand.u32 $0xFFFFFE00, v29  }
0x397: {  	v43 =	vld.idx.msk [tilespmem:v31+s4+$0x0], $0xffff;
	v33 =	vor.u32 v34, v29;
	v29 =	vshll.u32 v61, $0x2  }
0x398: {  	v63 =	vand.u32 $0x7F, v61;
	v39 =	vld.idx.msk [tilespmem:v26+s4+$0x0], $0xffff;
	v29 =	vand.u32 $0xFFFFFE00, v29  }
0x399: {  	s17 =	simm.s32 $0x155F0;
	v37 =	vld.idx.msk [tilespmem:v28+s4+$0x0], $0xffff;
	v29 =	vor.u32 v63, v29  }
0x39a: {  	v46 =	vor.u32 $0x80, v26;
	v42 =	vld.idx.msk [tilespmem:v32+s4+$0x0], $0xffff;
	[tilespmem:s17+$0xFFFFFE10] =	vst v36  }
0x39b: {  	v44 =	vld.idx.msk [tilespmem:v38+s4+$0x0], $0xffff;
	v38 =	vor.u32 $0x80, v31  }
0x39c: {  	v41 =	vor.u32 $0x80, v28;
	v36 =	vld.idx.msk [tilespmem:v27+s4+$0x0], $0xffff  }
0x39d: {  	s18 =	simm.s32 $0x0;
	s19 =	simm.s32 $0xC0;
	s20 =	simm.s32 $0x155F0;
	v35 =	vor.u32 $0x80, v27;
	v40 =	vor.u32 $0x80, v33;
	v34 =	vor.u32 $0x80, v29;
	v45 =	vld.idx.msk [tilespmem:v33+s4+$0x0], $0xffff  }
.LBB2_23:
0x39e: {  	s18 =	sadd.s32 $0x8, s18;
	[tilespmem:s17+$0xFFFFFE50] =	vst v39;
	v39 =	vld.idx.msk [tilespmem:v29+s4+$0x0], $0xffff;
	s20 =	sadd.s32 $0x400, s20  }
0x39f: {  	p0 =	slt.u32 s18, $0x130;
	v46 =	vld.idx.msk [tilespmem:v46+s4+$0x0], $0xffff;
	[tilespmem:s17+$0xFFFFFE60] =	vst v43  }
0x3a0: {  	v43 =	vor.u32 $0x100, v30;
	v38 =	vld.idx.msk [tilespmem:v38+s4+$0x0], $0xffff  }
0x3a1: {  	v47 =	vld [tilespmem:s19+$0x10];
	[tilespmem:s17+$0xFFFFFE90] =	vst v44  }
0x3a2: {  	v44 =	vld [tilespmem:s19+$0xFFFFFFE0];
	[tilespmem:s17+$0xFFFFFE20] =	vst v45;
	v45 =	vor.u32 $0x80, v32  }
0x3a3: {  	v40 =	vld.idx.msk [tilespmem:v40+s4+$0x0], $0xffff;
	[tilespmem:s17+$0xFFFFFE30] =	vst v37  }
0x3a4: {  	v37 =	vld.idx.msk [tilespmem:v41+s4+$0x0], $0xffff;
	[tilespmem:s17+$0xFFFFFE80] =	vst v39  }
0x3a5: {  	v39 =	vld.idx.msk [tilespmem:v43+s4+$0x0], $0xffff;
	[tilespmem:s17+$0xFFFFFED0] =	vst v46  }
0x3a6: {  	v41 =	vld [tilespmem:s19+$0xFFFFFFF0];
	[tilespmem:s17+$0xFFFFFE40] =	vst v42  }
0x3a7: {  	v42 =	vld.idx.msk [tilespmem:v45+s4+$0x0], $0xffff;
	[tilespmem:s17+$0xFFFFFEE0] =	vst v38  }
0x3a8: {  	v38 =	vld [tilespmem:s19+$0xFFFFFFC0];
	[tilespmem:s17+$0xFFFFFE70] =	vst v36  }
0x3a9: {  	[tilespmem:s17+$0xFFFFFEA0] =	vst v40;
	v34 =	vld.idx.msk [tilespmem:v34+s4+$0x0], $0xffff  }
0x3aa: {  	v36 =	vld [tilespmem:s19+$0x20];
	[tilespmem:s17+$0xFFFFFEB0] =	vst v37;
	v37 =	vor.u32 $0x100, v31  }
0x3ab: {  	v40 =	vld [tilespmem:s19+$0x30];
	[tilespmem:s17+$0xFFFFFF10] =	vst v39;
	v39 =	vor.u32 $0x100, v33  }
0x3ac: {  	v45 =	vor.u32 $0x100, v32;
	v43 =	vld [tilespmem:s19+$0xFFFFFFD0]  }
0x3ad: {  	v46 =	vor.u32 $0x180, v30;
	[tilespmem:s17+$0xFFFFFEC0] =	vst v42;
	v35 =	vld.idx.msk [tilespmem:v35+s4+$0x0], $0xffff  }
0x3ae: {  	v48 =	vor.u32 $0x100, v28;
	v49 =	vor.u32 $0x180, v31;
	v31 =	vor.u32 $0x100, v27;
	v42 =	vld [tilespmem:s19+$0x0]  }
0x3af: {  	v50 =	vor.u32 $0x100, v26;
	v30 =	vshll.u32 v38, $0x2;
	v37 =	vld.idx.msk [tilespmem:v37+s4+$0x0], $0xffff;
	[tilespmem:s17+$0xFFFFFF00] =	vst v34;
	v34 =	vor.u32 $0x100, v29  }
0x3b0: {  	v30 =	vand.u32 $0xFFFFFE00, v30;
	v51 =	vand.u32 $0x7F, v40;
	v40 =	vshll.u32 v40, $0x2;
	v39 =	vld.idx.msk [tilespmem:v39+s4+$0x0], $0xffff  }
0x3b1: {  	v32 =	vor.u32 $0x180, v32;
	v38 =	vand.u32 $0x7F, v38;
	v40 =	vand.u32 $0xFFFFFE00, v40;
	v45 =	vld.idx.msk [tilespmem:v45+s4+$0x0], $0xffff  }
0x3b2: {  	v33 =	vor.u32 $0x180, v33;
	v30 =	vor.u32 v38, v30;
	v38 =	vshll.u32 v47, $0x2;
	v46 =	vld.idx.msk [tilespmem:v46+s4+$0x0], $0xffff  }
0x3b3: {  	v52 =	vshll.u32 v41, $0x2;
	v40 =	vor.u32 v51, v40;
	v53 =	vshll.u32 v42, $0x2;
	v48 =	vld.idx.msk [tilespmem:v48+s4+$0x0], $0xffff;
	[tilespmem:s17+$0xFFFFFEF0] =	vst v35  }
0x3b4: {  	v47 =	vand.u32 $0x7F, v47;
	v35 =	vand.u32 $0xFFFFFE00, v52;
	v42 =	vand.u32 $0x7F, v42;
	v51 =	vld.idx.msk [tilespmem:v31+s4+$0x0], $0xffff  }
0x3b5: {  	v38 =	vand.u32 $0xFFFFFE00, v38;
	v52 =	vor.u32 $0x180, v28;
	v31 =	vand.u32 $0xFFFFFE00, v53;
	[tilespmem:s17+$0xFFFFFF60] =	vst v37;
	v34 =	vld.idx.msk [tilespmem:v34+s4+$0x0], $0xffff  }
0x3b6: {  	v28 =	vshll.u32 v44, $0x2;
	v37 =	vor.u32 v42, v31;
	v31 =	vor.u32 v47, v38;
	[tilespmem:s17+$0xFFFFFF20] =	vst v39;
	v38 =	vld.idx.msk [tilespmem:v50+s4+$0x0], $0xffff  }
0x3b7: {  	v28 =	vand.u32 $0xFFFFFE00, v28;
	v39 =	vor.u32 $0x180, v29;
	v29 =	vmov v40;
	v33 =	vld.idx.msk [tilespmem:v33+s4+$0x0], $0xffff;
	[tilespmem:s17+$0xFFFFFF40] =	vst v45  }
0x3b8: {  	v40 =	vand.u32 $0x7F, v44;
	v44 =	vor.u32 $0x180, v26;
	v26 =	vmovc v37;
	v45 =	vor.u32 $0x180, v27;
	[tilespmem:s17+$0xFFFFFF90] =	vst v46;
	v42 =	vld.idx.msk [tilespmem:v32+s4+$0x0], $0xffff  }
0x3b9: {  	v47 =	vor.u32 $0x80, v30;
	v28 =	vor.u32 v40, v28;
	v27 =	vand.u32 $0x7F, v41;
	[tilespmem:s17+$0xFFFFFF30] =	vst v48;
	v37 =	vld.idx.msk [tilespmem:v49+s4+$0x0], $0xffff  }
0x3ba: {  	v32 =	vor.u32 v27, v35;
	v27 =	vshll.u32 v36, $0x2;
	v35 =	vld.idx.msk [tilespmem:v52+s4+$0x0], $0xffff;
	[tilespmem:s17+$0xFFFFFF70] =	vst v51  }
0x3bb: {  	v36 =	vand.u32 $0x7F, v36;
	v27 =	vand.u32 $0xFFFFFE00, v27;
	v41 =	vld.idx.msk [tilespmem:v30+s4+$0x0], $0xffff;
	[tilespmem:s17+$0xFFFFFF80] =	vst v34  }
0x3bc: {  	v27 =	vor.u32 v36, v27;
	[tilespmem:s17+$0xFFFFFF50] =	vst v38;
	v48 =	vld.idx.msk [tilespmem:v39+s4+$0x0], $0xffff  }
0x3bd: {  	v34 =	vshll.u32 v43, $0x2;
	v38 =	vor.u32 $0x80, v31;
	v39 =	vld.idx.msk [tilespmem:v26+s4+$0x0], $0xffff;
	[tilespmem:s17+$0xFFFFFFA0] =	vst v33  }
0x3be: {  	v36 =	vand.u32 $0xFFFFFE00, v34;
	v34 =	vor.u32 $0x80, v29;
	v33 =	vand.u32 $0x7F, v43;
	[tilespmem:s17+$0xFFFFFFC0] =	vst v42;
	v42 =	vld.idx.msk [tilespmem:v44+s4+$0x0], $0xffff  }
0x3bf: {  	v33 =	vor.u32 v33, v36;
	[tilespmem:s17+$0xFFFFFFE0] =	vst v37;
	v49 =	vld.idx.msk [tilespmem:v45+s4+$0x0], $0xffff  }
0x3c0: {  	v40 =	vor.u32 $0x80, v33;
	v37 =	vld.idx.msk [tilespmem:v28+s4+$0x0], $0xffff  }
.Ltmp17:
0x3c1: {  	[tilespmem:s20+$0xFFFFFE10] =	vst v41;
	v41 =	vor.u32 $0x80, v28;
	v43 =	vld.idx.msk [tilespmem:v31+s4+$0x0], $0xffff;
	(pc) =	sbr.rel @p0 .LBB2_23-.Ltmp17, $4  }
0x3c2: {  	v46 =	vor.u32 $0x80, v26;
	v36 =	vld.idx.msk [tilespmem:v27+s4+$0x0], $0xffff;
	[tilespmem:s17+$0x0] =	vst v48  }
0x3c3: {  	v44 =	vld.idx.msk [tilespmem:v47+s4+$0x0], $0xffff;
	[tilespmem:s17+$0xFFFFFFB0] =	vst v35  }
0x3c4: {  	v45 =	vld.idx.msk [tilespmem:v33+s4+$0x0], $0xffff;
	[tilespmem:s17+$0xFFFFFFD0] =	vst v42  }
0x3c5: {  	s19 =	sadd.s32 $0x80, s19;
	v35 =	vor.u32 $0x80, v27;
	v42 =	vld.idx.msk [tilespmem:v32+s4+$0x0], $0xffff;
	[tilespmem:s17+$0xFFFFFFF0] =	vst v49;
	s17 =	smov.u32 s20  }
.Ltmp18:
0x3c6: {  	_ = 	snop;
	(pc) =	sbr.rel .LBB2_24-.Ltmp18, $1  }
0x3c7: {  	_ =	sdelay $0x3  }
.LBB2_27:
0x3c8: {  	_ =	sfence.sel $0x180000  }
0x3c9: {  	[bflag:$0x0] =	sbarrier.arrive $0xFFFF  }
0x3ca: {  	_ =	strace $0x90000047  }
0x3cb: {  	s0 =	stileid.u32;
	[bflag:$0x2] =	sbarrier.arrive $0xFFFF  }
0x3cc: {  	p0 =	sne.s32 s0, $0x0;
	s0 =	rddreg [dreg:$0x6]  }
0x3cd: {  	s0 =	sadd.s32 @!p0 $0x100000, s0  }
0x3ce: {  	[sflag:s0] =	ssyncadd.tile.s32 @!p0 $0x1;
	_ =	shalt  }
.Lfunc_end2:
_tile_overlayer_lowered:
.L_overlay_start_2:
0x3cf: {  	(tag) =	ssettag $0x2  }
0x3d0: {  	s0 =	rddreg [dreg:$0x0];
	s2 =	stileid.u32  }
0x3d1: {  	s1 =	rddreg [dreg:$0x1];
	p0 =	sne.s32 s2, $0x0  }
0x3d2: {  	s3 =	rddreg [dreg:$0x2];
	[bflag:$0x3] =	sbarrier.arrive $0xFFFF;
	s2 =	simm.s32 @!p0 $0x1C09  }
0x3d3: {  	[timem:s3], [sflag:s2] =	dma.local @!p0 [hbm:s0], s1  }
0x3d4: {  	s0 =	simm.s32 @!p0 $0x9  }
0x3d5: {  	_ =	swait.ge @!p0 [sflag:s0], s1  }
0x3d6: {  	s1 =	ssub.s32 @!p0 $0x0, s1;
	[sflag:s0] =	ssyncset.done @!p0 $0x0  }
0x3d7: {  	[sflag:s0] =	ssyncadd.s32 @!p0 s1  }
0x3d8: {  	[bflag:$0x3] =	sbarrier.arrive $0xFFFF  }
0x3d9: {  	_ =	shalt  }

</sc_bundles>
